<compile_context>
chip_gen: v7x
topology: tpu7x:2x2x1
jax: 0.10.2.dev20260603
libtpu: 0.0.44.dev20260713+nightly
codegen_flags: <defaults>
</compile_context>

<pallas_src>
import jax
import jax.numpy as jnp
from jax import lax
from jax.experimental import pallas as pl
from jax.experimental.pallas import tpu as pltpu
from jax.experimental.pallas import tpu_sc as plsc

N = 10000
E = 320000
D = 128
EPS = 1e-5

_NC = 2
_NS = 16
_NW = _NC * _NS
_EPW = E // _NW
_KE = 80
_NIT = _EPW // _KE
_RPT = 632
_NPAD = _NS * _RPT

_mesh = plsc.VectorSubcoreMesh(core_axis_name="c", subcore_axis_name="s")


_NB = 4


def _segsum_body(h_hbm, row_hbm, col_hbm, zeros_hbm, out_hbm,
                 idx_r, idx_c, idx_s, rows_v, acc, sem_i, sem_g, sem_s):
    c = lax.axis_index("c")
    s = lax.axis_index("s")
    w = c * _NS + s
    rbase = pl.multiple_of(s * _RPT, 8)
    ebase = w * _EPW

    def issue_idx(chunk, b):
        base = pl.multiple_of(ebase + chunk * _KE, 8)
        pltpu.async_copy(row_hbm.at[pl.ds(base, _KE)], idx_r.at[b], sem_i.at[b])
        pltpu.async_copy(col_hbm.at[pl.ds(base, _KE)], idx_c.at[b], sem_i.at[b])

    def wait_idx(b):
        pltpu.make_async_copy(row_hbm.at[pl.ds(0, _KE)], idx_r.at[b],
                              sem_i.at[b]).wait()
        pltpu.make_async_copy(col_hbm.at[pl.ds(0, _KE)], idx_c.at[b],
                              sem_i.at[b]).wait()

    def wait_scatter(b):
        pltpu.make_async_copy(rows_v.at[b], acc.at[idx_s.at[b]],
                              sem_s.at[b]).wait()

    pltpu.sync_copy(zeros_hbm.at[pl.ds(rbase, _RPT)],
                    acc.at[pl.ds(rbase, _RPT)])
    plsc.subcore_barrier()

    issue_idx(0, 0)
    issue_idx(1, 1)

    @pl.loop(0, _NIT)
    def _(i):
        b = lax.rem(i, _NB)
        wait_idx(b)

        @pl.when(i >= _NB)
        def _():
            wait_scatter(b)

        pltpu.async_copy(h_hbm.at[idx_c.at[b]], rows_v.at[b], sem_g.at[b])

        @pl.when(i + 2 < _NIT)
        def _():
            issue_idx(i + 2, lax.rem(i + 2, _NB))

        @pl.when(i >= 1)
        def _():
            b1 = lax.rem(i + _NB - 1, _NB)
            pltpu.make_async_copy(h_hbm.at[idx_c.at[b1]], rows_v.at[b1],
                                  sem_g.at[b1]).wait()
            for k in range(_KE // 16):
                sl = pl.ds(16 * k, 16)
                idx_s[b1, sl] = idx_r[b1, sl]
            pltpu.async_copy(rows_v.at[b1], acc.at[idx_s.at[b1]],
                             sem_s.at[b1], add=True)

    bl = (_NIT - 1) % _NB
    pltpu.make_async_copy(h_hbm.at[idx_c.at[bl]], rows_v.at[bl],
                          sem_g.at[bl]).wait()
    for k in range(_KE // 16):
        sl = pl.ds(16 * k, 16)
        idx_s[bl, sl] = idx_r[bl, sl]
    pltpu.async_copy(rows_v.at[bl], acc.at[idx_s.at[bl]], sem_s.at[bl],
                     add=True)
    for b in range(_NB):
        wait_scatter(b)

    plsc.subcore_barrier()
    pltpu.sync_copy(acc.at[pl.ds(rbase, _RPT)],
                    out_hbm.at[c, pl.ds(rbase, _RPT)])


_segsum = pl.kernel(
    _segsum_body,
    out_type=jax.ShapeDtypeStruct((_NC, _NPAD, D), jnp.float32),
    mesh=_mesh,
    scratch_types=[
        pltpu.VMEM((_NB, _KE), jnp.int32),
        pltpu.VMEM((_NB, _KE), jnp.int32),
        pltpu.VMEM((_NB, _KE), jnp.int32),
        pltpu.VMEM((_NB, _KE, D), jnp.float32),
        pltpu.VMEM_SHARED((_NPAD, D), jnp.float32),
        pltpu.SemaphoreType.DMA((_NB,)),
        pltpu.SemaphoreType.DMA((_NB,)),
        pltpu.SemaphoreType.DMA((_NB,)),
    ],
)


def _edgesum_body(p_hbm, q_hbm, row_hbm, col_hbm, outp_hbm, outq_hbm,
                  idx_r, idx_c, buf_a, buf_b, sem_i, sem_p, sem_q, sem_o):
    c = lax.axis_index("c")
    s = lax.axis_index("s")
    w = c * _NS + s
    ebase = w * _EPW

    def issue_idx(chunk, b):
        base = pl.multiple_of(ebase + chunk * _KE, 8)
        pltpu.async_copy(row_hbm.at[pl.ds(base, _KE)], idx_r.at[b], sem_i.at[b])
        pltpu.async_copy(col_hbm.at[pl.ds(base, _KE)], idx_c.at[b], sem_i.at[b])

    def wait_idx(b):
        pltpu.make_async_copy(row_hbm.at[pl.ds(0, _KE)], idx_r.at[b],
                              sem_i.at[b]).wait()
        pltpu.make_async_copy(col_hbm.at[pl.ds(0, _KE)], idx_c.at[b],
                              sem_i.at[b]).wait()

    def drain_chunk(chunk, b1):
        pltpu.make_async_copy(p_hbm.at[idx_r.at[b1]], buf_a.at[b1],
                              sem_p.at[b1]).wait()
        pltpu.make_async_copy(q_hbm.at[idx_c.at[b1]], buf_b.at[b1],
                              sem_q.at[b1]).wait()
        base = pl.multiple_of(ebase + chunk * _KE, 8)
        pltpu.async_copy(buf_a.at[b1], outp_hbm.at[pl.ds(base, _KE)],
                         sem_o.at[b1])
        pltpu.async_copy(buf_b.at[b1], outq_hbm.at[pl.ds(base, _KE)],
                         sem_o.at[b1])

    def wait_out(b):
        pltpu.make_async_copy(buf_a.at[b], outp_hbm.at[pl.ds(0, _KE)],
                              sem_o.at[b]).wait()
        pltpu.make_async_copy(buf_b.at[b], outq_hbm.at[pl.ds(0, _KE)],
                              sem_o.at[b]).wait()

    issue_idx(0, 0)
    issue_idx(1, 1)

    @pl.loop(0, _NIT)
    def _(i):
        b = lax.rem(i, _NB)
        wait_idx(b)

        @pl.when(i >= _NB)
        def _():
            wait_out(b)

        pltpu.async_copy(p_hbm.at[idx_r.at[b]], buf_a.at[b], sem_p.at[b])
        pltpu.async_copy(q_hbm.at[idx_c.at[b]], buf_b.at[b], sem_q.at[b])

        @pl.when(i + 2 < _NIT)
        def _():
            issue_idx(i + 2, lax.rem(i + 2, _NB))

        @pl.when(i >= 1)
        def _():
            drain_chunk(i - 1, lax.rem(i + _NB - 1, _NB))

    drain_chunk(_NIT - 1, (_NIT - 1) % _NB)
    for b in range(_NB):
        wait_out(b)


_edgesum = pl.kernel(
    _edgesum_body,
    out_type=(
        jax.ShapeDtypeStruct((E, D), jnp.float32),
        jax.ShapeDtypeStruct((E, D), jnp.float32),
    ),
    mesh=_mesh,
    scratch_types=[
        pltpu.VMEM((_NB, _KE), jnp.int32),
        pltpu.VMEM((_NB, _KE), jnp.int32),
        pltpu.VMEM((_NB, _KE, D), jnp.float32),
        pltpu.VMEM((_NB, _KE, D), jnp.float32),
        pltpu.SemaphoreType.DMA((_NB,)),
        pltpu.SemaphoreType.DMA((_NB,)),
        pltpu.SemaphoreType.DMA((_NB,)),
        pltpu.SemaphoreType.DMA((_NB,)),
    ],
)


def _ln_rows(y, g, b):
    m = jnp.mean(y, axis=-1, keepdims=True)
    v = jnp.mean((y - m) ** 2, axis=-1, keepdims=True)
    return (y - m) * lax.rsqrt(v + EPS) * g + b


def _proj_body(x_ref, w_ref, b_ref, o_ref):
    o_ref[...] = (
        jnp.dot(x_ref[...], w_ref[...], preferred_element_type=jnp.float32)
        + b_ref[...]
    )


def _node_body(h_ref, p_ref, wh_ref, wa_ref, b_ref, g_ref, beta_ref, o_ref):
    h = h_ref[...]
    agg = p_ref[0] + p_ref[1]
    y = (
        jnp.dot(h, wh_ref[...], preferred_element_type=jnp.float32)
        + jnp.dot(agg, wa_ref[...], preferred_element_type=jnp.float32)
        + b_ref[...]
    )
    y = jnp.maximum(y, 0.0)
    o_ref[...] = _ln_rows(y, g_ref[...], beta_ref[...])


def _node_pq_body(h_ref, p_ref, wh_ref, wa_ref, b_ref, g_ref, beta_ref,
                  w1_ref, w2_ref, be_ref, o_ref, pe_ref, qe_ref):
    h = h_ref[...]
    agg = p_ref[0] + p_ref[1]
    y = (
        jnp.dot(h, wh_ref[...], preferred_element_type=jnp.float32)
        + jnp.dot(agg, wa_ref[...], preferred_element_type=jnp.float32)
        + b_ref[...]
    )
    y = jnp.maximum(y, 0.0)
    o_ref[...] = _ln_rows(y, g_ref[...], beta_ref[...])
    pe_ref[...] = (
        jnp.dot(h, w1_ref[...], preferred_element_type=jnp.float32)
        + be_ref[...]
    )
    qe_ref[...] = jnp.dot(h, w2_ref[...], preferred_element_type=jnp.float32)


def _eln_body(p_ref, q_ref, g_ref, beta_ref, o_ref):
    y = jnp.maximum(p_ref[...] + q_ref[...], 0.0)
    o_ref[...] = _ln_rows(y, g_ref[...], beta_ref[...])


_BN = 2000
_BE = 8000

_full = lambda shape: pl.BlockSpec(shape, lambda i: (0,) * len(shape))
_rows = lambda bs: pl.BlockSpec((bs, D), lambda i: (i, 0))


def _proj(x, w, b):
    return pl.pallas_call(
        _proj_body,
        out_shape=jax.ShapeDtypeStruct((N, D), jnp.float32),
        grid=(N // _BN,),
        in_specs=[_rows(_BN), _full((D, D)), _full((1, D))],
        out_specs=_rows(_BN),
    )(x, w, b)


def _node_update(h, parts, wh, wa, b, g, beta):
    return pl.pallas_call(
        _node_body,
        out_shape=jax.ShapeDtypeStruct((N, D), jnp.float32),
        grid=(N // _BN,),
        in_specs=[
            _rows(_BN),
            pl.BlockSpec((_NC, _BN, D), lambda i: (0, i, 0)),
            _full((D, D)), _full((D, D)),
            _full((1, D)), _full((1, D)), _full((1, D)),
        ],
        out_specs=_rows(_BN),
    )(h, parts, wh, wa, b, g, beta)


def _node_update_pq(h, parts, wh, wa, b, g, beta, w1, w2, be_):
    return pl.pallas_call(
        _node_pq_body,
        out_shape=(
            jax.ShapeDtypeStruct((N, D), jnp.float32),
            jax.ShapeDtypeStruct((N, D), jnp.float32),
            jax.ShapeDtypeStruct((N, D), jnp.float32),
        ),
        grid=(N // _BN,),
        in_specs=[
            _rows(_BN),
            pl.BlockSpec((_NC, _BN, D), lambda i: (0, i, 0)),
            _full((D, D)), _full((D, D)),
            _full((1, D)), _full((1, D)), _full((1, D)),
            _full((D, D)), _full((D, D)), _full((1, D)),
        ],
        out_specs=(_rows(_BN), _rows(_BN), _rows(_BN)),
    )(h, parts, wh, wa, b, g, beta, w1, w2, be_)


def _edge_ln(yp, yq, g, beta):
    return pl.pallas_call(
        _eln_body,
        out_shape=jax.ShapeDtypeStruct((E, D), jnp.float32),
        grid=(E // _BE,),
        in_specs=[_rows(_BE), _rows(_BE), _full((1, D)), _full((1, D))],
        out_specs=_rows(_BE),
    )(yp, yq, g, beta)


def kernel(x, edge_index, edge_attr, W_node, b_node, W_edge, b_edge,
           Wn, bn, gn, betan, We, be, ge, betae):
    del edge_attr, W_edge, b_edge
    row = edge_index[0].astype(jnp.int32)
    col = edge_index[1].astype(jnp.int32)
    zeros = jnp.zeros((_NPAD, D), jnp.float32)

    h = _proj(x, W_node, b_node.reshape(1, D))
    e = None
    for l in range(3):
        parts = _segsum(h, row, col, zeros)[:, :N, :]
        if l < 2:
            h = _node_update(
                h, parts, Wn[l, :D], Wn[l, D:],
                bn[l].reshape(1, D), gn[l].reshape(1, D),
                betan[l].reshape(1, D),
            )
        else:
            h, p, q = _node_update_pq(
                h, parts, Wn[l, :D], Wn[l, D:],
                bn[l].reshape(1, D), gn[l].reshape(1, D),
                betan[l].reshape(1, D),
                We[l, :D], We[l, D:], be[l].reshape(1, D),
            )
            pr, qc = _edgesum(p, q, row, col)
            e = _edge_ln(pr, qc, ge[l].reshape(1, D), betae[l].reshape(1, D))
    return (h, e)

# --- scband reference (transcript-rebuilt; emitter-appended) ---
"""Pipeline reference for scband-gnnencoder-47820165873981 (READ-ONLY COPY).

The authoritative reference and input builder live on the scoring server;
editing this copy changes nothing except your own understanding.
"""

import jax, jax.numpy as jnp
import numpy as np

N_NODES = 10000
N_EDGES = 320000
D_NODE = 128
D_EDGE = 16
H = 128
L = 3

def _ln(x, g, b, eps=1e-5):
    m = jnp.mean(x, axis=-1, keepdims=True)
    v = jnp.var(x, axis=-1, keepdims=True)
    return (x - m) / jnp.sqrt(v + eps) * g + b

def setup_inputs(seed: int = 0) -> dict:
    key = jax.random.key(seed)
    ks = jax.random.split(key, 12)
    x = jax.random.normal(ks[0], (N_NODES, D_NODE), dtype=jnp.float32)
    edge_index = jax.random.randint(ks[1], (2, N_EDGES), 0, N_NODES, dtype=jnp.int64)
    edge_attr = jax.random.normal(ks[2], (N_EDGES, D_EDGE), dtype=jnp.float32)
    W_node = jax.random.normal(ks[3], (D_NODE, H), dtype=jnp.float32) * 0.02
    b_node = jnp.zeros((H,), dtype=jnp.float32)
    W_edge = jax.random.normal(ks[4], (D_EDGE, H), dtype=jnp.float32) * 0.02
    b_edge = jnp.zeros((H,), dtype=jnp.float32)
    Wn = jax.random.normal(ks[5], (L, 2 * H, H), dtype=jnp.float32) * 0.02
    bn = jnp.zeros((L, H), dtype=jnp.float32)
    gn = jnp.ones((L, H), dtype=jnp.float32)
    betan = jnp.zeros((L, H), dtype=jnp.float32)
    We = jax.random.normal(ks[6], (L, 2 * H, H), dtype=jnp.float32) * 0.02
    be = jnp.zeros((L, H), dtype=jnp.float32)
    ge = jnp.ones((L, H), dtype=jnp.float32)
    betae = jnp.zeros((L, H), dtype=jnp.float32)
    return {"x": x, "edge_index": edge_index, "edge_attr": edge_attr,
            "W_node": W_node, "b_node": b_node, "W_edge": W_edge, "b_edge": b_edge,
            "Wn": Wn, "bn": bn, "gn": gn, "betan": betan,
            "We": We, "be": be, "ge": ge, "betae": betae}

def reference(x, edge_index, edge_attr, W_node, b_node, W_edge, b_edge, Wn, bn, gn, betan, We, be, ge, betae):
    h = x @ W_node + b_node
    e = edge_attr @ W_edge + b_edge
    row = edge_index[0]
    col = edge_index[1]
    for l in range(L):
        agg = jax.ops.segment_sum(h[col], row, num_segments=N_NODES)
        node_input = jnp.concatenate([h, agg], axis=-1)
        new_h = _ln(jax.nn.relu(node_input @ Wn[l] + bn[l]), gn[l], betan[l])
        edge_input = jnp.concatenate([h[row], h[col]], axis=-1)
        new_e = _ln(jax.nn.relu(edge_input @ We[l] + be[l]), ge[l], betae[l])
        h = new_h
        e = new_e
    return (h, e)

if __name__ == "__main__":
    import jax
    _d = setup_inputs()
    print(jax.jit(kernel)(*tuple(_d.values())))

</pallas_src>

<mosaic_0001>
#map = affine_map<(d0, d1) -> (0, 0)>
#map1 = affine_map<(d0, d1) -> (0)>
#map2 = affine_map<(d0, d1) -> (0, 0, 0)>
module attributes {stable_mosaic.version = 14 : i64} {
  func.func @_segsum_body(%arg0: i32, %arg1: i32, %arg2: memref<10000x128xf32, #tpu.memory_space<hbm>>, %arg3: memref<320000xi32, #tpu.memory_space<hbm>>, %arg4: memref<320000xi32, #tpu.memory_space<hbm>>, %arg5: memref<10112x128xf32, #tpu.memory_space<hbm>>, %arg6: memref<2x10112x128xf32, #tpu.memory_space<hbm>>, %arg7: memref<4x80xi32, #tpu.memory_space<vmem>>, %arg8: memref<4x80xi32, #tpu.memory_space<vmem>>, %arg9: memref<4x80xi32, #tpu.memory_space<vmem>>, %arg10: memref<4x80x128xf32, #tpu.memory_space<vmem>>, %arg11: memref<10112x128xf32, #tpu.memory_space<vmem_shared>>, %arg12: memref<4x!tpu.dma_semaphore, #tpu.memory_space<semaphore_mem>>, %arg13: memref<4x!tpu.dma_semaphore, #tpu.memory_space<semaphore_mem>>, %arg14: memref<4x!tpu.dma_semaphore, #tpu.memory_space<semaphore_mem>>) attributes {dimension_semantics = [#tpu.dimension_semantics<core_parallel>, #tpu.dimension_semantics<subcore_parallel>], iteration_bounds = array<i64: 2, 16>, scalar_prefetch = 0 : i64, scratch_operands = 8 : i64, tpu.core_type = #tpu.core_type<sc_vector_subcore>, window_params = [{transform_indices = #map}, {transform_indices = #map1}, {transform_indices = #map1}, {transform_indices = #map}, {transform_indices = #map2}]} {
    %mul3A = arith.constant 16 : i32
    %mul3A_0 = arith.muli %arg0, %mul3A : i32
    %add3A = arith.addi %mul3A_0, %arg1 : i32
    %mul3A_1 = arith.constant 632 : i32
    %mul3A_2 = arith.muli %arg1, %mul3A_1 : i32
    %multiple_of3A = tpu.assume_multiple %mul3A_2, 8 : i32
    %mul3A_3 = arith.constant 10000 : i32
    %mul3A_4 = arith.muli %add3A, %mul3A_3 : i32
    "tpu.region"() ({
      %run_scoped3A = tpu.sem_alloc : memref<!tpu.dma_semaphore, #tpu.memory_space<semaphore_mem>>
      %dma_start3A_205 = arith.constant 0 : i32
      %dma_start3A_206 = tpu.memref_slice %arg11[%multiple_of3A, %dma_start3A_205] : memref<10112x128xf32, #tpu.memory_space<vmem_shared>> -> memref<632x128xf32, #tpu.memory_space<vmem_shared>>
      %dma_start3A_207 = arith.constant 0 : i32
      %dma_start3A_208 = tpu.memref_slice %arg5[%multiple_of3A, %dma_start3A_207] : memref<10112x128xf32, #tpu.memory_space<hbm>> -> memref<632x128xf32, #tpu.memory_space<hbm>>
      tpu.enqueue_dma source(%dma_start3A_208 : memref<632x128xf32, #tpu.memory_space<hbm>>) target(%dma_start3A_206 : memref<632x128xf32, #tpu.memory_space<vmem_shared>>) target_semaphore(%run_scoped3A : memref<!tpu.dma_semaphore, #tpu.memory_space<semaphore_mem>>)
      %dma_wait3A_209 = arith.constant 0 : i32
      %dma_wait3A_210 = tpu.memref_slice %arg11[%multiple_of3A, %dma_wait3A_209] : memref<10112x128xf32, #tpu.memory_space<vmem_shared>> -> memref<632x128xf32, #tpu.memory_space<vmem_shared>>
      %dma_wait3A_211 = arith.constant 0 : i32
      %dma_wait3A_212 = tpu.memref_slice %arg5[%multiple_of3A, %dma_wait3A_211] : memref<10112x128xf32, #tpu.memory_space<hbm>> -> memref<632x128xf32, #tpu.memory_space<hbm>>
      tpu.wait_dma2 semaphore(%run_scoped3A : memref<!tpu.dma_semaphore, #tpu.memory_space<semaphore_mem>>) src(%dma_wait3A_212 : memref<632x128xf32, #tpu.memory_space<hbm>>) dst(%dma_wait3A_210 : memref<632x128xf32, #tpu.memory_space<vmem_shared>>)
      tpu.yield
    }) : () -> ()
    %barrier3A = arith.constant 0 : index
    tpu.barrier barrier_id(%barrier3A)
    %add3A_5 = arith.constant 0 : i32
    %add3A_6 = arith.addi %mul3A_4, %add3A_5 : i32
    %multiple_of3A_7 = tpu.assume_multiple %add3A_6, 8 : i32
    %dma_start3A = arith.constant 0 : i32
    %dma_start3A_8 = arith.constant 0 : i32
    %dma_start3A_9 = arith.constant 0 : i32
    %dma_start3A_10 = tpu.memref_slice %arg7[%dma_start3A, %dma_start3A_9] : memref<4x80xi32, #tpu.memory_space<vmem>> -> memref<1x80xi32, #tpu.memory_space<vmem>>
    %dma_start3A_11 = tpu.memref_squeeze %dma_start3A_10 : memref<1x80xi32, #tpu.memory_space<vmem>> -> memref<80xi32, #tpu.memory_space<vmem>>
    %dma_start3A_12 = tpu.memref_slice %arg3[%multiple_of3A_7] : memref<320000xi32, #tpu.memory_space<hbm>> -> memref<80xi32, #tpu.memory_space<hbm>>
    %dma_start3A_13 = tpu.memref_slice %arg12[%dma_start3A_8] : memref<4x!tpu.dma_semaphore, #tpu.memory_space<semaphore_mem>> -> memref<1x!tpu.dma_semaphore, #tpu.memory_space<semaphore_mem>>
    %dma_start3A_14 = tpu.memref_squeeze %dma_start3A_13 : memref<1x!tpu.dma_semaphore, #tpu.memory_space<semaphore_mem>> -> memref<!tpu.dma_semaphore, #tpu.memory_space<semaphore_mem>>
    %dma_start3A_15 = arith.constant 0 : i32
    %dma_start3A_16 = tpu.memref_slice %arg7[%dma_start3A, %dma_start3A_15] : memref<4x80xi32, #tpu.memory_space<vmem>> -> memref<1x80xi32, #tpu.memory_space<vmem>>
    %dma_start3A_17 = tpu.memref_squeeze %dma_start3A_16 : memref<1x80xi32, #tpu.memory_space<vmem>> -> memref<80xi32, #tpu.memory_space<vmem>>
    %dma_start3A_18 = tpu.memref_slice %arg3[%multiple_of3A_7] : memref<320000xi32, #tpu.memory_space<hbm>> -> memref<80xi32, #tpu.memory_space<hbm>>
    tpu.enqueue_dma source(%dma_start3A_18 : memref<80xi32, #tpu.memory_space<hbm>>) target(%dma_start3A_17 : memref<80xi32, #tpu.memory_space<vmem>>) target_semaphore(%dma_start3A_14 : memref<!tpu.dma_semaphore, #tpu.memory_space<semaphore_mem>>)
    %dma_start3A_19 = arith.constant 0 : i32
    %dma_start3A_20 = arith.constant 0 : i32
    %dma_start3A_21 = arith.constant 0 : i32
    %dma_start3A_22 = tpu.memref_slice %arg8[%dma_start3A_19, %dma_start3A_21] : memref<4x80xi32, #tpu.memory_space<vmem>> -> memref<1x80xi32, #tpu.memory_space<vmem>>
    %dma_start3A_23 = tpu.memref_squeeze %dma_start3A_22 : memref<1x80xi32, #tpu.memory_space<vmem>> -> memref<80xi32, #tpu.memory_space<vmem>>
    %dma_start3A_24 = tpu.memref_slice %arg4[%multiple_of3A_7] : memref<320000xi32, #tpu.memory_space<hbm>> -> memref<80xi32, #tpu.memory_space<hbm>>
    %dma_start3A_25 = tpu.memref_slice %arg12[%dma_start3A_20] : memref<4x!tpu.dma_semaphore, #tpu.memory_space<semaphore_mem>> -> memref<1x!tpu.dma_semaphore, #tpu.memory_space<semaphore_mem>>
    %dma_start3A_26 = tpu.memref_squeeze %dma_start3A_25 : memref<1x!tpu.dma_semaphore, #tpu.memory_space<semaphore_mem>> -> memref<!tpu.dma_semaphore, #tpu.memory_space<semaphore_mem>>
    %dma_start3A_27 = arith.constant 0 : i32
    %dma_start3A_28 = tpu.memref_slice %arg8[%dma_start3A_19, %dma_start3A_27] : memref<4x80xi32, #tpu.memory_space<vmem>> -> memref<1x80xi32, #tpu.memory_space<vmem>>
    %dma_start3A_29 = tpu.memref_squeeze %dma_start3A_28 : memref<1x80xi32, #tpu.memory_space<vmem>> -> memref<80xi32, #tpu.memory_space<vmem>>
    %dma_start3A_30 = tpu.memref_slice %arg4[%multiple_of3A_7] : memref<320000xi32, #tpu.memory_space<hbm>> -> memref<80xi32, #tpu.memory_space<hbm>>
    tpu.enqueue_dma source(%dma_start3A_30 : memref<80xi32, #tpu.memory_space<hbm>>) target(%dma_start3A_29 : memref<80xi32, #tpu.memory_space<vmem>>) target_semaphore(%dma_start3A_26 : memref<!tpu.dma_semaphore, #tpu.memory_space<semaphore_mem>>)
    %add3A_31 = arith.constant 80 : i32
    %add3A_32 = arith.addi %mul3A_4, %add3A_31 : i32
    %multiple_of3A_33 = tpu.assume_multiple %add3A_32, 8 : i32
    %dma_start3A_34 = arith.constant 1 : i32
    %dma_start3A_35 = arith.constant 1 : i32
    %dma_start3A_36 = arith.constant 0 : i32
    %dma_start3A_37 = tpu.memref_slice %arg7[%dma_start3A_34, %dma_start3A_36] : memref<4x80xi32, #tpu.memory_space<vmem>> -> memref<1x80xi32, #tpu.memory_space<vmem>>
    %dma_start3A_38 = tpu.memref_squeeze %dma_start3A_37 : memref<1x80xi32, #tpu.memory_space<vmem>> -> memref<80xi32, #tpu.memory_space<vmem>>
    %dma_start3A_39 = tpu.memref_slice %arg3[%multiple_of3A_33] : memref<320000xi32, #tpu.memory_space<hbm>> -> memref<80xi32, #tpu.memory_space<hbm>>
    %dma_start3A_40 = tpu.memref_slice %arg12[%dma_start3A_35] : memref<4x!tpu.dma_semaphore, #tpu.memory_space<semaphore_mem>> -> memref<1x!tpu.dma_semaphore, #tpu.memory_space<semaphore_mem>>
    %dma_start3A_41 = tpu.memref_squeeze %dma_start3A_40 : memref<1x!tpu.dma_semaphore, #tpu.memory_space<semaphore_mem>> -> memref<!tpu.dma_semaphore, #tpu.memory_space<semaphore_mem>>
    %dma_start3A_42 = arith.constant 0 : i32
    %dma_start3A_43 = tpu.memref_slice %arg7[%dma_start3A_34, %dma_start3A_42] : memref<4x80xi32, #tpu.memory_space<vmem>> -> memref<1x80xi32, #tpu.memory_space<vmem>>
    %dma_start3A_44 = tpu.memref_squeeze %dma_start3A_43 : memref<1x80xi32, #tpu.memory_space<vmem>> -> memref<80xi32, #tpu.memory_space<vmem>>
    %dma_start3A_45 = tpu.memref_slice %arg3[%multiple_of3A_33] : memref<320000xi32, #tpu.memory_space<hbm>> -> memref<80xi32, #tpu.memory_space<hbm>>
    tpu.enqueue_dma source(%dma_start3A_45 : memref<80xi32, #tpu.memory_space<hbm>>) target(%dma_start3A_44 : memref<80xi32, #tpu.memory_space<vmem>>) target_semaphore(%dma_start3A_41 : memref<!tpu.dma_semaphore, #tpu.memory_space<semaphore_mem>>)
    %dma_start3A_46 = arith.constant 1 : i32
    %dma_start3A_47 = arith.constant 1 : i32
    %dma_start3A_48 = arith.constant 0 : i32
    %dma_start3A_49 = tpu.memref_slice %arg8[%dma_start3A_46, %dma_start3A_48] : memref<4x80xi32, #tpu.memory_space<vmem>> -> memref<1x80xi32, #tpu.memory_space<vmem>>
    %dma_start3A_50 = tpu.memref_squeeze %dma_start3A_49 : memref<1x80xi32, #tpu.memory_space<vmem>> -> memref<80xi32, #tpu.memory_space<vmem>>
    %dma_start3A_51 = tpu.memref_slice %arg4[%multiple_of3A_33] : memref<320000xi32, #tpu.memory_space<hbm>> -> memref<80xi32, #tpu.memory_space<hbm>>
    %dma_start3A_52 = tpu.memref_slice %arg12[%dma_start3A_47] : memref<4x!tpu.dma_semaphore, #tpu.memory_space<semaphore_mem>> -> memref<1x!tpu.dma_semaphore, #tpu.memory_space<semaphore_mem>>
    %dma_start3A_53 = tpu.memref_squeeze %dma_start3A_52 : memref<1x!tpu.dma_semaphore, #tpu.memory_space<semaphore_mem>> -> memref<!tpu.dma_semaphore, #tpu.memory_space<semaphore_mem>>
    %dma_start3A_54 = arith.constant 0 : i32
    %dma_start3A_55 = tpu.memref_slice %arg8[%dma_start3A_46, %dma_start3A_54] : memref<4x80xi32, #tpu.memory_space<vmem>> -> memref<1x80xi32, #tpu.memory_space<vmem>>
    %dma_start3A_56 = tpu.memref_squeeze %dma_start3A_55 : memref<1x80xi32, #tpu.memory_space<vmem>> -> memref<80xi32, #tpu.memory_space<vmem>>
    %dma_start3A_57 = tpu.memref_slice %arg4[%multiple_of3A_33] : memref<320000xi32, #tpu.memory_space<hbm>> -> memref<80xi32, #tpu.memory_space<hbm>>
    tpu.enqueue_dma source(%dma_start3A_57 : memref<80xi32, #tpu.memory_space<hbm>>) target(%dma_start3A_56 : memref<80xi32, #tpu.memory_space<vmem>>) target_semaphore(%dma_start3A_53 : memref<!tpu.dma_semaphore, #tpu.memory_space<semaphore_mem>>)
    %scan3A = arith.constant 0 : i32
    %scan3A_58 = arith.constant 125 : i32
    %scan3A_59 = arith.addi %scan3A, %scan3A_58 : i32
    %scan3A_60 = arith.constant 1 : i32
    scf.for %scan3A_205 = %scan3A to %scan3A_59 step %scan3A_60  : i32 {
      %mul3A_206 = arith.constant 1 : i32
      %mul3A_207 = arith.muli %scan3A_205, %mul3A_206 : i32
      %add3A_208 = arith.constant 0 : i32
      %add3A_209 = arith.addi %add3A_208, %mul3A_207 : i32
      %rem3A = arith.constant 4 : i32
      %rem3A_210 = arith.remsi %add3A_209, %rem3A : i32
      %dma_wait3A_211 = arith.constant 0 : i32
      %dma_wait3A_212 = tpu.memref_slice %arg7[%rem3A_210, %dma_wait3A_211] : memref<4x80xi32, #tpu.memory_space<vmem>> -> memref<1x80xi32, #tpu.memory_space<vmem>>
      %dma_wait3A_213 = tpu.memref_squeeze %dma_wait3A_212 : memref<1x80xi32, #tpu.memory_space<vmem>> -> memref<80xi32, #tpu.memory_space<vmem>>
      %dma_wait3A_214 = arith.constant 0 : i32
      %dma_wait3A_215 = tpu.memref_slice %arg3[%dma_wait3A_214] : memref<320000xi32, #tpu.memory_space<hbm>> -> memref<80xi32, #tpu.memory_space<hbm>>
      %dma_wait3A_216 = tpu.memref_slice %arg12[%rem3A_210] : memref<4x!tpu.dma_semaphore, #tpu.memory_space<semaphore_mem>> -> memref<1x!tpu.dma_semaphore, #tpu.memory_space<semaphore_mem>>
      %dma_wait3A_217 = tpu.memref_squeeze %dma_wait3A_216 : memref<1x!tpu.dma_semaphore, #tpu.memory_space<semaphore_mem>> -> memref<!tpu.dma_semaphore, #tpu.memory_space<semaphore_mem>>
      %dma_wait3A_218 = arith.constant 0 : i32
      %dma_wait3A_219 = tpu.memref_slice %arg7[%rem3A_210, %dma_wait3A_218] : memref<4x80xi32, #tpu.memory_space<vmem>> -> memref<1x80xi32, #tpu.memory_space<vmem>>
      %dma_wait3A_220 = tpu.memref_squeeze %dma_wait3A_219 : memref<1x80xi32, #tpu.memory_space<vmem>> -> memref<80xi32, #tpu.memory_space<vmem>>
      %dma_wait3A_221 = arith.constant 0 : i32
      %dma_wait3A_222 = tpu.memref_slice %arg3[%dma_wait3A_221] : memref<320000xi32, #tpu.memory_space<hbm>> -> memref<80xi32, #tpu.memory_space<hbm>>
      tpu.wait_dma2 semaphore(%dma_wait3A_217 : memref<!tpu.dma_semaphore, #tpu.memory_space<semaphore_mem>>) src(%dma_wait3A_222 : memref<80xi32, #tpu.memory_space<hbm>>) dst(%dma_wait3A_220 : memref<80xi32, #tpu.memory_space<vmem>>)
      %dma_wait3A_223 = arith.constant 0 : i32
      %dma_wait3A_224 = tpu.memref_slice %arg8[%rem3A_210, %dma_wait3A_223] : memref<4x80xi32, #tpu.memory_space<vmem>> -> memref<1x80xi32, #tpu.memory_space<vmem>>
      %dma_wait3A_225 = tpu.memref_squeeze %dma_wait3A_224 : memref<1x80xi32, #tpu.memory_space<vmem>> -> memref<80xi32, #tpu.memory_space<vmem>>
      %dma_wait3A_226 = arith.constant 0 : i32
      %dma_wait3A_227 = tpu.memref_slice %arg4[%dma_wait3A_226] : memref<320000xi32, #tpu.memory_space<hbm>> -> memref<80xi32, #tpu.memory_space<hbm>>
      %dma_wait3A_228 = tpu.memref_slice %arg12[%rem3A_210] : memref<4x!tpu.dma_semaphore, #tpu.memory_space<semaphore_mem>> -> memref<1x!tpu.dma_semaphore, #tpu.memory_space<semaphore_mem>>
      %dma_wait3A_229 = tpu.memref_squeeze %dma_wait3A_228 : memref<1x!tpu.dma_semaphore, #tpu.memory_space<semaphore_mem>> -> memref<!tpu.dma_semaphore, #tpu.memory_space<semaphore_mem>>
      %dma_wait3A_230 = arith.constant 0 : i32
      %dma_wait3A_231 = tpu.memref_slice %arg8[%rem3A_210, %dma_wait3A_230] : memref<4x80xi32, #tpu.memory_space<vmem>> -> memref<1x80xi32, #tpu.memory_space<vmem>>
      %dma_wait3A_232 = tpu.memref_squeeze %dma_wait3A_231 : memref<1x80xi32, #tpu.memory_space<vmem>> -> memref<80xi32, #tpu.memory_space<vmem>>
      %dma_wait3A_233 = arith.constant 0 : i32
      %dma_wait3A_234 = tpu.memref_slice %arg4[%dma_wait3A_233] : memref<320000xi32, #tpu.memory_space<hbm>> -> memref<80xi32, #tpu.memory_space<hbm>>
      tpu.wait_dma2 semaphore(%dma_wait3A_229 : memref<!tpu.dma_semaphore, #tpu.memory_space<semaphore_mem>>) src(%dma_wait3A_234 : memref<80xi32, #tpu.memory_space<hbm>>) dst(%dma_wait3A_232 : memref<80xi32, #tpu.memory_space<vmem>>)
      %ge3A = arith.constant 4 : i32
      %ge3A_235 = arith.cmpi sge, %add3A_209, %ge3A : i32
      %convert_element_type3A = arith.extui %ge3A_235 : i1 to i32
      %cond3A = arith.constant 0 : i32
      %cond3A_236 = arith.cmpi ne, %convert_element_type3A, %cond3A : i32
      scf.if %cond3A_236 {
        %dma_wait3A_260 = arith.constant 0 : i32
        %dma_wait3A_261 = arith.constant 0 : i32
        %dma_wait3A_262 = tpu.memref_slice %arg10[%rem3A_210, %dma_wait3A_260, %dma_wait3A_261] : memref<4x80x128xf32, #tpu.memory_space<vmem>> -> memref<1x80x128xf32, #tpu.memory_space<vmem>>
        %dma_wait3A_263 = tpu.memref_squeeze %dma_wait3A_262 : memref<1x80x128xf32, #tpu.memory_space<vmem>> -> memref<80x128xf32, #tpu.memory_space<vmem>>
        %dma_wait3A_264 = arith.constant 0 : i32
        %dma_wait3A_265 = tpu.memref_slice %arg9[%rem3A_210, %dma_wait3A_264] : memref<4x80xi32, #tpu.memory_space<vmem>> -> memref<1x80xi32, #tpu.memory_space<vmem>>
        %dma_wait3A_266 = tpu.memref_squeeze %dma_wait3A_265 : memref<1x80xi32, #tpu.memory_space<vmem>> -> memref<80xi32, #tpu.memory_space<vmem>>
        %dma_wait3A_267 = arith.constant 0 : i32
        %dma_wait3A_268 = arith.constant 0 : i32
        %dma_wait3A_269 = tpu.memref_slice %arg11[%dma_wait3A_267, %dma_wait3A_268] : memref<10112x128xf32, #tpu.memory_space<vmem_shared>> -> memref<10112x128xf32, #tpu.memory_space<vmem_shared>>
        %dma_wait3A_270 = tpu.memref_slice %arg14[%rem3A_210] : memref<4x!tpu.dma_semaphore, #tpu.memory_space<semaphore_mem>> -> memref<1x!tpu.dma_semaphore, #tpu.memory_space<semaphore_mem>>
        %dma_wait3A_271 = tpu.memref_squeeze %dma_wait3A_270 : memref<1x!tpu.dma_semaphore, #tpu.memory_space<semaphore_mem>> -> memref<!tpu.dma_semaphore, #tpu.memory_space<semaphore_mem>>
        tpu.wait_indirect_dma semaphore(%dma_wait3A_271 : memref<!tpu.dma_semaphore, #tpu.memory_space<semaphore_mem>>) src(%dma_wait3A_263 : memref<80x128xf32, #tpu.memory_space<vmem>>) dst(%dma_wait3A_269 : memref<10112x128xf32, #tpu.memory_space<vmem_shared>>)
      } else {
      }
      %dma_start3A_237 = arith.constant 0 : i32
      %dma_start3A_238 = arith.constant 0 : i32
      %dma_start3A_239 = tpu.memref_slice %arg10[%rem3A_210, %dma_start3A_237, %dma_start3A_238] : memref<4x80x128xf32, #tpu.memory_space<vmem>> -> memref<1x80x128xf32, #tpu.memory_space<vmem>>
      %dma_start3A_240 = tpu.memref_squeeze %dma_start3A_239 : memref<1x80x128xf32, #tpu.memory_space<vmem>> -> memref<80x128xf32, #tpu.memory_space<vmem>>
      %dma_start3A_241 = arith.constant 0 : i32
      %dma_start3A_242 = tpu.memref_slice %arg8[%rem3A_210, %dma_start3A_241] : memref<4x80xi32, #tpu.memory_space<vmem>> -> memref<1x80xi32, #tpu.memory_space<vmem>>
      %dma_start3A_243 = tpu.memref_squeeze %dma_start3A_242 : memref<1x80xi32, #tpu.memory_space<vmem>> -> memref<80xi32, #tpu.memory_space<vmem>>
      %dma_start3A_244 = arith.constant 0 : i32
      %dma_start3A_245 = arith.constant 0 : i32
      %dma_start3A_246 = tpu.memref_slice %arg2[%dma_start3A_244, %dma_start3A_245] : memref<10000x128xf32, #tpu.memory_space<hbm>> -> memref<10000x128xf32, #tpu.memory_space<hbm>>
      %dma_start3A_247 = tpu.memref_slice %arg13[%rem3A_210] : memref<4x!tpu.dma_semaphore, #tpu.memory_space<semaphore_mem>> -> memref<1x!tpu.dma_semaphore, #tpu.memory_space<semaphore_mem>>
      %dma_start3A_248 = tpu.memref_squeeze %dma_start3A_247 : memref<1x!tpu.dma_semaphore, #tpu.memory_space<semaphore_mem>> -> memref<!tpu.dma_semaphore, #tpu.memory_space<semaphore_mem>>
      tpu.enqueue_indirect_dma source(%dma_start3A_246 : memref<10000x128xf32, #tpu.memory_space<hbm>>) target(%dma_start3A_240 : memref<80x128xf32, #tpu.memory_space<vmem>>) offsets(%dma_start3A_243 : memref<80xi32, #tpu.memory_space<vmem>>) semaphore(%dma_start3A_248 : memref<!tpu.dma_semaphore, #tpu.memory_space<semaphore_mem>>)
      %add3A_249 = arith.constant 2 : i32
      %add3A_250 = arith.addi %add3A_209, %add3A_249 : i32
      %lt3A = arith.constant 125 : i32
      %lt3A_251 = arith.cmpi slt, %add3A_250, %lt3A : i32
      %convert_element_type3A_252 = arith.extui %lt3A_251 : i1 to i32
      %cond3A_253 = arith.constant 0 : i32
      %cond3A_254 = arith.cmpi ne, %convert_element_type3A_252, %cond3A_253 : i32
      scf.if %cond3A_254 {
        %add3A_260 = arith.constant 2 : i32
        %add3A_261 = arith.addi %add3A_209, %add3A_260 : i32
        %add3A_262 = arith.constant 2 : i32
        %add3A_263 = arith.addi %add3A_209, %add3A_262 : i32
        %rem3A_264 = arith.constant 4 : i32
        %rem3A_265 = arith.remsi %add3A_263, %rem3A_264 : i32
        %mul3A_266 = arith.constant 80 : i32
        %mul3A_267 = arith.muli %add3A_261, %mul3A_266 : i32
        %add3A_268 = arith.addi %mul3A_4, %mul3A_267 : i32
        %multiple_of3A_269 = tpu.assume_multiple %add3A_268, 8 : i32
        %dma_start3A_270 = arith.constant 0 : i32
        %dma_start3A_271 = tpu.memref_slice %arg7[%rem3A_265, %dma_start3A_270] : memref<4x80xi32, #tpu.memory_space<vmem>> -> memref<1x80xi32, #tpu.memory_space<vmem>>
        %dma_start3A_272 = tpu.memref_squeeze %dma_start3A_271 : memref<1x80xi32, #tpu.memory_space<vmem>> -> memref<80xi32, #tpu.memory_space<vmem>>
        %dma_start3A_273 = tpu.memref_slice %arg3[%multiple_of3A_269] : memref<320000xi32, #tpu.memory_space<hbm>> -> memref<80xi32, #tpu.memory_space<hbm>>
        %dma_start3A_274 = tpu.memref_slice %arg12[%rem3A_265] : memref<4x!tpu.dma_semaphore, #tpu.memory_space<semaphore_mem>> -> memref<1x!tpu.dma_semaphore, #tpu.memory_space<semaphore_mem>>
        %dma_start3A_275 = tpu.memref_squeeze %dma_start3A_274 : memref<1x!tpu.dma_semaphore, #tpu.memory_space<semaphore_mem>> -> memref<!tpu.dma_semaphore, #tpu.memory_space<semaphore_mem>>
        %dma_start3A_276 = arith.constant 0 : i32
        %dma_start3A_277 = tpu.memref_slice %arg7[%rem3A_265, %dma_start3A_276] : memref<4x80xi32, #tpu.memory_space<vmem>> -> memref<1x80xi32, #tpu.memory_space<vmem>>
        %dma_start3A_278 = tpu.memref_squeeze %dma_start3A_277 : memref<1x80xi32, #tpu.memory_space<vmem>> -> memref<80xi32, #tpu.memory_space<vmem>>
        %dma_start3A_279 = tpu.memref_slice %arg3[%multiple_of3A_269] : memref<320000xi32, #tpu.memory_space<hbm>> -> memref<80xi32, #tpu.memory_space<hbm>>
        tpu.enqueue_dma source(%dma_start3A_279 : memref<80xi32, #tpu.memory_space<hbm>>) target(%dma_start3A_278 : memref<80xi32, #tpu.memory_space<vmem>>) target_semaphore(%dma_start3A_275 : memref<!tpu.dma_semaphore, #tpu.memory_space<semaphore_mem>>)
        %dma_start3A_280 = arith.constant 0 : i32
        %dma_start3A_281 = tpu.memref_slice %arg8[%rem3A_265, %dma_start3A_280] : memref<4x80xi32, #tpu.memory_space<vmem>> -> memref<1x80xi32, #tpu.memory_space<vmem>>
        %dma_start3A_282 = tpu.memref_squeeze %dma_start3A_281 : memref<1x80xi32, #tpu.memory_space<vmem>> -> memref<80xi32, #tpu.memory_space<vmem>>
        %dma_start3A_283 = tpu.memref_slice %arg4[%multiple_of3A_269] : memref<320000xi32, #tpu.memory_space<hbm>> -> memref<80xi32, #tpu.memory_space<hbm>>
        %dma_start3A_284 = tpu.memref_slice %arg12[%rem3A_265] : memref<4x!tpu.dma_semaphore, #tpu.memory_space<semaphore_mem>> -> memref<1x!tpu.dma_semaphore, #tpu.memory_space<semaphore_mem>>
        %dma_start3A_285 = tpu.memref_squeeze %dma_start3A_284 : memref<1x!tpu.dma_semaphore, #tpu.memory_space<semaphore_mem>> -> memref<!tpu.dma_semaphore, #tpu.memory_space<semaphore_mem>>
        %dma_start3A_286 = arith.constant 0 : i32
        %dma_start3A_287 = tpu.memref_slice %arg8[%rem3A_265, %dma_start3A_286] : memref<4x80xi32, #tpu.memory_space<vmem>> -> memref<1x80xi32, #tpu.memory_space<vmem>>
        %dma_start3A_288 = tpu.memref_squeeze %dma_start3A_287 : memref<1x80xi32, #tpu.memory_space<vmem>> -> memref<80xi32, #tpu.memory_space<vmem>>
        %dma_start3A_289 = tpu.memref_slice %arg4[%multiple_of3A_269] : memref<320000xi32, #tpu.memory_space<hbm>> -> memref<80xi32, #tpu.memory_space<hbm>>
        tpu.enqueue_dma source(%dma_start3A_289 : memref<80xi32, #tpu.memory_space<hbm>>) target(%dma_start3A_288 : memref<80xi32, #tpu.memory_space<vmem>>) target_semaphore(%dma_start3A_285 : memref<!tpu.dma_semaphore, #tpu.memory_space<semaphore_mem>>)
      } else {
      }
      %ge3A_255 = arith.constant 1 : i32
      %ge3A_256 = arith.cmpi sge, %add3A_209, %ge3A_255 : i32
      %convert_element_type3A_257 = arith.extui %ge3A_256 : i1 to i32
      %cond3A_258 = arith.constant 0 : i32
      %cond3A_259 = arith.cmpi ne, %convert_element_type3A_257, %cond3A_258 : i32
      scf.if %cond3A_259 {
        %add3A_260 = arith.constant 4 : i32
        %add3A_261 = arith.addi %add3A_209, %add3A_260 : i32
        %sub3A = arith.constant 1 : i32
        %sub3A_262 = arith.subi %add3A_261, %sub3A : i32
        %rem3A_263 = arith.constant 4 : i32
        %rem3A_264 = arith.remsi %sub3A_262, %rem3A_263 : i32
        %dma_wait3A_265 = arith.constant 0 : i32
        %dma_wait3A_266 = arith.constant 0 : i32
        %dma_wait3A_267 = tpu.memref_slice %arg10[%rem3A_264, %dma_wait3A_265, %dma_wait3A_266] : memref<4x80x128xf32, #tpu.memory_space<vmem>> -> memref<1x80x128xf32, #tpu.memory_space<vmem>>
        %dma_wait3A_268 = tpu.memref_squeeze %dma_wait3A_267 : memref<1x80x128xf32, #tpu.memory_space<vmem>> -> memref<80x128xf32, #tpu.memory_space<vmem>>
        %dma_wait3A_269 = arith.constant 0 : i32
        %dma_wait3A_270 = tpu.memref_slice %arg8[%rem3A_264, %dma_wait3A_269] : memref<4x80xi32, #tpu.memory_space<vmem>> -> memref<1x80xi32, #tpu.memory_space<vmem>>
        %dma_wait3A_271 = tpu.memref_squeeze %dma_wait3A_270 : memref<1x80xi32, #tpu.memory_space<vmem>> -> memref<80xi32, #tpu.memory_space<vmem>>
        %dma_wait3A_272 = arith.constant 0 : i32
        %dma_wait3A_273 = arith.constant 0 : i32
        %dma_wait3A_274 = tpu.memref_slice %arg2[%dma_wait3A_272, %dma_wait3A_273] : memref<10000x128xf32, #tpu.memory_space<hbm>> -> memref<10000x128xf32, #tpu.memory_space<hbm>>
        %dma_wait3A_275 = tpu.memref_slice %arg13[%rem3A_264] : memref<4x!tpu.dma_semaphore, #tpu.memory_space<semaphore_mem>> -> memref<1x!tpu.dma_semaphore, #tpu.memory_space<semaphore_mem>>
        %dma_wait3A_276 = tpu.memref_squeeze %dma_wait3A_275 : memref<1x!tpu.dma_semaphore, #tpu.memory_space<semaphore_mem>> -> memref<!tpu.dma_semaphore, #tpu.memory_space<semaphore_mem>>
        tpu.wait_indirect_dma semaphore(%dma_wait3A_276 : memref<!tpu.dma_semaphore, #tpu.memory_space<semaphore_mem>>) src(%dma_wait3A_274 : memref<10000x128xf32, #tpu.memory_space<hbm>>) dst(%dma_wait3A_268 : memref<80x128xf32, #tpu.memory_space<vmem>>)
        %get3A_277 = arith.index_cast %rem3A_264 : i32 to index
        %get3A_278 = arith.constant 0 : index
        %get3A_279 = tpu.vector_load %arg7[%get3A_277, %get3A_278] {strides = array<i32>} : memref<4x80xi32, #tpu.memory_space<vmem>>, vector<1x16xi32>,
        %get3A_280 = vector.shape_cast %get3A_279 : vector<1x16xi32> to vector<16xi32>
        %swap3A_281 = arith.index_cast %rem3A_264 : i32 to index
        %swap3A_282 = arith.constant 0 : index
        %swap3A_283 = tpu.vector_load %arg9[%swap3A_281, %swap3A_282] {strides = array<i32>} : memref<4x80xi32, #tpu.memory_space<vmem>>, vector<1x16xi32>,
        %swap3A_284 = vector.shape_cast %swap3A_283 : vector<1x16xi32> to vector<16xi32>
        %swap3A_285 = vector.shape_cast %get3A_280 : vector<16xi32> to vector<1x16xi32>
        tpu.vector_store %arg9[%swap3A_281, %swap3A_282], %swap3A_285 {strides = array<i32>} : memref<4x80xi32, #tpu.memory_space<vmem>>, vector<1x16xi32>,
        %get3A_286 = arith.index_cast %rem3A_264 : i32 to index
        %get3A_287 = arith.constant 16 : index
        %get3A_288 = tpu.vector_load %arg7[%get3A_286, %get3A_287] {strides = array<i32>} : memref<4x80xi32, #tpu.memory_space<vmem>>, vector<1x16xi32>,
        %get3A_289 = vector.shape_cast %get3A_288 : vector<1x16xi32> to vector<16xi32>
        %swap3A_290 = arith.index_cast %rem3A_264 : i32 to index
        %swap3A_291 = arith.constant 16 : index
        %swap3A_292 = tpu.vector_load %arg9[%swap3A_290, %swap3A_291] {strides = array<i32>} : memref<4x80xi32, #tpu.memory_space<vmem>>, vector<1x16xi32>,
        %swap3A_293 = vector.shape_cast %swap3A_292 : vector<1x16xi32> to vector<16xi32>
        %swap3A_294 = vector.shape_cast %get3A_289 : vector<16xi32> to vector<1x16xi32>
        tpu.vector_store %arg9[%swap3A_290, %swap3A_291], %swap3A_294 {strides = array<i32>} : memref<4x80xi32, #tpu.memory_space<vmem>>, vector<1x16xi32>,
        %get3A_295 = arith.index_cast %rem3A_264 : i32 to index
        %get3A_296 = arith.constant 32 : index
        %get3A_297 = tpu.vector_load %arg7[%get3A_295, %get3A_296] {strides = array<i32>} : memref<4x80xi32, #tpu.memory_space<vmem>>, vector<1x16xi32>,
        %get3A_298 = vector.shape_cast %get3A_297 : vector<1x16xi32> to vector<16xi32>
        %swap3A_299 = arith.index_cast %rem3A_264 : i32 to index
        %swap3A_300 = arith.constant 32 : index
        %swap3A_301 = tpu.vector_load %arg9[%swap3A_299, %swap3A_300] {strides = array<i32>} : memref<4x80xi32, #tpu.memory_space<vmem>>, vector<1x16xi32>,
        %swap3A_302 = vector.shape_cast %swap3A_301 : vector<1x16xi32> to vector<16xi32>
        %swap3A_303 = vector.shape_cast %get3A_298 : vector<16xi32> to vector<1x16xi32>
        tpu.vector_store %arg9[%swap3A_299, %swap3A_300], %swap3A_303 {strides = array<i32>} : memref<4x80xi32, #tpu.memory_space<vmem>>, vector<1x16xi32>,
        %get3A_304 = arith.index_cast %rem3A_264 : i32 to index
        %get3A_305 = arith.constant 48 : index
        %get3A_306 = tpu.vector_load %arg7[%get3A_304, %get3A_305] {strides = array<i32>} : memref<4x80xi32, #tpu.memory_space<vmem>>, vector<1x16xi32>,
        %get3A_307 = vector.shape_cast %get3A_306 : vector<1x16xi32> to vector<16xi32>
        %swap3A_308 = arith.index_cast %rem3A_264 : i32 to index
        %swap3A_309 = arith.constant 48 : index
        %swap3A_310 = tpu.vector_load %arg9[%swap3A_308, %swap3A_309] {strides = array<i32>} : memref<4x80xi32, #tpu.memory_space<vmem>>, vector<1x16xi32>,
        %swap3A_311 = vector.shape_cast %swap3A_310 : vector<1x16xi32> to vector<16xi32>
        %swap3A_312 = vector.shape_cast %get3A_307 : vector<16xi32> to vector<1x16xi32>
        tpu.vector_store %arg9[%swap3A_308, %swap3A_309], %swap3A_312 {strides = array<i32>} : memref<4x80xi32, #tpu.memory_space<vmem>>, vector<1x16xi32>,
        %get3A_313 = arith.index_cast %rem3A_264 : i32 to index
        %get3A_314 = arith.constant 64 : index
        %get3A_315 = tpu.vector_load %arg7[%get3A_313, %get3A_314] {strides = array<i32>} : memref<4x80xi32, #tpu.memory_space<vmem>>, vector<1x16xi32>,
        %get3A_316 = vector.shape_cast %get3A_315 : vector<1x16xi32> to vector<16xi32>
        %swap3A_317 = arith.index_cast %rem3A_264 : i32 to index
        %swap3A_318 = arith.constant 64 : index
        %swap3A_319 = tpu.vector_load %arg9[%swap3A_317, %swap3A_318] {strides = array<i32>} : memref<4x80xi32, #tpu.memory_space<vmem>>, vector<1x16xi32>,
        %swap3A_320 = vector.shape_cast %swap3A_319 : vector<1x16xi32> to vector<16xi32>
        %swap3A_321 = vector.shape_cast %get3A_316 : vector<16xi32> to vector<1x16xi32>
        tpu.vector_store %arg9[%swap3A_317, %swap3A_318], %swap3A_321 {strides = array<i32>} : memref<4x80xi32, #tpu.memory_space<vmem>>, vector<1x16xi32>,
        %dma_start3A_322 = arith.constant 0 : i32
        %dma_start3A_323 = arith.constant 0 : i32
        %dma_start3A_324 = tpu.memref_slice %arg10[%rem3A_264, %dma_start3A_322, %dma_start3A_323] : memref<4x80x128xf32, #tpu.memory_space<vmem>> -> memref<1x80x128xf32, #tpu.memory_space<vmem>>
        %dma_start3A_325 = tpu.memref_squeeze %dma_start3A_324 : memref<1x80x128xf32, #tpu.memory_space<vmem>> -> memref<80x128xf32, #tpu.memory_space<vmem>>
        %dma_start3A_326 = arith.constant 0 : i32
        %dma_start3A_327 = tpu.memref_slice %arg9[%rem3A_264, %dma_start3A_326] : memref<4x80xi32, #tpu.memory_space<vmem>> -> memref<1x80xi32, #tpu.memory_space<vmem>>
        %dma_start3A_328 = tpu.memref_squeeze %dma_start3A_327 : memref<1x80xi32, #tpu.memory_space<vmem>> -> memref<80xi32, #tpu.memory_space<vmem>>
        %dma_start3A_329 = arith.constant 0 : i32
        %dma_start3A_330 = arith.constant 0 : i32
        %dma_start3A_331 = tpu.memref_slice %arg11[%dma_start3A_329, %dma_start3A_330] : memref<10112x128xf32, #tpu.memory_space<vmem_shared>> -> memref<10112x128xf32, #tpu.memory_space<vmem_shared>>
        %dma_start3A_332 = tpu.memref_slice %arg14[%rem3A_264] : memref<4x!tpu.dma_semaphore, #tpu.memory_space<semaphore_mem>> -> memref<1x!tpu.dma_semaphore, #tpu.memory_space<semaphore_mem>>
        %dma_start3A_333 = tpu.memref_squeeze %dma_start3A_332 : memref<1x!tpu.dma_semaphore, #tpu.memory_space<semaphore_mem>> -> memref<!tpu.dma_semaphore, #tpu.memory_space<semaphore_mem>>
        tpu.enqueue_indirect_dma source(%dma_start3A_325 : memref<80x128xf32, #tpu.memory_space<vmem>>) target(%dma_start3A_331 : memref<10112x128xf32, #tpu.memory_space<vmem_shared>>) offsets(%dma_start3A_328 : memref<80xi32, #tpu.memory_space<vmem>>) semaphore(%dma_start3A_333 : memref<!tpu.dma_semaphore, #tpu.memory_space<semaphore_mem>>) {add = true}
      } else {
      }
    }
    %scan3A_61 = arith.constant 125 : i32
    %dma_wait3A = arith.constant 0 : i32
    %dma_wait3A_62 = arith.constant 0 : i32
    %dma_wait3A_63 = arith.constant 0 : i32
    %dma_wait3A_64 = arith.constant 0 : i32
    %dma_wait3A_65 = arith.constant 0 : i32
    %dma_wait3A_66 = tpu.memref_slice %arg10[%dma_wait3A_62, %dma_wait3A_64, %dma_wait3A_65] : memref<4x80x128xf32, #tpu.memory_space<vmem>> -> memref<1x80x128xf32, #tpu.memory_space<vmem>>
    %dma_wait3A_67 = tpu.memref_squeeze %dma_wait3A_66 : memref<1x80x128xf32, #tpu.memory_space<vmem>> -> memref<80x128xf32, #tpu.memory_space<vmem>>
    %dma_wait3A_68 = arith.constant 0 : i32
    %dma_wait3A_69 = tpu.memref_slice %arg8[%dma_wait3A, %dma_wait3A_68] : memref<4x80xi32, #tpu.memory_space<vmem>> -> memref<1x80xi32, #tpu.memory_space<vmem>>
    %dma_wait3A_70 = tpu.memref_squeeze %dma_wait3A_69 : memref<1x80xi32, #tpu.memory_space<vmem>> -> memref<80xi32, #tpu.memory_space<vmem>>
    %dma_wait3A_71 = arith.constant 0 : i32
    %dma_wait3A_72 = arith.constant 0 : i32
    %dma_wait3A_73 = tpu.memref_slice %arg2[%dma_wait3A_71, %dma_wait3A_72] : memref<10000x128xf32, #tpu.memory_space<hbm>> -> memref<10000x128xf32, #tpu.memory_space<hbm>>
    %dma_wait3A_74 = tpu.memref_slice %arg13[%dma_wait3A_63] : memref<4x!tpu.dma_semaphore, #tpu.memory_space<semaphore_mem>> -> memref<1x!tpu.dma_semaphore, #tpu.memory_space<semaphore_mem>>
    %dma_wait3A_75 = tpu.memref_squeeze %dma_wait3A_74 : memref<1x!tpu.dma_semaphore, #tpu.memory_space<semaphore_mem>> -> memref<!tpu.dma_semaphore, #tpu.memory_space<semaphore_mem>>
    tpu.wait_indirect_dma semaphore(%dma_wait3A_75 : memref<!tpu.dma_semaphore, #tpu.memory_space<semaphore_mem>>) src(%dma_wait3A_73 : memref<10000x128xf32, #tpu.memory_space<hbm>>) dst(%dma_wait3A_67 : memref<80x128xf32, #tpu.memory_space<vmem>>)
    %get3A = arith.constant 0 : i32
    %get3A_76 = arith.index_cast %get3A : i32 to index
    %get3A_77 = arith.constant 0 : index
    %get3A_78 = tpu.vector_load %arg7[%get3A_76, %get3A_77] {strides = array<i32>} : memref<4x80xi32, #tpu.memory_space<vmem>>, vector<1x16xi32>,
    %get3A_79 = vector.shape_cast %get3A_78 : vector<1x16xi32> to vector<16xi32>
    %swap3A = arith.constant 0 : i32
    %swap3A_80 = arith.index_cast %swap3A : i32 to index
    %swap3A_81 = arith.constant 0 : index
    %swap3A_82 = tpu.vector_load %arg9[%swap3A_80, %swap3A_81] {strides = array<i32>} : memref<4x80xi32, #tpu.memory_space<vmem>>, vector<1x16xi32>,
    %swap3A_83 = vector.shape_cast %swap3A_82 : vector<1x16xi32> to vector<16xi32>
    %swap3A_84 = vector.shape_cast %get3A_79 : vector<16xi32> to vector<1x16xi32>
    tpu.vector_store %arg9[%swap3A_80, %swap3A_81], %swap3A_84 {strides = array<i32>} : memref<4x80xi32, #tpu.memory_space<vmem>>, vector<1x16xi32>,
    %get3A_85 = arith.constant 0 : i32
    %get3A_86 = arith.index_cast %get3A_85 : i32 to index
    %get3A_87 = arith.constant 16 : index
    %get3A_88 = tpu.vector_load %arg7[%get3A_86, %get3A_87] {strides = array<i32>} : memref<4x80xi32, #tpu.memory_space<vmem>>, vector<1x16xi32>,
    %get3A_89 = vector.shape_cast %get3A_88 : vector<1x16xi32> to vector<16xi32>
    %swap3A_90 = arith.constant 0 : i32
    %swap3A_91 = arith.index_cast %swap3A_90 : i32 to index
    %swap3A_92 = arith.constant 16 : index
    %swap3A_93 = tpu.vector_load %arg9[%swap3A_91, %swap3A_92] {strides = array<i32>} : memref<4x80xi32, #tpu.memory_space<vmem>>, vector<1x16xi32>,
    %swap3A_94 = vector.shape_cast %swap3A_93 : vector<1x16xi32> to vector<16xi32>
    %swap3A_95 = vector.shape_cast %get3A_89 : vector<16xi32> to vector<1x16xi32>
    tpu.vector_store %arg9[%swap3A_91, %swap3A_92], %swap3A_95 {strides = array<i32>} : memref<4x80xi32, #tpu.memory_space<vmem>>, vector<1x16xi32>,
    %get3A_96 = arith.constant 0 : i32
    %get3A_97 = arith.index_cast %get3A_96 : i32 to index
    %get3A_98 = arith.constant 32 : index
    %get3A_99 = tpu.vector_load %arg7[%get3A_97, %get3A_98] {strides = array<i32>} : memref<4x80xi32, #tpu.memory_space<vmem>>, vector<1x16xi32>,
    %get3A_100 = vector.shape_cast %get3A_99 : vector<1x16xi32> to vector<16xi32>
    %swap3A_101 = arith.constant 0 : i32
    %swap3A_102 = arith.index_cast %swap3A_101 : i32 to index
    %swap3A_103 = arith.constant 32 : index
    %swap3A_104 = tpu.vector_load %arg9[%swap3A_102, %swap3A_103] {strides = array<i32>} : memref<4x80xi32, #tpu.memory_space<vmem>>, vector<1x16xi32>,
    %swap3A_105 = vector.shape_cast %swap3A_104 : vector<1x16xi32> to vector<16xi32>
    %swap3A_106 = vector.shape_cast %get3A_100 : vector<16xi32> to vector<1x16xi32>
    tpu.vector_store %arg9[%swap3A_102, %swap3A_103], %swap3A_106 {strides = array<i32>} : memref<4x80xi32, #tpu.memory_space<vmem>>, vector<1x16xi32>,
    %get3A_107 = arith.constant 0 : i32
    %get3A_108 = arith.index_cast %get3A_107 : i32 to index
    %get3A_109 = arith.constant 48 : index
    %get3A_110 = tpu.vector_load %arg7[%get3A_108, %get3A_109] {strides = array<i32>} : memref<4x80xi32, #tpu.memory_space<vmem>>, vector<1x16xi32>,
    %get3A_111 = vector.shape_cast %get3A_110 : vector<1x16xi32> to vector<16xi32>
    %swap3A_112 = arith.constant 0 : i32
    %swap3A_113 = arith.index_cast %swap3A_112 : i32 to index
    %swap3A_114 = arith.constant 48 : index
    %swap3A_115 = tpu.vector_load %arg9[%swap3A_113, %swap3A_114] {strides = array<i32>} : memref<4x80xi32, #tpu.memory_space<vmem>>, vector<1x16xi32>,
    %swap3A_116 = vector.shape_cast %swap3A_115 : vector<1x16xi32> to vector<16xi32>
    %swap3A_117 = vector.shape_cast %get3A_111 : vector<16xi32> to vector<1x16xi32>
    tpu.vector_store %arg9[%swap3A_113, %swap3A_114], %swap3A_117 {strides = array<i32>} : memref<4x80xi32, #tpu.memory_space<vmem>>, vector<1x16xi32>,
    %get3A_118 = arith.constant 0 : i32
    %get3A_119 = arith.index_cast %get3A_118 : i32 to index
    %get3A_120 = arith.constant 64 : index
    %get3A_121 = tpu.vector_load %arg7[%get3A_119, %get3A_120] {strides = array<i32>} : memref<4x80xi32, #tpu.memory_space<vmem>>, vector<1x16xi32>,
    %get3A_122 = vector.shape_cast %get3A_121 : vector<1x16xi32> to vector<16xi32>
    %swap3A_123 = arith.constant 0 : i32
    %swap3A_124 = arith.index_cast %swap3A_123 : i32 to index
    %swap3A_125 = arith.constant 64 : index
    %swap3A_126 = tpu.vector_load %arg9[%swap3A_124, %swap3A_125] {strides = array<i32>} : memref<4x80xi32, #tpu.memory_space<vmem>>, vector<1x16xi32>,
    %swap3A_127 = vector.shape_cast %swap3A_126 : vector<1x16xi32> to vector<16xi32>
    %swap3A_128 = vector.shape_cast %get3A_122 : vector<16xi32> to vector<1x16xi32>
    tpu.vector_store %arg9[%swap3A_124, %swap3A_125], %swap3A_128 {strides = array<i32>} : memref<4x80xi32, #tpu.memory_space<vmem>>, vector<1x16xi32>,
    %dma_start3A_129 = arith.constant 0 : i32
    %dma_start3A_130 = arith.constant 0 : i32
    %dma_start3A_131 = arith.constant 0 : i32
    %dma_start3A_132 = arith.constant 0 : i32
    %dma_start3A_133 = arith.constant 0 : i32
    %dma_start3A_134 = tpu.memref_slice %arg10[%dma_start3A_129, %dma_start3A_132, %dma_start3A_133] : memref<4x80x128xf32, #tpu.memory_space<vmem>> -> memref<1x80x128xf32, #tpu.memory_space<vmem>>
    %dma_start3A_135 = tpu.memref_squeeze %dma_start3A_134 : memref<1x80x128xf32, #tpu.memory_space<vmem>> -> memref<80x128xf32, #tpu.memory_space<vmem>>
    %dma_start3A_136 = arith.constant 0 : i32
    %dma_start3A_137 = tpu.memref_slice %arg9[%dma_start3A_130, %dma_start3A_136] : memref<4x80xi32, #tpu.memory_space<vmem>> -> memref<1x80xi32, #tpu.memory_space<vmem>>
    %dma_start3A_138 = tpu.memref_squeeze %dma_start3A_137 : memref<1x80xi32, #tpu.memory_space<vmem>> -> memref<80xi32, #tpu.memory_space<vmem>>
    %dma_start3A_139 = arith.constant 0 : i32
    %dma_start3A_140 = arith.constant 0 : i32
    %dma_start3A_141 = tpu.memref_slice %arg11[%dma_start3A_139, %dma_start3A_140] : memref<10112x128xf32, #tpu.memory_space<vmem_shared>> -> memref<10112x128xf32, #tpu.memory_space<vmem_shared>>
    %dma_start3A_142 = tpu.memref_slice %arg14[%dma_start3A_131] : memref<4x!tpu.dma_semaphore, #tpu.memory_space<semaphore_mem>> -> memref<1x!tpu.dma_semaphore, #tpu.memory_space<semaphore_mem>>
    %dma_start3A_143 = tpu.memref_squeeze %dma_start3A_142 : memref<1x!tpu.dma_semaphore, #tpu.memory_space<semaphore_mem>> -> memref<!tpu.dma_semaphore, #tpu.memory_space<semaphore_mem>>
    tpu.enqueue_indirect_dma source(%dma_start3A_135 : memref<80x128xf32, #tpu.memory_space<vmem>>) target(%dma_start3A_141 : memref<10112x128xf32, #tpu.memory_space<vmem_shared>>) offsets(%dma_start3A_138 : memref<80xi32, #tpu.memory_space<vmem>>) semaphore(%dma_start3A_143 : memref<!tpu.dma_semaphore, #tpu.memory_space<semaphore_mem>>) {add = true}
    %dma_wait3A_144 = arith.constant 0 : i32
    %dma_wait3A_145 = arith.constant 0 : i32
    %dma_wait3A_146 = arith.constant 0 : i32
    %dma_wait3A_147 = arith.constant 0 : i32
    %dma_wait3A_148 = arith.constant 0 : i32
    %dma_wait3A_149 = tpu.memref_slice %arg10[%dma_wait3A_144, %dma_wait3A_147, %dma_wait3A_148] : memref<4x80x128xf32, #tpu.memory_space<vmem>> -> memref<1x80x128xf32, #tpu.memory_space<vmem>>
    %dma_wait3A_150 = tpu.memref_squeeze %dma_wait3A_149 : memref<1x80x128xf32, #tpu.memory_space<vmem>> -> memref<80x128xf32, #tpu.memory_space<vmem>>
    %dma_wait3A_151 = arith.constant 0 : i32
    %dma_wait3A_152 = tpu.memref_slice %arg9[%dma_wait3A_145, %dma_wait3A_151] : memref<4x80xi32, #tpu.memory_space<vmem>> -> memref<1x80xi32, #tpu.memory_space<vmem>>
    %dma_wait3A_153 = tpu.memref_squeeze %dma_wait3A_152 : memref<1x80xi32, #tpu.memory_space<vmem>> -> memref<80xi32, #tpu.memory_space<vmem>>
    %dma_wait3A_154 = arith.constant 0 : i32
    %dma_wait3A_155 = arith.constant 0 : i32
    %dma_wait3A_156 = tpu.memref_slice %arg11[%dma_wait3A_154, %dma_wait3A_155] : memref<10112x128xf32, #tpu.memory_space<vmem_shared>> -> memref<10112x128xf32, #tpu.memory_space<vmem_shared>>
    %dma_wait3A_157 = tpu.memref_slice %arg14[%dma_wait3A_146] : memref<4x!tpu.dma_semaphore, #tpu.memory_space<semaphore_mem>> -> memref<1x!tpu.dma_semaphore, #tpu.memory_space<semaphore_mem>>
    %dma_wait3A_158 = tpu.memref_squeeze %dma_wait3A_157 : memref<1x!tpu.dma_semaphore, #tpu.memory_space<semaphore_mem>> -> memref<!tpu.dma_semaphore, #tpu.memory_space<semaphore_mem>>
    tpu.wait_indirect_dma semaphore(%dma_wait3A_158 : memref<!tpu.dma_semaphore, #tpu.memory_space<semaphore_mem>>) src(%dma_wait3A_150 : memref<80x128xf32, #tpu.memory_space<vmem>>) dst(%dma_wait3A_156 : memref<10112x128xf32, #tpu.memory_space<vmem_shared>>)
    %dma_wait3A_159 = arith.constant 1 : i32
    %dma_wait3A_160 = arith.constant 1 : i32
    %dma_wait3A_161 = arith.constant 1 : i32
    %dma_wait3A_162 = arith.constant 0 : i32
    %dma_wait3A_163 = arith.constant 0 : i32
    %dma_wait3A_164 = tpu.memref_slice %arg10[%dma_wait3A_159, %dma_wait3A_162, %dma_wait3A_163] : memref<4x80x128xf32, #tpu.memory_space<vmem>> -> memref<1x80x128xf32, #tpu.memory_space<vmem>>
    %dma_wait3A_165 = tpu.memref_squeeze %dma_wait3A_164 : memref<1x80x128xf32, #tpu.memory_space<vmem>> -> memref<80x128xf32, #tpu.memory_space<vmem>>
    %dma_wait3A_166 = arith.constant 0 : i32
    %dma_wait3A_167 = tpu.memref_slice %arg9[%dma_wait3A_160, %dma_wait3A_166] : memref<4x80xi32, #tpu.memory_space<vmem>> -> memref<1x80xi32, #tpu.memory_space<vmem>>
    %dma_wait3A_168 = tpu.memref_squeeze %dma_wait3A_167 : memref<1x80xi32, #tpu.memory_space<vmem>> -> memref<80xi32, #tpu.memory_space<vmem>>
    %dma_wait3A_169 = arith.constant 0 : i32
    %dma_wait3A_170 = arith.constant 0 : i32
    %dma_wait3A_171 = tpu.memref_slice %arg11[%dma_wait3A_169, %dma_wait3A_170] : memref<10112x128xf32, #tpu.memory_space<vmem_shared>> -> memref<10112x128xf32, #tpu.memory_space<vmem_shared>>
    %dma_wait3A_172 = tpu.memref_slice %arg14[%dma_wait3A_161] : memref<4x!tpu.dma_semaphore, #tpu.memory_space<semaphore_mem>> -> memref<1x!tpu.dma_semaphore, #tpu.memory_space<semaphore_mem>>
    %dma_wait3A_173 = tpu.memref_squeeze %dma_wait3A_172 : memref<1x!tpu.dma_semaphore, #tpu.memory_space<semaphore_mem>> -> memref<!tpu.dma_semaphore, #tpu.memory_space<semaphore_mem>>
    tpu.wait_indirect_dma semaphore(%dma_wait3A_173 : memref<!tpu.dma_semaphore, #tpu.memory_space<semaphore_mem>>) src(%dma_wait3A_165 : memref<80x128xf32, #tpu.memory_space<vmem>>) dst(%dma_wait3A_171 : memref<10112x128xf32, #tpu.memory_space<vmem_shared>>)
    %dma_wait3A_174 = arith.constant 2 : i32
    %dma_wait3A_175 = arith.constant 2 : i32
    %dma_wait3A_176 = arith.constant 2 : i32
    %dma_wait3A_177 = arith.constant 0 : i32
    %dma_wait3A_178 = arith.constant 0 : i32
    %dma_wait3A_179 = tpu.memref_slice %arg10[%dma_wait3A_174, %dma_wait3A_177, %dma_wait3A_178] : memref<4x80x128xf32, #tpu.memory_space<vmem>> -> memref<1x80x128xf32, #tpu.memory_space<vmem>>
    %dma_wait3A_180 = tpu.memref_squeeze %dma_wait3A_179 : memref<1x80x128xf32, #tpu.memory_space<vmem>> -> memref<80x128xf32, #tpu.memory_space<vmem>>
    %dma_wait3A_181 = arith.constant 0 : i32
    %dma_wait3A_182 = tpu.memref_slice %arg9[%dma_wait3A_175, %dma_wait3A_181] : memref<4x80xi32, #tpu.memory_space<vmem>> -> memref<1x80xi32, #tpu.memory_space<vmem>>
    %dma_wait3A_183 = tpu.memref_squeeze %dma_wait3A_182 : memref<1x80xi32, #tpu.memory_space<vmem>> -> memref<80xi32, #tpu.memory_space<vmem>>
    %dma_wait3A_184 = arith.constant 0 : i32
    %dma_wait3A_185 = arith.constant 0 : i32
    %dma_wait3A_186 = tpu.memref_slice %arg11[%dma_wait3A_184, %dma_wait3A_185] : memref<10112x128xf32, #tpu.memory_space<vmem_shared>> -> memref<10112x128xf32, #tpu.memory_space<vmem_shared>>
    %dma_wait3A_187 = tpu.memref_slice %arg14[%dma_wait3A_176] : memref<4x!tpu.dma_semaphore, #tpu.memory_space<semaphore_mem>> -> memref<1x!tpu.dma_semaphore, #tpu.memory_space<semaphore_mem>>
    %dma_wait3A_188 = tpu.memref_squeeze %dma_wait3A_187 : memref<1x!tpu.dma_semaphore, #tpu.memory_space<semaphore_mem>> -> memref<!tpu.dma_semaphore, #tpu.memory_space<semaphore_mem>>
    tpu.wait_indirect_dma semaphore(%dma_wait3A_188 : memref<!tpu.dma_semaphore, #tpu.memory_space<semaphore_mem>>) src(%dma_wait3A_180 : memref<80x128xf32, #tpu.memory_space<vmem>>) dst(%dma_wait3A_186 : memref<10112x128xf32, #tpu.memory_space<vmem_shared>>)
    %dma_wait3A_189 = arith.constant 3 : i32
    %dma_wait3A_190 = arith.constant 3 : i32
    %dma_wait3A_191 = arith.constant 3 : i32
    %dma_wait3A_192 = arith.constant 0 : i32
    %dma_wait3A_193 = arith.constant 0 : i32
    %dma_wait3A_194 = tpu.memref_slice %arg10[%dma_wait3A_189, %dma_wait3A_192, %dma_wait3A_193] : memref<4x80x128xf32, #tpu.memory_space<vmem>> -> memref<1x80x128xf32, #tpu.memory_space<vmem>>
    %dma_wait3A_195 = tpu.memref_squeeze %dma_wait3A_194 : memref<1x80x128xf32, #tpu.memory_space<vmem>> -> memref<80x128xf32, #tpu.memory_space<vmem>>
    %dma_wait3A_196 = arith.constant 0 : i32
    %dma_wait3A_197 = tpu.memref_slice %arg9[%dma_wait3A_190, %dma_wait3A_196] : memref<4x80xi32, #tpu.memory_space<vmem>> -> memref<1x80xi32, #tpu.memory_space<vmem>>
    %dma_wait3A_198 = tpu.memref_squeeze %dma_wait3A_197 : memref<1x80xi32, #tpu.memory_space<vmem>> -> memref<80xi32, #tpu.memory_space<vmem>>
    %dma_wait3A_199 = arith.constant 0 : i32
    %dma_wait3A_200 = arith.constant 0 : i32
    %dma_wait3A_201 = tpu.memref_slice %arg11[%dma_wait3A_199, %dma_wait3A_200] : memref<10112x128xf32, #tpu.memory_space<vmem_shared>> -> memref<10112x128xf32, #tpu.memory_space<vmem_shared>>
    %dma_wait3A_202 = tpu.memref_slice %arg14[%dma_wait3A_191] : memref<4x!tpu.dma_semaphore, #tpu.memory_space<semaphore_mem>> -> memref<1x!tpu.dma_semaphore, #tpu.memory_space<semaphore_mem>>
    %dma_wait3A_203 = tpu.memref_squeeze %dma_wait3A_202 : memref<1x!tpu.dma_semaphore, #tpu.memory_space<semaphore_mem>> -> memref<!tpu.dma_semaphore, #tpu.memory_space<semaphore_mem>>
    tpu.wait_indirect_dma semaphore(%dma_wait3A_203 : memref<!tpu.dma_semaphore, #tpu.memory_space<semaphore_mem>>) src(%dma_wait3A_195 : memref<80x128xf32, #tpu.memory_space<vmem>>) dst(%dma_wait3A_201 : memref<10112x128xf32, #tpu.memory_space<vmem_shared>>)
    %barrier3A_204 = arith.constant 0 : index
    tpu.barrier barrier_id(%barrier3A_204)
    "tpu.region"() ({
      %run_scoped3A = tpu.sem_alloc : memref<!tpu.dma_semaphore, #tpu.memory_space<semaphore_mem>>
      %dma_start3A_205 = arith.constant 0 : i32
      %dma_start3A_206 = tpu.memref_slice %arg6[%arg0, %multiple_of3A, %dma_start3A_205] : memref<2x10112x128xf32, #tpu.memory_space<hbm>> -> memref<1x632x128xf32, #tpu.memory_space<hbm>>
      %dma_start3A_207 = tpu.memref_squeeze %dma_start3A_206 : memref<1x632x128xf32, #tpu.memory_space<hbm>> -> memref<632x128xf32, #tpu.memory_space<hbm>>
      %dma_start3A_208 = arith.constant 0 : i32
      %dma_start3A_209 = tpu.memref_slice %arg11[%multiple_of3A, %dma_start3A_208] : memref<10112x128xf32, #tpu.memory_space<vmem_shared>> -> memref<632x128xf32, #tpu.memory_space<vmem_shared>>
      tpu.enqueue_dma source(%dma_start3A_209 : memref<632x128xf32, #tpu.memory_space<vmem_shared>>) target(%dma_start3A_207 : memref<632x128xf32, #tpu.memory_space<hbm>>) target_semaphore(%run_scoped3A : memref<!tpu.dma_semaphore, #tpu.memory_space<semaphore_mem>>)
      %dma_wait3A_210 = arith.constant 0 : i32
      %dma_wait3A_211 = tpu.memref_slice %arg6[%arg0, %multiple_of3A, %dma_wait3A_210] : memref<2x10112x128xf32, #tpu.memory_space<hbm>> -> memref<1x632x128xf32, #tpu.memory_space<hbm>>
      %dma_wait3A_212 = tpu.memref_squeeze %dma_wait3A_211 : memref<1x632x128xf32, #tpu.memory_space<hbm>> -> memref<632x128xf32, #tpu.memory_space<hbm>>
      %dma_wait3A_213 = arith.constant 0 : i32
      %dma_wait3A_214 = tpu.memref_slice %arg11[%multiple_of3A, %dma_wait3A_213] : memref<10112x128xf32, #tpu.memory_space<vmem_shared>> -> memref<632x128xf32, #tpu.memory_space<vmem_shared>>
      tpu.wait_dma2 semaphore(%run_scoped3A : memref<!tpu.dma_semaphore, #tpu.memory_space<semaphore_mem>>) src(%dma_wait3A_214 : memref<632x128xf32, #tpu.memory_space<vmem_shared>>) dst(%dma_wait3A_212 : memref<632x128xf32, #tpu.memory_space<hbm>>)
      tpu.yield
    }) : () -> ()
    return
  }
}

#map = affine_map<(d0, d1) -> (0, 0)>
#map1 = affine_map<(d0, d1) -> (0)>
#map2 = affine_map<(d0, d1) -> (0, 0, 0)>
module attributes {stable_mosaic.version = 14 : i64} {
  func.func @_segsum_body(%arg0: i32, %arg1: i32, %arg2: memref<10000x128xf32, #tpu.memory_space<hbm>>, %arg3: memref<320000xi32, #tpu.memory_space<hbm>>, %arg4: memref<320000xi32, #tpu.memory_space<hbm>>, %arg5: memref<10112x128xf32, #tpu.memory_space<hbm>>, %arg6: memref<2x10112x128xf32, #tpu.memory_space<hbm>>, %arg7: memref<4x80xi32, #tpu.memory_space<vmem>>, %arg8: memref<4x80xi32, #tpu.memory_space<vmem>>, %arg9: memref<4x80xi32, #tpu.memory_space<vmem>>, %arg10: memref<4x80x128xf32, #tpu.memory_space<vmem>>, %arg11: memref<10112x128xf32, #tpu.memory_space<vmem_shared>>, %arg12: memref<4x!tpu.dma_semaphore, #tpu.memory_space<semaphore_mem>>, %arg13: memref<4x!tpu.dma_semaphore, #tpu.memory_space<semaphore_mem>>, %arg14: memref<4x!tpu.dma_semaphore, #tpu.memory_space<semaphore_mem>>) attributes {dimension_semantics = [#tpu.dimension_semantics<core_parallel>, #tpu.dimension_semantics<subcore_parallel>], iteration_bounds = array<i64: 2, 16>, scalar_prefetch = 0 : i64, scratch_operands = 8 : i64, tpu.core_type = #tpu.core_type<sc_vector_subcore>, window_params = [{transform_indices = #map}, {transform_indices = #map1}, {transform_indices = #map1}, {transform_indices = #map}, {transform_indices = #map2}]} {
    %mul3A = arith.constant 16 : i32
    %mul3A_0 = arith.muli %arg0, %mul3A : i32
    %add3A = arith.addi %mul3A_0, %arg1 : i32
    %mul3A_1 = arith.constant 632 : i32
    %mul3A_2 = arith.muli %arg1, %mul3A_1 : i32
    %multiple_of3A = tpu.assume_multiple %mul3A_2, 8 : i32
    %mul3A_3 = arith.constant 10000 : i32
    %mul3A_4 = arith.muli %add3A, %mul3A_3 : i32
    "tpu.region"() ({
      %run_scoped3A = tpu.sem_alloc : memref<!tpu.dma_semaphore, #tpu.memory_space<semaphore_mem>>
      %dma_start3A_205 = arith.constant 0 : i32
      %dma_start3A_206 = tpu.memref_slice %arg11[%multiple_of3A, %dma_start3A_205] : memref<10112x128xf32, #tpu.memory_space<vmem_shared>> -> memref<632x128xf32, #tpu.memory_space<vmem_shared>>
      %dma_start3A_207 = arith.constant 0 : i32
      %dma_start3A_208 = tpu.memref_slice %arg5[%multiple_of3A, %dma_start3A_207] : memref<10112x128xf32, #tpu.memory_space<hbm>> -> memref<632x128xf32, #tpu.memory_space<hbm>>
      tpu.enqueue_dma source(%dma_start3A_208 : memref<632x128xf32, #tpu.memory_space<hbm>>) target(%dma_start3A_206 : memref<632x128xf32, #tpu.memory_space<vmem_shared>>) target_semaphore(%run_scoped3A : memref<!tpu.dma_semaphore, #tpu.memory_space<semaphore_mem>>)
      %dma_wait3A_209 = arith.constant 0 : i32
      %dma_wait3A_210 = tpu.memref_slice %arg11[%multiple_of3A, %dma_wait3A_209] : memref<10112x128xf32, #tpu.memory_space<vmem_shared>> -> memref<632x128xf32, #tpu.memory_space<vmem_shared>>
      %dma_wait3A_211 = arith.constant 0 : i32
      %dma_wait3A_212 = tpu.memref_slice %arg5[%multiple_of3A, %dma_wait3A_211] : memref<10112x128xf32, #tpu.memory_space<hbm>> -> memref<632x128xf32, #tpu.memory_space<hbm>>
      tpu.wait_dma2 semaphore(%run_scoped3A : memref<!tpu.dma_semaphore, #tpu.memory_space<semaphore_mem>>) src(%dma_wait3A_212 : memref<632x128xf32, #tpu.memory_space<hbm>>) dst(%dma_wait3A_210 : memref<632x128xf32, #tpu.memory_space<vmem_shared>>)
      tpu.yield
    }) : () -> ()
    %barrier3A = arith.constant 0 : index
    tpu.barrier barrier_id(%barrier3A)
    %add3A_5 = arith.constant 0 : i32
    %add3A_6 = arith.addi %mul3A_4, %add3A_5 : i32
    %multiple_of3A_7 = tpu.assume_multiple %add3A_6, 8 : i32
    %dma_start3A = arith.constant 0 : i32
    %dma_start3A_8 = arith.constant 0 : i32
    %dma_start3A_9 = arith.constant 0 : i32
    %dma_start3A_10 = tpu.memref_slice %arg7[%dma_start3A, %dma_start3A_9] : memref<4x80xi32, #tpu.memory_space<vmem>> -> memref<1x80xi32, #tpu.memory_space<vmem>>
    %dma_start3A_11 = tpu.memref_squeeze %dma_start3A_10 : memref<1x80xi32, #tpu.memory_space<vmem>> -> memref<80xi32, #tpu.memory_space<vmem>>
    %dma_start3A_12 = tpu.memref_slice %arg3[%multiple_of3A_7] : memref<320000xi32, #tpu.memory_space<hbm>> -> memref<80xi32, #tpu.memory_space<hbm>>
    %dma_start3A_13 = tpu.memref_slice %arg12[%dma_start3A_8] : memref<4x!tpu.dma_semaphore, #tpu.memory_space<semaphore_mem>> -> memref<1x!tpu.dma_semaphore, #tpu.memory_space<semaphore_mem>>
    %dma_start3A_14 = tpu.memref_squeeze %dma_start3A_13 : memref<1x!tpu.dma_semaphore, #tpu.memory_space<semaphore_mem>> -> memref<!tpu.dma_semaphore, #tpu.memory_space<semaphore_mem>>
    %dma_start3A_15 = arith.constant 0 : i32
    %dma_start3A_16 = tpu.memref_slice %arg7[%dma_start3A, %dma_start3A_15] : memref<4x80xi32, #tpu.memory_space<vmem>> -> memref<1x80xi32, #tpu.memory_space<vmem>>
    %dma_start3A_17 = tpu.memref_squeeze %dma_start3A_16 : memref<1x80xi32, #tpu.memory_space<vmem>> -> memref<80xi32, #tpu.memory_space<vmem>>
    %dma_start3A_18 = tpu.memref_slice %arg3[%multiple_of3A_7] : memref<320000xi32, #tpu.memory_space<hbm>> -> memref<80xi32, #tpu.memory_space<hbm>>
    tpu.enqueue_dma source(%dma_start3A_18 : memref<80xi32, #tpu.memory_space<hbm>>) target(%dma_start3A_17 : memref<80xi32, #tpu.memory_space<vmem>>) target_semaphore(%dma_start3A_14 : memref<!tpu.dma_semaphore, #tpu.memory_space<semaphore_mem>>)
    %dma_start3A_19 = arith.constant 0 : i32
    %dma_start3A_20 = arith.constant 0 : i32
    %dma_start3A_21 = arith.constant 0 : i32
    %dma_start3A_22 = tpu.memref_slice %arg8[%dma_start3A_19, %dma_start3A_21] : memref<4x80xi32, #tpu.memory_space<vmem>> -> memref<1x80xi32, #tpu.memory_space<vmem>>
    %dma_start3A_23 = tpu.memref_squeeze %dma_start3A_22 : memref<1x80xi32, #tpu.memory_space<vmem>> -> memref<80xi32, #tpu.memory_space<vmem>>
    %dma_start3A_24 = tpu.memref_slice %arg4[%multiple_of3A_7] : memref<320000xi32, #tpu.memory_space<hbm>> -> memref<80xi32, #tpu.memory_space<hbm>>
    %dma_start3A_25 = tpu.memref_slice %arg12[%dma_start3A_20] : memref<4x!tpu.dma_semaphore, #tpu.memory_space<semaphore_mem>> -> memref<1x!tpu.dma_semaphore, #tpu.memory_space<semaphore_mem>>
    %dma_start3A_26 = tpu.memref_squeeze %dma_start3A_25 : memref<1x!tpu.dma_semaphore, #tpu.memory_space<semaphore_mem>> -> memref<!tpu.dma_semaphore, #tpu.memory_space<semaphore_mem>>
    %dma_start3A_27 = arith.constant 0 : i32
    %dma_start3A_28 = tpu.memref_slice %arg8[%dma_start3A_19, %dma_start3A_27] : memref<4x80xi32, #tpu.memory_space<vmem>> -> memref<1x80xi32, #tpu.memory_space<vmem>>
    %dma_start3A_29 = tpu.memref_squeeze %dma_start3A_28 : memref<1x80xi32, #tpu.memory_space<vmem>> -> memref<80xi32, #tpu.memory_space<vmem>>
    %dma_start3A_30 = tpu.memref_slice %arg4[%multiple_of3A_7] : memref<320000xi32, #tpu.memory_space<hbm>> -> memref<80xi32, #tpu.memory_space<hbm>>
    tpu.enqueue_dma source(%dma_start3A_30 : memref<80xi32, #tpu.memory_space<hbm>>) target(%dma_start3A_29 : memref<80xi32, #tpu.memory_space<vmem>>) target_semaphore(%dma_start3A_26 : memref<!tpu.dma_semaphore, #tpu.memory_space<semaphore_mem>>)
    %add3A_31 = arith.constant 80 : i32
    %add3A_32 = arith.addi %mul3A_4, %add3A_31 : i32
    %multiple_of3A_33 = tpu.assume_multiple %add3A_32, 8 : i32
    %dma_start3A_34 = arith.constant 1 : i32
    %dma_start3A_35 = arith.constant 1 : i32
    %dma_start3A_36 = arith.constant 0 : i32
    %dma_start3A_37 = tpu.memref_slice %arg7[%dma_start3A_34, %dma_start3A_36] : memref<4x80xi32, #tpu.memory_space<vmem>> -> memref<1x80xi32, #tpu.memory_space<vmem>>
    %dma_start3A_38 = tpu.memref_squeeze %dma_start3A_37 : memref<1x80xi32, #tpu.memory_space<vmem>> -> memref<80xi32, #tpu.memory_space<vmem>>
    %dma_start3A_39 = tpu.memref_slice %arg3[%multiple_of3A_33] : memref<320000xi32, #tpu.memory_space<hbm>> -> memref<80xi32, #tpu.memory_space<hbm>>
    %dma_start3A_40 = tpu.memref_slice %arg12[%dma_start3A_35] : memref<4x!tpu.dma_semaphore, #tpu.memory_space<semaphore_mem>> -> memref<1x!tpu.dma_semaphore, #tpu.memory_space<semaphore_mem>>
    %dma_start3A_41 = tpu.memref_squeeze %dma_start3A_40 : memref<1x!tpu.dma_semaphore, #tpu.memory_space<semaphore_mem>> -> memref<!tpu.dma_semaphore, #tpu.memory_space<semaphore_mem>>
    %dma_start3A_42 = arith.constant 0 : i32
    %dma_start3A_43 = tpu.memref_slice %arg7[%dma_start3A_34, %dma_start3A_42] : memref<4x80xi32, #tpu.memory_space<vmem>> -> memref<1x80xi32, #tpu.memory_space<vmem>>
    %dma_start3A_44 = tpu.memref_squeeze %dma_start3A_43 : memref<1x80xi32, #tpu.memory_space<vmem>> -> memref<80xi32, #tpu.memory_space<vmem>>
    %dma_start3A_45 = tpu.memref_slice %arg3[%multiple_of3A_33] : memref<320000xi32, #tpu.memory_space<hbm>> -> memref<80xi32, #tpu.memory_space<hbm>>
    tpu.enqueue_dma source(%dma_start3A_45 : memref<80xi32, #tpu.memory_space<hbm>>) target(%dma_start3A_44 : memref<80xi32, #tpu.memory_space<vmem>>) target_semaphore(%dma_start3A_41 : memref<!tpu.dma_semaphore, #tpu.memory_space<semaphore_mem>>)
    %dma_start3A_46 = arith.constant 1 : i32
    %dma_start3A_47 = arith.constant 1 : i32
    %dma_start3A_48 = arith.constant 0 : i32
    %dma_start3A_49 = tpu.memref_slice %arg8[%dma_start3A_46, %dma_start3A_48] : memref<4x80xi32, #tpu.memory_space<vmem>> -> memref<1x80xi32, #tpu.memory_space<vmem>>
    %dma_start3A_50 = tpu.memref_squeeze %dma_start3A_49 : memref<1x80xi32, #tpu.memory_space<vmem>> -> memref<80xi32, #tpu.memory_space<vmem>>
    %dma_start3A_51 = tpu.memref_slice %arg4[%multiple_of3A_33] : memref<320000xi32, #tpu.memory_space<hbm>> -> memref<80xi32, #tpu.memory_space<hbm>>
    %dma_start3A_52 = tpu.memref_slice %arg12[%dma_start3A_47] : memref<4x!tpu.dma_semaphore, #tpu.memory_space<semaphore_mem>> -> memref<1x!tpu.dma_semaphore, #tpu.memory_space<semaphore_mem>>
    %dma_start3A_53 = tpu.memref_squeeze %dma_start3A_52 : memref<1x!tpu.dma_semaphore, #tpu.memory_space<semaphore_mem>> -> memref<!tpu.dma_semaphore, #tpu.memory_space<semaphore_mem>>
    %dma_start3A_54 = arith.constant 0 : i32
    %dma_start3A_55 = tpu.memref_slice %arg8[%dma_start3A_46, %dma_start3A_54] : memref<4x80xi32, #tpu.memory_space<vmem>> -> memref<1x80xi32, #tpu.memory_space<vmem>>
    %dma_start3A_56 = tpu.memref_squeeze %dma_start3A_55 : memref<1x80xi32, #tpu.memory_space<vmem>> -> memref<80xi32, #tpu.memory_space<vmem>>
    %dma_start3A_57 = tpu.memref_slice %arg4[%multiple_of3A_33] : memref<320000xi32, #tpu.memory_space<hbm>> -> memref<80xi32, #tpu.memory_space<hbm>>
    tpu.enqueue_dma source(%dma_start3A_57 : memref<80xi32, #tpu.memory_space<hbm>>) target(%dma_start3A_56 : memref<80xi32, #tpu.memory_space<vmem>>) target_semaphore(%dma_start3A_53 : memref<!tpu.dma_semaphore, #tpu.memory_space<semaphore_mem>>)
    %scan3A = arith.constant 0 : i32
    %scan3A_58 = arith.constant 125 : i32
    %scan3A_59 = arith.addi %scan3A, %scan3A_58 : i32
    %scan3A_60 = arith.constant 1 : i32
    scf.for %scan3A_205 = %scan3A to %scan3A_59 step %scan3A_60  : i32 {
      %mul3A_206 = arith.constant 1 : i32
      %mul3A_207 = arith.muli %scan3A_205, %mul3A_206 : i32
      %add3A_208 = arith.constant 0 : i32
      %add3A_209 = arith.addi %add3A_208, %mul3A_207 : i32
      %rem3A = arith.constant 4 : i32
      %rem3A_210 = arith.remsi %add3A_209, %rem3A : i32
      %dma_wait3A_211 = arith.constant 0 : i32
      %dma_wait3A_212 = tpu.memref_slice %arg7[%rem3A_210, %dma_wait3A_211] : memref<4x80xi32, #tpu.memory_space<vmem>> -> memref<1x80xi32, #tpu.memory_space<vmem>>
      %dma_wait3A_213 = tpu.memref_squeeze %dma_wait3A_212 : memref<1x80xi32, #tpu.memory_space<vmem>> -> memref<80xi32, #tpu.memory_space<vmem>>
      %dma_wait3A_214 = arith.constant 0 : i32
      %dma_wait3A_215 = tpu.memref_slice %arg3[%dma_wait3A_214] : memref<320000xi32, #tpu.memory_space<hbm>> -> memref<80xi32, #tpu.memory_space<hbm>>
      %dma_wait3A_216 = tpu.memref_slice %arg12[%rem3A_210] : memref<4x!tpu.dma_semaphore, #tpu.memory_space<semaphore_mem>> -> memref<1x!tpu.dma_semaphore, #tpu.memory_space<semaphore_mem>>
      %dma_wait3A_217 = tpu.memref_squeeze %dma_wait3A_216 : memref<1x!tpu.dma_semaphore, #tpu.memory_space<semaphore_mem>> -> memref<!tpu.dma_semaphore, #tpu.memory_space<semaphore_mem>>
      %dma_wait3A_218 = arith.constant 0 : i32
      %dma_wait3A_219 = tpu.memref_slice %arg7[%rem3A_210, %dma_wait3A_218] : memref<4x80xi32, #tpu.memory_space<vmem>> -> memref<1x80xi32, #tpu.memory_space<vmem>>
      %dma_wait3A_220 = tpu.memref_squeeze %dma_wait3A_219 : memref<1x80xi32, #tpu.memory_space<vmem>> -> memref<80xi32, #tpu.memory_space<vmem>>
      %dma_wait3A_221 = arith.constant 0 : i32
      %dma_wait3A_222 = tpu.memref_slice %arg3[%dma_wait3A_221] : memref<320000xi32, #tpu.memory_space<hbm>> -> memref<80xi32, #tpu.memory_space<hbm>>
      tpu.wait_dma2 semaphore(%dma_wait3A_217 : memref<!tpu.dma_semaphore, #tpu.memory_space<semaphore_mem>>) src(%dma_wait3A_222 : memref<80xi32, #tpu.memory_space<hbm>>) dst(%dma_wait3A_220 : memref<80xi32, #tpu.memory_space<vmem>>)
      %dma_wait3A_223 = arith.constant 0 : i32
      %dma_wait3A_224 = tpu.memref_slice %arg8[%rem3A_210, %dma_wait3A_223] : memref<4x80xi32, #tpu.memory_space<vmem>> -> memref<1x80xi32, #tpu.memory_space<vmem>>
      %dma_wait3A_225 = tpu.memref_squeeze %dma_wait3A_224 : memref<1x80xi32, #tpu.memory_space<vmem>> -> memref<80xi32, #tpu.memory_space<vmem>>
      %dma_wait3A_226 = arith.constant 0 : i32
      %dma_wait3A_227 = tpu.memref_slice %arg4[%dma_wait3A_226] : memref<320000xi32, #tpu.memory_space<hbm>> -> memref<80xi32, #tpu.memory_space<hbm>>
      %dma_wait3A_228 = tpu.memref_slice %arg12[%rem3A_210] : memref<4x!tpu.dma_semaphore, #tpu.memory_space<semaphore_mem>> -> memref<1x!tpu.dma_semaphore, #tpu.memory_space<semaphore_mem>>
      %dma_wait3A_229 = tpu.memref_squeeze %dma_wait3A_228 : memref<1x!tpu.dma_semaphore, #tpu.memory_space<semaphore_mem>> -> memref<!tpu.dma_semaphore, #tpu.memory_space<semaphore_mem>>
      %dma_wait3A_230 = arith.constant 0 : i32
      %dma_wait3A_231 = tpu.memref_slice %arg8[%rem3A_210, %dma_wait3A_230] : memref<4x80xi32, #tpu.memory_space<vmem>> -> memref<1x80xi32, #tpu.memory_space<vmem>>
      %dma_wait3A_232 = tpu.memref_squeeze %dma_wait3A_231 : memref<1x80xi32, #tpu.memory_space<vmem>> -> memref<80xi32, #tpu.memory_space<vmem>>
      %dma_wait3A_233 = arith.constant 0 : i32
      %dma_wait3A_234 = tpu.memref_slice %arg4[%dma_wait3A_233] : memref<320000xi32, #tpu.memory_space<hbm>> -> memref<80xi32, #tpu.memory_space<hbm>>
      tpu.wait_dma2 semaphore(%dma_wait3A_229 : memref<!tpu.dma_semaphore, #tpu.memory_space<semaphore_mem>>) src(%dma_wait3A_234 : memref<80xi32, #tpu.memory_space<hbm>>) dst(%dma_wait3A_232 : memref<80xi32, #tpu.memory_space<vmem>>)
      %ge3A = arith.constant 4 : i32
      %ge3A_235 = arith.cmpi sge, %add3A_209, %ge3A : i32
      %convert_element_type3A = arith.extui %ge3A_235 : i1 to i32
      %cond3A = arith.constant 0 : i32
      %cond3A_236 = arith.cmpi ne, %convert_element_type3A, %cond3A : i32
      scf.if %cond3A_236 {
        %dma_wait3A_260 = arith.constant 0 : i32
        %dma_wait3A_261 = arith.constant 0 : i32
        %dma_wait3A_262 = tpu.memref_slice %arg10[%rem3A_210, %dma_wait3A_260, %dma_wait3A_261] : memref<4x80x128xf32, #tpu.memory_space<vmem>> -> memref<1x80x128xf32, #tpu.memory_space<vmem>>
        %dma_wait3A_263 = tpu.memref_squeeze %dma_wait3A_262 : memref<1x80x128xf32, #tpu.memory_space<vmem>> -> memref<80x128xf32, #tpu.memory_space<vmem>>
        %dma_wait3A_264 = arith.constant 0 : i32
        %dma_wait3A_265 = tpu.memref_slice %arg9[%rem3A_210, %dma_wait3A_264] : memref<4x80xi32, #tpu.memory_space<vmem>> -> memref<1x80xi32, #tpu.memory_space<vmem>>
        %dma_wait3A_266 = tpu.memref_squeeze %dma_wait3A_265 : memref<1x80xi32, #tpu.memory_space<vmem>> -> memref<80xi32, #tpu.memory_space<vmem>>
        %dma_wait3A_267 = arith.constant 0 : i32
        %dma_wait3A_268 = arith.constant 0 : i32
        %dma_wait3A_269 = tpu.memref_slice %arg11[%dma_wait3A_267, %dma_wait3A_268] : memref<10112x128xf32, #tpu.memory_space<vmem_shared>> -> memref<10112x128xf32, #tpu.memory_space<vmem_shared>>
        %dma_wait3A_270 = tpu.memref_slice %arg14[%rem3A_210] : memref<4x!tpu.dma_semaphore, #tpu.memory_space<semaphore_mem>> -> memref<1x!tpu.dma_semaphore, #tpu.memory_space<semaphore_mem>>
        %dma_wait3A_271 = tpu.memref_squeeze %dma_wait3A_270 : memref<1x!tpu.dma_semaphore, #tpu.memory_space<semaphore_mem>> -> memref<!tpu.dma_semaphore, #tpu.memory_space<semaphore_mem>>
        tpu.wait_indirect_dma semaphore(%dma_wait3A_271 : memref<!tpu.dma_semaphore, #tpu.memory_space<semaphore_mem>>) src(%dma_wait3A_263 : memref<80x128xf32, #tpu.memory_space<vmem>>) dst(%dma_wait3A_269 : memref<10112x128xf32, #tpu.memory_space<vmem_shared>>)
      } else {
      }
      %dma_start3A_237 = arith.constant 0 : i32
      %dma_start3A_238 = arith.constant 0 : i32
      %dma_start3A_239 = tpu.memref_slice %arg10[%rem3A_210, %dma_start3A_237, %dma_start3A_238] : memref<4x80x128xf32, #tpu.memory_space<vmem>> -> memref<1x80x128xf32, #tpu.memory_space<vmem>>
      %dma_start3A_240 = tpu.memref_squeeze %dma_start3A_239 : memref<1x80x128xf32, #tpu.memory_space<vmem>> -> memref<80x128xf32, #tpu.memory_space<vmem>>
      %dma_start3A_241 = arith.constant 0 : i32
      %dma_start3A_242 = tpu.memref_slice %arg8[%rem3A_210, %dma_start3A_241] : memref<4x80xi32, #tpu.memory_space<vmem>> -> memref<1x80xi32, #tpu.memory_space<vmem>>
      %dma_start3A_243 = tpu.memref_squeeze %dma_start3A_242 : memref<1x80xi32, #tpu.memory_space<vmem>> -> memref<80xi32, #tpu.memory_space<vmem>>
      %dma_start3A_244 = arith.constant 0 : i32
      %dma_start3A_245 = arith.constant 0 : i32
      %dma_start3A_246 = tpu.memref_slice %arg2[%dma_start3A_244, %dma_start3A_245] : memref<10000x128xf32, #tpu.memory_space<hbm>> -> memref<10000x128xf32, #tpu.memory_space<hbm>>
      %dma_start3A_247 = tpu.memref_slice %arg13[%rem3A_210] : memref<4x!tpu.dma_semaphore, #tpu.memory_space<semaphore_mem>> -> memref<1x!tpu.dma_semaphore, #tpu.memory_space<semaphore_mem>>
      %dma_start3A_248 = tpu.memref_squeeze %dma_start3A_247 : memref<1x!tpu.dma_semaphore, #tpu.memory_space<semaphore_mem>> -> memref<!tpu.dma_semaphore, #tpu.memory_space<semaphore_mem>>
      tpu.enqueue_indirect_dma source(%dma_start3A_246 : memref<10000x128xf32, #tpu.memory_space<hbm>>) target(%dma_start3A_240 : memref<80x128xf32, #tpu.memory_space<vmem>>) offsets(%dma_start3A_243 : memref<80xi32, #tpu.memory_space<vmem>>) semaphore(%dma_start3A_248 : memref<!tpu.dma_semaphore, #tpu.memory_space<semaphore_mem>>)
      %add3A_249 = arith.constant 2 : i32
      %add3A_250 = arith.addi %add3A_209, %add3A_249 : i32
      %lt3A = arith.constant 125 : i32
      %lt3A_251 = arith.cmpi slt, %add3A_250, %lt3A : i32
      %convert_element_type3A_252 = arith.extui %lt3A_251 : i1 to i32
      %cond3A_253 = arith.constant 0 : i32
      %cond3A_254 = arith.cmpi ne, %convert_element_type3A_252, %cond3A_253 : i32
      scf.if %cond3A_254 {
        %add3A_260 = arith.constant 2 : i32
        %add3A_261 = arith.addi %add3A_209, %add3A_260 : i32
        %add3A_262 = arith.constant 2 : i32
        %add3A_263 = arith.addi %add3A_209, %add3A_262 : i32
        %rem3A_264 = arith.constant 4 : i32
        %rem3A_265 = arith.remsi %add3A_263, %rem3A_264 : i32
        %mul3A_266 = arith.constant 80 : i32
        %mul3A_267 = arith.muli %add3A_261, %mul3A_266 : i32
        %add3A_268 = arith.addi %mul3A_4, %mul3A_267 : i32
        %multiple_of3A_269 = tpu.assume_multiple %add3A_268, 8 : i32
        %dma_start3A_270 = arith.constant 0 : i32
        %dma_start3A_271 = tpu.memref_slice %arg7[%rem3A_265, %dma_start3A_270] : memref<4x80xi32, #tpu.memory_space<vmem>> -> memref<1x80xi32, #tpu.memory_space<vmem>>
        %dma_start3A_272 = tpu.memref_squeeze %dma_start3A_271 : memref<1x80xi32, #tpu.memory_space<vmem>> -> memref<80xi32, #tpu.memory_space<vmem>>
        %dma_start3A_273 = tpu.memref_slice %arg3[%multiple_of3A_269] : memref<320000xi32, #tpu.memory_space<hbm>> -> memref<80xi32, #tpu.memory_space<hbm>>
        %dma_start3A_274 = tpu.memref_slice %arg12[%rem3A_265] : memref<4x!tpu.dma_semaphore, #tpu.memory_space<semaphore_mem>> -> memref<1x!tpu.dma_semaphore, #tpu.memory_space<semaphore_mem>>
        %dma_start3A_275 = tpu.memref_squeeze %dma_start3A_274 : memref<1x!tpu.dma_semaphore, #tpu.memory_space<semaphore_mem>> -> memref<!tpu.dma_semaphore, #tpu.memory_space<semaphore_mem>>
        %dma_start3A_276 = arith.constant 0 : i32
        %dma_start3A_277 = tpu.memref_slice %arg7[%rem3A_265, %dma_start3A_276] : memref<4x80xi32, #tpu.memory_space<vmem>> -> memref<1x80xi32, #tpu.memory_space<vmem>>
        %dma_start3A_278 = tpu.memref_squeeze %dma_start3A_277 : memref<1x80xi32, #tpu.memory_space<vmem>> -> memref<80xi32, #tpu.memory_space<vmem>>
        %dma_start3A_279 = tpu.memref_slice %arg3[%multiple_of3A_269] : memref<320000xi32, #tpu.memory_space<hbm>> -> memref<80xi32, #tpu.memory_space<hbm>>
        tpu.enqueue_dma source(%dma_start3A_279 : memref<80xi32, #tpu.memory_space<hbm>>) target(%dma_start3A_278 : memref<80xi32, #tpu.memory_space<vmem>>) target_semaphore(%dma_start3A_275 : memref<!tpu.dma_semaphore, #tpu.memory_space<semaphore_mem>>)
        %dma_start3A_280 = arith.constant 0 : i32
        %dma_start3A_281 = tpu.memref_slice %arg8[%rem3A_265, %dma_start3A_280] : memref<4x80xi32, #tpu.memory_space<vmem>> -> memref<1x80xi32, #tpu.memory_space<vmem>>
        %dma_start3A_282 = tpu.memref_squeeze %dma_start3A_281 : memref<1x80xi32, #tpu.memory_space<vmem>> -> memref<80xi32, #tpu.memory_space<vmem>>
        %dma_start3A_283 = tpu.memref_slice %arg4[%multiple_of3A_269] : memref<320000xi32, #tpu.memory_space<hbm>> -> memref<80xi32, #tpu.memory_space<hbm>>
        %dma_start3A_284 = tpu.memref_slice %arg12[%rem3A_265] : memref<4x!tpu.dma_semaphore, #tpu.memory_space<semaphore_mem>> -> memref<1x!tpu.dma_semaphore, #tpu.memory_space<semaphore_mem>>
        %dma_start3A_285 = tpu.memref_squeeze %dma_start3A_284 : memref<1x!tpu.dma_semaphore, #tpu.memory_space<semaphore_mem>> -> memref<!tpu.dma_semaphore, #tpu.memory_space<semaphore_mem>>
        %dma_start3A_286 = arith.constant 0 : i32
        %dma_start3A_287 = tpu.memref_slice %arg8[%rem3A_265, %dma_start3A_286] : memref<4x80xi32, #tpu.memory_space<vmem>> -> memref<1x80xi32, #tpu.memory_space<vmem>>
        %dma_start3A_288 = tpu.memref_squeeze %dma_start3A_287 : memref<1x80xi32, #tpu.memory_space<vmem>> -> memref<80xi32, #tpu.memory_space<vmem>>
        %dma_start3A_289 = tpu.memref_slice %arg4[%multiple_of3A_269] : memref<320000xi32, #tpu.memory_space<hbm>> -> memref<80xi32, #tpu.memory_space<hbm>>
        tpu.enqueue_dma source(%dma_start3A_289 : memref<80xi32, #tpu.memory_space<hbm>>) target(%dma_start3A_288 : memref<80xi32, #tpu.memory_space<vmem>>) target_semaphore(%dma_start3A_285 : memref<!tpu.dma_semaphore, #tpu.memory_space<semaphore_mem>>)
      } else {
      }
      %ge3A_255 = arith.constant 1 : i32
      %ge3A_256 = arith.cmpi sge, %add3A_209, %ge3A_255 : i32
      %convert_element_type3A_257 = arith.extui %ge3A_256 : i1 to i32
      %cond3A_258 = arith.constant 0 : i32
      %cond3A_259 = arith.cmpi ne, %convert_element_type3A_257, %cond3A_258 : i32
      scf.if %cond3A_259 {
        %add3A_260 = arith.constant 4 : i32
        %add3A_261 = arith.addi %add3A_209, %add3A_260 : i32
        %sub3A = arith.constant 1 : i32
        %sub3A_262 = arith.subi %add3A_261, %sub3A : i32
        %rem3A_263 = arith.constant 4 : i32
        %rem3A_264 = arith.remsi %sub3A_262, %rem3A_263 : i32
        %dma_wait3A_265 = arith.constant 0 : i32
        %dma_wait3A_266 = arith.constant 0 : i32
        %dma_wait3A_267 = tpu.memref_slice %arg10[%rem3A_264, %dma_wait3A_265, %dma_wait3A_266] : memref<4x80x128xf32, #tpu.memory_space<vmem>> -> memref<1x80x128xf32, #tpu.memory_space<vmem>>
        %dma_wait3A_268 = tpu.memref_squeeze %dma_wait3A_267 : memref<1x80x128xf32, #tpu.memory_space<vmem>> -> memref<80x128xf32, #tpu.memory_space<vmem>>
        %dma_wait3A_269 = arith.constant 0 : i32
        %dma_wait3A_270 = tpu.memref_slice %arg8[%rem3A_264, %dma_wait3A_269] : memref<4x80xi32, #tpu.memory_space<vmem>> -> memref<1x80xi32, #tpu.memory_space<vmem>>
        %dma_wait3A_271 = tpu.memref_squeeze %dma_wait3A_270 : memref<1x80xi32, #tpu.memory_space<vmem>> -> memref<80xi32, #tpu.memory_space<vmem>>
        %dma_wait3A_272 = arith.constant 0 : i32
        %dma_wait3A_273 = arith.constant 0 : i32
        %dma_wait3A_274 = tpu.memref_slice %arg2[%dma_wait3A_272, %dma_wait3A_273] : memref<10000x128xf32, #tpu.memory_space<hbm>> -> memref<10000x128xf32, #tpu.memory_space<hbm>>
        %dma_wait3A_275 = tpu.memref_slice %arg13[%rem3A_264] : memref<4x!tpu.dma_semaphore, #tpu.memory_space<semaphore_mem>> -> memref<1x!tpu.dma_semaphore, #tpu.memory_space<semaphore_mem>>
        %dma_wait3A_276 = tpu.memref_squeeze %dma_wait3A_275 : memref<1x!tpu.dma_semaphore, #tpu.memory_space<semaphore_mem>> -> memref<!tpu.dma_semaphore, #tpu.memory_space<semaphore_mem>>
        tpu.wait_indirect_dma semaphore(%dma_wait3A_276 : memref<!tpu.dma_semaphore, #tpu.memory_space<semaphore_mem>>) src(%dma_wait3A_274 : memref<10000x128xf32, #tpu.memory_space<hbm>>) dst(%dma_wait3A_268 : memref<80x128xf32, #tpu.memory_space<vmem>>)
        %get3A_277 = arith.index_cast %rem3A_264 : i32 to index
        %get3A_278 = arith.constant 0 : index
        %get3A_279 = tpu.vector_load %arg7[%get3A_277, %get3A_278] {strides = array<i32>} : memref<4x80xi32, #tpu.memory_space<vmem>>, vector<1x16xi32>,
        %get3A_280 = vector.shape_cast %get3A_279 : vector<1x16xi32> to vector<16xi32>
        %swap3A_281 = arith.index_cast %rem3A_264 : i32 to index
        %swap3A_282 = arith.constant 0 : index
        %swap3A_283 = tpu.vector_load %arg9[%swap3A_281, %swap3A_282] {strides = array<i32>} : memref<4x80xi32, #tpu.memory_space<vmem>>, vector<1x16xi32>,
        %swap3A_284 = vector.shape_cast %swap3A_283 : vector<1x16xi32> to vector<16xi32>
        %swap3A_285 = vector.shape_cast %get3A_280 : vector<16xi32> to vector<1x16xi32>
        tpu.vector_store %arg9[%swap3A_281, %swap3A_282], %swap3A_285 {strides = array<i32>} : memref<4x80xi32, #tpu.memory_space<vmem>>, vector<1x16xi32>,
        %get3A_286 = arith.index_cast %rem3A_264 : i32 to index
        %get3A_287 = arith.constant 16 : index
        %get3A_288 = tpu.vector_load %arg7[%get3A_286, %get3A_287] {strides = array<i32>} : memref<4x80xi32, #tpu.memory_space<vmem>>, vector<1x16xi32>,
        %get3A_289 = vector.shape_cast %get3A_288 : vector<1x16xi32> to vector<16xi32>
        %swap3A_290 = arith.index_cast %rem3A_264 : i32 to index
        %swap3A_291 = arith.constant 16 : index
        %swap3A_292 = tpu.vector_load %arg9[%swap3A_290, %swap3A_291] {strides = array<i32>} : memref<4x80xi32, #tpu.memory_space<vmem>>, vector<1x16xi32>,
        %swap3A_293 = vector.shape_cast %swap3A_292 : vector<1x16xi32> to vector<16xi32>
        %swap3A_294 = vector.shape_cast %get3A_289 : vector<16xi32> to vector<1x16xi32>
        tpu.vector_store %arg9[%swap3A_290, %swap3A_291], %swap3A_294 {strides = array<i32>} : memref<4x80xi32, #tpu.memory_space<vmem>>, vector<1x16xi32>,
        %get3A_295 = arith.index_cast %rem3A_264 : i32 to index
        %get3A_296 = arith.constant 32 : index
        %get3A_297 = tpu.vector_load %arg7[%get3A_295, %get3A_296] {strides = array<i32>} : memref<4x80xi32, #tpu.memory_space<vmem>>, vector<1x16xi32>,
        %get3A_298 = vector.shape_cast %get3A_297 : vector<1x16xi32> to vector<16xi32>
        %swap3A_299 = arith.index_cast %rem3A_264 : i32 to index
        %swap3A_300 = arith.constant 32 : index
        %swap3A_301 = tpu.vector_load %arg9[%swap3A_299, %swap3A_300] {strides = array<i32>} : memref<4x80xi32, #tpu.memory_space<vmem>>, vector<1x16xi32>,
        %swap3A_302 = vector.shape_cast %swap3A_301 : vector<1x16xi32> to vector<16xi32>
        %swap3A_303 = vector.shape_cast %get3A_298 : vector<16xi32> to vector<1x16xi32>
        tpu.vector_store %arg9[%swap3A_299, %swap3A_300], %swap3A_303 {strides = array<i32>} : memref<4x80xi32, #tpu.memory_space<vmem>>, vector<1x16xi32>,
        %get3A_304 = arith.index_cast %rem3A_264 : i32 to index
        %get3A_305 = arith.constant 48 : index
        %get3A_306 = tpu.vector_load %arg7[%get3A_304, %get3A_305] {strides = array<i32>} : memref<4x80xi32, #tpu.memory_space<vmem>>, vector<1x16xi32>,
        %get3A_307 = vector.shape_cast %get3A_306 : vector<1x16xi32> to vector<16xi32>
        %swap3A_308 = arith.index_cast %rem3A_264 : i32 to index
        %swap3A_309 = arith.constant 48 : index
        %swap3A_310 = tpu.vector_load %arg9[%swap3A_308, %swap3A_309] {strides = array<i32>} : memref<4x80xi32, #tpu.memory_space<vmem>>, vector<1x16xi32>,
        %swap3A_311 = vector.shape_cast %swap3A_310 : vector<1x16xi32> to vector<16xi32>
        %swap3A_312 = vector.shape_cast %get3A_307 : vector<16xi32> to vector<1x16xi32>
        tpu.vector_store %arg9[%swap3A_308, %swap3A_309], %swap3A_312 {strides = array<i32>} : memref<4x80xi32, #tpu.memory_space<vmem>>, vector<1x16xi32>,
        %get3A_313 = arith.index_cast %rem3A_264 : i32 to index
        %get3A_314 = arith.constant 64 : index
        %get3A_315 = tpu.vector_load %arg7[%get3A_313, %get3A_314] {strides = array<i32>} : memref<4x80xi32, #tpu.memory_space<vmem>>, vector<1x16xi32>,
        %get3A_316 = vector.shape_cast %get3A_315 : vector<1x16xi32> to vector<16xi32>
        %swap3A_317 = arith.index_cast %rem3A_264 : i32 to index
        %swap3A_318 = arith.constant 64 : index
        %swap3A_319 = tpu.vector_load %arg9[%swap3A_317, %swap3A_318] {strides = array<i32>} : memref<4x80xi32, #tpu.memory_space<vmem>>, vector<1x16xi32>,
        %swap3A_320 = vector.shape_cast %swap3A_319 : vector<1x16xi32> to vector<16xi32>
        %swap3A_321 = vector.shape_cast %get3A_316 : vector<16xi32> to vector<1x16xi32>
        tpu.vector_store %arg9[%swap3A_317, %swap3A_318], %swap3A_321 {strides = array<i32>} : memref<4x80xi32, #tpu.memory_space<vmem>>, vector<1x16xi32>,
        %dma_start3A_322 = arith.constant 0 : i32
        %dma_start3A_323 = arith.constant 0 : i32
        %dma_start3A_324 = tpu.memref_slice %arg10[%rem3A_264, %dma_start3A_322, %dma_start3A_323] : memref<4x80x128xf32, #tpu.memory_space<vmem>> -> memref<1x80x128xf32, #tpu.memory_space<vmem>>
        %dma_start3A_325 = tpu.memref_squeeze %dma_start3A_324 : memref<1x80x128xf32, #tpu.memory_space<vmem>> -> memref<80x128xf32, #tpu.memory_space<vmem>>
        %dma_start3A_326 = arith.constant 0 : i32
        %dma_start3A_327 = tpu.memref_slice %arg9[%rem3A_264, %dma_start3A_326] : memref<4x80xi32, #tpu.memory_space<vmem>> -> memref<1x80xi32, #tpu.memory_space<vmem>>
        %dma_start3A_328 = tpu.memref_squeeze %dma_start3A_327 : memref<1x80xi32, #tpu.memory_space<vmem>> -> memref<80xi32, #tpu.memory_space<vmem>>
        %dma_start3A_329 = arith.constant 0 : i32
        %dma_start3A_330 = arith.constant 0 : i32
        %dma_start3A_331 = tpu.memref_slice %arg11[%dma_start3A_329, %dma_start3A_330] : memref<10112x128xf32, #tpu.memory_space<vmem_shared>> -> memref<10112x128xf32, #tpu.memory_space<vmem_shared>>
        %dma_start3A_332 = tpu.memref_slice %arg14[%rem3A_264] : memref<4x!tpu.dma_semaphore, #tpu.memory_space<semaphore_mem>> -> memref<1x!tpu.dma_semaphore, #tpu.memory_space<semaphore_mem>>
        %dma_start3A_333 = tpu.memref_squeeze %dma_start3A_332 : memref<1x!tpu.dma_semaphore, #tpu.memory_space<semaphore_mem>> -> memref<!tpu.dma_semaphore, #tpu.memory_space<semaphore_mem>>
        tpu.enqueue_indirect_dma source(%dma_start3A_325 : memref<80x128xf32, #tpu.memory_space<vmem>>) target(%dma_start3A_331 : memref<10112x128xf32, #tpu.memory_space<vmem_shared>>) offsets(%dma_start3A_328 : memref<80xi32, #tpu.memory_space<vmem>>) semaphore(%dma_start3A_333 : memref<!tpu.dma_semaphore, #tpu.memory_space<semaphore_mem>>) {add = true}
      } else {
      }
    }
    %scan3A_61 = arith.constant 125 : i32
    %dma_wait3A = arith.constant 0 : i32
    %dma_wait3A_62 = arith.constant 0 : i32
    %dma_wait3A_63 = arith.constant 0 : i32
    %dma_wait3A_64 = arith.constant 0 : i32
    %dma_wait3A_65 = arith.constant 0 : i32
    %dma_wait3A_66 = tpu.memref_slice %arg10[%dma_wait3A_62, %dma_wait3A_64, %dma_wait3A_65] : memref<4x80x128xf32, #tpu.memory_space<vmem>> -> memref<1x80x128xf32, #tpu.memory_space<vmem>>
    %dma_wait3A_67 = tpu.memref_squeeze %dma_wait3A_66 : memref<1x80x128xf32, #tpu.memory_space<vmem>> -> memref<80x128xf32, #tpu.memory_space<vmem>>
    %dma_wait3A_68 = arith.constant 0 : i32
    %dma_wait3A_69 = tpu.memref_slice %arg8[%dma_wait3A, %dma_wait3A_68] : memref<4x80xi32, #tpu.memory_space<vmem>> -> memref<1x80xi32, #tpu.memory_space<vmem>>
    %dma_wait3A_70 = tpu.memref_squeeze %dma_wait3A_69 : memref<1x80xi32, #tpu.memory_space<vmem>> -> memref<80xi32, #tpu.memory_space<vmem>>
    %dma_wait3A_71 = arith.constant 0 : i32
    %dma_wait3A_72 = arith.constant 0 : i32
    %dma_wait3A_73 = tpu.memref_slice %arg2[%dma_wait3A_71, %dma_wait3A_72] : memref<10000x128xf32, #tpu.memory_space<hbm>> -> memref<10000x128xf32, #tpu.memory_space<hbm>>
    %dma_wait3A_74 = tpu.memref_slice %arg13[%dma_wait3A_63] : memref<4x!tpu.dma_semaphore, #tpu.memory_space<semaphore_mem>> -> memref<1x!tpu.dma_semaphore, #tpu.memory_space<semaphore_mem>>
    %dma_wait3A_75 = tpu.memref_squeeze %dma_wait3A_74 : memref<1x!tpu.dma_semaphore, #tpu.memory_space<semaphore_mem>> -> memref<!tpu.dma_semaphore, #tpu.memory_space<semaphore_mem>>
    tpu.wait_indirect_dma semaphore(%dma_wait3A_75 : memref<!tpu.dma_semaphore, #tpu.memory_space<semaphore_mem>>) src(%dma_wait3A_73 : memref<10000x128xf32, #tpu.memory_space<hbm>>) dst(%dma_wait3A_67 : memref<80x128xf32, #tpu.memory_space<vmem>>)
    %get3A = arith.constant 0 : i32
    %get3A_76 = arith.index_cast %get3A : i32 to index
    %get3A_77 = arith.constant 0 : index
    %get3A_78 = tpu.vector_load %arg7[%get3A_76, %get3A_77] {strides = array<i32>} : memref<4x80xi32, #tpu.memory_space<vmem>>, vector<1x16xi32>,
    %get3A_79 = vector.shape_cast %get3A_78 : vector<1x16xi32> to vector<16xi32>
    %swap3A = arith.constant 0 : i32
    %swap3A_80 = arith.index_cast %swap3A : i32 to index
    %swap3A_81 = arith.constant 0 : index
    %swap3A_82 = tpu.vector_load %arg9[%swap3A_80, %swap3A_81] {strides = array<i32>} : memref<4x80xi32, #tpu.memory_space<vmem>>, vector<1x16xi32>,
    %swap3A_83 = vector.shape_cast %swap3A_82 : vector<1x16xi32> to vector<16xi32>
    %swap3A_84 = vector.shape_cast %get3A_79 : vector<16xi32> to vector<1x16xi32>
    tpu.vector_store %arg9[%swap3A_80, %swap3A_81], %swap3A_84 {strides = array<i32>} : memref<4x80xi32, #tpu.memory_space<vmem>>, vector<1x16xi32>,
    %get3A_85 = arith.constant 0 : i32
    %get3A_86 = arith.index_cast %get3A_85 : i32 to index
    %get3A_87 = arith.constant 16 : index
    %get3A_88 = tpu.vector_load %arg7[%get3A_86, %get3A_87] {strides = array<i32>} : memref<4x80xi32, #tpu.memory_space<vmem>>, vector<1x16xi32>,
    %get3A_89 = vector.shape_cast %get3A_88 : vector<1x16xi32> to vector<16xi32>
    %swap3A_90 = arith.constant 0 : i32
    %swap3A_91 = arith.index_cast %swap3A_90 : i32 to index
    %swap3A_92 = arith.constant 16 : index
    %swap3A_93 = tpu.vector_load %arg9[%swap3A_91, %swap3A_92] {strides = array<i32>} : memref<4x80xi32, #tpu.memory_space<vmem>>, vector<1x16xi32>,
    %swap3A_94 = vector.shape_cast %swap3A_93 : vector<1x16xi32> to vector<16xi32>
    %swap3A_95 = vector.shape_cast %get3A_89 : vector<16xi32> to vector<1x16xi32>
    tpu.vector_store %arg9[%swap3A_91, %swap3A_92], %swap3A_95 {strides = array<i32>} : memref<4x80xi32, #tpu.memory_space<vmem>>, vector<1x16xi32>,
    %get3A_96 = arith.constant 0 : i32
    %get3A_97 = arith.index_cast %get3A_96 : i32 to index
    %get3A_98 = arith.constant 32 : index
    %get3A_99 = tpu.vector_load %arg7[%get3A_97, %get3A_98] {strides = array<i32>} : memref<4x80xi32, #tpu.memory_space<vmem>>, vector<1x16xi32>,
    %get3A_100 = vector.shape_cast %get3A_99 : vector<1x16xi32> to vector<16xi32>
    %swap3A_101 = arith.constant 0 : i32
    %swap3A_102 = arith.index_cast %swap3A_101 : i32 to index
    %swap3A_103 = arith.constant 32 : index
    %swap3A_104 = tpu.vector_load %arg9[%swap3A_102, %swap3A_103] {strides = array<i32>} : memref<4x80xi32, #tpu.memory_space<vmem>>, vector<1x16xi32>,
    %swap3A_105 = vector.shape_cast %swap3A_104 : vector<1x16xi32> to vector<16xi32>
    %swap3A_106 = vector.shape_cast %get3A_100 : vector<16xi32> to vector<1x16xi32>
    tpu.vector_store %arg9[%swap3A_102, %swap3A_103], %swap3A_106 {strides = array<i32>} : memref<4x80xi32, #tpu.memory_space<vmem>>, vector<1x16xi32>,
    %get3A_107 = arith.constant 0 : i32
    %get3A_108 = arith.index_cast %get3A_107 : i32 to index
    %get3A_109 = arith.constant 48 : index
    %get3A_110 = tpu.vector_load %arg7[%get3A_108, %get3A_109] {strides = array<i32>} : memref<4x80xi32, #tpu.memory_space<vmem>>, vector<1x16xi32>,
    %get3A_111 = vector.shape_cast %get3A_110 : vector<1x16xi32> to vector<16xi32>
    %swap3A_112 = arith.constant 0 : i32
    %swap3A_113 = arith.index_cast %swap3A_112 : i32 to index
    %swap3A_114 = arith.constant 48 : index
    %swap3A_115 = tpu.vector_load %arg9[%swap3A_113, %swap3A_114] {strides = array<i32>} : memref<4x80xi32, #tpu.memory_space<vmem>>, vector<1x16xi32>,
    %swap3A_116 = vector.shape_cast %swap3A_115 : vector<1x16xi32> to vector<16xi32>
    %swap3A_117 = vector.shape_cast %get3A_111 : vector<16xi32> to vector<1x16xi32>
    tpu.vector_store %arg9[%swap3A_113, %swap3A_114], %swap3A_117 {strides = array<i32>} : memref<4x80xi32, #tpu.memory_space<vmem>>, vector<1x16xi32>,
    %get3A_118 = arith.constant 0 : i32
    %get3A_119 = arith.index_cast %get3A_118 : i32 to index
    %get3A_120 = arith.constant 64 : index
    %get3A_121 = tpu.vector_load %arg7[%get3A_119, %get3A_120] {strides = array<i32>} : memref<4x80xi32, #tpu.memory_space<vmem>>, vector<1x16xi32>,
    %get3A_122 = vector.shape_cast %get3A_121 : vector<1x16xi32> to vector<16xi32>
    %swap3A_123 = arith.constant 0 : i32
    %swap3A_124 = arith.index_cast %swap3A_123 : i32 to index
    %swap3A_125 = arith.constant 64 : index
    %swap3A_126 = tpu.vector_load %arg9[%swap3A_124, %swap3A_125] {strides = array<i32>} : memref<4x80xi32, #tpu.memory_space<vmem>>, vector<1x16xi32>,
    %swap3A_127 = vector.shape_cast %swap3A_126 : vector<1x16xi32> to vector<16xi32>
    %swap3A_128 = vector.shape_cast %get3A_122 : vector<16xi32> to vector<1x16xi32>
    tpu.vector_store %arg9[%swap3A_124, %swap3A_125], %swap3A_128 {strides = array<i32>} : memref<4x80xi32, #tpu.memory_space<vmem>>, vector<1x16xi32>,
    %dma_start3A_129 = arith.constant 0 : i32
    %dma_start3A_130 = arith.constant 0 : i32
    %dma_start3A_131 = arith.constant 0 : i32
    %dma_start3A_132 = arith.constant 0 : i32
    %dma_start3A_133 = arith.constant 0 : i32
    %dma_start3A_134 = tpu.memref_slice %arg10[%dma_start3A_129, %dma_start3A_132, %dma_start3A_133] : memref<4x80x128xf32, #tpu.memory_space<vmem>> -> memref<1x80x128xf32, #tpu.memory_space<vmem>>
    %dma_start3A_135 = tpu.memref_squeeze %dma_start3A_134 : memref<1x80x128xf32, #tpu.memory_space<vmem>> -> memref<80x128xf32, #tpu.memory_space<vmem>>
    %dma_start3A_136 = arith.constant 0 : i32
    %dma_start3A_137 = tpu.memref_slice %arg9[%dma_start3A_130, %dma_start3A_136] : memref<4x80xi32, #tpu.memory_space<vmem>> -> memref<1x80xi32, #tpu.memory_space<vmem>>
    %dma_start3A_138 = tpu.memref_squeeze %dma_start3A_137 : memref<1x80xi32, #tpu.memory_space<vmem>> -> memref<80xi32, #tpu.memory_space<vmem>>
    %dma_start3A_139 = arith.constant 0 : i32
    %dma_start3A_140 = arith.constant 0 : i32
    %dma_start3A_141 = tpu.memref_slice %arg11[%dma_start3A_139, %dma_start3A_140] : memref<10112x128xf32, #tpu.memory_space<vmem_shared>> -> memref<10112x128xf32, #tpu.memory_space<vmem_shared>>
    %dma_start3A_142 = tpu.memref_slice %arg14[%dma_start3A_131] : memref<4x!tpu.dma_semaphore, #tpu.memory_space<semaphore_mem>> -> memref<1x!tpu.dma_semaphore, #tpu.memory_space<semaphore_mem>>
    %dma_start3A_143 = tpu.memref_squeeze %dma_start3A_142 : memref<1x!tpu.dma_semaphore, #tpu.memory_space<semaphore_mem>> -> memref<!tpu.dma_semaphore, #tpu.memory_space<semaphore_mem>>
    tpu.enqueue_indirect_dma source(%dma_start3A_135 : memref<80x128xf32, #tpu.memory_space<vmem>>) target(%dma_start3A_141 : memref<10112x128xf32, #tpu.memory_space<vmem_shared>>) offsets(%dma_start3A_138 : memref<80xi32, #tpu.memory_space<vmem>>) semaphore(%dma_start3A_143 : memref<!tpu.dma_semaphore, #tpu.memory_space<semaphore_mem>>) {add = true}
    %dma_wait3A_144 = arith.constant 0 : i32
    %dma_wait3A_145 = arith.constant 0 : i32
    %dma_wait3A_146 = arith.constant 0 : i32
    %dma_wait3A_147 = arith.constant 0 : i32
    %dma_wait3A_148 = arith.constant 0 : i32
    %dma_wait3A_149 = tpu.memref_slice %arg10[%dma_wait3A_144, %dma_wait3A_147, %dma_wait3A_148] : memref<4x80x128xf32, #tpu.memory_space<vmem>> -> memref<1x80x128xf32, #tpu.memory_space<vmem>>
    %dma_wait3A_150 = tpu.memref_squeeze %dma_wait3A_149 : memref<1x80x128xf32, #tpu.memory_space<vmem>> -> memref<80x128xf32, #tpu.memory_space<vmem>>
    %dma_wait3A_151 = arith.constant 0 : i32
    %dma_wait3A_152 = tpu.memref_slice %arg9[%dma_wait3A_145, %dma_wait3A_151] : memref<4x80xi32, #tpu.memory_space<vmem>> -> memref<1x80xi32, #tpu.memory_space<vmem>>
    %dma_wait3A_153 = tpu.memref_squeeze %dma_wait3A_152 : memref<1x80xi32, #tpu.memory_space<vmem>> -> memref<80xi32, #tpu.memory_space<vmem>>
    %dma_wait3A_154 = arith.constant 0 : i32
    %dma_wait3A_155 = arith.constant 0 : i32
    %dma_wait3A_156 = tpu.memref_slice %arg11[%dma_wait3A_154, %dma_wait3A_155] : memref<10112x128xf32, #tpu.memory_space<vmem_shared>> -> memref<10112x128xf32, #tpu.memory_space<vmem_shared>>
    %dma_wait3A_157 = tpu.memref_slice %arg14[%dma_wait3A_146] : memref<4x!tpu.dma_semaphore, #tpu.memory_space<semaphore_mem>> -> memref<1x!tpu.dma_semaphore, #tpu.memory_space<semaphore_mem>>
    %dma_wait3A_158 = tpu.memref_squeeze %dma_wait3A_157 : memref<1x!tpu.dma_semaphore, #tpu.memory_space<semaphore_mem>> -> memref<!tpu.dma_semaphore, #tpu.memory_space<semaphore_mem>>
    tpu.wait_indirect_dma semaphore(%dma_wait3A_158 : memref<!tpu.dma_semaphore, #tpu.memory_space<semaphore_mem>>) src(%dma_wait3A_150 : memref<80x128xf32, #tpu.memory_space<vmem>>) dst(%dma_wait3A_156 : memref<10112x128xf32, #tpu.memory_space<vmem_shared>>)
    %dma_wait3A_159 = arith.constant 1 : i32
    %dma_wait3A_160 = arith.constant 1 : i32
    %dma_wait3A_161 = arith.constant 1 : i32
    %dma_wait3A_162 = arith.constant 0 : i32
    %dma_wait3A_163 = arith.constant 0 : i32
    %dma_wait3A_164 = tpu.memref_slice %arg10[%dma_wait3A_159, %dma_wait3A_162, %dma_wait3A_163] : memref<4x80x128xf32, #tpu.memory_space<vmem>> -> memref<1x80x128xf32, #tpu.memory_space<vmem>>
    %dma_wait3A_165 = tpu.memref_squeeze %dma_wait3A_164 : memref<1x80x128xf32, #tpu.memory_space<vmem>> -> memref<80x128xf32, #tpu.memory_space<vmem>>
    %dma_wait3A_166 = arith.constant 0 : i32
    %dma_wait3A_167 = tpu.memref_slice %arg9[%dma_wait3A_160, %dma_wait3A_166] : memref<4x80xi32, #tpu.memory_space<vmem>> -> memref<1x80xi32, #tpu.memory_space<vmem>>
    %dma_wait3A_168 = tpu.memref_squeeze %dma_wait3A_167 : memref<1x80xi32, #tpu.memory_space<vmem>> -> memref<80xi32, #tpu.memory_space<vmem>>
    %dma_wait3A_169 = arith.constant 0 : i32
    %dma_wait3A_170 = arith.constant 0 : i32
    %dma_wait3A_171 = tpu.memref_slice %arg11[%dma_wait3A_169, %dma_wait3A_170] : memref<10112x128xf32, #tpu.memory_space<vmem_shared>> -> memref<10112x128xf32, #tpu.memory_space<vmem_shared>>
    %dma_wait3A_172 = tpu.memref_slice %arg14[%dma_wait3A_161] : memref<4x!tpu.dma_semaphore, #tpu.memory_space<semaphore_mem>> -> memref<1x!tpu.dma_semaphore, #tpu.memory_space<semaphore_mem>>
    %dma_wait3A_173 = tpu.memref_squeeze %dma_wait3A_172 : memref<1x!tpu.dma_semaphore, #tpu.memory_space<semaphore_mem>> -> memref<!tpu.dma_semaphore, #tpu.memory_space<semaphore_mem>>
    tpu.wait_indirect_dma semaphore(%dma_wait3A_173 : memref<!tpu.dma_semaphore, #tpu.memory_space<semaphore_mem>>) src(%dma_wait3A_165 : memref<80x128xf32, #tpu.memory_space<vmem>>) dst(%dma_wait3A_171 : memref<10112x128xf32, #tpu.memory_space<vmem_shared>>)
    %dma_wait3A_174 = arith.constant 2 : i32
    %dma_wait3A_175 = arith.constant 2 : i32
    %dma_wait3A_176 = arith.constant 2 : i32
    %dma_wait3A_177 = arith.constant 0 : i32
    %dma_wait3A_178 = arith.constant 0 : i32
    %dma_wait3A_179 = tpu.memref_slice %arg10[%dma_wait3A_174, %dma_wait3A_177, %dma_wait3A_178] : memref<4x80x128xf32, #tpu.memory_space<vmem>> -> memref<1x80x128xf32, #tpu.memory_space<vmem>>
    %dma_wait3A_180 = tpu.memref_squeeze %dma_wait3A_179 : memref<1x80x128xf32, #tpu.memory_space<vmem>> -> memref<80x128xf32, #tpu.memory_space<vmem>>
    %dma_wait3A_181 = arith.constant 0 : i32
    %dma_wait3A_182 = tpu.memref_slice %arg9[%dma_wait3A_175, %dma_wait3A_181] : memref<4x80xi32, #tpu.memory_space<vmem>> -> memref<1x80xi32, #tpu.memory_space<vmem>>
    %dma_wait3A_183 = tpu.memref_squeeze %dma_wait3A_182 : memref<1x80xi32, #tpu.memory_space<vmem>> -> memref<80xi32, #tpu.memory_space<vmem>>
    %dma_wait3A_184 = arith.constant 0 : i32
    %dma_wait3A_185 = arith.constant 0 : i32
    %dma_wait3A_186 = tpu.memref_slice %arg11[%dma_wait3A_184, %dma_wait3A_185] : memref<10112x128xf32, #tpu.memory_space<vmem_shared>> -> memref<10112x128xf32, #tpu.memory_space<vmem_shared>>
    %dma_wait3A_187 = tpu.memref_slice %arg14[%dma_wait3A_176] : memref<4x!tpu.dma_semaphore, #tpu.memory_space<semaphore_mem>> -> memref<1x!tpu.dma_semaphore, #tpu.memory_space<semaphore_mem>>
    %dma_wait3A_188 = tpu.memref_squeeze %dma_wait3A_187 : memref<1x!tpu.dma_semaphore, #tpu.memory_space<semaphore_mem>> -> memref<!tpu.dma_semaphore, #tpu.memory_space<semaphore_mem>>
    tpu.wait_indirect_dma semaphore(%dma_wait3A_188 : memref<!tpu.dma_semaphore, #tpu.memory_space<semaphore_mem>>) src(%dma_wait3A_180 : memref<80x128xf32, #tpu.memory_space<vmem>>) dst(%dma_wait3A_186 : memref<10112x128xf32, #tpu.memory_space<vmem_shared>>)
    %dma_wait3A_189 = arith.constant 3 : i32
    %dma_wait3A_190 = arith.constant 3 : i32
    %dma_wait3A_191 = arith.constant 3 : i32
    %dma_wait3A_192 = arith.constant 0 : i32
    %dma_wait3A_193 = arith.constant 0 : i32
    %dma_wait3A_194 = tpu.memref_slice %arg10[%dma_wait3A_189, %dma_wait3A_192, %dma_wait3A_193] : memref<4x80x128xf32, #tpu.memory_space<vmem>> -> memref<1x80x128xf32, #tpu.memory_space<vmem>>
    %dma_wait3A_195 = tpu.memref_squeeze %dma_wait3A_194 : memref<1x80x128xf32, #tpu.memory_space<vmem>> -> memref<80x128xf32, #tpu.memory_space<vmem>>
    %dma_wait3A_196 = arith.constant 0 : i32
    %dma_wait3A_197 = tpu.memref_slice %arg9[%dma_wait3A_190, %dma_wait3A_196] : memref<4x80xi32, #tpu.memory_space<vmem>> -> memref<1x80xi32, #tpu.memory_space<vmem>>
    %dma_wait3A_198 = tpu.memref_squeeze %dma_wait3A_197 : memref<1x80xi32, #tpu.memory_space<vmem>> -> memref<80xi32, #tpu.memory_space<vmem>>
    %dma_wait3A_199 = arith.constant 0 : i32
    %dma_wait3A_200 = arith.constant 0 : i32
    %dma_wait3A_201 = tpu.memref_slice %arg11[%dma_wait3A_199, %dma_wait3A_200] : memref<10112x128xf32, #tpu.memory_space<vmem_shared>> -> memref<10112x128xf32, #tpu.memory_space<vmem_shared>>
    %dma_wait3A_202 = tpu.memref_slice %arg14[%dma_wait3A_191] : memref<4x!tpu.dma_semaphore, #tpu.memory_space<semaphore_mem>> -> memref<1x!tpu.dma_semaphore, #tpu.memory_space<semaphore_mem>>
    %dma_wait3A_203 = tpu.memref_squeeze %dma_wait3A_202 : memref<1x!tpu.dma_semaphore, #tpu.memory_space<semaphore_mem>> -> memref<!tpu.dma_semaphore, #tpu.memory_space<semaphore_mem>>
    tpu.wait_indirect_dma semaphore(%dma_wait3A_203 : memref<!tpu.dma_semaphore, #tpu.memory_space<semaphore_mem>>) src(%dma_wait3A_195 : memref<80x128xf32, #tpu.memory_space<vmem>>) dst(%dma_wait3A_201 : memref<10112x128xf32, #tpu.memory_space<vmem_shared>>)
    %barrier3A_204 = arith.constant 0 : index
    tpu.barrier barrier_id(%barrier3A_204)
    "tpu.region"() ({
      %run_scoped3A = tpu.sem_alloc : memref<!tpu.dma_semaphore, #tpu.memory_space<semaphore_mem>>
      %dma_start3A_205 = arith.constant 0 : i32
      %dma_start3A_206 = tpu.memref_slice %arg6[%arg0, %multiple_of3A, %dma_start3A_205] : memref<2x10112x128xf32, #tpu.memory_space<hbm>> -> memref<1x632x128xf32, #tpu.memory_space<hbm>>
      %dma_start3A_207 = tpu.memref_squeeze %dma_start3A_206 : memref<1x632x128xf32, #tpu.memory_space<hbm>> -> memref<632x128xf32, #tpu.memory_space<hbm>>
      %dma_start3A_208 = arith.constant 0 : i32
      %dma_start3A_209 = tpu.memref_slice %arg11[%multiple_of3A, %dma_start3A_208] : memref<10112x128xf32, #tpu.memory_space<vmem_shared>> -> memref<632x128xf32, #tpu.memory_space<vmem_shared>>
      tpu.enqueue_dma source(%dma_start3A_209 : memref<632x128xf32, #tpu.memory_space<vmem_shared>>) target(%dma_start3A_207 : memref<632x128xf32, #tpu.memory_space<hbm>>) target_semaphore(%run_scoped3A : memref<!tpu.dma_semaphore, #tpu.memory_space<semaphore_mem>>)
      %dma_wait3A_210 = arith.constant 0 : i32
      %dma_wait3A_211 = tpu.memref_slice %arg6[%arg0, %multiple_of3A, %dma_wait3A_210] : memref<2x10112x128xf32, #tpu.memory_space<hbm>> -> memref<1x632x128xf32, #tpu.memory_space<hbm>>
      %dma_wait3A_212 = tpu.memref_squeeze %dma_wait3A_211 : memref<1x632x128xf32, #tpu.memory_space<hbm>> -> memref<632x128xf32, #tpu.memory_space<hbm>>
      %dma_wait3A_213 = arith.constant 0 : i32
      %dma_wait3A_214 = tpu.memref_slice %arg11[%multiple_of3A, %dma_wait3A_213] : memref<10112x128xf32, #tpu.memory_space<vmem_shared>> -> memref<632x128xf32, #tpu.memory_space<vmem_shared>>
      tpu.wait_dma2 semaphore(%run_scoped3A : memref<!tpu.dma_semaphore, #tpu.memory_space<semaphore_mem>>) src(%dma_wait3A_214 : memref<632x128xf32, #tpu.memory_space<vmem_shared>>) dst(%dma_wait3A_212 : memref<632x128xf32, #tpu.memory_space<hbm>>)
      tpu.yield
    }) : () -> ()
    return
  }
}

#map = affine_map<(d0, d1) -> (0, 0)>
#map1 = affine_map<(d0, d1) -> (0)>
#map2 = affine_map<(d0, d1) -> (0, 0, 0)>
module attributes {stable_mosaic.version = 14 : i64} {
  func.func @_segsum_body(%arg0: i32, %arg1: i32, %arg2: memref<10000x128xf32, #tpu.memory_space<hbm>>, %arg3: memref<320000xi32, #tpu.memory_space<hbm>>, %arg4: memref<320000xi32, #tpu.memory_space<hbm>>, %arg5: memref<10112x128xf32, #tpu.memory_space<hbm>>, %arg6: memref<2x10112x128xf32, #tpu.memory_space<hbm>>, %arg7: memref<4x80xi32, #tpu.memory_space<vmem>>, %arg8: memref<4x80xi32, #tpu.memory_space<vmem>>, %arg9: memref<4x80xi32, #tpu.memory_space<vmem>>, %arg10: memref<4x80x128xf32, #tpu.memory_space<vmem>>, %arg11: memref<10112x128xf32, #tpu.memory_space<vmem_shared>>, %arg12: memref<4x!tpu.dma_semaphore, #tpu.memory_space<semaphore_mem>>, %arg13: memref<4x!tpu.dma_semaphore, #tpu.memory_space<semaphore_mem>>, %arg14: memref<4x!tpu.dma_semaphore, #tpu.memory_space<semaphore_mem>>) attributes {dimension_semantics = [#tpu.dimension_semantics<core_parallel>, #tpu.dimension_semantics<subcore_parallel>], iteration_bounds = array<i64: 2, 16>, scalar_prefetch = 0 : i64, scratch_operands = 8 : i64, tpu.core_type = #tpu.core_type<sc_vector_subcore>, window_params = [{transform_indices = #map}, {transform_indices = #map1}, {transform_indices = #map1}, {transform_indices = #map}, {transform_indices = #map2}]} {
    %mul3A = arith.constant 16 : i32
    %mul3A_0 = arith.muli %arg0, %mul3A : i32
    %add3A = arith.addi %mul3A_0, %arg1 : i32
    %mul3A_1 = arith.constant 632 : i32
    %mul3A_2 = arith.muli %arg1, %mul3A_1 : i32
    %multiple_of3A = tpu.assume_multiple %mul3A_2, 8 : i32
    %mul3A_3 = arith.constant 10000 : i32
    %mul3A_4 = arith.muli %add3A, %mul3A_3 : i32
    "tpu.region"() ({
      %run_scoped3A = tpu.sem_alloc : memref<!tpu.dma_semaphore, #tpu.memory_space<semaphore_mem>>
      %dma_start3A_205 = arith.constant 0 : i32
      %dma_start3A_206 = tpu.memref_slice %arg11[%multiple_of3A, %dma_start3A_205] : memref<10112x128xf32, #tpu.memory_space<vmem_shared>> -> memref<632x128xf32, #tpu.memory_space<vmem_shared>>
      %dma_start3A_207 = arith.constant 0 : i32
      %dma_start3A_208 = tpu.memref_slice %arg5[%multiple_of3A, %dma_start3A_207] : memref<10112x128xf32, #tpu.memory_space<hbm>> -> memref<632x128xf32, #tpu.memory_space<hbm>>
      tpu.enqueue_dma source(%dma_start3A_208 : memref<632x128xf32, #tpu.memory_space<hbm>>) target(%dma_start3A_206 : memref<632x128xf32, #tpu.memory_space<vmem_shared>>) target_semaphore(%run_scoped3A : memref<!tpu.dma_semaphore, #tpu.memory_space<semaphore_mem>>)
      %dma_wait3A_209 = arith.constant 0 : i32
      %dma_wait3A_210 = tpu.memref_slice %arg11[%multiple_of3A, %dma_wait3A_209] : memref<10112x128xf32, #tpu.memory_space<vmem_shared>> -> memref<632x128xf32, #tpu.memory_space<vmem_shared>>
      %dma_wait3A_211 = arith.constant 0 : i32
      %dma_wait3A_212 = tpu.memref_slice %arg5[%multiple_of3A, %dma_wait3A_211] : memref<10112x128xf32, #tpu.memory_space<hbm>> -> memref<632x128xf32, #tpu.memory_space<hbm>>
      tpu.wait_dma2 semaphore(%run_scoped3A : memref<!tpu.dma_semaphore, #tpu.memory_space<semaphore_mem>>) src(%dma_wait3A_212 : memref<632x128xf32, #tpu.memory_space<hbm>>) dst(%dma_wait3A_210 : memref<632x128xf32, #tpu.memory_space<vmem_shared>>)
      tpu.yield
    }) : () -> ()
    %barrier3A = arith.constant 0 : index
    tpu.barrier barrier_id(%barrier3A)
    %add3A_5 = arith.constant 0 : i32
    %add3A_6 = arith.addi %mul3A_4, %add3A_5 : i32
    %multiple_of3A_7 = tpu.assume_multiple %add3A_6, 8 : i32
    %dma_start3A = arith.constant 0 : i32
    %dma_start3A_8 = arith.constant 0 : i32
    %dma_start3A_9 = arith.constant 0 : i32
    %dma_start3A_10 = tpu.memref_slice %arg7[%dma_start3A, %dma_start3A_9] : memref<4x80xi32, #tpu.memory_space<vmem>> -> memref<1x80xi32, #tpu.memory_space<vmem>>
    %dma_start3A_11 = tpu.memref_squeeze %dma_start3A_10 : memref<1x80xi32, #tpu.memory_space<vmem>> -> memref<80xi32, #tpu.memory_space<vmem>>
    %dma_start3A_12 = tpu.memref_slice %arg3[%multiple_of3A_7] : memref<320000xi32, #tpu.memory_space<hbm>> -> memref<80xi32, #tpu.memory_space<hbm>>
    %dma_start3A_13 = tpu.memref_slice %arg12[%dma_start3A_8] : memref<4x!tpu.dma_semaphore, #tpu.memory_space<semaphore_mem>> -> memref<1x!tpu.dma_semaphore, #tpu.memory_space<semaphore_mem>>
    %dma_start3A_14 = tpu.memref_squeeze %dma_start3A_13 : memref<1x!tpu.dma_semaphore, #tpu.memory_space<semaphore_mem>> -> memref<!tpu.dma_semaphore, #tpu.memory_space<semaphore_mem>>
    %dma_start3A_15 = arith.constant 0 : i32
    %dma_start3A_16 = tpu.memref_slice %arg7[%dma_start3A, %dma_start3A_15] : memref<4x80xi32, #tpu.memory_space<vmem>> -> memref<1x80xi32, #tpu.memory_space<vmem>>
    %dma_start3A_17 = tpu.memref_squeeze %dma_start3A_16 : memref<1x80xi32, #tpu.memory_space<vmem>> -> memref<80xi32, #tpu.memory_space<vmem>>
    %dma_start3A_18 = tpu.memref_slice %arg3[%multiple_of3A_7] : memref<320000xi32, #tpu.memory_space<hbm>> -> memref<80xi32, #tpu.memory_space<hbm>>
    tpu.enqueue_dma source(%dma_start3A_18 : memref<80xi32, #tpu.memory_space<hbm>>) target(%dma_start3A_17 : memref<80xi32, #tpu.memory_space<vmem>>) target_semaphore(%dma_start3A_14 : memref<!tpu.dma_semaphore, #tpu.memory_space<semaphore_mem>>)
    %dma_start3A_19 = arith.constant 0 : i32
    %dma_start3A_20 = arith.constant 0 : i32
    %dma_start3A_21 = arith.constant 0 : i32
    %dma_start3A_22 = tpu.memref_slice %arg8[%dma_start3A_19, %dma_start3A_21] : memref<4x80xi32, #tpu.memory_space<vmem>> -> memref<1x80xi32, #tpu.memory_space<vmem>>
    %dma_start3A_23 = tpu.memref_squeeze %dma_start3A_22 : memref<1x80xi32, #tpu.memory_space<vmem>> -> memref<80xi32, #tpu.memory_space<vmem>>
    %dma_start3A_24 = tpu.memref_slice %arg4[%multiple_of3A_7] : memref<320000xi32, #tpu.memory_space<hbm>> -> memref<80xi32, #tpu.memory_space<hbm>>
    %dma_start3A_25 = tpu.memref_slice %arg12[%dma_start3A_20] : memref<4x!tpu.dma_semaphore, #tpu.memory_space<semaphore_mem>> -> memref<1x!tpu.dma_semaphore, #tpu.memory_space<semaphore_mem>>
    %dma_start3A_26 = tpu.memref_squeeze %dma_start3A_25 : memref<1x!tpu.dma_semaphore, #tpu.memory_space<semaphore_mem>> -> memref<!tpu.dma_semaphore, #tpu.memory_space<semaphore_mem>>
    %dma_start3A_27 = arith.constant 0 : i32
    %dma_start3A_28 = tpu.memref_slice %arg8[%dma_start3A_19, %dma_start3A_27] : memref<4x80xi32, #tpu.memory_space<vmem>> -> memref<1x80xi32, #tpu.memory_space<vmem>>
    %dma_start3A_29 = tpu.memref_squeeze %dma_start3A_28 : memref<1x80xi32, #tpu.memory_space<vmem>> -> memref<80xi32, #tpu.memory_space<vmem>>
    %dma_start3A_30 = tpu.memref_slice %arg4[%multiple_of3A_7] : memref<320000xi32, #tpu.memory_space<hbm>> -> memref<80xi32, #tpu.memory_space<hbm>>
    tpu.enqueue_dma source(%dma_start3A_30 : memref<80xi32, #tpu.memory_space<hbm>>) target(%dma_start3A_29 : memref<80xi32, #tpu.memory_space<vmem>>) target_semaphore(%dma_start3A_26 : memref<!tpu.dma_semaphore, #tpu.memory_space<semaphore_mem>>)
    %add3A_31 = arith.constant 80 : i32
    %add3A_32 = arith.addi %mul3A_4, %add3A_31 : i32
    %multiple_of3A_33 = tpu.assume_multiple %add3A_32, 8 : i32
    %dma_start3A_34 = arith.constant 1 : i32
    %dma_start3A_35 = arith.constant 1 : i32
    %dma_start3A_36 = arith.constant 0 : i32
    %dma_start3A_37 = tpu.memref_slice %arg7[%dma_start3A_34, %dma_start3A_36] : memref<4x80xi32, #tpu.memory_space<vmem>> -> memref<1x80xi32, #tpu.memory_space<vmem>>
    %dma_start3A_38 = tpu.memref_squeeze %dma_start3A_37 : memref<1x80xi32, #tpu.memory_space<vmem>> -> memref<80xi32, #tpu.memory_space<vmem>>
    %dma_start3A_39 = tpu.memref_slice %arg3[%multiple_of3A_33] : memref<320000xi32, #tpu.memory_space<hbm>> -> memref<80xi32, #tpu.memory_space<hbm>>
    %dma_start3A_40 = tpu.memref_slice %arg12[%dma_start3A_35] : memref<4x!tpu.dma_semaphore, #tpu.memory_space<semaphore_mem>> -> memref<1x!tpu.dma_semaphore, #tpu.memory_space<semaphore_mem>>
    %dma_start3A_41 = tpu.memref_squeeze %dma_start3A_40 : memref<1x!tpu.dma_semaphore, #tpu.memory_space<semaphore_mem>> -> memref<!tpu.dma_semaphore, #tpu.memory_space<semaphore_mem>>
    %dma_start3A_42 = arith.constant 0 : i32
    %dma_start3A_43 = tpu.memref_slice %arg7[%dma_start3A_34, %dma_start3A_42] : memref<4x80xi32, #tpu.memory_space<vmem>> -> memref<1x80xi32, #tpu.memory_space<vmem>>
    %dma_start3A_44 = tpu.memref_squeeze %dma_start3A_43 : memref<1x80xi32, #tpu.memory_space<vmem>> -> memref<80xi32, #tpu.memory_space<vmem>>
    %dma_start3A_45 = tpu.memref_slice %arg3[%multiple_of3A_33] : memref<320000xi32, #tpu.memory_space<hbm>> -> memref<80xi32, #tpu.memory_space<hbm>>
    tpu.enqueue_dma source(%dma_start3A_45 : memref<80xi32, #tpu.memory_space<hbm>>) target(%dma_start3A_44 : memref<80xi32, #tpu.memory_space<vmem>>) target_semaphore(%dma_start3A_41 : memref<!tpu.dma_semaphore, #tpu.memory_space<semaphore_mem>>)
    %dma_start3A_46 = arith.constant 1 : i32
    %dma_start3A_47 = arith.constant 1 : i32
    %dma_start3A_48 = arith.constant 0 : i32
    %dma_start3A_49 = tpu.memref_slice %arg8[%dma_start3A_46, %dma_start3A_48] : memref<4x80xi32, #tpu.memory_space<vmem>> -> memref<1x80xi32, #tpu.memory_space<vmem>>
    %dma_start3A_50 = tpu.memref_squeeze %dma_start3A_49 : memref<1x80xi32, #tpu.memory_space<vmem>> -> memref<80xi32, #tpu.memory_space<vmem>>
    %dma_start3A_51 = tpu.memref_slice %arg4[%multiple_of3A_33] : memref<320000xi32, #tpu.memory_space<hbm>> -> memref<80xi32, #tpu.memory_space<hbm>>
    %dma_start3A_52 = tpu.memref_slice %arg12[%dma_start3A_47] : memref<4x!tpu.dma_semaphore, #tpu.memory_space<semaphore_mem>> -> memref<1x!tpu.dma_semaphore, #tpu.memory_space<semaphore_mem>>
    %dma_start3A_53 = tpu.memref_squeeze %dma_start3A_52 : memref<1x!tpu.dma_semaphore, #tpu.memory_space<semaphore_mem>> -> memref<!tpu.dma_semaphore, #tpu.memory_space<semaphore_mem>>
    %dma_start3A_54 = arith.constant 0 : i32
    %dma_start3A_55 = tpu.memref_slice %arg8[%dma_start3A_46, %dma_start3A_54] : memref<4x80xi32, #tpu.memory_space<vmem>> -> memref<1x80xi32, #tpu.memory_space<vmem>>
    %dma_start3A_56 = tpu.memref_squeeze %dma_start3A_55 : memref<1x80xi32, #tpu.memory_space<vmem>> -> memref<80xi32, #tpu.memory_space<vmem>>
    %dma_start3A_57 = tpu.memref_slice %arg4[%multiple_of3A_33] : memref<320000xi32, #tpu.memory_space<hbm>> -> memref<80xi32, #tpu.memory_space<hbm>>
    tpu.enqueue_dma source(%dma_start3A_57 : memref<80xi32, #tpu.memory_space<hbm>>) target(%dma_start3A_56 : memref<80xi32, #tpu.memory_space<vmem>>) target_semaphore(%dma_start3A_53 : memref<!tpu.dma_semaphore, #tpu.memory_space<semaphore_mem>>)
    %scan3A = arith.constant 0 : i32
    %scan3A_58 = arith.constant 125 : i32
    %scan3A_59 = arith.addi %scan3A, %scan3A_58 : i32
    %scan3A_60 = arith.constant 1 : i32
    scf.for %scan3A_205 = %scan3A to %scan3A_59 step %scan3A_60  : i32 {
      %mul3A_206 = arith.constant 1 : i32
      %mul3A_207 = arith.muli %scan3A_205, %mul3A_206 : i32
      %add3A_208 = arith.constant 0 : i32
      %add3A_209 = arith.addi %add3A_208, %mul3A_207 : i32
      %rem3A = arith.constant 4 : i32
      %rem3A_210 = arith.remsi %add3A_209, %rem3A : i32
      %dma_wait3A_211 = arith.constant 0 : i32
      %dma_wait3A_212 = tpu.memref_slice %arg7[%rem3A_210, %dma_wait3A_211] : memref<4x80xi32, #tpu.memory_space<vmem>> -> memref<1x80xi32, #tpu.memory_space<vmem>>
      %dma_wait3A_213 = tpu.memref_squeeze %dma_wait3A_212 : memref<1x80xi32, #tpu.memory_space<vmem>> -> memref<80xi32, #tpu.memory_space<vmem>>
      %dma_wait3A_214 = arith.constant 0 : i32
      %dma_wait3A_215 = tpu.memref_slice %arg3[%dma_wait3A_214] : memref<320000xi32, #tpu.memory_space<hbm>> -> memref<80xi32, #tpu.memory_space<hbm>>
      %dma_wait3A_216 = tpu.memref_slice %arg12[%rem3A_210] : memref<4x!tpu.dma_semaphore, #tpu.memory_space<semaphore_mem>> -> memref<1x!tpu.dma_semaphore, #tpu.memory_space<semaphore_mem>>
      %dma_wait3A_217 = tpu.memref_squeeze %dma_wait3A_216 : memref<1x!tpu.dma_semaphore, #tpu.memory_space<semaphore_mem>> -> memref<!tpu.dma_semaphore, #tpu.memory_space<semaphore_mem>>
      %dma_wait3A_218 = arith.constant 0 : i32
      %dma_wait3A_219 = tpu.memref_slice %arg7[%rem3A_210, %dma_wait3A_218] : memref<4x80xi32, #tpu.memory_space<vmem>> -> memref<1x80xi32, #tpu.memory_space<vmem>>
      %dma_wait3A_220 = tpu.memref_squeeze %dma_wait3A_219 : memref<1x80xi32, #tpu.memory_space<vmem>> -> memref<80xi32, #tpu.memory_space<vmem>>
      %dma_wait3A_221 = arith.constant 0 : i32
      %dma_wait3A_222 = tpu.memref_slice %arg3[%dma_wait3A_221] : memref<320000xi32, #tpu.memory_space<hbm>> -> memref<80xi32, #tpu.memory_space<hbm>>
      tpu.wait_dma2 semaphore(%dma_wait3A_217 : memref<!tpu.dma_semaphore, #tpu.memory_space<semaphore_mem>>) src(%dma_wait3A_222 : memref<80xi32, #tpu.memory_space<hbm>>) dst(%dma_wait3A_220 : memref<80xi32, #tpu.memory_space<vmem>>)
      %dma_wait3A_223 = arith.constant 0 : i32
      %dma_wait3A_224 = tpu.memref_slice %arg8[%rem3A_210, %dma_wait3A_223] : memref<4x80xi32, #tpu.memory_space<vmem>> -> memref<1x80xi32, #tpu.memory_space<vmem>>
      %dma_wait3A_225 = tpu.memref_squeeze %dma_wait3A_224 : memref<1x80xi32, #tpu.memory_space<vmem>> -> memref<80xi32, #tpu.memory_space<vmem>>
      %dma_wait3A_226 = arith.constant 0 : i32
      %dma_wait3A_227 = tpu.memref_slice %arg4[%dma_wait3A_226] : memref<320000xi32, #tpu.memory_space<hbm>> -> memref<80xi32, #tpu.memory_space<hbm>>
      %dma_wait3A_228 = tpu.memref_slice %arg12[%rem3A_210] : memref<4x!tpu.dma_semaphore, #tpu.memory_space<semaphore_mem>> -> memref<1x!tpu.dma_semaphore, #tpu.memory_space<semaphore_mem>>
      %dma_wait3A_229 = tpu.memref_squeeze %dma_wait3A_228 : memref<1x!tpu.dma_semaphore, #tpu.memory_space<semaphore_mem>> -> memref<!tpu.dma_semaphore, #tpu.memory_space<semaphore_mem>>
      %dma_wait3A_230 = arith.constant 0 : i32
      %dma_wait3A_231 = tpu.memref_slice %arg8[%rem3A_210, %dma_wait3A_230] : memref<4x80xi32, #tpu.memory_space<vmem>> -> memref<1x80xi32, #tpu.memory_space<vmem>>
      %dma_wait3A_232 = tpu.memref_squeeze %dma_wait3A_231 : memref<1x80xi32, #tpu.memory_space<vmem>> -> memref<80xi32, #tpu.memory_space<vmem>>
      %dma_wait3A_233 = arith.constant 0 : i32
      %dma_wait3A_234 = tpu.memref_slice %arg4[%dma_wait3A_233] : memref<320000xi32, #tpu.memory_space<hbm>> -> memref<80xi32, #tpu.memory_space<hbm>>
      tpu.wait_dma2 semaphore(%dma_wait3A_229 : memref<!tpu.dma_semaphore, #tpu.memory_space<semaphore_mem>>) src(%dma_wait3A_234 : memref<80xi32, #tpu.memory_space<hbm>>) dst(%dma_wait3A_232 : memref<80xi32, #tpu.memory_space<vmem>>)
      %ge3A = arith.constant 4 : i32
      %ge3A_235 = arith.cmpi sge, %add3A_209, %ge3A : i32
      %convert_element_type3A = arith.extui %ge3A_235 : i1 to i32
      %cond3A = arith.constant 0 : i32
      %cond3A_236 = arith.cmpi ne, %convert_element_type3A, %cond3A : i32
      scf.if %cond3A_236 {
        %dma_wait3A_260 = arith.constant 0 : i32
        %dma_wait3A_261 = arith.constant 0 : i32
        %dma_wait3A_262 = tpu.memref_slice %arg10[%rem3A_210, %dma_wait3A_260, %dma_wait3A_261] : memref<4x80x128xf32, #tpu.memory_space<vmem>> -> memref<1x80x128xf32, #tpu.memory_space<vmem>>
        %dma_wait3A_263 = tpu.memref_squeeze %dma_wait3A_262 : memref<1x80x128xf32, #tpu.memory_space<vmem>> -> memref<80x128xf32, #tpu.memory_space<vmem>>
        %dma_wait3A_264 = arith.constant 0 : i32
        %dma_wait3A_265 = tpu.memref_slice %arg9[%rem3A_210, %dma_wait3A_264] : memref<4x80xi32, #tpu.memory_space<vmem>> -> memref<1x80xi32, #tpu.memory_space<vmem>>
        %dma_wait3A_266 = tpu.memref_squeeze %dma_wait3A_265 : memref<1x80xi32, #tpu.memory_space<vmem>> -> memref<80xi32, #tpu.memory_space<vmem>>
        %dma_wait3A_267 = arith.constant 0 : i32
        %dma_wait3A_268 = arith.constant 0 : i32
        %dma_wait3A_269 = tpu.memref_slice %arg11[%dma_wait3A_267, %dma_wait3A_268] : memref<10112x128xf32, #tpu.memory_space<vmem_shared>> -> memref<10112x128xf32, #tpu.memory_space<vmem_shared>>
        %dma_wait3A_270 = tpu.memref_slice %arg14[%rem3A_210] : memref<4x!tpu.dma_semaphore, #tpu.memory_space<semaphore_mem>> -> memref<1x!tpu.dma_semaphore, #tpu.memory_space<semaphore_mem>>
        %dma_wait3A_271 = tpu.memref_squeeze %dma_wait3A_270 : memref<1x!tpu.dma_semaphore, #tpu.memory_space<semaphore_mem>> -> memref<!tpu.dma_semaphore, #tpu.memory_space<semaphore_mem>>
        tpu.wait_indirect_dma semaphore(%dma_wait3A_271 : memref<!tpu.dma_semaphore, #tpu.memory_space<semaphore_mem>>) src(%dma_wait3A_263 : memref<80x128xf32, #tpu.memory_space<vmem>>) dst(%dma_wait3A_269 : memref<10112x128xf32, #tpu.memory_space<vmem_shared>>)
      } else {
      }
      %dma_start3A_237 = arith.constant 0 : i32
      %dma_start3A_238 = arith.constant 0 : i32
      %dma_start3A_239 = tpu.memref_slice %arg10[%rem3A_210, %dma_start3A_237, %dma_start3A_238] : memref<4x80x128xf32, #tpu.memory_space<vmem>> -> memref<1x80x128xf32, #tpu.memory_space<vmem>>
      %dma_start3A_240 = tpu.memref_squeeze %dma_start3A_239 : memref<1x80x128xf32, #tpu.memory_space<vmem>> -> memref<80x128xf32, #tpu.memory_space<vmem>>
      %dma_start3A_241 = arith.constant 0 : i32
      %dma_start3A_242 = tpu.memref_slice %arg8[%rem3A_210, %dma_start3A_241] : memref<4x80xi32, #tpu.memory_space<vmem>> -> memref<1x80xi32, #tpu.memory_space<vmem>>
      %dma_start3A_243 = tpu.memref_squeeze %dma_start3A_242 : memref<1x80xi32, #tpu.memory_space<vmem>> -> memref<80xi32, #tpu.memory_space<vmem>>
      %dma_start3A_244 = arith.constant 0 : i32
      %dma_start3A_245 = arith.constant 0 : i32
      %dma_start3A_246 = tpu.memref_slice %arg2[%dma_start3A_244, %dma_start3A_245] : memref<10000x128xf32, #tpu.memory_space<hbm>> -> memref<10000x128xf32, #tpu.memory_space<hbm>>
      %dma_start3A_247 = tpu.memref_slice %arg13[%rem3A_210] : memref<4x!tpu.dma_semaphore, #tpu.memory_space<semaphore_mem>> -> memref<1x!tpu.dma_semaphore, #tpu.memory_space<semaphore_mem>>
      %dma_start3A_248 = tpu.memref_squeeze %dma_start3A_247 : memref<1x!tpu.dma_semaphore, #tpu.memory_space<semaphore_mem>> -> memref<!tpu.dma_semaphore, #tpu.memory_space<semaphore_mem>>
      tpu.enqueue_indirect_dma source(%dma_start3A_246 : memref<10000x128xf32, #tpu.memory_space<hbm>>) target(%dma_start3A_240 : memref<80x128xf32, #tpu.memory_space<vmem>>) offsets(%dma_start3A_243 : memref<80xi32, #tpu.memory_space<vmem>>) semaphore(%dma_start3A_248 : memref<!tpu.dma_semaphore, #tpu.memory_space<semaphore_mem>>)
      %add3A_249 = arith.constant 2 : i32
      %add3A_250 = arith.addi %add3A_209, %add3A_249 : i32
      %lt3A = arith.constant 125 : i32
      %lt3A_251 = arith.cmpi slt, %add3A_250, %lt3A : i32
      %convert_element_type3A_252 = arith.extui %lt3A_251 : i1 to i32
      %cond3A_253 = arith.constant 0 : i32
      %cond3A_254 = arith.cmpi ne, %convert_element_type3A_252, %cond3A_253 : i32
      scf.if %cond3A_254 {
        %add3A_260 = arith.constant 2 : i32
        %add3A_261 = arith.addi %add3A_209, %add3A_260 : i32
        %add3A_262 = arith.constant 2 : i32
        %add3A_263 = arith.addi %add3A_209, %add3A_262 : i32
        %rem3A_264 = arith.constant 4 : i32
        %rem3A_265 = arith.remsi %add3A_263, %rem3A_264 : i32
        %mul3A_266 = arith.constant 80 : i32
        %mul3A_267 = arith.muli %add3A_261, %mul3A_266 : i32
        %add3A_268 = arith.addi %mul3A_4, %mul3A_267 : i32
        %multiple_of3A_269 = tpu.assume_multiple %add3A_268, 8 : i32
        %dma_start3A_270 = arith.constant 0 : i32
        %dma_start3A_271 = tpu.memref_slice %arg7[%rem3A_265, %dma_start3A_270] : memref<4x80xi32, #tpu.memory_space<vmem>> -> memref<1x80xi32, #tpu.memory_space<vmem>>
        %dma_start3A_272 = tpu.memref_squeeze %dma_start3A_271 : memref<1x80xi32, #tpu.memory_space<vmem>> -> memref<80xi32, #tpu.memory_space<vmem>>
        %dma_start3A_273 = tpu.memref_slice %arg3[%multiple_of3A_269] : memref<320000xi32, #tpu.memory_space<hbm>> -> memref<80xi32, #tpu.memory_space<hbm>>
        %dma_start3A_274 = tpu.memref_slice %arg12[%rem3A_265] : memref<4x!tpu.dma_semaphore, #tpu.memory_space<semaphore_mem>> -> memref<1x!tpu.dma_semaphore, #tpu.memory_space<semaphore_mem>>
        %dma_start3A_275 = tpu.memref_squeeze %dma_start3A_274 : memref<1x!tpu.dma_semaphore, #tpu.memory_space<semaphore_mem>> -> memref<!tpu.dma_semaphore, #tpu.memory_space<semaphore_mem>>
        %dma_start3A_276 = arith.constant 0 : i32
        %dma_start3A_277 = tpu.memref_slice %arg7[%rem3A_265, %dma_start3A_276] : memref<4x80xi32, #tpu.memory_space<vmem>> -> memref<1x80xi32, #tpu.memory_space<vmem>>
        %dma_start3A_278 = tpu.memref_squeeze %dma_start3A_277 : memref<1x80xi32, #tpu.memory_space<vmem>> -> memref<80xi32, #tpu.memory_space<vmem>>
        %dma_start3A_279 = tpu.memref_slice %arg3[%multiple_of3A_269] : memref<320000xi32, #tpu.memory_space<hbm>> -> memref<80xi32, #tpu.memory_space<hbm>>
        tpu.enqueue_dma source(%dma_start3A_279 : memref<80xi32, #tpu.memory_space<hbm>>) target(%dma_start3A_278 : memref<80xi32, #tpu.memory_space<vmem>>) target_semaphore(%dma_start3A_275 : memref<!tpu.dma_semaphore, #tpu.memory_space<semaphore_mem>>)
        %dma_start3A_280 = arith.constant 0 : i32
        %dma_start3A_281 = tpu.memref_slice %arg8[%rem3A_265, %dma_start3A_280] : memref<4x80xi32, #tpu.memory_space<vmem>> -> memref<1x80xi32, #tpu.memory_space<vmem>>
        %dma_start3A_282 = tpu.memref_squeeze %dma_start3A_281 : memref<1x80xi32, #tpu.memory_space<vmem>> -> memref<80xi32, #tpu.memory_space<vmem>>
        %dma_start3A_283 = tpu.memref_slice %arg4[%multiple_of3A_269] : memref<320000xi32, #tpu.memory_space<hbm>> -> memref<80xi32, #tpu.memory_space<hbm>>
        %dma_start3A_284 = tpu.memref_slice %arg12[%rem3A_265] : memref<4x!tpu.dma_semaphore, #tpu.memory_space<semaphore_mem>> -> memref<1x!tpu.dma_semaphore, #tpu.memory_space<semaphore_mem>>
        %dma_start3A_285 = tpu.memref_squeeze %dma_start3A_284 : memref<1x!tpu.dma_semaphore, #tpu.memory_space<semaphore_mem>> -> memref<!tpu.dma_semaphore, #tpu.memory_space<semaphore_mem>>
        %dma_start3A_286 = arith.constant 0 : i32
        %dma_start3A_287 = tpu.memref_slice %arg8[%rem3A_265, %dma_start3A_286] : memref<4x80xi32, #tpu.memory_space<vmem>> -> memref<1x80xi32, #tpu.memory_space<vmem>>
        %dma_start3A_288 = tpu.memref_squeeze %dma_start3A_287 : memref<1x80xi32, #tpu.memory_space<vmem>> -> memref<80xi32, #tpu.memory_space<vmem>>
        %dma_start3A_289 = tpu.memref_slice %arg4[%multiple_of3A_269] : memref<320000xi32, #tpu.memory_space<hbm>> -> memref<80xi32, #tpu.memory_space<hbm>>
        tpu.enqueue_dma source(%dma_start3A_289 : memref<80xi32, #tpu.memory_space<hbm>>) target(%dma_start3A_288 : memref<80xi32, #tpu.memory_space<vmem>>) target_semaphore(%dma_start3A_285 : memref<!tpu.dma_semaphore, #tpu.memory_space<semaphore_mem>>)
      } else {
      }
      %ge3A_255 = arith.constant 1 : i32
      %ge3A_256 = arith.cmpi sge, %add3A_209, %ge3A_255 : i32
      %convert_element_type3A_257 = arith.extui %ge3A_256 : i1 to i32
      %cond3A_258 = arith.constant 0 : i32
      %cond3A_259 = arith.cmpi ne, %convert_element_type3A_257, %cond3A_258 : i32
      scf.if %cond3A_259 {
        %add3A_260 = arith.constant 4 : i32
        %add3A_261 = arith.addi %add3A_209, %add3A_260 : i32
        %sub3A = arith.constant 1 : i32
        %sub3A_262 = arith.subi %add3A_261, %sub3A : i32
        %rem3A_263 = arith.constant 4 : i32
        %rem3A_264 = arith.remsi %sub3A_262, %rem3A_263 : i32
        %dma_wait3A_265 = arith.constant 0 : i32
        %dma_wait3A_266 = arith.constant 0 : i32
        %dma_wait3A_267 = tpu.memref_slice %arg10[%rem3A_264, %dma_wait3A_265, %dma_wait3A_266] : memref<4x80x128xf32, #tpu.memory_space<vmem>> -> memref<1x80x128xf32, #tpu.memory_space<vmem>>
        %dma_wait3A_268 = tpu.memref_squeeze %dma_wait3A_267 : memref<1x80x128xf32, #tpu.memory_space<vmem>> -> memref<80x128xf32, #tpu.memory_space<vmem>>
        %dma_wait3A_269 = arith.constant 0 : i32
        %dma_wait3A_270 = tpu.memref_slice %arg8[%rem3A_264, %dma_wait3A_269] : memref<4x80xi32, #tpu.memory_space<vmem>> -> memref<1x80xi32, #tpu.memory_space<vmem>>
        %dma_wait3A_271 = tpu.memref_squeeze %dma_wait3A_270 : memref<1x80xi32, #tpu.memory_space<vmem>> -> memref<80xi32, #tpu.memory_space<vmem>>
        %dma_wait3A_272 = arith.constant 0 : i32
        %dma_wait3A_273 = arith.constant 0 : i32
        %dma_wait3A_274 = tpu.memref_slice %arg2[%dma_wait3A_272, %dma_wait3A_273] : memref<10000x128xf32, #tpu.memory_space<hbm>> -> memref<10000x128xf32, #tpu.memory_space<hbm>>
        %dma_wait3A_275 = tpu.memref_slice %arg13[%rem3A_264] : memref<4x!tpu.dma_semaphore, #tpu.memory_space<semaphore_mem>> -> memref<1x!tpu.dma_semaphore, #tpu.memory_space<semaphore_mem>>
        %dma_wait3A_276 = tpu.memref_squeeze %dma_wait3A_275 : memref<1x!tpu.dma_semaphore, #tpu.memory_space<semaphore_mem>> -> memref<!tpu.dma_semaphore, #tpu.memory_space<semaphore_mem>>
        tpu.wait_indirect_dma semaphore(%dma_wait3A_276 : memref<!tpu.dma_semaphore, #tpu.memory_space<semaphore_mem>>) src(%dma_wait3A_274 : memref<10000x128xf32, #tpu.memory_space<hbm>>) dst(%dma_wait3A_268 : memref<80x128xf32, #tpu.memory_space<vmem>>)
        %get3A_277 = arith.index_cast %rem3A_264 : i32 to index
        %get3A_278 = arith.constant 0 : index
        %get3A_279 = tpu.vector_load %arg7[%get3A_277, %get3A_278] {strides = array<i32>} : memref<4x80xi32, #tpu.memory_space<vmem>>, vector<1x16xi32>,
        %get3A_280 = vector.shape_cast %get3A_279 : vector<1x16xi32> to vector<16xi32>
        %swap3A_281 = arith.index_cast %rem3A_264 : i32 to index
        %swap3A_282 = arith.constant 0 : index
        %swap3A_283 = tpu.vector_load %arg9[%swap3A_281, %swap3A_282] {strides = array<i32>} : memref<4x80xi32, #tpu.memory_space<vmem>>, vector<1x16xi32>,
        %swap3A_284 = vector.shape_cast %swap3A_283 : vector<1x16xi32> to vector<16xi32>
        %swap3A_285 = vector.shape_cast %get3A_280 : vector<16xi32> to vector<1x16xi32>
        tpu.vector_store %arg9[%swap3A_281, %swap3A_282], %swap3A_285 {strides = array<i32>} : memref<4x80xi32, #tpu.memory_space<vmem>>, vector<1x16xi32>,
        %get3A_286 = arith.index_cast %rem3A_264 : i32 to index
        %get3A_287 = arith.constant 16 : index
        %get3A_288 = tpu.vector_load %arg7[%get3A_286, %get3A_287] {strides = array<i32>} : memref<4x80xi32, #tpu.memory_space<vmem>>, vector<1x16xi32>,
        %get3A_289 = vector.shape_cast %get3A_288 : vector<1x16xi32> to vector<16xi32>
        %swap3A_290 = arith.index_cast %rem3A_264 : i32 to index
        %swap3A_291 = arith.constant 16 : index
        %swap3A_292 = tpu.vector_load %arg9[%swap3A_290, %swap3A_291] {strides = array<i32>} : memref<4x80xi32, #tpu.memory_space<vmem>>, vector<1x16xi32>,
        %swap3A_293 = vector.shape_cast %swap3A_292 : vector<1x16xi32> to vector<16xi32>
        %swap3A_294 = vector.shape_cast %get3A_289 : vector<16xi32> to vector<1x16xi32>
        tpu.vector_store %arg9[%swap3A_290, %swap3A_291], %swap3A_294 {strides = array<i32>} : memref<4x80xi32, #tpu.memory_space<vmem>>, vector<1x16xi32>,
        %get3A_295 = arith.index_cast %rem3A_264 : i32 to index
        %get3A_296 = arith.constant 32 : index
        %get3A_297 = tpu.vector_load %arg7[%get3A_295, %get3A_296] {strides = array<i32>} : memref<4x80xi32, #tpu.memory_space<vmem>>, vector<1x16xi32>,
        %get3A_298 = vector.shape_cast %get3A_297 : vector<1x16xi32> to vector<16xi32>
        %swap3A_299 = arith.index_cast %rem3A_264 : i32 to index
        %swap3A_300 = arith.constant 32 : index
        %swap3A_301 = tpu.vector_load %arg9[%swap3A_299, %swap3A_300] {strides = array<i32>} : memref<4x80xi32, #tpu.memory_space<vmem>>, vector<1x16xi32>,
        %swap3A_302 = vector.shape_cast %swap3A_301 : vector<1x16xi32> to vector<16xi32>
        %swap3A_303 = vector.shape_cast %get3A_298 : vector<16xi32> to vector<1x16xi32>
        tpu.vector_store %arg9[%swap3A_299, %swap3A_300], %swap3A_303 {strides = array<i32>} : memref<4x80xi32, #tpu.memory_space<vmem>>, vector<1x16xi32>,
        %get3A_304 = arith.index_cast %rem3A_264 : i32 to index
        %get3A_305 = arith.constant 48 : index
        %get3A_306 = tpu.vector_load %arg7[%get3A_304, %get3A_305] {strides = array<i32>} : memref<4x80xi32, #tpu.memory_space<vmem>>, vector<1x16xi32>,
        %get3A_307 = vector.shape_cast %get3A_306 : vector<1x16xi32> to vector<16xi32>
        %swap3A_308 = arith.index_cast %rem3A_264 : i32 to index
        %swap3A_309 = arith.constant 48 : index
        %swap3A_310 = tpu.vector_load %arg9[%swap3A_308, %swap3A_309] {strides = array<i32>} : memref<4x80xi32, #tpu.memory_space<vmem>>, vector<1x16xi32>,
        %swap3A_311 = vector.shape_cast %swap3A_310 : vector<1x16xi32> to vector<16xi32>
        %swap3A_312 = vector.shape_cast %get3A_307 : vector<16xi32> to vector<1x16xi32>
        tpu.vector_store %arg9[%swap3A_308, %swap3A_309], %swap3A_312 {strides = array<i32>} : memref<4x80xi32, #tpu.memory_space<vmem>>, vector<1x16xi32>,
        %get3A_313 = arith.index_cast %rem3A_264 : i32 to index
        %get3A_314 = arith.constant 64 : index
        %get3A_315 = tpu.vector_load %arg7[%get3A_313, %get3A_314] {strides = array<i32>} : memref<4x80xi32, #tpu.memory_space<vmem>>, vector<1x16xi32>,
        %get3A_316 = vector.shape_cast %get3A_315 : vector<1x16xi32> to vector<16xi32>
        %swap3A_317 = arith.index_cast %rem3A_264 : i32 to index
        %swap3A_318 = arith.constant 64 : index
        %swap3A_319 = tpu.vector_load %arg9[%swap3A_317, %swap3A_318] {strides = array<i32>} : memref<4x80xi32, #tpu.memory_space<vmem>>, vector<1x16xi32>,
        %swap3A_320 = vector.shape_cast %swap3A_319 : vector<1x16xi32> to vector<16xi32>
        %swap3A_321 = vector.shape_cast %get3A_316 : vector<16xi32> to vector<1x16xi32>
        tpu.vector_store %arg9[%swap3A_317, %swap3A_318], %swap3A_321 {strides = array<i32>} : memref<4x80xi32, #tpu.memory_space<vmem>>, vector<1x16xi32>,
        %dma_start3A_322 = arith.constant 0 : i32
        %dma_start3A_323 = arith.constant 0 : i32
        %dma_start3A_324 = tpu.memref_slice %arg10[%rem3A_264, %dma_start3A_322, %dma_start3A_323] : memref<4x80x128xf32, #tpu.memory_space<vmem>> -> memref<1x80x128xf32, #tpu.memory_space<vmem>>
        %dma_start3A_325 = tpu.memref_squeeze %dma_start3A_324 : memref<1x80x128xf32, #tpu.memory_space<vmem>> -> memref<80x128xf32, #tpu.memory_space<vmem>>
        %dma_start3A_326 = arith.constant 0 : i32
        %dma_start3A_327 = tpu.memref_slice %arg9[%rem3A_264, %dma_start3A_326] : memref<4x80xi32, #tpu.memory_space<vmem>> -> memref<1x80xi32, #tpu.memory_space<vmem>>
        %dma_start3A_328 = tpu.memref_squeeze %dma_start3A_327 : memref<1x80xi32, #tpu.memory_space<vmem>> -> memref<80xi32, #tpu.memory_space<vmem>>
        %dma_start3A_329 = arith.constant 0 : i32
        %dma_start3A_330 = arith.constant 0 : i32
        %dma_start3A_331 = tpu.memref_slice %arg11[%dma_start3A_329, %dma_start3A_330] : memref<10112x128xf32, #tpu.memory_space<vmem_shared>> -> memref<10112x128xf32, #tpu.memory_space<vmem_shared>>
        %dma_start3A_332 = tpu.memref_slice %arg14[%rem3A_264] : memref<4x!tpu.dma_semaphore, #tpu.memory_space<semaphore_mem>> -> memref<1x!tpu.dma_semaphore, #tpu.memory_space<semaphore_mem>>
        %dma_start3A_333 = tpu.memref_squeeze %dma_start3A_332 : memref<1x!tpu.dma_semaphore, #tpu.memory_space<semaphore_mem>> -> memref<!tpu.dma_semaphore, #tpu.memory_space<semaphore_mem>>
        tpu.enqueue_indirect_dma source(%dma_start3A_325 : memref<80x128xf32, #tpu.memory_space<vmem>>) target(%dma_start3A_331 : memref<10112x128xf32, #tpu.memory_space<vmem_shared>>) offsets(%dma_start3A_328 : memref<80xi32, #tpu.memory_space<vmem>>) semaphore(%dma_start3A_333 : memref<!tpu.dma_semaphore, #tpu.memory_space<semaphore_mem>>) {add = true}
      } else {
      }
    }
    %scan3A_61 = arith.constant 125 : i32
    %dma_wait3A = arith.constant 0 : i32
    %dma_wait3A_62 = arith.constant 0 : i32
    %dma_wait3A_63 = arith.constant 0 : i32
    %dma_wait3A_64 = arith.constant 0 : i32
    %dma_wait3A_65 = arith.constant 0 : i32
    %dma_wait3A_66 = tpu.memref_slice %arg10[%dma_wait3A_62, %dma_wait3A_64, %dma_wait3A_65] : memref<4x80x128xf32, #tpu.memory_space<vmem>> -> memref<1x80x128xf32, #tpu.memory_space<vmem>>
    %dma_wait3A_67 = tpu.memref_squeeze %dma_wait3A_66 : memref<1x80x128xf32, #tpu.memory_space<vmem>> -> memref<80x128xf32, #tpu.memory_space<vmem>>
    %dma_wait3A_68 = arith.constant 0 : i32
    %dma_wait3A_69 = tpu.memref_slice %arg8[%dma_wait3A, %dma_wait3A_68] : memref<4x80xi32, #tpu.memory_space<vmem>> -> memref<1x80xi32, #tpu.memory_space<vmem>>
    %dma_wait3A_70 = tpu.memref_squeeze %dma_wait3A_69 : memref<1x80xi32, #tpu.memory_space<vmem>> -> memref<80xi32, #tpu.memory_space<vmem>>
    %dma_wait3A_71 = arith.constant 0 : i32
    %dma_wait3A_72 = arith.constant 0 : i32
    %dma_wait3A_73 = tpu.memref_slice %arg2[%dma_wait3A_71, %dma_wait3A_72] : memref<10000x128xf32, #tpu.memory_space<hbm>> -> memref<10000x128xf32, #tpu.memory_space<hbm>>
    %dma_wait3A_74 = tpu.memref_slice %arg13[%dma_wait3A_63] : memref<4x!tpu.dma_semaphore, #tpu.memory_space<semaphore_mem>> -> memref<1x!tpu.dma_semaphore, #tpu.memory_space<semaphore_mem>>
    %dma_wait3A_75 = tpu.memref_squeeze %dma_wait3A_74 : memref<1x!tpu.dma_semaphore, #tpu.memory_space<semaphore_mem>> -> memref<!tpu.dma_semaphore, #tpu.memory_space<semaphore_mem>>
    tpu.wait_indirect_dma semaphore(%dma_wait3A_75 : memref<!tpu.dma_semaphore, #tpu.memory_space<semaphore_mem>>) src(%dma_wait3A_73 : memref<10000x128xf32, #tpu.memory_space<hbm>>) dst(%dma_wait3A_67 : memref<80x128xf32, #tpu.memory_space<vmem>>)
    %get3A = arith.constant 0 : i32
    %get3A_76 = arith.index_cast %get3A : i32 to index
    %get3A_77 = arith.constant 0 : index
    %get3A_78 = tpu.vector_load %arg7[%get3A_76, %get3A_77] {strides = array<i32>} : memref<4x80xi32, #tpu.memory_space<vmem>>, vector<1x16xi32>,
    %get3A_79 = vector.shape_cast %get3A_78 : vector<1x16xi32> to vector<16xi32>
    %swap3A = arith.constant 0 : i32
    %swap3A_80 = arith.index_cast %swap3A : i32 to index
    %swap3A_81 = arith.constant 0 : index
    %swap3A_82 = tpu.vector_load %arg9[%swap3A_80, %swap3A_81] {strides = array<i32>} : memref<4x80xi32, #tpu.memory_space<vmem>>, vector<1x16xi32>,
    %swap3A_83 = vector.shape_cast %swap3A_82 : vector<1x16xi32> to vector<16xi32>
    %swap3A_84 = vector.shape_cast %get3A_79 : vector<16xi32> to vector<1x16xi32>
    tpu.vector_store %arg9[%swap3A_80, %swap3A_81], %swap3A_84 {strides = array<i32>} : memref<4x80xi32, #tpu.memory_space<vmem>>, vector<1x16xi32>,
    %get3A_85 = arith.constant 0 : i32
    %get3A_86 = arith.index_cast %get3A_85 : i32 to index
    %get3A_87 = arith.constant 16 : index
    %get3A_88 = tpu.vector_load %arg7[%get3A_86, %get3A_87] {strides = array<i32>} : memref<4x80xi32, #tpu.memory_space<vmem>>, vector<1x16xi32>,
    %get3A_89 = vector.shape_cast %get3A_88 : vector<1x16xi32> to vector<16xi32>
    %swap3A_90 = arith.constant 0 : i32
    %swap3A_91 = arith.index_cast %swap3A_90 : i32 to index
    %swap3A_92 = arith.constant 16 : index
    %swap3A_93 = tpu.vector_load %arg9[%swap3A_91, %swap3A_92] {strides = array<i32>} : memref<4x80xi32, #tpu.memory_space<vmem>>, vector<1x16xi32>,
    %swap3A_94 = vector.shape_cast %swap3A_93 : vector<1x16xi32> to vector<16xi32>
    %swap3A_95 = vector.shape_cast %get3A_89 : vector<16xi32> to vector<1x16xi32>
    tpu.vector_store %arg9[%swap3A_91, %swap3A_92], %swap3A_95 {strides = array<i32>} : memref<4x80xi32, #tpu.memory_space<vmem>>, vector<1x16xi32>,
    %get3A_96 = arith.constant 0 : i32
    %get3A_97 = arith.index_cast %get3A_96 : i32 to index
    %get3A_98 = arith.constant 32 : index
    %get3A_99 = tpu.vector_load %arg7[%get3A_97, %get3A_98] {strides = array<i32>} : memref<4x80xi32, #tpu.memory_space<vmem>>, vector<1x16xi32>,
    %get3A_100 = vector.shape_cast %get3A_99 : vector<1x16xi32> to vector<16xi32>
    %swap3A_101 = arith.constant 0 : i32
    %swap3A_102 = arith.index_cast %swap3A_101 : i32 to index
    %swap3A_103 = arith.constant 32 : index
    %swap3A_104 = tpu.vector_load %arg9[%swap3A_102, %swap3A_103] {strides = array<i32>} : memref<4x80xi32, #tpu.memory_space<vmem>>, vector<1x16xi32>,
    %swap3A_105 = vector.shape_cast %swap3A_104 : vector<1x16xi32> to vector<16xi32>
    %swap3A_106 = vector.shape_cast %get3A_100 : vector<16xi32> to vector<1x16xi32>
    tpu.vector_store %arg9[%swap3A_102, %swap3A_103], %swap3A_106 {strides = array<i32>} : memref<4x80xi32, #tpu.memory_space<vmem>>, vector<1x16xi32>,
    %get3A_107 = arith.constant 0 : i32
    %get3A_108 = arith.index_cast %get3A_107 : i32 to index
    %get3A_109 = arith.constant 48 : index
    %get3A_110 = tpu.vector_load %arg7[%get3A_108, %get3A_109] {strides = array<i32>} : memref<4x80xi32, #tpu.memory_space<vmem>>, vector<1x16xi32>,
    %get3A_111 = vector.shape_cast %get3A_110 : vector<1x16xi32> to vector<16xi32>
    %swap3A_112 = arith.constant 0 : i32
    %swap3A_113 = arith.index_cast %swap3A_112 : i32 to index
    %swap3A_114 = arith.constant 48 : index
    %swap3A_115 = tpu.vector_load %arg9[%swap3A_113, %swap3A_114] {strides = array<i32>} : memref<4x80xi32, #tpu.memory_space<vmem>>, vector<1x16xi32>,
    %swap3A_116 = vector.shape_cast %swap3A_115 : vector<1x16xi32> to vector<16xi32>
    %swap3A_117 = vector.shape_cast %get3A_111 : vector<16xi32> to vector<1x16xi32>
    tpu.vector_store %arg9[%swap3A_113, %swap3A_114], %swap3A_117 {strides = array<i32>} : memref<4x80xi32, #tpu.memory_space<vmem>>, vector<1x16xi32>,
    %get3A_118 = arith.constant 0 : i32
    %get3A_119 = arith.index_cast %get3A_118 : i32 to index
    %get3A_120 = arith.constant 64 : index
    %get3A_121 = tpu.vector_load %arg7[%get3A_119, %get3A_120] {strides = array<i32>} : memref<4x80xi32, #tpu.memory_space<vmem>>, vector<1x16xi32>,
    %get3A_122 = vector.shape_cast %get3A_121 : vector<1x16xi32> to vector<16xi32>
    %swap3A_123 = arith.constant 0 : i32
    %swap3A_124 = arith.index_cast %swap3A_123 : i32 to index
    %swap3A_125 = arith.constant 64 : index
    %swap3A_126 = tpu.vector_load %arg9[%swap3A_124, %swap3A_125] {strides = array<i32>} : memref<4x80xi32, #tpu.memory_space<vmem>>, vector<1x16xi32>,
    %swap3A_127 = vector.shape_cast %swap3A_126 : vector<1x16xi32> to vector<16xi32>
    %swap3A_128 = vector.shape_cast %get3A_122 : vector<16xi32> to vector<1x16xi32>
    tpu.vector_store %arg9[%swap3A_124, %swap3A_125], %swap3A_128 {strides = array<i32>} : memref<4x80xi32, #tpu.memory_space<vmem>>, vector<1x16xi32>,
    %dma_start3A_129 = arith.constant 0 : i32
    %dma_start3A_130 = arith.constant 0 : i32
    %dma_start3A_131 = arith.constant 0 : i32
    %dma_start3A_132 = arith.constant 0 : i32
    %dma_start3A_133 = arith.constant 0 : i32
    %dma_start3A_134 = tpu.memref_slice %arg10[%dma_start3A_129, %dma_start3A_132, %dma_start3A_133] : memref<4x80x128xf32, #tpu.memory_space<vmem>> -> memref<1x80x128xf32, #tpu.memory_space<vmem>>
    %dma_start3A_135 = tpu.memref_squeeze %dma_start3A_134 : memref<1x80x128xf32, #tpu.memory_space<vmem>> -> memref<80x128xf32, #tpu.memory_space<vmem>>
    %dma_start3A_136 = arith.constant 0 : i32
    %dma_start3A_137 = tpu.memref_slice %arg9[%dma_start3A_130, %dma_start3A_136] : memref<4x80xi32, #tpu.memory_space<vmem>> -> memref<1x80xi32, #tpu.memory_space<vmem>>
    %dma_start3A_138 = tpu.memref_squeeze %dma_start3A_137 : memref<1x80xi32, #tpu.memory_space<vmem>> -> memref<80xi32, #tpu.memory_space<vmem>>
    %dma_start3A_139 = arith.constant 0 : i32
    %dma_start3A_140 = arith.constant 0 : i32
    %dma_start3A_141 = tpu.memref_slice %arg11[%dma_start3A_139, %dma_start3A_140] : memref<10112x128xf32, #tpu.memory_space<vmem_shared>> -> memref<10112x128xf32, #tpu.memory_space<vmem_shared>>
    %dma_start3A_142 = tpu.memref_slice %arg14[%dma_start3A_131] : memref<4x!tpu.dma_semaphore, #tpu.memory_space<semaphore_mem>> -> memref<1x!tpu.dma_semaphore, #tpu.memory_space<semaphore_mem>>
    %dma_start3A_143 = tpu.memref_squeeze %dma_start3A_142 : memref<1x!tpu.dma_semaphore, #tpu.memory_space<semaphore_mem>> -> memref<!tpu.dma_semaphore, #tpu.memory_space<semaphore_mem>>
    tpu.enqueue_indirect_dma source(%dma_start3A_135 : memref<80x128xf32, #tpu.memory_space<vmem>>) target(%dma_start3A_141 : memref<10112x128xf32, #tpu.memory_space<vmem_shared>>) offsets(%dma_start3A_138 : memref<80xi32, #tpu.memory_space<vmem>>) semaphore(%dma_start3A_143 : memref<!tpu.dma_semaphore, #tpu.memory_space<semaphore_mem>>) {add = true}
    %dma_wait3A_144 = arith.constant 0 : i32
    %dma_wait3A_145 = arith.constant 0 : i32
    %dma_wait3A_146 = arith.constant 0 : i32
    %dma_wait3A_147 = arith.constant 0 : i32
    %dma_wait3A_148 = arith.constant 0 : i32
    %dma_wait3A_149 = tpu.memref_slice %arg10[%dma_wait3A_144, %dma_wait3A_147, %dma_wait3A_148] : memref<4x80x128xf32, #tpu.memory_space<vmem>> -> memref<1x80x128xf32, #tpu.memory_space<vmem>>
    %dma_wait3A_150 = tpu.memref_squeeze %dma_wait3A_149 : memref<1x80x128xf32, #tpu.memory_space<vmem>> -> memref<80x128xf32, #tpu.memory_space<vmem>>
    %dma_wait3A_151 = arith.constant 0 : i32
    %dma_wait3A_152 = tpu.memref_slice %arg9[%dma_wait3A_145, %dma_wait3A_151] : memref<4x80xi32, #tpu.memory_space<vmem>> -> memref<1x80xi32, #tpu.memory_space<vmem>>
    %dma_wait3A_153 = tpu.memref_squeeze %dma_wait3A_152 : memref<1x80xi32, #tpu.memory_space<vmem>> -> memref<80xi32, #tpu.memory_space<vmem>>
    %dma_wait3A_154 = arith.constant 0 : i32
    %dma_wait3A_155 = arith.constant 0 : i32
    %dma_wait3A_156 = tpu.memref_slice %arg11[%dma_wait3A_154, %dma_wait3A_155] : memref<10112x128xf32, #tpu.memory_space<vmem_shared>> -> memref<10112x128xf32, #tpu.memory_space<vmem_shared>>
    %dma_wait3A_157 = tpu.memref_slice %arg14[%dma_wait3A_146] : memref<4x!tpu.dma_semaphore, #tpu.memory_space<semaphore_mem>> -> memref<1x!tpu.dma_semaphore, #tpu.memory_space<semaphore_mem>>
    %dma_wait3A_158 = tpu.memref_squeeze %dma_wait3A_157 : memref<1x!tpu.dma_semaphore, #tpu.memory_space<semaphore_mem>> -> memref<!tpu.dma_semaphore, #tpu.memory_space<semaphore_mem>>
    tpu.wait_indirect_dma semaphore(%dma_wait3A_158 : memref<!tpu.dma_semaphore, #tpu.memory_space<semaphore_mem>>) src(%dma_wait3A_150 : memref<80x128xf32, #tpu.memory_space<vmem>>) dst(%dma_wait3A_156 : memref<10112x128xf32, #tpu.memory_space<vmem_shared>>)
    %dma_wait3A_159 = arith.constant 1 : i32
    %dma_wait3A_160 = arith.constant 1 : i32
    %dma_wait3A_161 = arith.constant 1 : i32
    %dma_wait3A_162 = arith.constant 0 : i32
    %dma_wait3A_163 = arith.constant 0 : i32
    %dma_wait3A_164 = tpu.memref_slice %arg10[%dma_wait3A_159, %dma_wait3A_162, %dma_wait3A_163] : memref<4x80x128xf32, #tpu.memory_space<vmem>> -> memref<1x80x128xf32, #tpu.memory_space<vmem>>
    %dma_wait3A_165 = tpu.memref_squeeze %dma_wait3A_164 : memref<1x80x128xf32, #tpu.memory_space<vmem>> -> memref<80x128xf32, #tpu.memory_space<vmem>>
    %dma_wait3A_166 = arith.constant 0 : i32
    %dma_wait3A_167 = tpu.memref_slice %arg9[%dma_wait3A_160, %dma_wait3A_166] : memref<4x80xi32, #tpu.memory_space<vmem>> -> memref<1x80xi32, #tpu.memory_space<vmem>>
    %dma_wait3A_168 = tpu.memref_squeeze %dma_wait3A_167 : memref<1x80xi32, #tpu.memory_space<vmem>> -> memref<80xi32, #tpu.memory_space<vmem>>
    %dma_wait3A_169 = arith.constant 0 : i32
    %dma_wait3A_170 = arith.constant 0 : i32
    %dma_wait3A_171 = tpu.memref_slice %arg11[%dma_wait3A_169, %dma_wait3A_170] : memref<10112x128xf32, #tpu.memory_space<vmem_shared>> -> memref<10112x128xf32, #tpu.memory_space<vmem_shared>>
    %dma_wait3A_172 = tpu.memref_slice %arg14[%dma_wait3A_161] : memref<4x!tpu.dma_semaphore, #tpu.memory_space<semaphore_mem>> -> memref<1x!tpu.dma_semaphore, #tpu.memory_space<semaphore_mem>>
    %dma_wait3A_173 = tpu.memref_squeeze %dma_wait3A_172 : memref<1x!tpu.dma_semaphore, #tpu.memory_space<semaphore_mem>> -> memref<!tpu.dma_semaphore, #tpu.memory_space<semaphore_mem>>
    tpu.wait_indirect_dma semaphore(%dma_wait3A_173 : memref<!tpu.dma_semaphore, #tpu.memory_space<semaphore_mem>>) src(%dma_wait3A_165 : memref<80x128xf32, #tpu.memory_space<vmem>>) dst(%dma_wait3A_171 : memref<10112x128xf32, #tpu.memory_space<vmem_shared>>)
    %dma_wait3A_174 = arith.constant 2 : i32
    %dma_wait3A_175 = arith.constant 2 : i32
    %dma_wait3A_176 = arith.constant 2 : i32
    %dma_wait3A_177 = arith.constant 0 : i32
    %dma_wait3A_178 = arith.constant 0 : i32
    %dma_wait3A_179 = tpu.memref_slice %arg10[%dma_wait3A_174, %dma_wait3A_177, %dma_wait3A_178] : memref<4x80x128xf32, #tpu.memory_space<vmem>> -> memref<1x80x128xf32, #tpu.memory_space<vmem>>
    %dma_wait3A_180 = tpu.memref_squeeze %dma_wait3A_179 : memref<1x80x128xf32, #tpu.memory_space<vmem>> -> memref<80x128xf32, #tpu.memory_space<vmem>>
    %dma_wait3A_181 = arith.constant 0 : i32
    %dma_wait3A_182 = tpu.memref_slice %arg9[%dma_wait3A_175, %dma_wait3A_181] : memref<4x80xi32, #tpu.memory_space<vmem>> -> memref<1x80xi32, #tpu.memory_space<vmem>>
    %dma_wait3A_183 = tpu.memref_squeeze %dma_wait3A_182 : memref<1x80xi32, #tpu.memory_space<vmem>> -> memref<80xi32, #tpu.memory_space<vmem>>
    %dma_wait3A_184 = arith.constant 0 : i32
    %dma_wait3A_185 = arith.constant 0 : i32
    %dma_wait3A_186 = tpu.memref_slice %arg11[%dma_wait3A_184, %dma_wait3A_185] : memref<10112x128xf32, #tpu.memory_space<vmem_shared>> -> memref<10112x128xf32, #tpu.memory_space<vmem_shared>>
    %dma_wait3A_187 = tpu.memref_slice %arg14[%dma_wait3A_176] : memref<4x!tpu.dma_semaphore, #tpu.memory_space<semaphore_mem>> -> memref<1x!tpu.dma_semaphore, #tpu.memory_space<semaphore_mem>>
    %dma_wait3A_188 = tpu.memref_squeeze %dma_wait3A_187 : memref<1x!tpu.dma_semaphore, #tpu.memory_space<semaphore_mem>> -> memref<!tpu.dma_semaphore, #tpu.memory_space<semaphore_mem>>
    tpu.wait_indirect_dma semaphore(%dma_wait3A_188 : memref<!tpu.dma_semaphore, #tpu.memory_space<semaphore_mem>>) src(%dma_wait3A_180 : memref<80x128xf32, #tpu.memory_space<vmem>>) dst(%dma_wait3A_186 : memref<10112x128xf32, #tpu.memory_space<vmem_shared>>)
    %dma_wait3A_189 = arith.constant 3 : i32
    %dma_wait3A_190 = arith.constant 3 : i32
    %dma_wait3A_191 = arith.constant 3 : i32
    %dma_wait3A_192 = arith.constant 0 : i32
    %dma_wait3A_193 = arith.constant 0 : i32
    %dma_wait3A_194 = tpu.memref_slice %arg10[%dma_wait3A_189, %dma_wait3A_192, %dma_wait3A_193] : memref<4x80x128xf32, #tpu.memory_space<vmem>> -> memref<1x80x128xf32, #tpu.memory_space<vmem>>
    %dma_wait3A_195 = tpu.memref_squeeze %dma_wait3A_194 : memref<1x80x128xf32, #tpu.memory_space<vmem>> -> memref<80x128xf32, #tpu.memory_space<vmem>>
    %dma_wait3A_196 = arith.constant 0 : i32
    %dma_wait3A_197 = tpu.memref_slice %arg9[%dma_wait3A_190, %dma_wait3A_196] : memref<4x80xi32, #tpu.memory_space<vmem>> -> memref<1x80xi32, #tpu.memory_space<vmem>>
    %dma_wait3A_198 = tpu.memref_squeeze %dma_wait3A_197 : memref<1x80xi32, #tpu.memory_space<vmem>> -> memref<80xi32, #tpu.memory_space<vmem>>
    %dma_wait3A_199 = arith.constant 0 : i32
    %dma_wait3A_200 = arith.constant 0 : i32
    %dma_wait3A_201 = tpu.memref_slice %arg11[%dma_wait3A_199, %dma_wait3A_200] : memref<10112x128xf32, #tpu.memory_space<vmem_shared>> -> memref<10112x128xf32, #tpu.memory_space<vmem_shared>>
    %dma_wait3A_202 = tpu.memref_slice %arg14[%dma_wait3A_191] : memref<4x!tpu.dma_semaphore, #tpu.memory_space<semaphore_mem>> -> memref<1x!tpu.dma_semaphore, #tpu.memory_space<semaphore_mem>>
    %dma_wait3A_203 = tpu.memref_squeeze %dma_wait3A_202 : memref<1x!tpu.dma_semaphore, #tpu.memory_space<semaphore_mem>> -> memref<!tpu.dma_semaphore, #tpu.memory_space<semaphore_mem>>
    tpu.wait_indirect_dma semaphore(%dma_wait3A_203 : memref<!tpu.dma_semaphore, #tpu.memory_space<semaphore_mem>>) src(%dma_wait3A_195 : memref<80x128xf32, #tpu.memory_space<vmem>>) dst(%dma_wait3A_201 : memref<10112x128xf32, #tpu.memory_space<vmem_shared>>)
    %barrier3A_204 = arith.constant 0 : index
    tpu.barrier barrier_id(%barrier3A_204)
    "tpu.region"() ({
      %run_scoped3A = tpu.sem_alloc : memref<!tpu.dma_semaphore, #tpu.memory_space<semaphore_mem>>
      %dma_start3A_205 = arith.constant 0 : i32
      %dma_start3A_206 = tpu.memref_slice %arg6[%arg0, %multiple_of3A, %dma_start3A_205] : memref<2x10112x128xf32, #tpu.memory_space<hbm>> -> memref<1x632x128xf32, #tpu.memory_space<hbm>>
      %dma_start3A_207 = tpu.memref_squeeze %dma_start3A_206 : memref<1x632x128xf32, #tpu.memory_space<hbm>> -> memref<632x128xf32, #tpu.memory_space<hbm>>
      %dma_start3A_208 = arith.constant 0 : i32
      %dma_start3A_209 = tpu.memref_slice %arg11[%multiple_of3A, %dma_start3A_208] : memref<10112x128xf32, #tpu.memory_space<vmem_shared>> -> memref<632x128xf32, #tpu.memory_space<vmem_shared>>
      tpu.enqueue_dma source(%dma_start3A_209 : memref<632x128xf32, #tpu.memory_space<vmem_shared>>) target(%dma_start3A_207 : memref<632x128xf32, #tpu.memory_space<hbm>>) target_semaphore(%run_scoped3A : memref<!tpu.dma_semaphore, #tpu.memory_space<semaphore_mem>>)
      %dma_wait3A_210 = arith.constant 0 : i32
      %dma_wait3A_211 = tpu.memref_slice %arg6[%arg0, %multiple_of3A, %dma_wait3A_210] : memref<2x10112x128xf32, #tpu.memory_space<hbm>> -> memref<1x632x128xf32, #tpu.memory_space<hbm>>
      %dma_wait3A_212 = tpu.memref_squeeze %dma_wait3A_211 : memref<1x632x128xf32, #tpu.memory_space<hbm>> -> memref<632x128xf32, #tpu.memory_space<hbm>>
      %dma_wait3A_213 = arith.constant 0 : i32
      %dma_wait3A_214 = tpu.memref_slice %arg11[%multiple_of3A, %dma_wait3A_213] : memref<10112x128xf32, #tpu.memory_space<vmem_shared>> -> memref<632x128xf32, #tpu.memory_space<vmem_shared>>
      tpu.wait_dma2 semaphore(%run_scoped3A : memref<!tpu.dma_semaphore, #tpu.memory_space<semaphore_mem>>) src(%dma_wait3A_214 : memref<632x128xf32, #tpu.memory_space<vmem_shared>>) dst(%dma_wait3A_212 : memref<632x128xf32, #tpu.memory_space<hbm>>)
      tpu.yield
    }) : () -> ()
    return
  }
}

#map = affine_map<(d0, d1) -> (0, 0)>
#map1 = affine_map<(d0, d1) -> (0)>
module attributes {stable_mosaic.version = 14 : i64} {
  func.func @_edgesum_body(%arg0: i32, %arg1: i32, %arg2: memref<10000x128xf32, #tpu.memory_space<hbm>>, %arg3: memref<10000x128xf32, #tpu.memory_space<hbm>>, %arg4: memref<320000xi32, #tpu.memory_space<hbm>>, %arg5: memref<320000xi32, #tpu.memory_space<hbm>>, %arg6: memref<320000x128xf32, #tpu.memory_space<hbm>>, %arg7: memref<320000x128xf32, #tpu.memory_space<hbm>>, %arg8: memref<4x80xi32, #tpu.memory_space<vmem>>, %arg9: memref<4x80xi32, #tpu.memory_space<vmem>>, %arg10: memref<4x80x128xf32, #tpu.memory_space<vmem>>, %arg11: memref<4x80x128xf32, #tpu.memory_space<vmem>>, %arg12: memref<4x!tpu.dma_semaphore, #tpu.memory_space<semaphore_mem>>, %arg13: memref<4x!tpu.dma_semaphore, #tpu.memory_space<semaphore_mem>>, %arg14: memref<4x!tpu.dma_semaphore, #tpu.memory_space<semaphore_mem>>, %arg15: memref<4x!tpu.dma_semaphore, #tpu.memory_space<semaphore_mem>>) attributes {dimension_semantics = [#tpu.dimension_semantics<core_parallel>, #tpu.dimension_semantics<subcore_parallel>], iteration_bounds = array<i64: 2, 16>, scalar_prefetch = 0 : i64, scratch_operands = 8 : i64, tpu.core_type = #tpu.core_type<sc_vector_subcore>, window_params = [{transform_indices = #map}, {transform_indices = #map}, {transform_indices = #map1}, {transform_indices = #map1}, {transform_indices = #map}, {transform_indices = #map}]} {
    %mul3A = arith.constant 16 : i32
    %mul3A_0 = arith.muli %arg0, %mul3A : i32
    %add3A = arith.addi %mul3A_0, %arg1 : i32
    %mul3A_1 = arith.constant 10000 : i32
    %mul3A_2 = arith.muli %add3A, %mul3A_1 : i32
    %add3A_3 = arith.constant 0 : i32
    %add3A_4 = arith.addi %mul3A_2, %add3A_3 : i32
    %multiple_of3A = tpu.assume_multiple %add3A_4, 8 : i32
    %dma_start3A = arith.constant 0 : i32
    %dma_start3A_5 = arith.constant 0 : i32
    %dma_start3A_6 = arith.constant 0 : i32
    %dma_start3A_7 = tpu.memref_slice %arg8[%dma_start3A, %dma_start3A_6] : memref<4x80xi32, #tpu.memory_space<vmem>> -> memref<1x80xi32, #tpu.memory_space<vmem>>
    %dma_start3A_8 = tpu.memref_squeeze %dma_start3A_7 : memref<1x80xi32, #tpu.memory_space<vmem>> -> memref<80xi32, #tpu.memory_space<vmem>>
    %dma_start3A_9 = tpu.memref_slice %arg4[%multiple_of3A] : memref<320000xi32, #tpu.memory_space<hbm>> -> memref<80xi32, #tpu.memory_space<hbm>>
    %dma_start3A_10 = tpu.memref_slice %arg12[%dma_start3A_5] : memref<4x!tpu.dma_semaphore, #tpu.memory_space<semaphore_mem>> -> memref<1x!tpu.dma_semaphore, #tpu.memory_space<semaphore_mem>>
    %dma_start3A_11 = tpu.memref_squeeze %dma_start3A_10 : memref<1x!tpu.dma_semaphore, #tpu.memory_space<semaphore_mem>> -> memref<!tpu.dma_semaphore, #tpu.memory_space<semaphore_mem>>
    %dma_start3A_12 = arith.constant 0 : i32
    %dma_start3A_13 = tpu.memref_slice %arg8[%dma_start3A, %dma_start3A_12] : memref<4x80xi32, #tpu.memory_space<vmem>> -> memref<1x80xi32, #tpu.memory_space<vmem>>
    %dma_start3A_14 = tpu.memref_squeeze %dma_start3A_13 : memref<1x80xi32, #tpu.memory_space<vmem>> -> memref<80xi32, #tpu.memory_space<vmem>>
    %dma_start3A_15 = tpu.memref_slice %arg4[%multiple_of3A] : memref<320000xi32, #tpu.memory_space<hbm>> -> memref<80xi32, #tpu.memory_space<hbm>>
    tpu.enqueue_dma source(%dma_start3A_15 : memref<80xi32, #tpu.memory_space<hbm>>) target(%dma_start3A_14 : memref<80xi32, #tpu.memory_space<vmem>>) target_semaphore(%dma_start3A_11 : memref<!tpu.dma_semaphore, #tpu.memory_space<semaphore_mem>>)
    %dma_start3A_16 = arith.constant 0 : i32
    %dma_start3A_17 = arith.constant 0 : i32
    %dma_start3A_18 = arith.constant 0 : i32
    %dma_start3A_19 = tpu.memref_slice %arg9[%dma_start3A_16, %dma_start3A_18] : memref<4x80xi32, #tpu.memory_space<vmem>> -> memref<1x80xi32, #tpu.memory_space<vmem>>
    %dma_start3A_20 = tpu.memref_squeeze %dma_start3A_19 : memref<1x80xi32, #tpu.memory_space<vmem>> -> memref<80xi32, #tpu.memory_space<vmem>>
    %dma_start3A_21 = tpu.memref_slice %arg5[%multiple_of3A] : memref<320000xi32, #tpu.memory_space<hbm>> -> memref<80xi32, #tpu.memory_space<hbm>>
    %dma_start3A_22 = tpu.memref_slice %arg12[%dma_start3A_17] : memref<4x!tpu.dma_semaphore, #tpu.memory_space<semaphore_mem>> -> memref<1x!tpu.dma_semaphore, #tpu.memory_space<semaphore_mem>>
    %dma_start3A_23 = tpu.memref_squeeze %dma_start3A_22 : memref<1x!tpu.dma_semaphore, #tpu.memory_space<semaphore_mem>> -> memref<!tpu.dma_semaphore, #tpu.memory_space<semaphore_mem>>
    %dma_start3A_24 = arith.constant 0 : i32
    %dma_start3A_25 = tpu.memref_slice %arg9[%dma_start3A_16, %dma_start3A_24] : memref<4x80xi32, #tpu.memory_space<vmem>> -> memref<1x80xi32, #tpu.memory_space<vmem>>
    %dma_start3A_26 = tpu.memref_squeeze %dma_start3A_25 : memref<1x80xi32, #tpu.memory_space<vmem>> -> memref<80xi32, #tpu.memory_space<vmem>>
    %dma_start3A_27 = tpu.memref_slice %arg5[%multiple_of3A] : memref<320000xi32, #tpu.memory_space<hbm>> -> memref<80xi32, #tpu.memory_space<hbm>>
    tpu.enqueue_dma source(%dma_start3A_27 : memref<80xi32, #tpu.memory_space<hbm>>) target(%dma_start3A_26 : memref<80xi32, #tpu.memory_space<vmem>>) target_semaphore(%dma_start3A_23 : memref<!tpu.dma_semaphore, #tpu.memory_space<semaphore_mem>>)
    %add3A_28 = arith.constant 80 : i32
    %add3A_29 = arith.addi %mul3A_2, %add3A_28 : i32
    %multiple_of3A_30 = tpu.assume_multiple %add3A_29, 8 : i32
    %dma_start3A_31 = arith.constant 1 : i32
    %dma_start3A_32 = arith.constant 1 : i32
    %dma_start3A_33 = arith.constant 0 : i32
    %dma_start3A_34 = tpu.memref_slice %arg8[%dma_start3A_31, %dma_start3A_33] : memref<4x80xi32, #tpu.memory_space<vmem>> -> memref<1x80xi32, #tpu.memory_space<vmem>>
    %dma_start3A_35 = tpu.memref_squeeze %dma_start3A_34 : memref<1x80xi32, #tpu.memory_space<vmem>> -> memref<80xi32, #tpu.memory_space<vmem>>
    %dma_start3A_36 = tpu.memref_slice %arg4[%multiple_of3A_30] : memref<320000xi32, #tpu.memory_space<hbm>> -> memref<80xi32, #tpu.memory_space<hbm>>
    %dma_start3A_37 = tpu.memref_slice %arg12[%dma_start3A_32] : memref<4x!tpu.dma_semaphore, #tpu.memory_space<semaphore_mem>> -> memref<1x!tpu.dma_semaphore, #tpu.memory_space<semaphore_mem>>
    %dma_start3A_38 = tpu.memref_squeeze %dma_start3A_37 : memref<1x!tpu.dma_semaphore, #tpu.memory_space<semaphore_mem>> -> memref<!tpu.dma_semaphore, #tpu.memory_space<semaphore_mem>>
    %dma_start3A_39 = arith.constant 0 : i32
    %dma_start3A_40 = tpu.memref_slice %arg8[%dma_start3A_31, %dma_start3A_39] : memref<4x80xi32, #tpu.memory_space<vmem>> -> memref<1x80xi32, #tpu.memory_space<vmem>>
    %dma_start3A_41 = tpu.memref_squeeze %dma_start3A_40 : memref<1x80xi32, #tpu.memory_space<vmem>> -> memref<80xi32, #tpu.memory_space<vmem>>
    %dma_start3A_42 = tpu.memref_slice %arg4[%multiple_of3A_30] : memref<320000xi32, #tpu.memory_space<hbm>> -> memref<80xi32, #tpu.memory_space<hbm>>
    tpu.enqueue_dma source(%dma_start3A_42 : memref<80xi32, #tpu.memory_space<hbm>>) target(%dma_start3A_41 : memref<80xi32, #tpu.memory_space<vmem>>) target_semaphore(%dma_start3A_38 : memref<!tpu.dma_semaphore, #tpu.memory_space<semaphore_mem>>)
    %dma_start3A_43 = arith.constant 1 : i32
    %dma_start3A_44 = arith.constant 1 : i32
    %dma_start3A_45 = arith.constant 0 : i32
    %dma_start3A_46 = tpu.memref_slice %arg9[%dma_start3A_43, %dma_start3A_45] : memref<4x80xi32, #tpu.memory_space<vmem>> -> memref<1x80xi32, #tpu.memory_space<vmem>>
    %dma_start3A_47 = tpu.memref_squeeze %dma_start3A_46 : memref<1x80xi32, #tpu.memory_space<vmem>> -> memref<80xi32, #tpu.memory_space<vmem>>
    %dma_start3A_48 = tpu.memref_slice %arg5[%multiple_of3A_30] : memref<320000xi32, #tpu.memory_space<hbm>> -> memref<80xi32, #tpu.memory_space<hbm>>
    %dma_start3A_49 = tpu.memref_slice %arg12[%dma_start3A_44] : memref<4x!tpu.dma_semaphore, #tpu.memory_space<semaphore_mem>> -> memref<1x!tpu.dma_semaphore, #tpu.memory_space<semaphore_mem>>
    %dma_start3A_50 = tpu.memref_squeeze %dma_start3A_49 : memref<1x!tpu.dma_semaphore, #tpu.memory_space<semaphore_mem>> -> memref<!tpu.dma_semaphore, #tpu.memory_space<semaphore_mem>>
    %dma_start3A_51 = arith.constant 0 : i32
    %dma_start3A_52 = tpu.memref_slice %arg9[%dma_start3A_43, %dma_start3A_51] : memref<4x80xi32, #tpu.memory_space<vmem>> -> memref<1x80xi32, #tpu.memory_space<vmem>>
    %dma_start3A_53 = tpu.memref_squeeze %dma_start3A_52 : memref<1x80xi32, #tpu.memory_space<vmem>> -> memref<80xi32, #tpu.memory_space<vmem>>
    %dma_start3A_54 = tpu.memref_slice %arg5[%multiple_of3A_30] : memref<320000xi32, #tpu.memory_space<hbm>> -> memref<80xi32, #tpu.memory_space<hbm>>
    tpu.enqueue_dma source(%dma_start3A_54 : memref<80xi32, #tpu.memory_space<hbm>>) target(%dma_start3A_53 : memref<80xi32, #tpu.memory_space<vmem>>) target_semaphore(%dma_start3A_50 : memref<!tpu.dma_semaphore, #tpu.memory_space<semaphore_mem>>)
    %scan3A = arith.constant 0 : i32
    %scan3A_55 = arith.constant 125 : i32
    %scan3A_56 = arith.addi %scan3A, %scan3A_55 : i32
    %scan3A_57 = arith.constant 1 : i32
    scf.for %scan3A_267 = %scan3A to %scan3A_56 step %scan3A_57  : i32 {
      %mul3A_268 = arith.constant 1 : i32
      %mul3A_269 = arith.muli %scan3A_267, %mul3A_268 : i32
      %add3A_270 = arith.constant 0 : i32
      %add3A_271 = arith.addi %add3A_270, %mul3A_269 : i32
      %rem3A = arith.constant 4 : i32
      %rem3A_272 = arith.remsi %add3A_271, %rem3A : i32
      %dma_wait3A_273 = arith.constant 0 : i32
      %dma_wait3A_274 = tpu.memref_slice %arg8[%rem3A_272, %dma_wait3A_273] : memref<4x80xi32, #tpu.memory_space<vmem>> -> memref<1x80xi32, #tpu.memory_space<vmem>>
      %dma_wait3A_275 = tpu.memref_squeeze %dma_wait3A_274 : memref<1x80xi32, #tpu.memory_space<vmem>> -> memref<80xi32, #tpu.memory_space<vmem>>
      %dma_wait3A_276 = arith.constant 0 : i32
      %dma_wait3A_277 = tpu.memref_slice %arg4[%dma_wait3A_276] : memref<320000xi32, #tpu.memory_space<hbm>> -> memref<80xi32, #tpu.memory_space<hbm>>
      %dma_wait3A_278 = tpu.memref_slice %arg12[%rem3A_272] : memref<4x!tpu.dma_semaphore, #tpu.memory_space<semaphore_mem>> -> memref<1x!tpu.dma_semaphore, #tpu.memory_space<semaphore_mem>>
      %dma_wait3A_279 = tpu.memref_squeeze %dma_wait3A_278 : memref<1x!tpu.dma_semaphore, #tpu.memory_space<semaphore_mem>> -> memref<!tpu.dma_semaphore, #tpu.memory_space<semaphore_mem>>
      %dma_wait3A_280 = arith.constant 0 : i32
      %dma_wait3A_281 = tpu.memref_slice %arg8[%rem3A_272, %dma_wait3A_280] : memref<4x80xi32, #tpu.memory_space<vmem>> -> memref<1x80xi32, #tpu.memory_space<vmem>>
      %dma_wait3A_282 = tpu.memref_squeeze %dma_wait3A_281 : memref<1x80xi32, #tpu.memory_space<vmem>> -> memref<80xi32, #tpu.memory_space<vmem>>
      %dma_wait3A_283 = arith.constant 0 : i32
      %dma_wait3A_284 = tpu.memref_slice %arg4[%dma_wait3A_283] : memref<320000xi32, #tpu.memory_space<hbm>> -> memref<80xi32, #tpu.memory_space<hbm>>
      tpu.wait_dma2 semaphore(%dma_wait3A_279 : memref<!tpu.dma_semaphore, #tpu.memory_space<semaphore_mem>>) src(%dma_wait3A_284 : memref<80xi32, #tpu.memory_space<hbm>>) dst(%dma_wait3A_282 : memref<80xi32, #tpu.memory_space<vmem>>)
      %dma_wait3A_285 = arith.constant 0 : i32
      %dma_wait3A_286 = tpu.memref_slice %arg9[%rem3A_272, %dma_wait3A_285] : memref<4x80xi32, #tpu.memory_space<vmem>> -> memref<1x80xi32, #tpu.memory_space<vmem>>
      %dma_wait3A_287 = tpu.memref_squeeze %dma_wait3A_286 : memref<1x80xi32, #tpu.memory_space<vmem>> -> memref<80xi32, #tpu.memory_space<vmem>>
      %dma_wait3A_288 = arith.constant 0 : i32
      %dma_wait3A_289 = tpu.memref_slice %arg5[%dma_wait3A_288] : memref<320000xi32, #tpu.memory_space<hbm>> -> memref<80xi32, #tpu.memory_space<hbm>>
      %dma_wait3A_290 = tpu.memref_slice %arg12[%rem3A_272] : memref<4x!tpu.dma_semaphore, #tpu.memory_space<semaphore_mem>> -> memref<1x!tpu.dma_semaphore, #tpu.memory_space<semaphore_mem>>
      %dma_wait3A_291 = tpu.memref_squeeze %dma_wait3A_290 : memref<1x!tpu.dma_semaphore, #tpu.memory_space<semaphore_mem>> -> memref<!tpu.dma_semaphore, #tpu.memory_space<semaphore_mem>>
      %dma_wait3A_292 = arith.constant 0 : i32
      %dma_wait3A_293 = tpu.memref_slice %arg9[%rem3A_272, %dma_wait3A_292] : memref<4x80xi32, #tpu.memory_space<vmem>> -> memref<1x80xi32, #tpu.memory_space<vmem>>
      %dma_wait3A_294 = tpu.memref_squeeze %dma_wait3A_293 : memref<1x80xi32, #tpu.memory_space<vmem>> -> memref<80xi32, #tpu.memory_space<vmem>>
      %dma_wait3A_295 = arith.constant 0 : i32
      %dma_wait3A_296 = tpu.memref_slice %arg5[%dma_wait3A_295] : memref<320000xi32, #tpu.memory_space<hbm>> -> memref<80xi32, #tpu.memory_space<hbm>>
      tpu.wait_dma2 semaphore(%dma_wait3A_291 : memref<!tpu.dma_semaphore, #tpu.memory_space<semaphore_mem>>) src(%dma_wait3A_296 : memref<80xi32, #tpu.memory_space<hbm>>) dst(%dma_wait3A_294 : memref<80xi32, #tpu.memory_space<vmem>>)
      %ge3A = arith.constant 4 : i32
      %ge3A_297 = arith.cmpi sge, %add3A_271, %ge3A : i32
      %convert_element_type3A = arith.extui %ge3A_297 : i1 to i32
      %cond3A = arith.constant 0 : i32
      %cond3A_298 = arith.cmpi ne, %convert_element_type3A, %cond3A : i32
      scf.if %cond3A_298 {
        %dma_wait3A_334 = arith.constant 0 : i32
        %dma_wait3A_335 = arith.constant 0 : i32
        %dma_wait3A_336 = tpu.memref_slice %arg10[%rem3A_272, %dma_wait3A_334, %dma_wait3A_335] : memref<4x80x128xf32, #tpu.memory_space<vmem>> -> memref<1x80x128xf32, #tpu.memory_space<vmem>>
        %dma_wait3A_337 = tpu.memref_squeeze %dma_wait3A_336 : memref<1x80x128xf32, #tpu.memory_space<vmem>> -> memref<80x128xf32, #tpu.memory_space<vmem>>
        %dma_wait3A_338 = arith.constant 0 : i32
        %dma_wait3A_339 = arith.constant 0 : i32
        %dma_wait3A_340 = tpu.memref_slice %arg6[%dma_wait3A_338, %dma_wait3A_339] : memref<320000x128xf32, #tpu.memory_space<hbm>> -> memref<80x128xf32, #tpu.memory_space<hbm>>
        %dma_wait3A_341 = tpu.memref_slice %arg15[%rem3A_272] : memref<4x!tpu.dma_semaphore, #tpu.memory_space<semaphore_mem>> -> memref<1x!tpu.dma_semaphore, #tpu.memory_space<semaphore_mem>>
        %dma_wait3A_342 = tpu.memref_squeeze %dma_wait3A_341 : memref<1x!tpu.dma_semaphore, #tpu.memory_space<semaphore_mem>> -> memref<!tpu.dma_semaphore, #tpu.memory_space<semaphore_mem>>
        %dma_wait3A_343 = arith.constant 0 : i32
        %dma_wait3A_344 = arith.constant 0 : i32
        %dma_wait3A_345 = tpu.memref_slice %arg6[%dma_wait3A_343, %dma_wait3A_344] : memref<320000x128xf32, #tpu.memory_space<hbm>> -> memref<80x128xf32, #tpu.memory_space<hbm>>
        %dma_wait3A_346 = arith.constant 0 : i32
        %dma_wait3A_347 = arith.constant 0 : i32
        %dma_wait3A_348 = tpu.memref_slice %arg10[%rem3A_272, %dma_wait3A_346, %dma_wait3A_347] : memref<4x80x128xf32, #tpu.memory_space<vmem>> -> memref<1x80x128xf32, #tpu.memory_space<vmem>>
        %dma_wait3A_349 = tpu.memref_squeeze %dma_wait3A_348 : memref<1x80x128xf32, #tpu.memory_space<vmem>> -> memref<80x128xf32, #tpu.memory_space<vmem>>
        tpu.wait_dma2 semaphore(%dma_wait3A_342 : memref<!tpu.dma_semaphore, #tpu.memory_space<semaphore_mem>>) src(%dma_wait3A_349 : memref<80x128xf32, #tpu.memory_space<vmem>>) dst(%dma_wait3A_345 : memref<80x128xf32, #tpu.memory_space<hbm>>)
        %dma_wait3A_350 = arith.constant 0 : i32
        %dma_wait3A_351 = arith.constant 0 : i32
        %dma_wait3A_352 = tpu.memref_slice %arg11[%rem3A_272, %dma_wait3A_350, %dma_wait3A_351] : memref<4x80x128xf32, #tpu.memory_space<vmem>> -> memref<1x80x128xf32, #tpu.memory_space<vmem>>
        %dma_wait3A_353 = tpu.memref_squeeze %dma_wait3A_352 : memref<1x80x128xf32, #tpu.memory_space<vmem>> -> memref<80x128xf32, #tpu.memory_space<vmem>>
        %dma_wait3A_354 = arith.constant 0 : i32
        %dma_wait3A_355 = arith.constant 0 : i32
        %dma_wait3A_356 = tpu.memref_slice %arg7[%dma_wait3A_354, %dma_wait3A_355] : memref<320000x128xf32, #tpu.memory_space<hbm>> -> memref<80x128xf32, #tpu.memory_space<hbm>>
        %dma_wait3A_357 = tpu.memref_slice %arg15[%rem3A_272] : memref<4x!tpu.dma_semaphore, #tpu.memory_space<semaphore_mem>> -> memref<1x!tpu.dma_semaphore, #tpu.memory_space<semaphore_mem>>
        %dma_wait3A_358 = tpu.memref_squeeze %dma_wait3A_357 : memref<1x!tpu.dma_semaphore, #tpu.memory_space<semaphore_mem>> -> memref<!tpu.dma_semaphore, #tpu.memory_space<semaphore_mem>>
        %dma_wait3A_359 = arith.constant 0 : i32
        %dma_wait3A_360 = arith.constant 0 : i32
        %dma_wait3A_361 = tpu.memref_slice %arg7[%dma_wait3A_359, %dma_wait3A_360] : memref<320000x128xf32, #tpu.memory_space<hbm>> -> memref<80x128xf32, #tpu.memory_space<hbm>>
        %dma_wait3A_362 = arith.constant 0 : i32
        %dma_wait3A_363 = arith.constant 0 : i32
        %dma_wait3A_364 = tpu.memref_slice %arg11[%rem3A_272, %dma_wait3A_362, %dma_wait3A_363] : memref<4x80x128xf32, #tpu.memory_space<vmem>> -> memref<1x80x128xf32, #tpu.memory_space<vmem>>
        %dma_wait3A_365 = tpu.memref_squeeze %dma_wait3A_364 : memref<1x80x128xf32, #tpu.memory_space<vmem>> -> memref<80x128xf32, #tpu.memory_space<vmem>>
        tpu.wait_dma2 semaphore(%dma_wait3A_358 : memref<!tpu.dma_semaphore, #tpu.memory_space<semaphore_mem>>) src(%dma_wait3A_365 : memref<80x128xf32, #tpu.memory_space<vmem>>) dst(%dma_wait3A_361 : memref<80x128xf32, #tpu.memory_space<hbm>>)
      } else {
      }
      %dma_start3A_299 = arith.constant 0 : i32
      %dma_start3A_300 = arith.constant 0 : i32
      %dma_start3A_301 = tpu.memref_slice %arg10[%rem3A_272, %dma_start3A_299, %dma_start3A_300] : memref<4x80x128xf32, #tpu.memory_space<vmem>> -> memref<1x80x128xf32, #tpu.memory_space<vmem>>
      %dma_start3A_302 = tpu.memref_squeeze %dma_start3A_301 : memref<1x80x128xf32, #tpu.memory_space<vmem>> -> memref<80x128xf32, #tpu.memory_space<vmem>>
      %dma_start3A_303 = arith.constant 0 : i32
      %dma_start3A_304 = tpu.memref_slice %arg8[%rem3A_272, %dma_start3A_303] : memref<4x80xi32, #tpu.memory_space<vmem>> -> memref<1x80xi32, #tpu.memory_space<vmem>>
      %dma_start3A_305 = tpu.memref_squeeze %dma_start3A_304 : memref<1x80xi32, #tpu.memory_space<vmem>> -> memref<80xi32, #tpu.memory_space<vmem>>
      %dma_start3A_306 = arith.constant 0 : i32
      %dma_start3A_307 = arith.constant 0 : i32
      %dma_start3A_308 = tpu.memref_slice %arg2[%dma_start3A_306, %dma_start3A_307] : memref<10000x128xf32, #tpu.memory_space<hbm>> -> memref<10000x128xf32, #tpu.memory_space<hbm>>
      %dma_start3A_309 = tpu.memref_slice %arg13[%rem3A_272] : memref<4x!tpu.dma_semaphore, #tpu.memory_space<semaphore_mem>> -> memref<1x!tpu.dma_semaphore, #tpu.memory_space<semaphore_mem>>
      %dma_start3A_310 = tpu.memref_squeeze %dma_start3A_309 : memref<1x!tpu.dma_semaphore, #tpu.memory_space<semaphore_mem>> -> memref<!tpu.dma_semaphore, #tpu.memory_space<semaphore_mem>>
      tpu.enqueue_indirect_dma source(%dma_start3A_308 : memref<10000x128xf32, #tpu.memory_space<hbm>>) target(%dma_start3A_302 : memref<80x128xf32, #tpu.memory_space<vmem>>) offsets(%dma_start3A_305 : memref<80xi32, #tpu.memory_space<vmem>>) semaphore(%dma_start3A_310 : memref<!tpu.dma_semaphore, #tpu.memory_space<semaphore_mem>>)
      %dma_start3A_311 = arith.constant 0 : i32
      %dma_start3A_312 = arith.constant 0 : i32
      %dma_start3A_313 = tpu.memref_slice %arg11[%rem3A_272, %dma_start3A_311, %dma_start3A_312] : memref<4x80x128xf32, #tpu.memory_space<vmem>> -> memref<1x80x128xf32, #tpu.memory_space<vmem>>
      %dma_start3A_314 = tpu.memref_squeeze %dma_start3A_313 : memref<1x80x128xf32, #tpu.memory_space<vmem>> -> memref<80x128xf32, #tpu.memory_space<vmem>>
      %dma_start3A_315 = arith.constant 0 : i32
      %dma_start3A_316 = tpu.memref_slice %arg9[%rem3A_272, %dma_start3A_315] : memref<4x80xi32, #tpu.memory_space<vmem>> -> memref<1x80xi32, #tpu.memory_space<vmem>>
      %dma_start3A_317 = tpu.memref_squeeze %dma_start3A_316 : memref<1x80xi32, #tpu.memory_space<vmem>> -> memref<80xi32, #tpu.memory_space<vmem>>
      %dma_start3A_318 = arith.constant 0 : i32
      %dma_start3A_319 = arith.constant 0 : i32
      %dma_start3A_320 = tpu.memref_slice %arg3[%dma_start3A_318, %dma_start3A_319] : memref<10000x128xf32, #tpu.memory_space<hbm>> -> memref<10000x128xf32, #tpu.memory_space<hbm>>
      %dma_start3A_321 = tpu.memref_slice %arg14[%rem3A_272] : memref<4x!tpu.dma_semaphore, #tpu.memory_space<semaphore_mem>> -> memref<1x!tpu.dma_semaphore, #tpu.memory_space<semaphore_mem>>
      %dma_start3A_322 = tpu.memref_squeeze %dma_start3A_321 : memref<1x!tpu.dma_semaphore, #tpu.memory_space<semaphore_mem>> -> memref<!tpu.dma_semaphore, #tpu.memory_space<semaphore_mem>>
      tpu.enqueue_indirect_dma source(%dma_start3A_320 : memref<10000x128xf32, #tpu.memory_space<hbm>>) target(%dma_start3A_314 : memref<80x128xf32, #tpu.memory_space<vmem>>) offsets(%dma_start3A_317 : memref<80xi32, #tpu.memory_space<vmem>>) semaphore(%dma_start3A_322 : memref<!tpu.dma_semaphore, #tpu.memory_space<semaphore_mem>>)
      %add3A_323 = arith.constant 2 : i32
      %add3A_324 = arith.addi %add3A_271, %add3A_323 : i32
      %lt3A = arith.constant 125 : i32
      %lt3A_325 = arith.cmpi slt, %add3A_324, %lt3A : i32
      %convert_element_type3A_326 = arith.extui %lt3A_325 : i1 to i32
      %cond3A_327 = arith.constant 0 : i32
      %cond3A_328 = arith.cmpi ne, %convert_element_type3A_326, %cond3A_327 : i32
      scf.if %cond3A_328 {
        %add3A_334 = arith.constant 2 : i32
        %add3A_335 = arith.addi %add3A_271, %add3A_334 : i32
        %add3A_336 = arith.constant 2 : i32
        %add3A_337 = arith.addi %add3A_271, %add3A_336 : i32
        %rem3A_338 = arith.constant 4 : i32
        %rem3A_339 = arith.remsi %add3A_337, %rem3A_338 : i32
        %mul3A_340 = arith.constant 80 : i32
        %mul3A_341 = arith.muli %add3A_335, %mul3A_340 : i32
        %add3A_342 = arith.addi %mul3A_2, %mul3A_341 : i32
        %multiple_of3A_343 = tpu.assume_multiple %add3A_342, 8 : i32
        %dma_start3A_344 = arith.constant 0 : i32
        %dma_start3A_345 = tpu.memref_slice %arg8[%rem3A_339, %dma_start3A_344] : memref<4x80xi32, #tpu.memory_space<vmem>> -> memref<1x80xi32, #tpu.memory_space<vmem>>
        %dma_start3A_346 = tpu.memref_squeeze %dma_start3A_345 : memref<1x80xi32, #tpu.memory_space<vmem>> -> memref<80xi32, #tpu.memory_space<vmem>>
        %dma_start3A_347 = tpu.memref_slice %arg4[%multiple_of3A_343] : memref<320000xi32, #tpu.memory_space<hbm>> -> memref<80xi32, #tpu.memory_space<hbm>>
        %dma_start3A_348 = tpu.memref_slice %arg12[%rem3A_339] : memref<4x!tpu.dma_semaphore, #tpu.memory_space<semaphore_mem>> -> memref<1x!tpu.dma_semaphore, #tpu.memory_space<semaphore_mem>>
        %dma_start3A_349 = tpu.memref_squeeze %dma_start3A_348 : memref<1x!tpu.dma_semaphore, #tpu.memory_space<semaphore_mem>> -> memref<!tpu.dma_semaphore, #tpu.memory_space<semaphore_mem>>
        %dma_start3A_350 = arith.constant 0 : i32
        %dma_start3A_351 = tpu.memref_slice %arg8[%rem3A_339, %dma_start3A_350] : memref<4x80xi32, #tpu.memory_space<vmem>> -> memref<1x80xi32, #tpu.memory_space<vmem>>
        %dma_start3A_352 = tpu.memref_squeeze %dma_start3A_351 : memref<1x80xi32, #tpu.memory_space<vmem>> -> memref<80xi32, #tpu.memory_space<vmem>>
        %dma_start3A_353 = tpu.memref_slice %arg4[%multiple_of3A_343] : memref<320000xi32, #tpu.memory_space<hbm>> -> memref<80xi32, #tpu.memory_space<hbm>>
        tpu.enqueue_dma source(%dma_start3A_353 : memref<80xi32, #tpu.memory_space<hbm>>) target(%dma_start3A_352 : memref<80xi32, #tpu.memory_space<vmem>>) target_semaphore(%dma_start3A_349 : memref<!tpu.dma_semaphore, #tpu.memory_space<semaphore_mem>>)
        %dma_start3A_354 = arith.constant 0 : i32
        %dma_start3A_355 = tpu.memref_slice %arg9[%rem3A_339, %dma_start3A_354] : memref<4x80xi32, #tpu.memory_space<vmem>> -> memref<1x80xi32, #tpu.memory_space<vmem>>
        %dma_start3A_356 = tpu.memref_squeeze %dma_start3A_355 : memref<1x80xi32, #tpu.memory_space<vmem>> -> memref<80xi32, #tpu.memory_space<vmem>>
        %dma_start3A_357 = tpu.memref_slice %arg5[%multiple_of3A_343] : memref<320000xi32, #tpu.memory_space<hbm>> -> memref<80xi32, #tpu.memory_space<hbm>>
        %dma_start3A_358 = tpu.memref_slice %arg12[%rem3A_339] : memref<4x!tpu.dma_semaphore, #tpu.memory_space<semaphore_mem>> -> memref<1x!tpu.dma_semaphore, #tpu.memory_space<semaphore_mem>>
        %dma_start3A_359 = tpu.memref_squeeze %dma_start3A_358 : memref<1x!tpu.dma_semaphore, #tpu.memory_space<semaphore_mem>> -> memref<!tpu.dma_semaphore, #tpu.memory_space<semaphore_mem>>
        %dma_start3A_360 = arith.constant 0 : i32
        %dma_start3A_361 = tpu.memref_slice %arg9[%rem3A_339, %dma_start3A_360] : memref<4x80xi32, #tpu.memory_space<vmem>> -> memref<1x80xi32, #tpu.memory_space<vmem>>
        %dma_start3A_362 = tpu.memref_squeeze %dma_start3A_361 : memref<1x80xi32, #tpu.memory_space<vmem>> -> memref<80xi32, #tpu.memory_space<vmem>>
        %dma_start3A_363 = tpu.memref_slice %arg5[%multiple_of3A_343] : memref<320000xi32, #tpu.memory_space<hbm>> -> memref<80xi32, #tpu.memory_space<hbm>>
        tpu.enqueue_dma source(%dma_start3A_363 : memref<80xi32, #tpu.memory_space<hbm>>) target(%dma_start3A_362 : memref<80xi32, #tpu.memory_space<vmem>>) target_semaphore(%dma_start3A_359 : memref<!tpu.dma_semaphore, #tpu.memory_space<semaphore_mem>>)
      } else {
      }
      %ge3A_329 = arith.constant 1 : i32
      %ge3A_330 = arith.cmpi sge, %add3A_271, %ge3A_329 : i32
      %convert_element_type3A_331 = arith.extui %ge3A_330 : i1 to i32
      %cond3A_332 = arith.constant 0 : i32
      %cond3A_333 = arith.cmpi ne, %convert_element_type3A_331, %cond3A_332 : i32
      scf.if %cond3A_333 {
        %sub3A = arith.constant 1 : i32
        %sub3A_334 = arith.subi %add3A_271, %sub3A : i32
        %add3A_335 = arith.constant 4 : i32
        %add3A_336 = arith.addi %add3A_271, %add3A_335 : i32
        %sub3A_337 = arith.constant 1 : i32
        %sub3A_338 = arith.subi %add3A_336, %sub3A_337 : i32
        %rem3A_339 = arith.constant 4 : i32
        %rem3A_340 = arith.remsi %sub3A_338, %rem3A_339 : i32
        %dma_wait3A_341 = arith.constant 0 : i32
        %dma_wait3A_342 = arith.constant 0 : i32
        %dma_wait3A_343 = tpu.memref_slice %arg10[%rem3A_340, %dma_wait3A_341, %dma_wait3A_342] : memref<4x80x128xf32, #tpu.memory_space<vmem>> -> memref<1x80x128xf32, #tpu.memory_space<vmem>>
        %dma_wait3A_344 = tpu.memref_squeeze %dma_wait3A_343 : memref<1x80x128xf32, #tpu.memory_space<vmem>> -> memref<80x128xf32, #tpu.memory_space<vmem>>
        %dma_wait3A_345 = arith.constant 0 : i32
        %dma_wait3A_346 = tpu.memref_slice %arg8[%rem3A_340, %dma_wait3A_345] : memref<4x80xi32, #tpu.memory_space<vmem>> -> memref<1x80xi32, #tpu.memory_space<vmem>>
        %dma_wait3A_347 = tpu.memref_squeeze %dma_wait3A_346 : memref<1x80xi32, #tpu.memory_space<vmem>> -> memref<80xi32, #tpu.memory_space<vmem>>
        %dma_wait3A_348 = arith.constant 0 : i32
        %dma_wait3A_349 = arith.constant 0 : i32
        %dma_wait3A_350 = tpu.memref_slice %arg2[%dma_wait3A_348, %dma_wait3A_349] : memref<10000x128xf32, #tpu.memory_space<hbm>> -> memref<10000x128xf32, #tpu.memory_space<hbm>>
        %dma_wait3A_351 = tpu.memref_slice %arg13[%rem3A_340] : memref<4x!tpu.dma_semaphore, #tpu.memory_space<semaphore_mem>> -> memref<1x!tpu.dma_semaphore, #tpu.memory_space<semaphore_mem>>
        %dma_wait3A_352 = tpu.memref_squeeze %dma_wait3A_351 : memref<1x!tpu.dma_semaphore, #tpu.memory_space<semaphore_mem>> -> memref<!tpu.dma_semaphore, #tpu.memory_space<semaphore_mem>>
        tpu.wait_indirect_dma semaphore(%dma_wait3A_352 : memref<!tpu.dma_semaphore, #tpu.memory_space<semaphore_mem>>) src(%dma_wait3A_350 : memref<10000x128xf32, #tpu.memory_space<hbm>>) dst(%dma_wait3A_344 : memref<80x128xf32, #tpu.memory_space<vmem>>)
        %dma_wait3A_353 = arith.constant 0 : i32
        %dma_wait3A_354 = arith.constant 0 : i32
        %dma_wait3A_355 = tpu.memref_slice %arg11[%rem3A_340, %dma_wait3A_353, %dma_wait3A_354] : memref<4x80x128xf32, #tpu.memory_space<vmem>> -> memref<1x80x128xf32, #tpu.memory_space<vmem>>
        %dma_wait3A_356 = tpu.memref_squeeze %dma_wait3A_355 : memref<1x80x128xf32, #tpu.memory_space<vmem>> -> memref<80x128xf32, #tpu.memory_space<vmem>>
        %dma_wait3A_357 = arith.constant 0 : i32
        %dma_wait3A_358 = tpu.memref_slice %arg9[%rem3A_340, %dma_wait3A_357] : memref<4x80xi32, #tpu.memory_space<vmem>> -> memref<1x80xi32, #tpu.memory_space<vmem>>
        %dma_wait3A_359 = tpu.memref_squeeze %dma_wait3A_358 : memref<1x80xi32, #tpu.memory_space<vmem>> -> memref<80xi32, #tpu.memory_space<vmem>>
        %dma_wait3A_360 = arith.constant 0 : i32
        %dma_wait3A_361 = arith.constant 0 : i32
        %dma_wait3A_362 = tpu.memref_slice %arg3[%dma_wait3A_360, %dma_wait3A_361] : memref<10000x128xf32, #tpu.memory_space<hbm>> -> memref<10000x128xf32, #tpu.memory_space<hbm>>
        %dma_wait3A_363 = tpu.memref_slice %arg14[%rem3A_340] : memref<4x!tpu.dma_semaphore, #tpu.memory_space<semaphore_mem>> -> memref<1x!tpu.dma_semaphore, #tpu.memory_space<semaphore_mem>>
        %dma_wait3A_364 = tpu.memref_squeeze %dma_wait3A_363 : memref<1x!tpu.dma_semaphore, #tpu.memory_space<semaphore_mem>> -> memref<!tpu.dma_semaphore, #tpu.memory_space<semaphore_mem>>
        tpu.wait_indirect_dma semaphore(%dma_wait3A_364 : memref<!tpu.dma_semaphore, #tpu.memory_space<semaphore_mem>>) src(%dma_wait3A_362 : memref<10000x128xf32, #tpu.memory_space<hbm>>) dst(%dma_wait3A_356 : memref<80x128xf32, #tpu.memory_space<vmem>>)
        %mul3A_365 = arith.constant 80 : i32
        %mul3A_366 = arith.muli %sub3A_334, %mul3A_365 : i32
        %add3A_367 = arith.addi %mul3A_2, %mul3A_366 : i32
        %multiple_of3A_368 = tpu.assume_multiple %add3A_367, 8 : i32
        %dma_start3A_369 = arith.constant 0 : i32
        %dma_start3A_370 = arith.constant 0 : i32
        %dma_start3A_371 = tpu.memref_slice %arg10[%rem3A_340, %dma_start3A_369, %dma_start3A_370] : memref<4x80x128xf32, #tpu.memory_space<vmem>> -> memref<1x80x128xf32, #tpu.memory_space<vmem>>
        %dma_start3A_372 = tpu.memref_squeeze %dma_start3A_371 : memref<1x80x128xf32, #tpu.memory_space<vmem>> -> memref<80x128xf32, #tpu.memory_space<vmem>>
        %dma_start3A_373 = arith.constant 0 : i32
        %dma_start3A_374 = tpu.memref_slice %arg6[%multiple_of3A_368, %dma_start3A_373] : memref<320000x128xf32, #tpu.memory_space<hbm>> -> memref<80x128xf32, #tpu.memory_space<hbm>>
        %dma_start3A_375 = tpu.memref_slice %arg15[%rem3A_340] : memref<4x!tpu.dma_semaphore, #tpu.memory_space<semaphore_mem>> -> memref<1x!tpu.dma_semaphore, #tpu.memory_space<semaphore_mem>>
        %dma_start3A_376 = tpu.memref_squeeze %dma_start3A_375 : memref<1x!tpu.dma_semaphore, #tpu.memory_space<semaphore_mem>> -> memref<!tpu.dma_semaphore, #tpu.memory_space<semaphore_mem>>
        %dma_start3A_377 = arith.constant 0 : i32
        %dma_start3A_378 = tpu.memref_slice %arg6[%multiple_of3A_368, %dma_start3A_377] : memref<320000x128xf32, #tpu.memory_space<hbm>> -> memref<80x128xf32, #tpu.memory_space<hbm>>
        %dma_start3A_379 = arith.constant 0 : i32
        %dma_start3A_380 = arith.constant 0 : i32
        %dma_start3A_381 = tpu.memref_slice %arg10[%rem3A_340, %dma_start3A_379, %dma_start3A_380] : memref<4x80x128xf32, #tpu.memory_space<vmem>> -> memref<1x80x128xf32, #tpu.memory_space<vmem>>
        %dma_start3A_382 = tpu.memref_squeeze %dma_start3A_381 : memref<1x80x128xf32, #tpu.memory_space<vmem>> -> memref<80x128xf32, #tpu.memory_space<vmem>>
        tpu.enqueue_dma source(%dma_start3A_382 : memref<80x128xf32, #tpu.memory_space<vmem>>) target(%dma_start3A_378 : memref<80x128xf32, #tpu.memory_space<hbm>>) target_semaphore(%dma_start3A_376 : memref<!tpu.dma_semaphore, #tpu.memory_space<semaphore_mem>>)
        %dma_start3A_383 = arith.constant 0 : i32
        %dma_start3A_384 = arith.constant 0 : i32
        %dma_start3A_385 = tpu.memref_slice %arg11[%rem3A_340, %dma_start3A_383, %dma_start3A_384] : memref<4x80x128xf32, #tpu.memory_space<vmem>> -> memref<1x80x128xf32, #tpu.memory_space<vmem>>
        %dma_start3A_386 = tpu.memref_squeeze %dma_start3A_385 : memref<1x80x128xf32, #tpu.memory_space<vmem>> -> memref<80x128xf32, #tpu.memory_space<vmem>>
        %dma_start3A_387 = arith.constant 0 : i32
        %dma_start3A_388 = tpu.memref_slice %arg7[%multiple_of3A_368, %dma_start3A_387] : memref<320000x128xf32, #tpu.memory_space<hbm>> -> memref<80x128xf32, #tpu.memory_space<hbm>>
        %dma_start3A_389 = tpu.memref_slice %arg15[%rem3A_340] : memref<4x!tpu.dma_semaphore, #tpu.memory_space<semaphore_mem>> -> memref<1x!tpu.dma_semaphore, #tpu.memory_space<semaphore_mem>>
        %dma_start3A_390 = tpu.memref_squeeze %dma_start3A_389 : memref<1x!tpu.dma_semaphore, #tpu.memory_space<semaphore_mem>> -> memref<!tpu.dma_semaphore, #tpu.memory_space<semaphore_mem>>
        %dma_start3A_391 = arith.constant 0 : i32
        %dma_start3A_392 = tpu.memref_slice %arg7[%multiple_of3A_368, %dma_start3A_391] : memref<320000x128xf32, #tpu.memory_space<hbm>> -> memref<80x128xf32, #tpu.memory_space<hbm>>
        %dma_start3A_393 = arith.constant 0 : i32
        %dma_start3A_394 = arith.constant 0 : i32
        %dma_start3A_395 = tpu.memref_slice %arg11[%rem3A_340, %dma_start3A_393, %dma_start3A_394] : memref<4x80x128xf32, #tpu.memory_space<vmem>> -> memref<1x80x128xf32, #tpu.memory_space<vmem>>
        %dma_start3A_396 = tpu.memref_squeeze %dma_start3A_395 : memref<1x80x128xf32, #tpu.memory_space<vmem>> -> memref<80x128xf32, #tpu.memory_space<vmem>>
        tpu.enqueue_dma source(%dma_start3A_396 : memref<80x128xf32, #tpu.memory_space<vmem>>) target(%dma_start3A_392 : memref<80x128xf32, #tpu.memory_space<hbm>>) target_semaphore(%dma_start3A_390 : memref<!tpu.dma_semaphore, #tpu.memory_space<semaphore_mem>>)
      } else {
      }
    }
    %scan3A_58 = arith.constant 125 : i32
    %dma_wait3A = arith.constant 0 : i32
    %dma_wait3A_59 = arith.constant 0 : i32
    %dma_wait3A_60 = arith.constant 0 : i32
    %dma_wait3A_61 = arith.constant 0 : i32
    %dma_wait3A_62 = arith.constant 0 : i32
    %dma_wait3A_63 = tpu.memref_slice %arg10[%dma_wait3A_59, %dma_wait3A_61, %dma_wait3A_62] : memref<4x80x128xf32, #tpu.memory_space<vmem>> -> memref<1x80x128xf32, #tpu.memory_space<vmem>>
    %dma_wait3A_64 = tpu.memref_squeeze %dma_wait3A_63 : memref<1x80x128xf32, #tpu.memory_space<vmem>> -> memref<80x128xf32, #tpu.memory_space<vmem>>
    %dma_wait3A_65 = arith.constant 0 : i32
    %dma_wait3A_66 = tpu.memref_slice %arg8[%dma_wait3A, %dma_wait3A_65] : memref<4x80xi32, #tpu.memory_space<vmem>> -> memref<1x80xi32, #tpu.memory_space<vmem>>
    %dma_wait3A_67 = tpu.memref_squeeze %dma_wait3A_66 : memref<1x80xi32, #tpu.memory_space<vmem>> -> memref<80xi32, #tpu.memory_space<vmem>>
    %dma_wait3A_68 = arith.constant 0 : i32
    %dma_wait3A_69 = arith.constant 0 : i32
    %dma_wait3A_70 = tpu.memref_slice %arg2[%dma_wait3A_68, %dma_wait3A_69] : memref<10000x128xf32, #tpu.memory_space<hbm>> -> memref<10000x128xf32, #tpu.memory_space<hbm>>
    %dma_wait3A_71 = tpu.memref_slice %arg13[%dma_wait3A_60] : memref<4x!tpu.dma_semaphore, #tpu.memory_space<semaphore_mem>> -> memref<1x!tpu.dma_semaphore, #tpu.memory_space<semaphore_mem>>
    %dma_wait3A_72 = tpu.memref_squeeze %dma_wait3A_71 : memref<1x!tpu.dma_semaphore, #tpu.memory_space<semaphore_mem>> -> memref<!tpu.dma_semaphore, #tpu.memory_space<semaphore_mem>>
    tpu.wait_indirect_dma semaphore(%dma_wait3A_72 : memref<!tpu.dma_semaphore, #tpu.memory_space<semaphore_mem>>) src(%dma_wait3A_70 : memref<10000x128xf32, #tpu.memory_space<hbm>>) dst(%dma_wait3A_64 : memref<80x128xf32, #tpu.memory_space<vmem>>)
    %dma_wait3A_73 = arith.constant 0 : i32
    %dma_wait3A_74 = arith.constant 0 : i32
    %dma_wait3A_75 = arith.constant 0 : i32
    %dma_wait3A_76 = arith.constant 0 : i32
    %dma_wait3A_77 = arith.constant 0 : i32
    %dma_wait3A_78 = tpu.memref_slice %arg11[%dma_wait3A_74, %dma_wait3A_76, %dma_wait3A_77] : memref<4x80x128xf32, #tpu.memory_space<vmem>> -> memref<1x80x128xf32, #tpu.memory_space<vmem>>
    %dma_wait3A_79 = tpu.memref_squeeze %dma_wait3A_78 : memref<1x80x128xf32, #tpu.memory_space<vmem>> -> memref<80x128xf32, #tpu.memory_space<vmem>>
    %dma_wait3A_80 = arith.constant 0 : i32
    %dma_wait3A_81 = tpu.memref_slice %arg9[%dma_wait3A_73, %dma_wait3A_80] : memref<4x80xi32, #tpu.memory_space<vmem>> -> memref<1x80xi32, #tpu.memory_space<vmem>>
    %dma_wait3A_82 = tpu.memref_squeeze %dma_wait3A_81 : memref<1x80xi32, #tpu.memory_space<vmem>> -> memref<80xi32, #tpu.memory_space<vmem>>
    %dma_wait3A_83 = arith.constant 0 : i32
    %dma_wait3A_84 = arith.constant 0 : i32
    %dma_wait3A_85 = tpu.memref_slice %arg3[%dma_wait3A_83, %dma_wait3A_84] : memref<10000x128xf32, #tpu.memory_space<hbm>> -> memref<10000x128xf32, #tpu.memory_space<hbm>>
    %dma_wait3A_86 = tpu.memref_slice %arg14[%dma_wait3A_75] : memref<4x!tpu.dma_semaphore, #tpu.memory_space<semaphore_mem>> -> memref<1x!tpu.dma_semaphore, #tpu.memory_space<semaphore_mem>>
    %dma_wait3A_87 = tpu.memref_squeeze %dma_wait3A_86 : memref<1x!tpu.dma_semaphore, #tpu.memory_space<semaphore_mem>> -> memref<!tpu.dma_semaphore, #tpu.memory_space<semaphore_mem>>
    tpu.wait_indirect_dma semaphore(%dma_wait3A_87 : memref<!tpu.dma_semaphore, #tpu.memory_space<semaphore_mem>>) src(%dma_wait3A_85 : memref<10000x128xf32, #tpu.memory_space<hbm>>) dst(%dma_wait3A_79 : memref<80x128xf32, #tpu.memory_space<vmem>>)
    %add3A_88 = arith.constant 9920 : i32
    %add3A_89 = arith.addi %mul3A_2, %add3A_88 : i32
    %multiple_of3A_90 = tpu.assume_multiple %add3A_89, 8 : i32
    %dma_start3A_91 = arith.constant 0 : i32
    %dma_start3A_92 = arith.constant 0 : i32
    %dma_start3A_93 = arith.constant 0 : i32
    %dma_start3A_94 = arith.constant 0 : i32
    %dma_start3A_95 = tpu.memref_slice %arg10[%dma_start3A_91, %dma_start3A_93, %dma_start3A_94] : memref<4x80x128xf32, #tpu.memory_space<vmem>> -> memref<1x80x128xf32, #tpu.memory_space<vmem>>
    %dma_start3A_96 = tpu.memref_squeeze %dma_start3A_95 : memref<1x80x128xf32, #tpu.memory_space<vmem>> -> memref<80x128xf32, #tpu.memory_space<vmem>>
    %dma_start3A_97 = arith.constant 0 : i32
    %dma_start3A_98 = tpu.memref_slice %arg6[%multiple_of3A_90, %dma_start3A_97] : memref<320000x128xf32, #tpu.memory_space<hbm>> -> memref<80x128xf32, #tpu.memory_space<hbm>>
    %dma_start3A_99 = tpu.memref_slice %arg15[%dma_start3A_92] : memref<4x!tpu.dma_semaphore, #tpu.memory_space<semaphore_mem>> -> memref<1x!tpu.dma_semaphore, #tpu.memory_space<semaphore_mem>>
    %dma_start3A_100 = tpu.memref_squeeze %dma_start3A_99 : memref<1x!tpu.dma_semaphore, #tpu.memory_space<semaphore_mem>> -> memref<!tpu.dma_semaphore, #tpu.memory_space<semaphore_mem>>
    %dma_start3A_101 = arith.constant 0 : i32
    %dma_start3A_102 = tpu.memref_slice %arg6[%multiple_of3A_90, %dma_start3A_101] : memref<320000x128xf32, #tpu.memory_space<hbm>> -> memref<80x128xf32, #tpu.memory_space<hbm>>
    %dma_start3A_103 = arith.constant 0 : i32
    %dma_start3A_104 = arith.constant 0 : i32
    %dma_start3A_105 = tpu.memref_slice %arg10[%dma_start3A_91, %dma_start3A_103, %dma_start3A_104] : memref<4x80x128xf32, #tpu.memory_space<vmem>> -> memref<1x80x128xf32, #tpu.memory_space<vmem>>
    %dma_start3A_106 = tpu.memref_squeeze %dma_start3A_105 : memref<1x80x128xf32, #tpu.memory_space<vmem>> -> memref<80x128xf32, #tpu.memory_space<vmem>>
    tpu.enqueue_dma source(%dma_start3A_106 : memref<80x128xf32, #tpu.memory_space<vmem>>) target(%dma_start3A_102 : memref<80x128xf32, #tpu.memory_space<hbm>>) target_semaphore(%dma_start3A_100 : memref<!tpu.dma_semaphore, #tpu.memory_space<semaphore_mem>>)
    %dma_start3A_107 = arith.constant 0 : i32
    %dma_start3A_108 = arith.constant 0 : i32
    %dma_start3A_109 = arith.constant 0 : i32
    %dma_start3A_110 = arith.constant 0 : i32
    %dma_start3A_111 = tpu.memref_slice %arg11[%dma_start3A_107, %dma_start3A_109, %dma_start3A_110] : memref<4x80x128xf32, #tpu.memory_space<vmem>> -> memref<1x80x128xf32, #tpu.memory_space<vmem>>
    %dma_start3A_112 = tpu.memref_squeeze %dma_start3A_111 : memref<1x80x128xf32, #tpu.memory_space<vmem>> -> memref<80x128xf32, #tpu.memory_space<vmem>>
    %dma_start3A_113 = arith.constant 0 : i32
    %dma_start3A_114 = tpu.memref_slice %arg7[%multiple_of3A_90, %dma_start3A_113] : memref<320000x128xf32, #tpu.memory_space<hbm>> -> memref<80x128xf32, #tpu.memory_space<hbm>>
    %dma_start3A_115 = tpu.memref_slice %arg15[%dma_start3A_108] : memref<4x!tpu.dma_semaphore, #tpu.memory_space<semaphore_mem>> -> memref<1x!tpu.dma_semaphore, #tpu.memory_space<semaphore_mem>>
    %dma_start3A_116 = tpu.memref_squeeze %dma_start3A_115 : memref<1x!tpu.dma_semaphore, #tpu.memory_space<semaphore_mem>> -> memref<!tpu.dma_semaphore, #tpu.memory_space<semaphore_mem>>
    %dma_start3A_117 = arith.constant 0 : i32
    %dma_start3A_118 = tpu.memref_slice %arg7[%multiple_of3A_90, %dma_start3A_117] : memref<320000x128xf32, #tpu.memory_space<hbm>> -> memref<80x128xf32, #tpu.memory_space<hbm>>
    %dma_start3A_119 = arith.constant 0 : i32
    %dma_start3A_120 = arith.constant 0 : i32
    %dma_start3A_121 = tpu.memref_slice %arg11[%dma_start3A_107, %dma_start3A_119, %dma_start3A_120] : memref<4x80x128xf32, #tpu.memory_space<vmem>> -> memref<1x80x128xf32, #tpu.memory_space<vmem>>
    %dma_start3A_122 = tpu.memref_squeeze %dma_start3A_121 : memref<1x80x128xf32, #tpu.memory_space<vmem>> -> memref<80x128xf32, #tpu.memory_space<vmem>>
    tpu.enqueue_dma source(%dma_start3A_122 : memref<80x128xf32, #tpu.memory_space<vmem>>) target(%dma_start3A_118 : memref<80x128xf32, #tpu.memory_space<hbm>>) target_semaphore(%dma_start3A_116 : memref<!tpu.dma_semaphore, #tpu.memory_space<semaphore_mem>>)
    %dma_wait3A_123 = arith.constant 0 : i32
    %dma_wait3A_124 = arith.constant 0 : i32
    %dma_wait3A_125 = arith.constant 0 : i32
    %dma_wait3A_126 = arith.constant 0 : i32
    %dma_wait3A_127 = tpu.memref_slice %arg10[%dma_wait3A_123, %dma_wait3A_125, %dma_wait3A_126] : memref<4x80x128xf32, #tpu.memory_space<vmem>> -> memref<1x80x128xf32, #tpu.memory_space<vmem>>
    %dma_wait3A_128 = tpu.memref_squeeze %dma_wait3A_127 : memref<1x80x128xf32, #tpu.memory_space<vmem>> -> memref<80x128xf32, #tpu.memory_space<vmem>>
    %dma_wait3A_129 = arith.constant 0 : i32
    %dma_wait3A_130 = arith.constant 0 : i32
    %dma_wait3A_131 = tpu.memref_slice %arg6[%dma_wait3A_129, %dma_wait3A_130] : memref<320000x128xf32, #tpu.memory_space<hbm>> -> memref<80x128xf32, #tpu.memory_space<hbm>>
    %dma_wait3A_132 = tpu.memref_slice %arg15[%dma_wait3A_124] : memref<4x!tpu.dma_semaphore, #tpu.memory_space<semaphore_mem>> -> memref<1x!tpu.dma_semaphore, #tpu.memory_space<semaphore_mem>>
    %dma_wait3A_133 = tpu.memref_squeeze %dma_wait3A_132 : memref<1x!tpu.dma_semaphore, #tpu.memory_space<semaphore_mem>> -> memref<!tpu.dma_semaphore, #tpu.memory_space<semaphore_mem>>
    %dma_wait3A_134 = arith.constant 0 : i32
    %dma_wait3A_135 = arith.constant 0 : i32
    %dma_wait3A_136 = tpu.memref_slice %arg6[%dma_wait3A_134, %dma_wait3A_135] : memref<320000x128xf32, #tpu.memory_space<hbm>> -> memref<80x128xf32, #tpu.memory_space<hbm>>
    %dma_wait3A_137 = arith.constant 0 : i32
    %dma_wait3A_138 = arith.constant 0 : i32
    %dma_wait3A_139 = tpu.memref_slice %arg10[%dma_wait3A_123, %dma_wait3A_137, %dma_wait3A_138] : memref<4x80x128xf32, #tpu.memory_space<vmem>> -> memref<1x80x128xf32, #tpu.memory_space<vmem>>
    %dma_wait3A_140 = tpu.memref_squeeze %dma_wait3A_139 : memref<1x80x128xf32, #tpu.memory_space<vmem>> -> memref<80x128xf32, #tpu.memory_space<vmem>>
    tpu.wait_dma2 semaphore(%dma_wait3A_133 : memref<!tpu.dma_semaphore, #tpu.memory_space<semaphore_mem>>) src(%dma_wait3A_140 : memref<80x128xf32, #tpu.memory_space<vmem>>) dst(%dma_wait3A_136 : memref<80x128xf32, #tpu.memory_space<hbm>>)
    %dma_wait3A_141 = arith.constant 0 : i32
    %dma_wait3A_142 = arith.constant 0 : i32
    %dma_wait3A_143 = arith.constant 0 : i32
    %dma_wait3A_144 = arith.constant 0 : i32
    %dma_wait3A_145 = tpu.memref_slice %arg11[%dma_wait3A_141, %dma_wait3A_143, %dma_wait3A_144] : memref<4x80x128xf32, #tpu.memory_space<vmem>> -> memref<1x80x128xf32, #tpu.memory_space<vmem>>
    %dma_wait3A_146 = tpu.memref_squeeze %dma_wait3A_145 : memref<1x80x128xf32, #tpu.memory_space<vmem>> -> memref<80x128xf32, #tpu.memory_space<vmem>>
    %dma_wait3A_147 = arith.constant 0 : i32
    %dma_wait3A_148 = arith.constant 0 : i32
    %dma_wait3A_149 = tpu.memref_slice %arg7[%dma_wait3A_147, %dma_wait3A_148] : memref<320000x128xf32, #tpu.memory_space<hbm>> -> memref<80x128xf32, #tpu.memory_space<hbm>>
    %dma_wait3A_150 = tpu.memref_slice %arg15[%dma_wait3A_142] : memref<4x!tpu.dma_semaphore, #tpu.memory_space<semaphore_mem>> -> memref<1x!tpu.dma_semaphore, #tpu.memory_space<semaphore_mem>>
    %dma_wait3A_151 = tpu.memref_squeeze %dma_wait3A_150 : memref<1x!tpu.dma_semaphore, #tpu.memory_space<semaphore_mem>> -> memref<!tpu.dma_semaphore, #tpu.memory_space<semaphore_mem>>
    %dma_wait3A_152 = arith.constant 0 : i32
    %dma_wait3A_153 = arith.constant 0 : i32
    %dma_wait3A_154 = tpu.memref_slice %arg7[%dma_wait3A_152, %dma_wait3A_153] : memref<320000x128xf32, #tpu.memory_space<hbm>> -> memref<80x128xf32, #tpu.memory_space<hbm>>
    %dma_wait3A_155 = arith.constant 0 : i32
    %dma_wait3A_156 = arith.constant 0 : i32
    %dma_wait3A_157 = tpu.memref_slice %arg11[%dma_wait3A_141, %dma_wait3A_155, %dma_wait3A_156] : memref<4x80x128xf32, #tpu.memory_space<vmem>> -> memref<1x80x128xf32, #tpu.memory_space<vmem>>
    %dma_wait3A_158 = tpu.memref_squeeze %dma_wait3A_157 : memref<1x80x128xf32, #tpu.memory_space<vmem>> -> memref<80x128xf32, #tpu.memory_space<vmem>>
    tpu.wait_dma2 semaphore(%dma_wait3A_151 : memref<!tpu.dma_semaphore, #tpu.memory_space<semaphore_mem>>) src(%dma_wait3A_158 : memref<80x128xf32, #tpu.memory_space<vmem>>) dst(%dma_wait3A_154 : memref<80x128xf32, #tpu.memory_space<hbm>>)
    %dma_wait3A_159 = arith.constant 1 : i32
    %dma_wait3A_160 = arith.constant 1 : i32
    %dma_wait3A_161 = arith.constant 0 : i32
    %dma_wait3A_162 = arith.constant 0 : i32
    %dma_wait3A_163 = tpu.memref_slice %arg10[%dma_wait3A_159, %dma_wait3A_161, %dma_wait3A_162] : memref<4x80x128xf32, #tpu.memory_space<vmem>> -> memref<1x80x128xf32, #tpu.memory_space<vmem>>
    %dma_wait3A_164 = tpu.memref_squeeze %dma_wait3A_163 : memref<1x80x128xf32, #tpu.memory_space<vmem>> -> memref<80x128xf32, #tpu.memory_space<vmem>>
    %dma_wait3A_165 = arith.constant 0 : i32
    %dma_wait3A_166 = arith.constant 0 : i32
    %dma_wait3A_167 = tpu.memref_slice %arg6[%dma_wait3A_165, %dma_wait3A_166] : memref<320000x128xf32, #tpu.memory_space<hbm>> -> memref<80x128xf32, #tpu.memory_space<hbm>>
    %dma_wait3A_168 = tpu.memref_slice %arg15[%dma_wait3A_160] : memref<4x!tpu.dma_semaphore, #tpu.memory_space<semaphore_mem>> -> memref<1x!tpu.dma_semaphore, #tpu.memory_space<semaphore_mem>>
    %dma_wait3A_169 = tpu.memref_squeeze %dma_wait3A_168 : memref<1x!tpu.dma_semaphore, #tpu.memory_space<semaphore_mem>> -> memref<!tpu.dma_semaphore, #tpu.memory_space<semaphore_mem>>
    %dma_wait3A_170 = arith.constant 0 : i32
    %dma_wait3A_171 = arith.constant 0 : i32
    %dma_wait3A_172 = tpu.memref_slice %arg6[%dma_wait3A_170, %dma_wait3A_171] : memref<320000x128xf32, #tpu.memory_space<hbm>> -> memref<80x128xf32, #tpu.memory_space<hbm>>
    %dma_wait3A_173 = arith.constant 0 : i32
    %dma_wait3A_174 = arith.constant 0 : i32
    %dma_wait3A_175 = tpu.memref_slice %arg10[%dma_wait3A_159, %dma_wait3A_173, %dma_wait3A_174] : memref<4x80x128xf32, #tpu.memory_space<vmem>> -> memref<1x80x128xf32, #tpu.memory_space<vmem>>
    %dma_wait3A_176 = tpu.memref_squeeze %dma_wait3A_175 : memref<1x80x128xf32, #tpu.memory_space<vmem>> -> memref<80x128xf32, #tpu.memory_space<vmem>>
    tpu.wait_dma2 semaphore(%dma_wait3A_169 : memref<!tpu.dma_semaphore, #tpu.memory_space<semaphore_mem>>) src(%dma_wait3A_176 : memref<80x128xf32, #tpu.memory_space<vmem>>) dst(%dma_wait3A_172 : memref<80x128xf32, #tpu.memory_space<hbm>>)
    %dma_wait3A_177 = arith.constant 1 : i32
    %dma_wait3A_178 = arith.constant 1 : i32
    %dma_wait3A_179 = arith.constant 0 : i32
    %dma_wait3A_180 = arith.constant 0 : i32
    %dma_wait3A_181 = tpu.memref_slice %arg11[%dma_wait3A_177, %dma_wait3A_179, %dma_wait3A_180] : memref<4x80x128xf32, #tpu.memory_space<vmem>> -> memref<1x80x128xf32, #tpu.memory_space<vmem>>
    %dma_wait3A_182 = tpu.memref_squeeze %dma_wait3A_181 : memref<1x80x128xf32, #tpu.memory_space<vmem>> -> memref<80x128xf32, #tpu.memory_space<vmem>>
    %dma_wait3A_183 = arith.constant 0 : i32
    %dma_wait3A_184 = arith.constant 0 : i32
    %dma_wait3A_185 = tpu.memref_slice %arg7[%dma_wait3A_183, %dma_wait3A_184] : memref<320000x128xf32, #tpu.memory_space<hbm>> -> memref<80x128xf32, #tpu.memory_space<hbm>>
    %dma_wait3A_186 = tpu.memref_slice %arg15[%dma_wait3A_178] : memref<4x!tpu.dma_semaphore, #tpu.memory_space<semaphore_mem>> -> memref<1x!tpu.dma_semaphore, #tpu.memory_space<semaphore_mem>>
    %dma_wait3A_187 = tpu.memref_squeeze %dma_wait3A_186 : memref<1x!tpu.dma_semaphore, #tpu.memory_space<semaphore_mem>> -> memref<!tpu.dma_semaphore, #tpu.memory_space<semaphore_mem>>
    %dma_wait3A_188 = arith.constant 0 : i32
    %dma_wait3A_189 = arith.constant 0 : i32
    %dma_wait3A_190 = tpu.memref_slice %arg7[%dma_wait3A_188, %dma_wait3A_189] : memref<320000x128xf32, #tpu.memory_space<hbm>> -> memref<80x128xf32, #tpu.memory_space<hbm>>
    %dma_wait3A_191 = arith.constant 0 : i32
    %dma_wait3A_192 = arith.constant 0 : i32
    %dma_wait3A_193 = tpu.memref_slice %arg11[%dma_wait3A_177, %dma_wait3A_191, %dma_wait3A_192] : memref<4x80x128xf32, #tpu.memory_space<vmem>> -> memref<1x80x128xf32, #tpu.memory_space<vmem>>
    %dma_wait3A_194 = tpu.memref_squeeze %dma_wait3A_193 : memref<1x80x128xf32, #tpu.memory_space<vmem>> -> memref<80x128xf32, #tpu.memory_space<vmem>>
    tpu.wait_dma2 semaphore(%dma_wait3A_187 : memref<!tpu.dma_semaphore, #tpu.memory_space<semaphore_mem>>) src(%dma_wait3A_194 : memref<80x128xf32, #tpu.memory_space<vmem>>) dst(%dma_wait3A_190 : memref<80x128xf32, #tpu.memory_space<hbm>>)
    %dma_wait3A_195 = arith.constant 2 : i32
    %dma_wait3A_196 = arith.constant 2 : i32
    %dma_wait3A_197 = arith.constant 0 : i32
    %dma_wait3A_198 = arith.constant 0 : i32
    %dma_wait3A_199 = tpu.memref_slice %arg10[%dma_wait3A_195, %dma_wait3A_197, %dma_wait3A_198] : memref<4x80x128xf32, #tpu.memory_space<vmem>> -> memref<1x80x128xf32, #tpu.memory_space<vmem>>
    %dma_wait3A_200 = tpu.memref_squeeze %dma_wait3A_199 : memref<1x80x128xf32, #tpu.memory_space<vmem>> -> memref<80x128xf32, #tpu.memory_space<vmem>>
    %dma_wait3A_201 = arith.constant 0 : i32
    %dma_wait3A_202 = arith.constant 0 : i32
    %dma_wait3A_203 = tpu.memref_slice %arg6[%dma_wait3A_201, %dma_wait3A_202] : memref<320000x128xf32, #tpu.memory_space<hbm>> -> memref<80x128xf32, #tpu.memory_space<hbm>>
    %dma_wait3A_204 = tpu.memref_slice %arg15[%dma_wait3A_196] : memref<4x!tpu.dma_semaphore, #tpu.memory_space<semaphore_mem>> -> memref<1x!tpu.dma_semaphore, #tpu.memory_space<semaphore_mem>>
    %dma_wait3A_205 = tpu.memref_squeeze %dma_wait3A_204 : memref<1x!tpu.dma_semaphore, #tpu.memory_space<semaphore_mem>> -> memref<!tpu.dma_semaphore, #tpu.memory_space<semaphore_mem>>
    %dma_wait3A_206 = arith.constant 0 : i32
    %dma_wait3A_207 = arith.constant 0 : i32
    %dma_wait3A_208 = tpu.memref_slice %arg6[%dma_wait3A_206, %dma_wait3A_207] : memref<320000x128xf32, #tpu.memory_space<hbm>> -> memref<80x128xf32, #tpu.memory_space<hbm>>
    %dma_wait3A_209 = arith.constant 0 : i32
    %dma_wait3A_210 = arith.constant 0 : i32
    %dma_wait3A_211 = tpu.memref_slice %arg10[%dma_wait3A_195, %dma_wait3A_209, %dma_wait3A_210] : memref<4x80x128xf32, #tpu.memory_space<vmem>> -> memref<1x80x128xf32, #tpu.memory_space<vmem>>
    %dma_wait3A_212 = tpu.memref_squeeze %dma_wait3A_211 : memref<1x80x128xf32, #tpu.memory_space<vmem>> -> memref<80x128xf32, #tpu.memory_space<vmem>>
    tpu.wait_dma2 semaphore(%dma_wait3A_205 : memref<!tpu.dma_semaphore, #tpu.memory_space<semaphore_mem>>) src(%dma_wait3A_212 : memref<80x128xf32, #tpu.memory_space<vmem>>) dst(%dma_wait3A_208 : memref<80x128xf32, #tpu.memory_space<hbm>>)
    %dma_wait3A_213 = arith.constant 2 : i32
    %dma_wait3A_214 = arith.constant 2 : i32
    %dma_wait3A_215 = arith.constant 0 : i32
    %dma_wait3A_216 = arith.constant 0 : i32
    %dma_wait3A_217 = tpu.memref_slice %arg11[%dma_wait3A_213, %dma_wait3A_215, %dma_wait3A_216] : memref<4x80x128xf32, #tpu.memory_space<vmem>> -> memref<1x80x128xf32, #tpu.memory_space<vmem>>
    %dma_wait3A_218 = tpu.memref_squeeze %dma_wait3A_217 : memref<1x80x128xf32, #tpu.memory_space<vmem>> -> memref<80x128xf32, #tpu.memory_space<vmem>>
    %dma_wait3A_219 = arith.constant 0 : i32
    %dma_wait3A_220 = arith.constant 0 : i32
    %dma_wait3A_221 = tpu.memref_slice %arg7[%dma_wait3A_219, %dma_wait3A_220] : memref<320000x128xf32, #tpu.memory_space<hbm>> -> memref<80x128xf32, #tpu.memory_space<hbm>>
    %dma_wait3A_222 = tpu.memref_slice %arg15[%dma_wait3A_214] : memref<4x!tpu.dma_semaphore, #tpu.memory_space<semaphore_mem>> -> memref<1x!tpu.dma_semaphore, #tpu.memory_space<semaphore_mem>>
    %dma_wait3A_223 = tpu.memref_squeeze %dma_wait3A_222 : memref<1x!tpu.dma_semaphore, #tpu.memory_space<semaphore_mem>> -> memref<!tpu.dma_semaphore, #tpu.memory_space<semaphore_mem>>
    %dma_wait3A_224 = arith.constant 0 : i32
    %dma_wait3A_225 = arith.constant 0 : i32
    %dma_wait3A_226 = tpu.memref_slice %arg7[%dma_wait3A_224, %dma_wait3A_225] : memref<320000x128xf32, #tpu.memory_space<hbm>> -> memref<80x128xf32, #tpu.memory_space<hbm>>
    %dma_wait3A_227 = arith.constant 0 : i32
    %dma_wait3A_228 = arith.constant 0 : i32
    %dma_wait3A_229 = tpu.memref_slice %arg11[%dma_wait3A_213, %dma_wait3A_227, %dma_wait3A_228] : memref<4x80x128xf32, #tpu.memory_space<vmem>> -> memref<1x80x128xf32, #tpu.memory_space<vmem>>
    %dma_wait3A_230 = tpu.memref_squeeze %dma_wait3A_229 : memref<1x80x128xf32, #tpu.memory_space<vmem>> -> memref<80x128xf32, #tpu.memory_space<vmem>>
    tpu.wait_dma2 semaphore(%dma_wait3A_223 : memref<!tpu.dma_semaphore, #tpu.memory_space<semaphore_mem>>) src(%dma_wait3A_230 : memref<80x128xf32, #tpu.memory_space<vmem>>) dst(%dma_wait3A_226 : memref<80x128xf32, #tpu.memory_space<hbm>>)
    %dma_wait3A_231 = arith.constant 3 : i32
    %dma_wait3A_232 = arith.constant 3 : i32
    %dma_wait3A_233 = arith.constant 0 : i32
    %dma_wait3A_234 = arith.constant 0 : i32
    %dma_wait3A_235 = tpu.memref_slice %arg10[%dma_wait3A_231, %dma_wait3A_233, %dma_wait3A_234] : memref<4x80x128xf32, #tpu.memory_space<vmem>> -> memref<1x80x128xf32, #tpu.memory_space<vmem>>
    %dma_wait3A_236 = tpu.memref_squeeze %dma_wait3A_235 : memref<1x80x128xf32, #tpu.memory_space<vmem>> -> memref<80x128xf32, #tpu.memory_space<vmem>>
    %dma_wait3A_237 = arith.constant 0 : i32
    %dma_wait3A_238 = arith.constant 0 : i32
    %dma_wait3A_239 = tpu.memref_slice %arg6[%dma_wait3A_237, %dma_wait3A_238] : memref<320000x128xf32, #tpu.memory_space<hbm>> -> memref<80x128xf32, #tpu.memory_space<hbm>>
    %dma_wait3A_240 = tpu.memref_slice %arg15[%dma_wait3A_232] : memref<4x!tpu.dma_semaphore, #tpu.memory_space<semaphore_mem>> -> memref<1x!tpu.dma_semaphore, #tpu.memory_space<semaphore_mem>>
    %dma_wait3A_241 = tpu.memref_squeeze %dma_wait3A_240 : memref<1x!tpu.dma_semaphore, #tpu.memory_space<semaphore_mem>> -> memref<!tpu.dma_semaphore, #tpu.memory_space<semaphore_mem>>
    %dma_wait3A_242 = arith.constant 0 : i32
    %dma_wait3A_243 = arith.constant 0 : i32
    %dma_wait3A_244 = tpu.memref_slice %arg6[%dma_wait3A_242, %dma_wait3A_243] : memref<320000x128xf32, #tpu.memory_space<hbm>> -> memref<80x128xf32, #tpu.memory_space<hbm>>
    %dma_wait3A_245 = arith.constant 0 : i32
    %dma_wait3A_246 = arith.constant 0 : i32
    %dma_wait3A_247 = tpu.memref_slice %arg10[%dma_wait3A_231, %dma_wait3A_245, %dma_wait3A_246] : memref<4x80x128xf32, #tpu.memory_space<vmem>> -> memref<1x80x128xf32, #tpu.memory_space<vmem>>
    %dma_wait3A_248 = tpu.memref_squeeze %dma_wait3A_247 : memref<1x80x128xf32, #tpu.memory_space<vmem>> -> memref<80x128xf32, #tpu.memory_space<vmem>>
    tpu.wait_dma2 semaphore(%dma_wait3A_241 : memref<!tpu.dma_semaphore, #tpu.memory_space<semaphore_mem>>) src(%dma_wait3A_248 : memref<80x128xf32, #tpu.memory_space<vmem>>) dst(%dma_wait3A_244 : memref<80x128xf32, #tpu.memory_space<hbm>>)
    %dma_wait3A_249 = arith.constant 3 : i32
    %dma_wait3A_250 = arith.constant 3 : i32
    %dma_wait3A_251 = arith.constant 0 : i32
    %dma_wait3A_252 = arith.constant 0 : i32
    %dma_wait3A_253 = tpu.memref_slice %arg11[%dma_wait3A_249, %dma_wait3A_251, %dma_wait3A_252] : memref<4x80x128xf32, #tpu.memory_space<vmem>> -> memref<1x80x128xf32, #tpu.memory_space<vmem>>
    %dma_wait3A_254 = tpu.memref_squeeze %dma_wait3A_253 : memref<1x80x128xf32, #tpu.memory_space<vmem>> -> memref<80x128xf32, #tpu.memory_space<vmem>>
    %dma_wait3A_255 = arith.constant 0 : i32
    %dma_wait3A_256 = arith.constant 0 : i32
    %dma_wait3A_257 = tpu.memref_slice %arg7[%dma_wait3A_255, %dma_wait3A_256] : memref<320000x128xf32, #tpu.memory_space<hbm>> -> memref<80x128xf32, #tpu.memory_space<hbm>>
    %dma_wait3A_258 = tpu.memref_slice %arg15[%dma_wait3A_250] : memref<4x!tpu.dma_semaphore, #tpu.memory_space<semaphore_mem>> -> memref<1x!tpu.dma_semaphore, #tpu.memory_space<semaphore_mem>>
    %dma_wait3A_259 = tpu.memref_squeeze %dma_wait3A_258 : memref<1x!tpu.dma_semaphore, #tpu.memory_space<semaphore_mem>> -> memref<!tpu.dma_semaphore, #tpu.memory_space<semaphore_mem>>
    %dma_wait3A_260 = arith.constant 0 : i32
    %dma_wait3A_261 = arith.constant 0 : i32
    %dma_wait3A_262 = tpu.memref_slice %arg7[%dma_wait3A_260, %dma_wait3A_261] : memref<320000x128xf32, #tpu.memory_space<hbm>> -> memref<80x128xf32, #tpu.memory_space<hbm>>
    %dma_wait3A_263 = arith.constant 0 : i32
    %dma_wait3A_264 = arith.constant 0 : i32
    %dma_wait3A_265 = tpu.memref_slice %arg11[%dma_wait3A_249, %dma_wait3A_263, %dma_wait3A_264] : memref<4x80x128xf32, #tpu.memory_space<vmem>> -> memref<1x80x128xf32, #tpu.memory_space<vmem>>
    %dma_wait3A_266 = tpu.memref_squeeze %dma_wait3A_265 : memref<1x80x128xf32, #tpu.memory_space<vmem>> -> memref<80x128xf32, #tpu.memory_space<vmem>>
    tpu.wait_dma2 semaphore(%dma_wait3A_259 : memref<!tpu.dma_semaphore, #tpu.memory_space<semaphore_mem>>) src(%dma_wait3A_266 : memref<80x128xf32, #tpu.memory_space<vmem>>) dst(%dma_wait3A_262 : memref<80x128xf32, #tpu.memory_space<hbm>>)
    return
  }
}

module attributes {stable_mosaic.version = 14 : i64} {
  func.func @_proj_body(%arg0: i32, %arg1: memref<2000x128xf32, #tpu.memory_space<vmem>>, %arg2: memref<128x128xf32, #tpu.memory_space<vmem>>, %arg3: memref<1x128xf32, #tpu.memory_space<vmem>>, %arg4: memref<2000x128xf32, #tpu.memory_space<vmem>>) attributes {dimension_semantics = [#tpu.dimension_semantics<arbitrary>], iteration_bounds = array<i64: 5>, scalar_prefetch = 0 : i64, scratch_operands = 0 : i64, tpu.core_type = #tpu.core_type<tc>, window_params = [{transform_indices = @transform_0, window_bounds = array<i64: 2000, 128>}, {pipeline_mode = #tpu.pipeline_mode<synchronous>, transform_indices = @transform_1, window_bounds = array<i64: 128, 128>}, {pipeline_mode = #tpu.pipeline_mode<synchronous>, transform_indices = @transform_2, window_bounds = array<i64: 1, 128>}, {transform_indices = @transform_3, window_bounds = array<i64: 2000, 128>}]} {
    %get3A = arith.constant 0 : index
    %get3A_0 = arith.constant 0 : index
    %get3A_1 = vector.load %arg1[%get3A, %get3A_0] : memref<2000x128xf32, #tpu.memory_space<vmem>>, vector<2000x128xf32>
    %get3A_2 = arith.constant 0 : index
    %get3A_3 = arith.constant 0 : index
    %get3A_4 = vector.load %arg2[%get3A_2, %get3A_3] : memref<128x128xf32, #tpu.memory_space<vmem>>, vector<128x128xf32>
    %dot_general3A = arith.constant dense<0.000000e+00> : vector<2000x128xf32>
    %dot_general3A_5 = tpu.matmul %get3A_1, %get3A_4, %dot_general3A {dimension_numbers = #tpu.dot_dimension_numbers<[1], [0], [0], [1], [0, 0, 1, 1], [], []>, transpose_lhs_hint = false} : vector<2000x128xf32>, vector<128x128xf32>, vector<2000x128xf32> -> vector<2000x128xf32>
    %get3A_6 = arith.constant 0 : index
    %get3A_7 = arith.constant 0 : index
    %get3A_8 = vector.load %arg3[%get3A_6, %get3A_7] : memref<1x128xf32, #tpu.memory_space<vmem>>, vector<1x128xf32>
    %add3A = vector.broadcast %get3A_8 : vector<1x128xf32> to vector<2000x128xf32>
    %add3A_9 = arith.addf %dot_general3A_5, %add3A : vector<2000x128xf32>
    %swap3A = arith.constant 0 : index
    %swap3A_10 = arith.constant 0 : index
    %swap3A_11 = vector.load %arg4[%swap3A, %swap3A_10] : memref<2000x128xf32, #tpu.memory_space<vmem>>, vector<2000x128xf32>
    tpu.vector_store %arg4[%swap3A, %swap3A_10], %add3A_9 {strides = array<i32>} : memref<2000x128xf32, #tpu.memory_space<vmem>>, vector<2000x128xf32>,
    return
  }
  func.func @transform_0(%arg0: i32) -> (i32, i32) {
    %c0_i32 = arith.constant 0 : i32
    %c0_i32_0 = arith.constant 0 : i32
    return %arg0, %c0_i32 : i32, i32
  }
  func.func @transform_1(%arg0: i32) -> (i32, i32) {
    %c0_i32 = arith.constant 0 : i32
    %c0_i32_0 = arith.constant 0 : i32
    %c0_i32_1 = arith.constant 0 : i32
    return %c0_i32, %c0_i32_0 : i32, i32
  }
  func.func @transform_2(%arg0: i32) -> (i32, i32) {
    %c0_i32 = arith.constant 0 : i32
    %c0_i32_0 = arith.constant 0 : i32
    %c0_i32_1 = arith.constant 0 : i32
    return %c0_i32, %c0_i32_0 : i32, i32
  }
  func.func @transform_3(%arg0: i32) -> (i32, i32) {
    %c0_i32 = arith.constant 0 : i32
    %c0_i32_0 = arith.constant 0 : i32
    return %arg0, %c0_i32 : i32, i32
  }
}

module attributes {stable_mosaic.version = 14 : i64} {
  func.func @_node_body(%arg0: i32, %arg1: memref<2000x128xf32, #tpu.memory_space<vmem>>, %arg2: memref<2x2000x128xf32, #tpu.memory_space<vmem>>, %arg3: memref<128x128xf32, #tpu.memory_space<vmem>>, %arg4: memref<128x128xf32, #tpu.memory_space<vmem>>, %arg5: memref<1x128xf32, #tpu.memory_space<vmem>>, %arg6: memref<1x128xf32, #tpu.memory_space<vmem>>, %arg7: memref<1x128xf32, #tpu.memory_space<vmem>>, %arg8: memref<2000x128xf32, #tpu.memory_space<vmem>>) attributes {dimension_semantics = [#tpu.dimension_semantics<arbitrary>], iteration_bounds = array<i64: 5>, scalar_prefetch = 0 : i64, scratch_operands = 0 : i64, tpu.core_type = #tpu.core_type<tc>, window_params = [{transform_indices = @transform_0, window_bounds = array<i64: 2000, 128>}, {transform_indices = @transform_1, window_bounds = array<i64: 2, 2000, 128>}, {pipeline_mode = #tpu.pipeline_mode<synchronous>, transform_indices = @transform_2, window_bounds = array<i64: 128, 128>}, {pipeline_mode = #tpu.pipeline_mode<synchronous>, transform_indices = @transform_3, window_bounds = array<i64: 128, 128>}, {pipeline_mode = #tpu.pipeline_mode<synchronous>, transform_indices = @transform_4, window_bounds = array<i64: 1, 128>}, {pipeline_mode = #tpu.pipeline_mode<synchronous>, transform_indices = @transform_5, window_bounds = array<i64: 1, 128>}, {pipeline_mode = #tpu.pipeline_mode<synchronous>, transform_indices = @transform_6, window_bounds = array<i64: 1, 128>}, {transform_indices = @transform_7, window_bounds = array<i64: 2000, 128>}]} {
    %get3A = arith.constant 0 : index
    %get3A_0 = arith.constant 0 : index
    %get3A_1 = vector.load %arg1[%get3A, %get3A_0] : memref<2000x128xf32, #tpu.memory_space<vmem>>, vector<2000x128xf32>
    %get3A_2 = arith.constant 0 : index
    %get3A_3 = arith.constant 0 : index
    %get3A_4 = arith.constant 0 : index
    %get3A_5 = vector.load %arg2[%get3A_2, %get3A_3, %get3A_4] : memref<2x2000x128xf32, #tpu.memory_space<vmem>>, vector<1x2000x128xf32>
    %get3A_6 = vector.shape_cast %get3A_5 : vector<1x2000x128xf32> to vector<2000x128xf32>
    %get3A_7 = arith.constant 1 : index
    %get3A_8 = arith.constant 0 : index
    %get3A_9 = arith.constant 0 : index
    %get3A_10 = vector.load %arg2[%get3A_7, %get3A_8, %get3A_9] : memref<2x2000x128xf32, #tpu.memory_space<vmem>>, vector<1x2000x128xf32>
    %get3A_11 = vector.shape_cast %get3A_10 : vector<1x2000x128xf32> to vector<2000x128xf32>
    %add3A = arith.addf %get3A_6, %get3A_11 : vector<2000x128xf32>
    %get3A_12 = arith.constant 0 : index
    %get3A_13 = arith.constant 0 : index
    %get3A_14 = vector.load %arg3[%get3A_12, %get3A_13] : memref<128x128xf32, #tpu.memory_space<vmem>>, vector<128x128xf32>
    %dot_general3A = arith.constant dense<0.000000e+00> : vector<2000x128xf32>
    %dot_general3A_15 = tpu.matmul %get3A_1, %get3A_14, %dot_general3A {dimension_numbers = #tpu.dot_dimension_numbers<[1], [0], [0], [1], [0, 0, 1, 1], [], []>, transpose_lhs_hint = false} : vector<2000x128xf32>, vector<128x128xf32>, vector<2000x128xf32> -> vector<2000x128xf32>
    %get3A_16 = arith.constant 0 : index
    %get3A_17 = arith.constant 0 : index
    %get3A_18 = vector.load %arg4[%get3A_16, %get3A_17] : memref<128x128xf32, #tpu.memory_space<vmem>>, vector<128x128xf32>
    %dot_general3A_19 = arith.constant dense<0.000000e+00> : vector<2000x128xf32>
    %dot_general3A_20 = tpu.matmul %add3A, %get3A_18, %dot_general3A_19 {dimension_numbers = #tpu.dot_dimension_numbers<[1], [0], [0], [1], [0, 0, 1, 1], [], []>, transpose_lhs_hint = false} : vector<2000x128xf32>, vector<128x128xf32>, vector<2000x128xf32> -> vector<2000x128xf32>
    %add3A_21 = arith.addf %dot_general3A_15, %dot_general3A_20 : vector<2000x128xf32>
    %get3A_22 = arith.constant 0 : index
    %get3A_23 = arith.constant 0 : index
    %get3A_24 = vector.load %arg5[%get3A_22, %get3A_23] : memref<1x128xf32, #tpu.memory_space<vmem>>, vector<1x128xf32>
    %add3A_25 = vector.broadcast %get3A_24 : vector<1x128xf32> to vector<2000x128xf32>
    %add3A_26 = arith.addf %add3A_21, %add3A_25 : vector<2000x128xf32>
    %max3A = arith.constant 0.000000e+00 : f32
    %max3A_27 = vector.broadcast %max3A : f32 to vector<2000x128xf32>
    %max3A_28 = arith.maximumf %add3A_26, %max3A_27 : vector<2000x128xf32>
    %get3A_29 = arith.constant 0 : index
    %get3A_30 = arith.constant 0 : index
    %get3A_31 = vector.load %arg6[%get3A_29, %get3A_30] : memref<1x128xf32, #tpu.memory_space<vmem>>, vector<1x128xf32>
    %get3A_32 = arith.constant 0 : index
    %get3A_33 = arith.constant 0 : index
    %get3A_34 = vector.load %arg7[%get3A_32, %get3A_33] : memref<1x128xf32, #tpu.memory_space<vmem>>, vector<1x128xf32>
    %reduce_sum3A = arith.constant dense<0.000000e+00> : vector<2000xf32>
    %reduce_sum3A_35 = vector.multi_reduction <add>, %max3A_28, %reduce_sum3A [1] : vector<2000x128xf32> to vector<2000xf32>
    %broadcast_in_dim3A = vector.shape_cast %reduce_sum3A_35 : vector<2000xf32> to vector<2000x1xf32>
    %div3A = arith.constant 1.280000e+02 : f32
    %div3A_36 = vector.broadcast %div3A : f32 to vector<2000x1xf32>
    %div3A_37 = arith.divf %broadcast_in_dim3A, %div3A_36 : vector<2000x1xf32>
    %sub3A = vector.broadcast %div3A_37 : vector<2000x1xf32> to vector<2000x128xf32>
    %sub3A_38 = arith.subf %max3A_28, %sub3A : vector<2000x128xf32>
    %integer_pow3A = arith.mulf %sub3A_38, %sub3A_38 : vector<2000x128xf32>
    %reduce_sum3A_39 = arith.constant dense<0.000000e+00> : vector<2000xf32>
    %reduce_sum3A_40 = vector.multi_reduction <add>, %integer_pow3A, %reduce_sum3A_39 [1] : vector<2000x128xf32> to vector<2000xf32>
    %broadcast_in_dim3A_41 = vector.shape_cast %reduce_sum3A_40 : vector<2000xf32> to vector<2000x1xf32>
    %div3A_42 = arith.constant 1.280000e+02 : f32
    %div3A_43 = vector.broadcast %div3A_42 : f32 to vector<2000x1xf32>
    %div3A_44 = arith.divf %broadcast_in_dim3A_41, %div3A_43 : vector<2000x1xf32>
    %sub3A_45 = vector.broadcast %div3A_37 : vector<2000x1xf32> to vector<2000x128xf32>
    %sub3A_46 = arith.subf %max3A_28, %sub3A_45 : vector<2000x128xf32>
    %add3A_47 = arith.constant 9.99999974E-6 : f32
    %add3A_48 = vector.broadcast %add3A_47 : f32 to vector<2000x1xf32>
    %add3A_49 = arith.addf %div3A_44, %add3A_48 : vector<2000x1xf32>
    %rsqrt3A = math.rsqrt %add3A_49 : vector<2000x1xf32>
    %mul3A = vector.broadcast %rsqrt3A : vector<2000x1xf32> to vector<2000x128xf32>
    %mul3A_50 = arith.mulf %sub3A_46, %mul3A : vector<2000x128xf32>
    %mul3A_51 = vector.broadcast %get3A_31 : vector<1x128xf32> to vector<2000x128xf32>
    %mul3A_52 = arith.mulf %mul3A_50, %mul3A_51 : vector<2000x128xf32>
    %add3A_53 = vector.broadcast %get3A_34 : vector<1x128xf32> to vector<2000x128xf32>
    %add3A_54 = arith.addf %mul3A_52, %add3A_53 : vector<2000x128xf32>
    %swap3A = arith.constant 0 : index
    %swap3A_55 = arith.constant 0 : index
    %swap3A_56 = vector.load %arg8[%swap3A, %swap3A_55] : memref<2000x128xf32, #tpu.memory_space<vmem>>, vector<2000x128xf32>
    tpu.vector_store %arg8[%swap3A, %swap3A_55], %add3A_54 {strides = array<i32>} : memref<2000x128xf32, #tpu.memory_space<vmem>>, vector<2000x128xf32>,
    return
  }
  func.func @transform_0(%arg0: i32) -> (i32, i32) {
    %c0_i32 = arith.constant 0 : i32
    %c0_i32_0 = arith.constant 0 : i32
    return %arg0, %c0_i32 : i32, i32
  }
  func.func @transform_1(%arg0: i32) -> (i32, i32, i32) {
    %c0_i32 = arith.constant 0 : i32
    %c0_i32_0 = arith.constant 0 : i32
    %c0_i32_1 = arith.constant 0 : i32
    return %c0_i32, %arg0, %c0_i32_0 : i32, i32, i32
  }
  func.func @transform_2(%arg0: i32) -> (i32, i32) {
    %c0_i32 = arith.constant 0 : i32
    %c0_i32_0 = arith.constant 0 : i32
    %c0_i32_1 = arith.constant 0 : i32
    return %c0_i32, %c0_i32_0 : i32, i32
  }
  func.func @transform_3(%arg0: i32) -> (i32, i32) {
    %c0_i32 = arith.constant 0 : i32
    %c0_i32_0 = arith.constant 0 : i32
    %c0_i32_1 = arith.constant 0 : i32
    return %c0_i32, %c0_i32_0 : i32, i32
  }
  func.func @transform_4(%arg0: i32) -> (i32, i32) {
    %c0_i32 = arith.constant 0 : i32
    %c0_i32_0 = arith.constant 0 : i32
    %c0_i32_1 = arith.constant 0 : i32
    return %c0_i32, %c0_i32_0 : i32, i32
  }
  func.func @transform_5(%arg0: i32) -> (i32, i32) {
    %c0_i32 = arith.constant 0 : i32
    %c0_i32_0 = arith.constant 0 : i32
    %c0_i32_1 = arith.constant 0 : i32
    return %c0_i32, %c0_i32_0 : i32, i32
  }
  func.func @transform_6(%arg0: i32) -> (i32, i32) {
    %c0_i32 = arith.constant 0 : i32
    %c0_i32_0 = arith.constant 0 : i32
    %c0_i32_1 = arith.constant 0 : i32
    return %c0_i32, %c0_i32_0 : i32, i32
  }
  func.func @transform_7(%arg0: i32) -> (i32, i32) {
    %c0_i32 = arith.constant 0 : i32
    %c0_i32_0 = arith.constant 0 : i32
    return %arg0, %c0_i32 : i32, i32
  }
}

module attributes {stable_mosaic.version = 14 : i64} {
  func.func @_node_pq_body(%arg0: i32, %arg1: memref<2000x128xf32, #tpu.memory_space<vmem>>, %arg2: memref<2x2000x128xf32, #tpu.memory_space<vmem>>, %arg3: memref<128x128xf32, #tpu.memory_space<vmem>>, %arg4: memref<128x128xf32, #tpu.memory_space<vmem>>, %arg5: memref<1x128xf32, #tpu.memory_space<vmem>>, %arg6: memref<1x128xf32, #tpu.memory_space<vmem>>, %arg7: memref<1x128xf32, #tpu.memory_space<vmem>>, %arg8: memref<128x128xf32, #tpu.memory_space<vmem>>, %arg9: memref<128x128xf32, #tpu.memory_space<vmem>>, %arg10: memref<1x128xf32, #tpu.memory_space<vmem>>, %arg11: memref<2000x128xf32, #tpu.memory_space<vmem>>, %arg12: memref<2000x128xf32, #tpu.memory_space<vmem>>, %arg13: memref<2000x128xf32, #tpu.memory_space<vmem>>) attributes {dimension_semantics = [#tpu.dimension_semantics<arbitrary>], iteration_bounds = array<i64: 5>, scalar_prefetch = 0 : i64, scratch_operands = 0 : i64, tpu.core_type = #tpu.core_type<tc>, window_params = [{transform_indices = @transform_0, window_bounds = array<i64: 2000, 128>}, {transform_indices = @transform_1, window_bounds = array<i64: 2, 2000, 128>}, {pipeline_mode = #tpu.pipeline_mode<synchronous>, transform_indices = @transform_2, window_bounds = array<i64: 128, 128>}, {pipeline_mode = #tpu.pipeline_mode<synchronous>, transform_indices = @transform_3, window_bounds = array<i64: 128, 128>}, {pipeline_mode = #tpu.pipeline_mode<synchronous>, transform_indices = @transform_4, window_bounds = array<i64: 1, 128>}, {pipeline_mode = #tpu.pipeline_mode<synchronous>, transform_indices = @transform_5, window_bounds = array<i64: 1, 128>}, {pipeline_mode = #tpu.pipeline_mode<synchronous>, transform_indices = @transform_6, window_bounds = array<i64: 1, 128>}, {pipeline_mode = #tpu.pipeline_mode<synchronous>, transform_indices = @transform_7, window_bounds = array<i64: 128, 128>}, {pipeline_mode = #tpu.pipeline_mode<synchronous>, transform_indices = @transform_8, window_bounds = array<i64: 128, 128>}, {pipeline_mode = #tpu.pipeline_mode<synchronous>, transform_indices = @transform_9, window_bounds = array<i64: 1, 128>}, {transform_indices = @transform_10, window_bounds = array<i64: 2000, 128>}, {transform_indices = @transform_11, window_bounds = array<i64: 2000, 128>}, {transform_indices = @transform_12, window_bounds = array<i64: 2000, 128>}]} {
    %get3A = arith.constant 0 : index
    %get3A_0 = arith.constant 0 : index
    %get3A_1 = vector.load %arg1[%get3A, %get3A_0] : memref<2000x128xf32, #tpu.memory_space<vmem>>, vector<2000x128xf32>
    %get3A_2 = arith.constant 0 : index
    %get3A_3 = arith.constant 0 : index
    %get3A_4 = arith.constant 0 : index
    %get3A_5 = vector.load %arg2[%get3A_2, %get3A_3, %get3A_4] : memref<2x2000x128xf32, #tpu.memory_space<vmem>>, vector<1x2000x128xf32>
    %get3A_6 = vector.shape_cast %get3A_5 : vector<1x2000x128xf32> to vector<2000x128xf32>
    %get3A_7 = arith.constant 1 : index
    %get3A_8 = arith.constant 0 : index
    %get3A_9 = arith.constant 0 : index
    %get3A_10 = vector.load %arg2[%get3A_7, %get3A_8, %get3A_9] : memref<2x2000x128xf32, #tpu.memory_space<vmem>>, vector<1x2000x128xf32>
    %get3A_11 = vector.shape_cast %get3A_10 : vector<1x2000x128xf32> to vector<2000x128xf32>
    %add3A = arith.addf %get3A_6, %get3A_11 : vector<2000x128xf32>
    %get3A_12 = arith.constant 0 : index
    %get3A_13 = arith.constant 0 : index
    %get3A_14 = vector.load %arg3[%get3A_12, %get3A_13] : memref<128x128xf32, #tpu.memory_space<vmem>>, vector<128x128xf32>
    %dot_general3A = arith.constant dense<0.000000e+00> : vector<2000x128xf32>
    %dot_general3A_15 = tpu.matmul %get3A_1, %get3A_14, %dot_general3A {dimension_numbers = #tpu.dot_dimension_numbers<[1], [0], [0], [1], [0, 0, 1, 1], [], []>, transpose_lhs_hint = false} : vector<2000x128xf32>, vector<128x128xf32>, vector<2000x128xf32> -> vector<2000x128xf32>
    %get3A_16 = arith.constant 0 : index
    %get3A_17 = arith.constant 0 : index
    %get3A_18 = vector.load %arg4[%get3A_16, %get3A_17] : memref<128x128xf32, #tpu.memory_space<vmem>>, vector<128x128xf32>
    %dot_general3A_19 = arith.constant dense<0.000000e+00> : vector<2000x128xf32>
    %dot_general3A_20 = tpu.matmul %add3A, %get3A_18, %dot_general3A_19 {dimension_numbers = #tpu.dot_dimension_numbers<[1], [0], [0], [1], [0, 0, 1, 1], [], []>, transpose_lhs_hint = false} : vector<2000x128xf32>, vector<128x128xf32>, vector<2000x128xf32> -> vector<2000x128xf32>
    %add3A_21 = arith.addf %dot_general3A_15, %dot_general3A_20 : vector<2000x128xf32>
    %get3A_22 = arith.constant 0 : index
    %get3A_23 = arith.constant 0 : index
    %get3A_24 = vector.load %arg5[%get3A_22, %get3A_23] : memref<1x128xf32, #tpu.memory_space<vmem>>, vector<1x128xf32>
    %add3A_25 = vector.broadcast %get3A_24 : vector<1x128xf32> to vector<2000x128xf32>
    %add3A_26 = arith.addf %add3A_21, %add3A_25 : vector<2000x128xf32>
    %max3A = arith.constant 0.000000e+00 : f32
    %max3A_27 = vector.broadcast %max3A : f32 to vector<2000x128xf32>
    %max3A_28 = arith.maximumf %add3A_26, %max3A_27 : vector<2000x128xf32>
    %get3A_29 = arith.constant 0 : index
    %get3A_30 = arith.constant 0 : index
    %get3A_31 = vector.load %arg6[%get3A_29, %get3A_30] : memref<1x128xf32, #tpu.memory_space<vmem>>, vector<1x128xf32>
    %get3A_32 = arith.constant 0 : index
    %get3A_33 = arith.constant 0 : index
    %get3A_34 = vector.load %arg7[%get3A_32, %get3A_33] : memref<1x128xf32, #tpu.memory_space<vmem>>, vector<1x128xf32>
    %reduce_sum3A = arith.constant dense<0.000000e+00> : vector<2000xf32>
    %reduce_sum3A_35 = vector.multi_reduction <add>, %max3A_28, %reduce_sum3A [1] : vector<2000x128xf32> to vector<2000xf32>
    %broadcast_in_dim3A = vector.shape_cast %reduce_sum3A_35 : vector<2000xf32> to vector<2000x1xf32>
    %div3A = arith.constant 1.280000e+02 : f32
    %div3A_36 = vector.broadcast %div3A : f32 to vector<2000x1xf32>
    %div3A_37 = arith.divf %broadcast_in_dim3A, %div3A_36 : vector<2000x1xf32>
    %sub3A = vector.broadcast %div3A_37 : vector<2000x1xf32> to vector<2000x128xf32>
    %sub3A_38 = arith.subf %max3A_28, %sub3A : vector<2000x128xf32>
    %integer_pow3A = arith.mulf %sub3A_38, %sub3A_38 : vector<2000x128xf32>
    %reduce_sum3A_39 = arith.constant dense<0.000000e+00> : vector<2000xf32>
    %reduce_sum3A_40 = vector.multi_reduction <add>, %integer_pow3A, %reduce_sum3A_39 [1] : vector<2000x128xf32> to vector<2000xf32>
    %broadcast_in_dim3A_41 = vector.shape_cast %reduce_sum3A_40 : vector<2000xf32> to vector<2000x1xf32>
    %div3A_42 = arith.constant 1.280000e+02 : f32
    %div3A_43 = vector.broadcast %div3A_42 : f32 to vector<2000x1xf32>
    %div3A_44 = arith.divf %broadcast_in_dim3A_41, %div3A_43 : vector<2000x1xf32>
    %sub3A_45 = vector.broadcast %div3A_37 : vector<2000x1xf32> to vector<2000x128xf32>
    %sub3A_46 = arith.subf %max3A_28, %sub3A_45 : vector<2000x128xf32>
    %add3A_47 = arith.constant 9.99999974E-6 : f32
    %add3A_48 = vector.broadcast %add3A_47 : f32 to vector<2000x1xf32>
    %add3A_49 = arith.addf %div3A_44, %add3A_48 : vector<2000x1xf32>
    %rsqrt3A = math.rsqrt %add3A_49 : vector<2000x1xf32>
    %mul3A = vector.broadcast %rsqrt3A : vector<2000x1xf32> to vector<2000x128xf32>
    %mul3A_50 = arith.mulf %sub3A_46, %mul3A : vector<2000x128xf32>
    %mul3A_51 = vector.broadcast %get3A_31 : vector<1x128xf32> to vector<2000x128xf32>
    %mul3A_52 = arith.mulf %mul3A_50, %mul3A_51 : vector<2000x128xf32>
    %add3A_53 = vector.broadcast %get3A_34 : vector<1x128xf32> to vector<2000x128xf32>
    %add3A_54 = arith.addf %mul3A_52, %add3A_53 : vector<2000x128xf32>
    %swap3A = arith.constant 0 : index
    %swap3A_55 = arith.constant 0 : index
    %swap3A_56 = vector.load %arg11[%swap3A, %swap3A_55] : memref<2000x128xf32, #tpu.memory_space<vmem>>, vector<2000x128xf32>
    tpu.vector_store %arg11[%swap3A, %swap3A_55], %add3A_54 {strides = array<i32>} : memref<2000x128xf32, #tpu.memory_space<vmem>>, vector<2000x128xf32>,
    %get3A_57 = arith.constant 0 : index
    %get3A_58 = arith.constant 0 : index
    %get3A_59 = vector.load %arg8[%get3A_57, %get3A_58] : memref<128x128xf32, #tpu.memory_space<vmem>>, vector<128x128xf32>
    %dot_general3A_60 = arith.constant dense<0.000000e+00> : vector<2000x128xf32>
    %dot_general3A_61 = tpu.matmul %get3A_1, %get3A_59, %dot_general3A_60 {dimension_numbers = #tpu.dot_dimension_numbers<[1], [0], [0], [1], [0, 0, 1, 1], [], []>, transpose_lhs_hint = false} : vector<2000x128xf32>, vector<128x128xf32>, vector<2000x128xf32> -> vector<2000x128xf32>
    %get3A_62 = arith.constant 0 : index
    %get3A_63 = arith.constant 0 : index
    %get3A_64 = vector.load %arg10[%get3A_62, %get3A_63] : memref<1x128xf32, #tpu.memory_space<vmem>>, vector<1x128xf32>
    %add3A_65 = vector.broadcast %get3A_64 : vector<1x128xf32> to vector<2000x128xf32>
    %add3A_66 = arith.addf %dot_general3A_61, %add3A_65 : vector<2000x128xf32>
    %swap3A_67 = arith.constant 0 : index
    %swap3A_68 = arith.constant 0 : index
    %swap3A_69 = vector.load %arg12[%swap3A_67, %swap3A_68] : memref<2000x128xf32, #tpu.memory_space<vmem>>, vector<2000x128xf32>
    tpu.vector_store %arg12[%swap3A_67, %swap3A_68], %add3A_66 {strides = array<i32>} : memref<2000x128xf32, #tpu.memory_space<vmem>>, vector<2000x128xf32>,
    %get3A_70 = arith.constant 0 : index
    %get3A_71 = arith.constant 0 : index
    %get3A_72 = vector.load %arg9[%get3A_70, %get3A_71] : memref<128x128xf32, #tpu.memory_space<vmem>>, vector<128x128xf32>
    %dot_general3A_73 = arith.constant dense<0.000000e+00> : vector<2000x128xf32>
    %dot_general3A_74 = tpu.matmul %get3A_1, %get3A_72, %dot_general3A_73 {dimension_numbers = #tpu.dot_dimension_numbers<[1], [0], [0], [1], [0, 0, 1, 1], [], []>, transpose_lhs_hint = false} : vector<2000x128xf32>, vector<128x128xf32>, vector<2000x128xf32> -> vector<2000x128xf32>
    %swap3A_75 = arith.constant 0 : index
    %swap3A_76 = arith.constant 0 : index
    %swap3A_77 = vector.load %arg13[%swap3A_75, %swap3A_76] : memref<2000x128xf32, #tpu.memory_space<vmem>>, vector<2000x128xf32>
    tpu.vector_store %arg13[%swap3A_75, %swap3A_76], %dot_general3A_74 {strides = array<i32>} : memref<2000x128xf32, #tpu.memory_space<vmem>>, vector<2000x128xf32>,
    return
  }
  func.func @transform_0(%arg0: i32) -> (i32, i32) {
    %c0_i32 = arith.constant 0 : i32
    %c0_i32_0 = arith.constant 0 : i32
    return %arg0, %c0_i32 : i32, i32
  }
  func.func @transform_1(%arg0: i32) -> (i32, i32, i32) {
    %c0_i32 = arith.constant 0 : i32
    %c0_i32_0 = arith.constant 0 : i32
    %c0_i32_1 = arith.constant 0 : i32
    return %c0_i32, %arg0, %c0_i32_0 : i32, i32, i32
  }
  func.func @transform_2(%arg0: i32) -> (i32, i32) {
    %c0_i32 = arith.constant 0 : i32
    %c0_i32_0 = arith.constant 0 : i32
    %c0_i32_1 = arith.constant 0 : i32
    return %c0_i32, %c0_i32_0 : i32, i32
  }
  func.func @transform_3(%arg0: i32) -> (i32, i32) {
    %c0_i32 = arith.constant 0 : i32
    %c0_i32_0 = arith.constant 0 : i32
    %c0_i32_1 = arith.constant 0 : i32
    return %c0_i32, %c0_i32_0 : i32, i32
  }
  func.func @transform_4(%arg0: i32) -> (i32, i32) {
    %c0_i32 = arith.constant 0 : i32
    %c0_i32_0 = arith.constant 0 : i32
    %c0_i32_1 = arith.constant 0 : i32
    return %c0_i32, %c0_i32_0 : i32, i32
  }
  func.func @transform_5(%arg0: i32) -> (i32, i32) {
    %c0_i32 = arith.constant 0 : i32
    %c0_i32_0 = arith.constant 0 : i32
    %c0_i32_1 = arith.constant 0 : i32
    return %c0_i32, %c0_i32_0 : i32, i32
  }
  func.func @transform_6(%arg0: i32) -> (i32, i32) {
    %c0_i32 = arith.constant 0 : i32
    %c0_i32_0 = arith.constant 0 : i32
    %c0_i32_1 = arith.constant 0 : i32
    return %c0_i32, %c0_i32_0 : i32, i32
  }
  func.func @transform_7(%arg0: i32) -> (i32, i32) {
    %c0_i32 = arith.constant 0 : i32
    %c0_i32_0 = arith.constant 0 : i32
    %c0_i32_1 = arith.constant 0 : i32
    return %c0_i32, %c0_i32_0 : i32, i32
  }
  func.func @transform_8(%arg0: i32) -> (i32, i32) {
    %c0_i32 = arith.constant 0 : i32
    %c0_i32_0 = arith.constant 0 : i32
    %c0_i32_1 = arith.constant 0 : i32
    return %c0_i32, %c0_i32_0 : i32, i32
  }
  func.func @transform_9(%arg0: i32) -> (i32, i32) {
    %c0_i32 = arith.constant 0 : i32
    %c0_i32_0 = arith.constant 0 : i32
    %c0_i32_1 = arith.constant 0 : i32
    return %c0_i32, %c0_i32_0 : i32, i32
  }
  func.func @transform_10(%arg0: i32) -> (i32, i32) {
    %c0_i32 = arith.constant 0 : i32
    %c0_i32_0 = arith.constant 0 : i32
    return %arg0, %c0_i32 : i32, i32
  }
  func.func @transform_11(%arg0: i32) -> (i32, i32) {
    %c0_i32 = arith.constant 0 : i32
    %c0_i32_0 = arith.constant 0 : i32
    return %arg0, %c0_i32 : i32, i32
  }
  func.func @transform_12(%arg0: i32) -> (i32, i32) {
    %c0_i32 = arith.constant 0 : i32
    %c0_i32_0 = arith.constant 0 : i32
    return %arg0, %c0_i32 : i32, i32
  }
}

module attributes {stable_mosaic.version = 14 : i64} {
  func.func @_eln_body(%arg0: i32, %arg1: memref<8000x128xf32, #tpu.memory_space<vmem>>, %arg2: memref<8000x128xf32, #tpu.memory_space<vmem>>, %arg3: memref<1x128xf32, #tpu.memory_space<vmem>>, %arg4: memref<1x128xf32, #tpu.memory_space<vmem>>, %arg5: memref<8000x128xf32, #tpu.memory_space<vmem>>) attributes {dimension_semantics = [#tpu.dimension_semantics<arbitrary>], iteration_bounds = array<i64: 40>, scalar_prefetch = 0 : i64, scratch_operands = 0 : i64, tpu.core_type = #tpu.core_type<tc>, window_params = [{transform_indices = @transform_0, window_bounds = array<i64: 8000, 128>}, {transform_indices = @transform_1, window_bounds = array<i64: 8000, 128>}, {pipeline_mode = #tpu.pipeline_mode<synchronous>, transform_indices = @transform_2, window_bounds = array<i64: 1, 128>}, {pipeline_mode = #tpu.pipeline_mode<synchronous>, transform_indices = @transform_3, window_bounds = array<i64: 1, 128>}, {transform_indices = @transform_4, window_bounds = array<i64: 8000, 128>}]} {
    %get3A = arith.constant 0 : index
    %get3A_0 = arith.constant 0 : index
    %get3A_1 = vector.load %arg1[%get3A, %get3A_0] : memref<8000x128xf32, #tpu.memory_space<vmem>>, vector<8000x128xf32>
    %get3A_2 = arith.constant 0 : index
    %get3A_3 = arith.constant 0 : index
    %get3A_4 = vector.load %arg2[%get3A_2, %get3A_3] : memref<8000x128xf32, #tpu.memory_space<vmem>>, vector<8000x128xf32>
    %add3A = arith.addf %get3A_1, %get3A_4 : vector<8000x128xf32>
    %max3A = arith.constant 0.000000e+00 : f32
    %max3A_5 = vector.broadcast %max3A : f32 to vector<8000x128xf32>
    %max3A_6 = arith.maximumf %add3A, %max3A_5 : vector<8000x128xf32>
    %get3A_7 = arith.constant 0 : index
    %get3A_8 = arith.constant 0 : index
    %get3A_9 = vector.load %arg3[%get3A_7, %get3A_8] : memref<1x128xf32, #tpu.memory_space<vmem>>, vector<1x128xf32>
    %get3A_10 = arith.constant 0 : index
    %get3A_11 = arith.constant 0 : index
    %get3A_12 = vector.load %arg4[%get3A_10, %get3A_11] : memref<1x128xf32, #tpu.memory_space<vmem>>, vector<1x128xf32>
    %reduce_sum3A = arith.constant dense<0.000000e+00> : vector<8000xf32>
    %reduce_sum3A_13 = vector.multi_reduction <add>, %max3A_6, %reduce_sum3A [1] : vector<8000x128xf32> to vector<8000xf32>
    %broadcast_in_dim3A = vector.shape_cast %reduce_sum3A_13 : vector<8000xf32> to vector<8000x1xf32>
    %div3A = arith.constant 1.280000e+02 : f32
    %div3A_14 = vector.broadcast %div3A : f32 to vector<8000x1xf32>
    %div3A_15 = arith.divf %broadcast_in_dim3A, %div3A_14 : vector<8000x1xf32>
    %sub3A = vector.broadcast %div3A_15 : vector<8000x1xf32> to vector<8000x128xf32>
    %sub3A_16 = arith.subf %max3A_6, %sub3A : vector<8000x128xf32>
    %integer_pow3A = arith.mulf %sub3A_16, %sub3A_16 : vector<8000x128xf32>
    %reduce_sum3A_17 = arith.constant dense<0.000000e+00> : vector<8000xf32>
    %reduce_sum3A_18 = vector.multi_reduction <add>, %integer_pow3A, %reduce_sum3A_17 [1] : vector<8000x128xf32> to vector<8000xf32>
    %broadcast_in_dim3A_19 = vector.shape_cast %reduce_sum3A_18 : vector<8000xf32> to vector<8000x1xf32>
    %div3A_20 = arith.constant 1.280000e+02 : f32
    %div3A_21 = vector.broadcast %div3A_20 : f32 to vector<8000x1xf32>
    %div3A_22 = arith.divf %broadcast_in_dim3A_19, %div3A_21 : vector<8000x1xf32>
    %sub3A_23 = vector.broadcast %div3A_15 : vector<8000x1xf32> to vector<8000x128xf32>
    %sub3A_24 = arith.subf %max3A_6, %sub3A_23 : vector<8000x128xf32>
    %add3A_25 = arith.constant 9.99999974E-6 : f32
    %add3A_26 = vector.broadcast %add3A_25 : f32 to vector<8000x1xf32>
    %add3A_27 = arith.addf %div3A_22, %add3A_26 : vector<8000x1xf32>
    %rsqrt3A = math.rsqrt %add3A_27 : vector<8000x1xf32>
    %mul3A = vector.broadcast %rsqrt3A : vector<8000x1xf32> to vector<8000x128xf32>
    %mul3A_28 = arith.mulf %sub3A_24, %mul3A : vector<8000x128xf32>
    %mul3A_29 = vector.broadcast %get3A_9 : vector<1x128xf32> to vector<8000x128xf32>
    %mul3A_30 = arith.mulf %mul3A_28, %mul3A_29 : vector<8000x128xf32>
    %add3A_31 = vector.broadcast %get3A_12 : vector<1x128xf32> to vector<8000x128xf32>
    %add3A_32 = arith.addf %mul3A_30, %add3A_31 : vector<8000x128xf32>
    %swap3A = arith.constant 0 : index
    %swap3A_33 = arith.constant 0 : index
    %swap3A_34 = vector.load %arg5[%swap3A, %swap3A_33] : memref<8000x128xf32, #tpu.memory_space<vmem>>, vector<8000x128xf32>
    tpu.vector_store %arg5[%swap3A, %swap3A_33], %add3A_32 {strides = array<i32>} : memref<8000x128xf32, #tpu.memory_space<vmem>>, vector<8000x128xf32>,
    return
  }
  func.func @transform_0(%arg0: i32) -> (i32, i32) {
    %c0_i32 = arith.constant 0 : i32
    %c0_i32_0 = arith.constant 0 : i32
    return %arg0, %c0_i32 : i32, i32
  }
  func.func @transform_1(%arg0: i32) -> (i32, i32) {
    %c0_i32 = arith.constant 0 : i32
    %c0_i32_0 = arith.constant 0 : i32
    return %arg0, %c0_i32 : i32, i32
  }
  func.func @transform_2(%arg0: i32) -> (i32, i32) {
    %c0_i32 = arith.constant 0 : i32
    %c0_i32_0 = arith.constant 0 : i32
    %c0_i32_1 = arith.constant 0 : i32
    return %c0_i32, %c0_i32_0 : i32, i32
  }
  func.func @transform_3(%arg0: i32) -> (i32, i32) {
    %c0_i32 = arith.constant 0 : i32
    %c0_i32_0 = arith.constant 0 : i32
    %c0_i32_1 = arith.constant 0 : i32
    return %c0_i32, %c0_i32_0 : i32, i32
  }
  func.func @transform_4(%arg0: i32) -> (i32, i32) {
    %c0_i32 = arith.constant 0 : i32
    %c0_i32_0 = arith.constant 0 : i32
    return %arg0, %c0_i32 : i32, i32
  }
}

</mosaic_0001>

<sc_bundles>
// kernel: kernel.11.cloned.1.call-start
scs
__scs_entry_jumppad:
0x0: {  	(pc) =	sbr.rel $0x88, $3  }
0x1: {  	(tag) =	ssettag $0x0;
	lr =	simm.s32 $0x1  }
0x2: {  	[smem:$0x3F95] =	sst lr;
	_ =	strace $0xD0000000  }
0x3: {  	_ = 	snop  }
0x4: {  	_ = 	snop  }
0x5: {  	_ = 	snop  }
0x6: {  	_ = 	snop  }
0x7: {  	_ = 	snop  }
__scs_overlays_trampoline_lowered:
0x8: {  	[smem:$0x3FA4] =	sst s0  }
0x9: {  	[smem:$0x3FA5] =	sst s1  }
0xa: {  	[smem:$0x3FA6] =	sst s2  }
0xb: {  	[smem:$0x3FA7] =	sst s3  }
0xc: {  	[smem:$0x3FA8] =	sst s4  }
0xd: {  	[smem:$0x3FA9] =	sst s5  }
0xe: {  	[smem:$0x3FAA] =	sst s6  }
0xf: {  	[smem:$0x3FAB] =	sst s7  }
0x10: {  	[smem:$0x3FAC] =	sst s8  }
0x11: {  	[smem:$0x3FAD] =	sst s9;
	s0 =	simm.s32 @!p0 $0x0  }
0x12: {  	s1 =	sld [smem:$0x3F93];
	s0 =	simm.s32 @p0 $0x1  }
0x13: {  	[smem:$0x3FAE] =	sst s0;
	s0 =	simm.s32 @!p1 $0x0  }
0x14: {  	s2 =	sld [smem:$0x3F92];
	s0 =	simm.s32 @p1 $0x1  }
0x15: {  	[smem:$0x3FAF] =	sst s0;
	s0 =	simm.s32 @!p2 $0x0  }
0x16: {  	s3 =	sld [smem:$0x3FDB];
	s0 =	simm.s32 @p2 $0x1  }
0x17: {  	s4 =	simm.s32 $0x1BF5;
	[smem:$0x3FB1] =	sst s0  }
0x18: {  	s0 =	sld [smem:$0x3F94];
	_ =	swait.ge [sflag:s4], $0x0  }
0x19: {  	s7 =	sld [smem:$0x3F95]  }
0x1a: {  	s8 =	sadd.s32 $0xFFFFE003, lr  }
0x1b: {  	s9 =	sadd.s32 $0xFFFFFEF7, lr;
	s5 =	simm.s32 $0xFFFFFFFF;
	p2 =	slt.u32 s8, $0xFFFFF086  }
0x1c: {  	p1 =	slt.u32 s9, $0xF7A;
	s5 =	simm.s32 @!p2 $0x0  }
0x1d: {  	s5 =	simm.s32 @p1 $0x1;
	p0 =	seq.s32 s7, s2  }
0x1e: {  	s7 =	smul.u32 @!p0 $0xF7A, s2;
	p2 =	seq.s32 @!p0 s5, $0x0  }
0x1f: {  	s9 =	smul.u32 $0xF7A, s1;
	s8 =	simm.s32 @!p0 $0x1BF5;
	p2 =	por !p2, p0  }
0x20: {  	[sflag:s8] =	ssyncset.s32 @!p0 $0xFFFFF086;
	s6 =	sadd.s32 @!p0 s3, s7;
	s7 =	simm.s32 @!p0 $0x108  }
0x21: {  	s3 =	sadd.s32 s3, s9;
	s6 =	sadd.s32 @!p0 $0x88, s6;
	s7 =	simm.s32 @p2 $0x1082  }
0x22: {  	[simem:s7], [sflag:s8] =	dma.local @!p0 [hbm:s6], $0xF7A  }
0x23: {  	s9 =	sor.u32 $0xD0000000, s2;
	s6 =	simm.s32 $0x108;
	_ =	swait.ge @!p0 [sflag:s8], $0x0  }
0x24: {  	s3 =	sadd.s32 $0x88, s3;
	s6 =	simm.s32 @!p1 $0x1082;
	[sflag:s4] =	ssyncset.s32 $0xFFFFF086  }
0x25: {  	[simem:s6], [sflag:s4] =	dma.local [hbm:s3], $0xF7A  }
0x26: {  	[smem:$0x3F95] =	sst s1;
	(tag) =	ssettag s2;
	_ =	strace s9  }
0x27: {  	s1 =	sld [smem:$0x3FA5]  }
0x28: {  	s2 =	sld [smem:$0x3FA6]  }
0x29: {  	s4 =	sld [smem:$0x3FA8]  }
0x2a: {  	p0 =	seq.s32 s5, $0x0;
	s5 =	sld [smem:$0x3FA9]  }
0x2b: {  	s6 =	sld [smem:$0x3FAA]  }
0x2c: {  	s7 =	sld [smem:$0x3FAB]  }
0x2d: {  	s3 =	simm.s32 $0x108;
	s8 =	sld [smem:$0x3FAC]  }
0x2e: {  	s3 =	simm.s32 @!p0 $0x1082;
	s9 =	sld [smem:$0x3FAD]  }
0x2f: {  	lr =	sadd.s32 s0, s3;
	s0 =	sld [smem:$0x3FA4]  }
0x30: {  	s3 =	sld [smem:$0x3FA7]  }
0x31: {  	[smem:$0x3FB0] =	sst s10  }
0x32: {  	s10 =	sld [smem:$0x3FAE];
	_ =	sdelay $0x3  }
0x33: {  	p0 =	seq.s32 s10, $0x1;
	s10 =	sld [smem:$0x3FB0];
	_ =	sdelay $0x3  }
0x34: {  	[smem:$0x3FB0] =	sst s10  }
0x35: {  	s10 =	sld [smem:$0x3FAF];
	_ =	sdelay $0x3  }
0x36: {  	p1 =	seq.s32 s10, $0x1;
	s10 =	sld [smem:$0x3FB0];
	_ =	sdelay $0x3  }
0x37: {  	[smem:$0x3FB0] =	sst s10  }
0x38: {  	s10 =	sld [smem:$0x3FB1]  }
0x39: {  	_ = 	snop;
	(pc) =	sbr.ind lr, $3  }
0x3a: {  	_ = 	snop  }
0x3b: {  	_ = 	snop  }
0x3c: {  	p2 =	seq.s32 s10, $0x1;
	s10 =	sld [smem:$0x3FB0]  }
0x3d: {  	_ =	shalt  }
0x3e: {  	_ =	shalt  }
0x3f: {  	_ =	shalt  }
0x40: {  	_ =	shalt  }
0x41: {  	_ =	shalt  }
0x42: {  	_ =	shalt  }
0x43: {  	_ =	shalt  }
0x44: {  	_ =	shalt  }
0x45: {  	_ =	shalt  }
0x46: {  	_ =	shalt  }
0x47: {  	_ =	shalt  }
0x48: {  	_ =	shalt  }
0x49: {  	_ =	shalt  }
0x4a: {  	_ =	shalt  }
0x4b: {  	_ =	shalt  }
0x4c: {  	_ =	shalt  }
0x4d: {  	_ =	shalt  }
0x4e: {  	_ =	shalt  }
0x4f: {  	_ =	shalt  }
0x50: {  	_ =	shalt  }
0x51: {  	_ =	shalt  }
0x52: {  	_ =	shalt  }
0x53: {  	_ =	shalt  }
0x54: {  	_ =	shalt  }
0x55: {  	_ =	shalt  }
0x56: {  	_ =	shalt  }
0x57: {  	_ =	shalt  }
0x58: {  	_ =	shalt  }
0x59: {  	_ =	shalt  }
0x5a: {  	_ =	shalt  }
0x5b: {  	_ =	shalt  }
0x5c: {  	_ =	shalt  }
0x5d: {  	_ =	shalt  }
0x5e: {  	_ =	shalt  }
0x5f: {  	_ =	shalt  }
0x60: {  	_ =	shalt  }
0x61: {  	_ =	shalt  }
0x62: {  	_ =	shalt  }
0x63: {  	_ =	shalt  }
0x64: {  	_ =	shalt  }
0x65: {  	_ =	shalt  }
0x66: {  	_ =	shalt  }
0x67: {  	_ =	shalt  }
0x68: {  	_ =	shalt  }
0x69: {  	_ =	shalt  }
0x6a: {  	_ =	shalt  }
0x6b: {  	_ =	shalt  }
0x6c: {  	_ =	shalt  }
0x6d: {  	_ =	shalt  }
0x6e: {  	_ =	shalt  }
0x6f: {  	_ =	shalt  }
0x70: {  	_ =	shalt  }
0x71: {  	_ =	shalt  }
0x72: {  	_ =	shalt  }
0x73: {  	_ =	shalt  }
0x74: {  	_ =	shalt  }
0x75: {  	_ =	shalt  }
0x76: {  	_ =	shalt  }
0x77: {  	_ =	shalt  }
0x78: {  	_ =	shalt  }
0x79: {  	_ =	shalt  }
0x7a: {  	_ =	shalt  }
0x7b: {  	_ =	shalt  }
0x7c: {  	_ =	shalt  }
0x7d: {  	_ =	shalt  }
0x7e: {  	_ =	shalt  }
0x7f: {  	_ =	shalt  }
0x80: {  	_ =	shalt  }
0x81: {  	_ =	shalt  }
0x82: {  	_ =	shalt  }
0x83: {  	_ =	shalt  }
0x84: {  	_ =	shalt  }
0x85: {  	_ =	shalt  }
0x86: {  	_ =	shalt  }
0x87: {  	_ =	shalt  }
.Lfunc_end0:
.L_simem_size_0:
called_computation_lowered:
.L_overlay_start_0:
0x88: {  	s2 =	sld [smem:$0x3FD9]  }
0x89: {  	s3 =	sld [smem:$0x3FFE];
	_ =	sdelay $0x1  }
0x8a: {  	s1 =	srdreg.scid  }
0x8b: {  	s0 =	sand.u32 $0x1, s1  }
0x8c: {  	s14 =	sshll.u32 s0, $0xA;
	s2 =	sadd.s32 s3, s2  }
0x8d: {  	s2 =	sadd.s32 s2, s14  }
0x8e: {  	[smem:$0x3FBC] =	sst s2  }
0x8f: {  	_ = 	snop  }
0x90: {  	s2 =	sld [smem:$0x3FD0];
	_ =	sdelay $0x2  }
0x91: {  	s15 =	simm.s32 $0xA;
	s4 =	simm.s32 $0x10  }
0x92: {  	[smem:s4], [sflag:s15] =	dma.local [hbm:s2], $0x1  }
0x93: {  	_ =	swait.eq [sflag:s15], $0x1  }
0x94: {  	[sflag:s15] =	ssyncset.done $0x0  }
0x95: {  	s16 =	sld [smem:$0x10];
	[sflag:s15] =	ssyncadd.s32 $0xFFFFFFFF  }
0x96: {  	s17 =	sld [smem:$0x11];
	(tm) =	ssettm $0x1  }
0x97: {  	s18 =	sld [smem:$0x3FFB];
	_ =	sdelay $0x3  }
0x98: {  	_ =	strace s18  }
0x99: {  	s4 =	sld [smem:$0x3FFC];
	_ =	sdelay $0x3  }
0x9a: {  	_ =	strace s4  }
0x9b: {  	s4 =	sld [smem:$0x3FFD];
	_ =	sdelay $0x3  }
0x9c: {  	_ =	strace s4  }
0x9d: {  	_ =	strace $0x8FFFFFFF  }
0x9e: {  	s19 =	sld [smem:$0x3FDB];
	_ =	sdelay $0x1  }
0x9f: {  	s5 =	simm.s32 $_scs_section_size  }
0xa0: {  	s6 =	simm.s32 $_size__tile_overlayer_lowered;
	s7 =	simm.s32 $_tile_overlayer_lowered  }
0xa1: {  	s22 =	simm.s32 $0x1BFF;
	s21 =	sshll.u32 s7, $0x1;
	s4 =	sadd.s32 s5, s19  }
0xa2: {  	s8 =	simm.s32 $0x0;
	s20 =	sshll.u32 s6, $0x1;
	s6 =	sadd.s32 s21, s4  }
0xa3: {  	[timem:s8], [sflag:s22] =	dma.local [hbm:s6], s20  }
0xa4: {  	_ =	swait.ge [sflag:s22], s20  }
0xa5: {  	s5 =	ssub.s32 $0x0, s20;
	[sflag:s22] =	ssyncset.done $0x0  }
0xa6: {  	[sflag:s22] =	ssyncadd.s32 s5;
	_ =	sdelay $0x1  }
0xa7: {  	s23 =	simm.s32 $0x1B8B  }
0xa8: {  	_ =	swait.ge [sflag:s23], $0x1  }
0xa9: {  	[sflag:s23] =	ssyncset.done $0x0  }
0xaa: {  	s25 =	simm.s32 $0x1B8E;
	s24 =	sld [smem:$0x3FFE];
	[sflag:s23] =	ssyncadd.s32 $0xFFFFFFFF  }
0xab: {  	s26 =	simm.s32 $execute0_lowered;
	[smem:$0x3FD2] =	sst s25  }
0xac: {  	s6 =	sshll.u32 s26, $0x1;
	_ =	strace $0x80000046;
	[dreg:$0x1] =	wrdreg $0xFFFFFFFF  }
0xad: {  	s28 =	simm.s32 $_size_execute0_lowered;
	s4 =	sadd.s32 s4, s6;
	[dreg:$0x0] =	wrdreg $0x0  }
0xae: {  	s6 =	sshll.u32 s28, $0x1;
	[dreg:$0x2] =	wrdreg s4  }
0xaf: {  	[dreg:$0x3] =	wrdreg s6  }
0xb0: {  	[dreg:$0x4] =	wrdreg $0xC0  }
0xb1: {  	_ =	task [dreg:s8], $0x5FFFF  }
0xb2: {  	[dreg:$0x1] =	wrdreg $0xFFFFFFFF  }
0xb3: {  	[dreg:$0x0] =	wrdreg $0x60  }
0xb4: {  	[dreg:$0x2] =	wrdreg s16  }
0xb5: {  	[dreg:$0x3] =	wrdreg s24  }
0xb6: {  	[dreg:$0x4] =	wrdreg s17  }
0xb7: {  	[dreg:$0x5] =	wrdreg $0xA6000  }
0xb8: {  	[dreg:$0x6] =	wrdreg $0x9  }
0xb9: {  	_ =	task.clear_ibuf [dreg:s8], $0x7FFFF;
	_ =	strace $0x90000046  }
0xba: {  	s29 =	simm.s32 $0x9;
	_ =	strace $0x80000048  }
0xbb: {  	_ =	swait.ge [sflag:s29], $0x1  }
0xbc: {  	[sflag:s29] =	ssyncadd.s32 $0xFFFFFFFF  }
0xbd: {  	_ =	strace $0x90000048  }
0xbe: {  	_ =	sfence  }
0xbf: {  	s30 =	sld [smem:$0x0];
	_ =	sdelay $0x2  }
0xc0: {  	s31 =	sshll.u32 s1, $0xD;
	s1 =	sshrl.u32 s1, $0x2  }
0xc1: {  	s3 =	sand.u32 $0x4000, s31;
	s1 =	sadd.s32 s1, s30  }
0xc2: {  	s0 =	sor.u32 s3, s0;
	s1 =	sshll.u32 s1, $0x11  }
0xc3: {  	s0 =	sor.u32 s1, s0  }
0xc4: {  	s0 =	sadd.s32 $0x8F2B, s0  }
0xc5: {  	[sflag:s0] =	ssyncadd.remote.s32 $0x1  }
0xc6: {  	_ =	sfence.sel $0xFFFF  }
0xc7: {  	[dreg:$0x0] =	wrdreg $0xFFFFFFFF;
	(pc) =	sbr.abs _section_cstart, $3  }
0xc8: {  	[dreg:$0x1] =	wrdreg $0xFFFFFFFF  }
0xc9: {  	_ =	task.clear_ibuf [dreg:s8], $0x2FFFF;
	_ =	strace $0x9FFFFFFF  }
0xca: {  	(tm) =	ssettm $0x7FFFFFFF  }
0xcb: {  	_ =	shalt  }
tec
execute0_lowered:
.L_overlay_start_1:
0x0: {  	(tag) =	ssettag $0x1  }
0x1: {  	s1 =	rddreg [dreg:$0x0]  }
0x2: {  	s0 =	rddreg [dreg:$0x1]  }
0x3: {  	s2 =	rddreg [dreg:$0x2]  }
0x4: {  	s3 =	rddreg [dreg:$0x3];
	s4 =	simm.s32 $0x0;
	s11 =	stileid.u32  }
0x5: {  	s5 =	srdreg.scid;
	s20 =	simm.s32 $0x50;
	s21 =	simm.s32 $0x5  }
0x6: {  	s28 =	simm.s32 $0xC;
	s29 =	simm.s32 $0x0;
	[smem:$0x7FF] =	sst s4  }
0x7: {  	s10 =	smul.u32 $0x13C00, s11;
	s14 =	sadd.s32 $0xE200, s0;
	s13 =	sadd.s32 $0x4400, s0  }
0x8: {  	s8 =	sand.u32 $0x1, s5;
	s9 =	smul.u32 $0x4F000, s11;
	s26 =	sshll.u32 s11, $0x6  }
0x9: {  	_ =	strace $0x80000047;
	s5 =	ssub.s32 $0x2, s8;
	s25 =	smul.u32 $0x27100, s8  }
0xa: {  	s7 =	sshll.u32 s8, $0x4;
	s16 =	smul.u32 $0x13C000, s8;
	s6 =	sshrl.u32 s10, $0x3  }
0xb: {  	s22 =	sshrl.u32 s5, $0x1;
	s7 =	sor.u32 s11, s7;
	s24 =	sshrl.u32 s9, $0x2  }
0xc: {  	s11 =	smul.u32 $0x2710, s11;
	s0 =	sadd.s32 s6, s0;
	s12 =	ssub.s32 s5, s22  }
0xd: {  	s23 =	smul.u32 $0x2710, s7;
	s15 =	sadd.s32 s24, s3;
	s6 =	sor.u32 $0x1C0D, s26  }
0xe: {  	s31 =	sadd.s32 s10, s16;
	s16 =	simm.s32 $0xD;
	s22 =	simm.s32 $0x400  }
0xf: {  	s24 =	simm.s32 $0x9;
	s26 =	simm.s32 $0xB;
	s5 =	sadd.s32 $0x18000, s0  }
0x10: {  	s0 =	sadd.s32 s11, s25;
	s11 =	sshrl.u32 s31, $0x3;
	s12 =	smax.u32 s12, $0x1  }
.Ltmp0:
0x11: {  	s15 =	sshrl.u32 s15, $0x3;
	s25 =	simm.s32 $0xA;
	(pc) =	sbr.rel .LBB2_1-.Ltmp0, $4  }
0x12: {  	s30 =	sshrl.u32 s23, $0x3;
	s0 =	sadd.s32 $0xA0, s0;
	s11 =	sadd.s32 s2, s11  }
0x13: {  	s23 =	simm.s32 $0x600;
	s7 =	sadd.s32 s14, s30;
	s17 =	sadd.s32 $0xA, s30  }
0x14: {  	s8 =	sadd.s32 s13, s30;
	s0 =	sshrl.u32 s0, $0x3;
	s9 =	sadd.s32 s14, s17  }
0x15: {  	s10 =	sadd.s32 s13, s17;
	s13 =	sadd.s32 s0, s13;
	s14 =	sadd.s32 s0, s14  }
.LBB2_8:
0x16: {  	_ =	swait.ge [sflag:s21], $0x2800  }
0x17: {  	[sflag:s21] =	ssyncset.done $0x0  }
0x18: {  	[sflag:s21] =	ssyncadd.s32 $0xFFFFD800  }
0x19: {  	v0 =	vld [tilespmem:$0x0]  }
0x1a: {  	v1 =	vld [tilespmem:$0x10]  }
0x1b: {  	v2 =	vld [tilespmem:$0x20]  }
0x1c: {  	v3 =	vld [tilespmem:$0x30]  }
0x1d: {  	v4 =	vld [tilespmem:$0x40]  }
0x1e: {  	[tilespmem:$0x400] =	vst v0  }
0x1f: {  	[tilespmem:$0x410] =	vst v1  }
0x20: {  	[tilespmem:$0x420] =	vst v2  }
0x21: {  	[tilespmem:$0x430] =	vst v3  }
0x22: {  	[tilespmem:$0x440] =	vst v4  }
0x23: {  	[spmem:s3] =	stream.indirect.scatter.add.f32 [tilespmem:s23], [sflag:$0x9], $0x80, s22, s20, $0xb8;
	[tilespmem:$0x1E200] =	vst v63  }
0x24: {  	_ =	swait.ge [sflag:s24], $0x2800  }
0x25: {  	[sflag:s24] =	ssyncset.done $0x0  }
0x26: {  	[sflag:s24] =	ssyncadd.s32 $0xFFFFD800  }
0x27: {  	_ =	swait.ge [sflag:s25], $0x2800  }
0x28: {  	[sflag:s25] =	ssyncset.done $0x0  }
0x29: {  	[sflag:s25] =	ssyncadd.s32 $0xFFFFD800  }
0x2a: {  	_ =	swait.ge [sflag:s26], $0x2800  }
0x2b: {  	[sflag:s26] =	ssyncset.done $0x0  }
0x2c: {  	[sflag:s26] =	ssyncadd.s32 $0xFFFFD800  }
0x2d: {  	_ =	swait.ge [sflag:s28], $0x2800  }
0x2e: {  	s29 =	sadd.s32 $0x1, s29;
	[sflag:s28] =	ssyncset.done $0x0  }
0x2f: {  	p0 =	sne.s32 s29, s12;
	[sflag:s28] =	ssyncadd.s32 $0xFFFFD800  }
.Ltmp1:
0x30: {  	[bflag:$0x0] =	sbarrier.arrive $0xFFFF;
	(pc) =	sbr.rel @!p0 .LBB2_9-.Ltmp1, $4  }
0x31: {  	[hbm:s11], [sflag:s6] =	dma.local [spmem:s15], $0x2780  }
0x32: {  	_ =	swait.ge [sflag:s16], $0x2780  }
0x33: {  	[sflag:s16] =	ssyncset.done $0x0  }
0x34: {  	[sflag:s16] =	ssyncadd.s32 $0xFFFFD880  }
.LBB2_1:
0x35: {  	[spmem:s15], [sflag:s6] =	dma.local [hbm:s5], $0x2780  }
0x36: {  	_ =	swait.ge [sflag:s16], $0x2780  }
0x37: {  	[sflag:s16] =	ssyncset.done $0x0  }
0x38: {  	[sflag:s16] =	ssyncadd.s32 $0xFFFFD880  }
0x39: {  	[bflag:$0x0] =	sbarrier.arrive $0xFFFF  }
0x3a: {  	[tilespmem:s4], [sflag:$0x1] =	stream.linear.gather [hbm4b:s7+s4], $0x50, $0x38;
	[tilespmem:$0x1E200] =	vst v63  }
0x3b: {  	s0 =	simm.s32 $0x200  }
0x3c: {  	[tilespmem:s0], [sflag:$0x1] =	stream.linear.gather [hbm4b:s8+s4], $0x50, $0x38;
	[tilespmem:$0x1E200] =	vst v63  }
.Ltmp2:
0x3d: {  	_ = 	snop;
	(pc) =	sbr.rel .LBB2_2-.Ltmp2, $4  }
0x3e: {  	s18 =	simm.s32 $0x80;
	s19 =	simm.s32 $0x280  }
0x3f: {  	[tilespmem:s18], [sflag:$0x2] =	stream.linear.gather [hbm4b:s9+s4], $0x50, $0x38;
	[tilespmem:$0x1E200] =	vst v63  }
0x40: {  	s30 =	smov.u32 s14;
	s31 =	smov.u32 s13;
	s0 =	simm.s32 $0x0  }
0x41: {  	[tilespmem:s19], [sflag:$0x2] =	stream.linear.gather [hbm4b:s10+s4], $0x50, $0x38;
	[tilespmem:$0x1E200] =	vst v63  }
.LBB2_6:
0x42: {  	s2 =	sadd.s32 $0xFFFFFFFF, s0  }
0x43: {  	s2 =	sand.u32 $0x3, s2  }
0x44: {  	s17 =	sadd.s32 $0x5, s2  }
0x45: {  	_ =	swait.ge [sflag:s17], $0x2800  }
0x46: {  	[sflag:s17] =	ssyncset.done $0x0  }
0x47: {  	[sflag:s17] =	ssyncadd.s32 $0xFFFFD800;
	s17 =	sshll.u32 s2, $0x7  }
0x48: {  	v0 =	vld [tilespmem:s17+$0x0]  }
0x49: {  	v1 =	vld [tilespmem:s17+$0x10]  }
0x4a: {  	v2 =	vld [tilespmem:s17+$0x20]  }
0x4b: {  	v3 =	vld [tilespmem:s17+$0x30]  }
0x4c: {  	v4 =	vld [tilespmem:s17+$0x40]  }
0x4d: {  	[tilespmem:s17+$0x400] =	vst v0  }
0x4e: {  	s18 =	smul.u32 $0xA000, s2;
	[tilespmem:s17+$0x410] =	vst v1  }
0x4f: {  	[tilespmem:s17+$0x420] =	vst v2  }
0x50: {  	s18 =	sshrl.u32 s18, $0x2;
	[tilespmem:s17+$0x430] =	vst v3  }
0x51: {  	s18 =	sor.u32 $0x600, s18;
	s2 =	sadd.s32 $0x9, s2;
	s19 =	sor.u32 $0x400, s17;
	[tilespmem:s17+$0x440] =	vst v4  }
0x52: {  	[spmem:s3] =	stream.indirect.scatter.add.f32 [tilespmem:s18], [sflag:s2], $0x80, s19, s20, $0xb8;
	[tilespmem:$0x1E200] =	vst v63  }
.LBB2_7:
0x53: {  	s0 =	sadd.s32 $0x1, s0  }
0x54: {  	p0 =	sne.s32 s0, $0x7D  }
.Ltmp3:
0x55: {  	_ = 	snop;
	(pc) =	sbr.rel @!p0 .LBB2_8-.Ltmp3, $2  }
0x56: {  	_ =	sdelay $0x2  }
0x57: {  	s31 =	sadd.s32 $0xA, s31;
	s30 =	sadd.s32 $0xA, s30  }
.LBB2_2:
0x58: {  	s2 =	sand.u32 $0x3, s0  }
0x59: {  	s18 =	sadd.s32 $0x1, s2  }
0x5a: {  	p0 =	sgt.u32 s0, $0x3;
	_ =	swait.ge [sflag:s18], $0x50  }
.Ltmp4:
0x5b: {  	[sflag:s18] =	ssyncset.done $0x0;
	(pc) =	sbr.rel @!p0 .LBB2_3-.Ltmp4, $4  }
0x5c: {  	[sflag:s18] =	ssyncadd.s32 $0xFFFFFFB0  }
0x5d: {  	_ =	swait.ge [sflag:s18], $0x50  }
0x5e: {  	s17 =	sshll.u32 s2, $0x7;
	[sflag:s18] =	ssyncset.done $0x0  }
0x5f: {  	s17 =	sor.u32 $0x200, s17;
	[sflag:s18] =	ssyncadd.s32 $0xFFFFFFB0  }
0x60: {  	s19 =	smul.u32 $0xA000, s2;
	p0 =	sgt.u32 s0, $0x7A  }
.Ltmp5:
0x61: {  	s18 =	sadd.s32 $0x9, s2;
	(pc) =	sbr.rel @p0 .LBB2_6-.Ltmp5, $4  }
.Ltmp6:
0x62: {  	_ =	swait.ge [sflag:s18], $0x2800;
	(pc) =	sbr.rel @!p0 .LBB2_5-.Ltmp6, $4  }
0x63: {  	[sflag:s18] =	ssyncset.done $0x0;
	s19 =	sshrl.u32 s19, $0x2  }
0x64: {  	[sflag:s18] =	ssyncadd.s32 $0xFFFFD800;
	s18 =	sor.u32 $0x600, s19;
	s19 =	sadd.s32 $0x5, s2  }
0x65: {  	[tilespmem:s18], [sflag:s19] =	stream.indirect.gather [hbm4b:s1+s20], $0x80, s17, s20, $0xb8;
	[tilespmem:$0x1E200] =	vst v63  }
0x66: {  	_ = 	snop  }
.LBB2_3:
0x67: {  	s18 =	smul.u32 $0xA000, s2;
	_ =	sdelay $0x1  }
0x68: {  	s18 =	sshrl.u32 s18, $0x2  }
0x69: {  	s19 =	sadd.s32 $0x5, s2;
	s18 =	sor.u32 $0x600, s18  }
0x6a: {  	[tilespmem:s18], [sflag:s19] =	stream.indirect.gather [hbm4b:s1+s20], $0x80, s17, s20, $0xb8;
	[tilespmem:$0x1E200] =	vst v63  }
.LBB2_5:
0x6b: {  	s2 =	sadd.s32 $0x2, s0;
	p0 =	seq.s32 s0, $0x0  }
.Ltmp7:
0x6c: {  	s2 =	sand.u32 $0x3, s2;
	(pc) =	sbr.rel @!p0 .LBB2_6-.Ltmp7, $4  }
.Ltmp8:
0x6d: {  	s17 =	sadd.s32 $0x1, s2;
	s2 =	sshll.u32 s2, $0x7;
	(pc) =	sbr.rel @p0 .LBB2_7-.Ltmp8, $4  }
0x6e: {  	[tilespmem:s2], [sflag:s17] =	stream.linear.gather [hbm4b:s30+s4], $0x50, $0x38;
	[tilespmem:$0x1E200] =	vst v63  }
0x6f: {  	s2 =	sor.u32 $0x200, s2  }
0x70: {  	[tilespmem:s2], [sflag:s17] =	stream.linear.gather [hbm4b:s31+s4], $0x50, $0x38;
	[tilespmem:$0x1E200] =	vst v63  }
0x71: {  	_ = 	snop  }
.LBB2_9:
0x72: {  	_ =	sfence.sel $0x180000  }
0x73: {  	[bflag:$0x0] =	sbarrier.arrive $0xFFFF  }
0x74: {  	_ =	strace $0x90000047  }
0x75: {  	s0 =	stileid.u32;
	[bflag:$0x2] =	sbarrier.arrive $0xFFFF  }
0x76: {  	p0 =	sne.s32 s0, $0x0;
	s0 =	rddreg [dreg:$0x4]  }
0x77: {  	s0 =	sadd.s32 @!p0 $0x100000, s0  }
0x78: {  	[sflag:s0] =	ssyncadd.tile.s32 @!p0 $0x1;
	_ =	shalt  }
.Lfunc_end2:
_tile_overlayer_lowered:
.L_overlay_start_2:
0x79: {  	(tag) =	ssettag $0x2  }
0x7a: {  	s0 =	rddreg [dreg:$0x0];
	s2 =	stileid.u32  }
0x7b: {  	s1 =	rddreg [dreg:$0x1];
	p0 =	sne.s32 s2, $0x0  }
0x7c: {  	s3 =	rddreg [dreg:$0x2];
	[bflag:$0x3] =	sbarrier.arrive $0xFFFF;
	s2 =	simm.s32 @!p0 $0x1C0D  }
0x7d: {  	[timem:s3], [sflag:s2] =	dma.local @!p0 [hbm:s0], s1  }
0x7e: {  	s0 =	simm.s32 @!p0 $0xD  }
0x7f: {  	_ =	swait.ge @!p0 [sflag:s0], s1  }
0x80: {  	s1 =	ssub.s32 @!p0 $0x0, s1;
	[sflag:s0] =	ssyncset.done @!p0 $0x0  }
0x81: {  	[sflag:s0] =	ssyncadd.s32 @!p0 s1  }
0x82: {  	[bflag:$0x3] =	sbarrier.arrive $0xFFFF  }
0x83: {  	_ =	shalt  }

// kernel: kernel.14.cloned.1.call-start
scs
__scs_entry_jumppad:
0x0: {  	(pc) =	sbr.rel $0x88, $3  }
0x1: {  	(tag) =	ssettag $0x0;
	lr =	simm.s32 $0x1  }
0x2: {  	[smem:$0x3F95] =	sst lr;
	_ =	strace $0xD0000000  }
0x3: {  	_ = 	snop  }
0x4: {  	_ = 	snop  }
0x5: {  	_ = 	snop  }
0x6: {  	_ = 	snop  }
0x7: {  	_ = 	snop  }
__scs_overlays_trampoline_lowered:
0x8: {  	[smem:$0x3FA4] =	sst s0  }
0x9: {  	[smem:$0x3FA5] =	sst s1  }
0xa: {  	[smem:$0x3FA6] =	sst s2  }
0xb: {  	[smem:$0x3FA7] =	sst s3  }
0xc: {  	[smem:$0x3FA8] =	sst s4  }
0xd: {  	[smem:$0x3FA9] =	sst s5  }
0xe: {  	[smem:$0x3FAA] =	sst s6  }
0xf: {  	[smem:$0x3FAB] =	sst s7  }
0x10: {  	[smem:$0x3FAC] =	sst s8  }
0x11: {  	[smem:$0x3FAD] =	sst s9;
	s0 =	simm.s32 @!p0 $0x0  }
0x12: {  	s1 =	sld [smem:$0x3F93];
	s0 =	simm.s32 @p0 $0x1  }
0x13: {  	[smem:$0x3FAE] =	sst s0;
	s0 =	simm.s32 @!p1 $0x0  }
0x14: {  	s2 =	sld [smem:$0x3F92];
	s0 =	simm.s32 @p1 $0x1  }
0x15: {  	[smem:$0x3FAF] =	sst s0;
	s0 =	simm.s32 @!p2 $0x0  }
0x16: {  	s3 =	sld [smem:$0x3FDB];
	s0 =	simm.s32 @p2 $0x1  }
0x17: {  	s4 =	simm.s32 $0x1BF5;
	[smem:$0x3FB1] =	sst s0  }
0x18: {  	s0 =	sld [smem:$0x3F94];
	_ =	swait.ge [sflag:s4], $0x0  }
0x19: {  	s7 =	sld [smem:$0x3F95]  }
0x1a: {  	s8 =	sadd.s32 $0xFFFFE003, lr  }
0x1b: {  	s9 =	sadd.s32 $0xFFFFFEF7, lr;
	s5 =	simm.s32 $0xFFFFFFFF;
	p2 =	slt.u32 s8, $0xFFFFF086  }
0x1c: {  	p1 =	slt.u32 s9, $0xF7A;
	s5 =	simm.s32 @!p2 $0x0  }
0x1d: {  	s5 =	simm.s32 @p1 $0x1;
	p0 =	seq.s32 s7, s2  }
0x1e: {  	s7 =	smul.u32 @!p0 $0xF7A, s2;
	p2 =	seq.s32 @!p0 s5, $0x0  }
0x1f: {  	s9 =	smul.u32 $0xF7A, s1;
	s8 =	simm.s32 @!p0 $0x1BF5;
	p2 =	por !p2, p0  }
0x20: {  	[sflag:s8] =	ssyncset.s32 @!p0 $0xFFFFF086;
	s6 =	sadd.s32 @!p0 s3, s7;
	s7 =	simm.s32 @!p0 $0x108  }
0x21: {  	s3 =	sadd.s32 s3, s9;
	s6 =	sadd.s32 @!p0 $0x88, s6;
	s7 =	simm.s32 @p2 $0x1082  }
0x22: {  	[simem:s7], [sflag:s8] =	dma.local @!p0 [hbm:s6], $0xF7A  }
0x23: {  	s9 =	sor.u32 $0xD0000000, s2;
	s6 =	simm.s32 $0x108;
	_ =	swait.ge @!p0 [sflag:s8], $0x0  }
0x24: {  	s3 =	sadd.s32 $0x88, s3;
	s6 =	simm.s32 @!p1 $0x1082;
	[sflag:s4] =	ssyncset.s32 $0xFFFFF086  }
0x25: {  	[simem:s6], [sflag:s4] =	dma.local [hbm:s3], $0xF7A  }
0x26: {  	[smem:$0x3F95] =	sst s1;
	(tag) =	ssettag s2;
	_ =	strace s9  }
0x27: {  	s1 =	sld [smem:$0x3FA5]  }
0x28: {  	s2 =	sld [smem:$0x3FA6]  }
0x29: {  	s4 =	sld [smem:$0x3FA8]  }
0x2a: {  	p0 =	seq.s32 s5, $0x0;
	s5 =	sld [smem:$0x3FA9]  }
0x2b: {  	s6 =	sld [smem:$0x3FAA]  }
0x2c: {  	s7 =	sld [smem:$0x3FAB]  }
0x2d: {  	s3 =	simm.s32 $0x108;
	s8 =	sld [smem:$0x3FAC]  }
0x2e: {  	s3 =	simm.s32 @!p0 $0x1082;
	s9 =	sld [smem:$0x3FAD]  }
0x2f: {  	lr =	sadd.s32 s0, s3;
	s0 =	sld [smem:$0x3FA4]  }
0x30: {  	s3 =	sld [smem:$0x3FA7]  }
0x31: {  	[smem:$0x3FB0] =	sst s10  }
0x32: {  	s10 =	sld [smem:$0x3FAE];
	_ =	sdelay $0x3  }
0x33: {  	p0 =	seq.s32 s10, $0x1;
	s10 =	sld [smem:$0x3FB0];
	_ =	sdelay $0x3  }
0x34: {  	[smem:$0x3FB0] =	sst s10  }
0x35: {  	s10 =	sld [smem:$0x3FAF];
	_ =	sdelay $0x3  }
0x36: {  	p1 =	seq.s32 s10, $0x1;
	s10 =	sld [smem:$0x3FB0];
	_ =	sdelay $0x3  }
0x37: {  	[smem:$0x3FB0] =	sst s10  }
0x38: {  	s10 =	sld [smem:$0x3FB1]  }
0x39: {  	_ = 	snop;
	(pc) =	sbr.ind lr, $3  }
0x3a: {  	_ = 	snop  }
0x3b: {  	_ = 	snop  }
0x3c: {  	p2 =	seq.s32 s10, $0x1;
	s10 =	sld [smem:$0x3FB0]  }
0x3d: {  	_ =	shalt  }
0x3e: {  	_ =	shalt  }
0x3f: {  	_ =	shalt  }
0x40: {  	_ =	shalt  }
0x41: {  	_ =	shalt  }
0x42: {  	_ =	shalt  }
0x43: {  	_ =	shalt  }
0x44: {  	_ =	shalt  }
0x45: {  	_ =	shalt  }
0x46: {  	_ =	shalt  }
0x47: {  	_ =	shalt  }
0x48: {  	_ =	shalt  }
0x49: {  	_ =	shalt  }
0x4a: {  	_ =	shalt  }
0x4b: {  	_ =	shalt  }
0x4c: {  	_ =	shalt  }
0x4d: {  	_ =	shalt  }
0x4e: {  	_ =	shalt  }
0x4f: {  	_ =	shalt  }
0x50: {  	_ =	shalt  }
0x51: {  	_ =	shalt  }
0x52: {  	_ =	shalt  }
0x53: {  	_ =	shalt  }
0x54: {  	_ =	shalt  }
0x55: {  	_ =	shalt  }
0x56: {  	_ =	shalt  }
0x57: {  	_ =	shalt  }
0x58: {  	_ =	shalt  }
0x59: {  	_ =	shalt  }
0x5a: {  	_ =	shalt  }
0x5b: {  	_ =	shalt  }
0x5c: {  	_ =	shalt  }
0x5d: {  	_ =	shalt  }
0x5e: {  	_ =	shalt  }
0x5f: {  	_ =	shalt  }
0x60: {  	_ =	shalt  }
0x61: {  	_ =	shalt  }
0x62: {  	_ =	shalt  }
0x63: {  	_ =	shalt  }
0x64: {  	_ =	shalt  }
0x65: {  	_ =	shalt  }
0x66: {  	_ =	shalt  }
0x67: {  	_ =	shalt  }
0x68: {  	_ =	shalt  }
0x69: {  	_ =	shalt  }
0x6a: {  	_ =	shalt  }
0x6b: {  	_ =	shalt  }
0x6c: {  	_ =	shalt  }
0x6d: {  	_ =	shalt  }
0x6e: {  	_ =	shalt  }
0x6f: {  	_ =	shalt  }
0x70: {  	_ =	shalt  }
0x71: {  	_ =	shalt  }
0x72: {  	_ =	shalt  }
0x73: {  	_ =	shalt  }
0x74: {  	_ =	shalt  }
0x75: {  	_ =	shalt  }
0x76: {  	_ =	shalt  }
0x77: {  	_ =	shalt  }
0x78: {  	_ =	shalt  }
0x79: {  	_ =	shalt  }
0x7a: {  	_ =	shalt  }
0x7b: {  	_ =	shalt  }
0x7c: {  	_ =	shalt  }
0x7d: {  	_ =	shalt  }
0x7e: {  	_ =	shalt  }
0x7f: {  	_ =	shalt  }
0x80: {  	_ =	shalt  }
0x81: {  	_ =	shalt  }
0x82: {  	_ =	shalt  }
0x83: {  	_ =	shalt  }
0x84: {  	_ =	shalt  }
0x85: {  	_ =	shalt  }
0x86: {  	_ =	shalt  }
0x87: {  	_ =	shalt  }
.Lfunc_end0:
.L_simem_size_0:
called_computation.1_lowered:
.L_overlay_start_0:
0x88: {  	s2 =	sld [smem:$0x3FD9]  }
0x89: {  	s3 =	sld [smem:$0x3FFE];
	_ =	sdelay $0x1  }
0x8a: {  	s1 =	srdreg.scid  }
0x8b: {  	s0 =	sand.u32 $0x1, s1  }
0x8c: {  	s14 =	sshll.u32 s0, $0xA;
	s2 =	sadd.s32 s3, s2  }
0x8d: {  	s2 =	sadd.s32 s2, s14  }
0x8e: {  	[smem:$0x3FBC] =	sst s2  }
0x8f: {  	_ = 	snop  }
0x90: {  	s2 =	sld [smem:$0x3FD0];
	_ =	sdelay $0x2  }
0x91: {  	s15 =	simm.s32 $0xA;
	s4 =	simm.s32 $0x10  }
0x92: {  	[smem:s4], [sflag:s15] =	dma.local [hbm:s2], $0x1  }
0x93: {  	_ =	swait.eq [sflag:s15], $0x1  }
0x94: {  	[sflag:s15] =	ssyncset.done $0x0  }
0x95: {  	s16 =	sld [smem:$0x10];
	[sflag:s15] =	ssyncadd.s32 $0xFFFFFFFF  }
0x96: {  	s17 =	sld [smem:$0x11];
	(tm) =	ssettm $0x1  }
0x97: {  	s18 =	sld [smem:$0x3FFB];
	_ =	sdelay $0x3  }
0x98: {  	_ =	strace s18  }
0x99: {  	s4 =	sld [smem:$0x3FFC];
	_ =	sdelay $0x3  }
0x9a: {  	_ =	strace s4  }
0x9b: {  	s4 =	sld [smem:$0x3FFD];
	_ =	sdelay $0x3  }
0x9c: {  	_ =	strace s4  }
0x9d: {  	_ =	strace $0x8FFFFFFF  }
0x9e: {  	s19 =	sld [smem:$0x3FDB];
	_ =	sdelay $0x1  }
0x9f: {  	s5 =	simm.s32 $_scs_section_size  }
0xa0: {  	s6 =	simm.s32 $_size__tile_overlayer_lowered;
	s7 =	simm.s32 $_tile_overlayer_lowered  }
0xa1: {  	s22 =	simm.s32 $0x1BFF;
	s21 =	sshll.u32 s7, $0x1;
	s4 =	sadd.s32 s5, s19  }
0xa2: {  	s8 =	simm.s32 $0x0;
	s20 =	sshll.u32 s6, $0x1;
	s6 =	sadd.s32 s21, s4  }
0xa3: {  	[timem:s8], [sflag:s22] =	dma.local [hbm:s6], s20  }
0xa4: {  	_ =	swait.ge [sflag:s22], s20  }
0xa5: {  	s5 =	ssub.s32 $0x0, s20;
	[sflag:s22] =	ssyncset.done $0x0  }
0xa6: {  	[sflag:s22] =	ssyncadd.s32 s5;
	_ =	sdelay $0x1  }
0xa7: {  	s23 =	simm.s32 $0x1B8B  }
0xa8: {  	_ =	swait.ge [sflag:s23], $0x1  }
0xa9: {  	[sflag:s23] =	ssyncset.done $0x0  }
0xaa: {  	s25 =	simm.s32 $0x1B8E;
	s24 =	sld [smem:$0x3FFE];
	[sflag:s23] =	ssyncadd.s32 $0xFFFFFFFF  }
0xab: {  	s26 =	simm.s32 $execute0_lowered;
	[smem:$0x3FD2] =	sst s25  }
0xac: {  	s6 =	sshll.u32 s26, $0x1;
	_ =	strace $0x80000049;
	[dreg:$0x1] =	wrdreg $0xFFFFFFFF  }
0xad: {  	s28 =	simm.s32 $_size_execute0_lowered;
	s4 =	sadd.s32 s4, s6;
	[dreg:$0x0] =	wrdreg $0x0  }
0xae: {  	s6 =	sshll.u32 s28, $0x1;
	[dreg:$0x2] =	wrdreg s4  }
0xaf: {  	[dreg:$0x3] =	wrdreg s6  }
0xb0: {  	[dreg:$0x4] =	wrdreg $0xC0  }
0xb1: {  	_ =	task [dreg:s8], $0x5FFFF  }
0xb2: {  	[dreg:$0x1] =	wrdreg $0xFFFFFFFF  }
0xb3: {  	[dreg:$0x0] =	wrdreg $0x60  }
0xb4: {  	[dreg:$0x2] =	wrdreg s16  }
0xb5: {  	[dreg:$0x3] =	wrdreg s24  }
0xb6: {  	[dreg:$0x4] =	wrdreg s17  }
0xb7: {  	[dreg:$0x5] =	wrdreg $0xA6000  }
0xb8: {  	[dreg:$0x6] =	wrdreg $0x9  }
0xb9: {  	_ =	task.clear_ibuf [dreg:s8], $0x7FFFF;
	_ =	strace $0x90000049  }
0xba: {  	s29 =	simm.s32 $0x9;
	_ =	strace $0x8000004B  }
0xbb: {  	_ =	swait.ge [sflag:s29], $0x1  }
0xbc: {  	[sflag:s29] =	ssyncadd.s32 $0xFFFFFFFF  }
0xbd: {  	_ =	strace $0x9000004B  }
0xbe: {  	_ =	sfence  }
0xbf: {  	s30 =	sld [smem:$0x0];
	_ =	sdelay $0x2  }
0xc0: {  	s31 =	sshll.u32 s1, $0xD;
	s1 =	sshrl.u32 s1, $0x2  }
0xc1: {  	s3 =	sand.u32 $0x4000, s31;
	s1 =	sadd.s32 s1, s30  }
0xc2: {  	s0 =	sor.u32 s3, s0;
	s1 =	sshll.u32 s1, $0x11  }
0xc3: {  	s0 =	sor.u32 s1, s0  }
0xc4: {  	s0 =	sadd.s32 $0x8F2B, s0  }
0xc5: {  	[sflag:s0] =	ssyncadd.remote.s32 $0x1  }
0xc6: {  	_ =	sfence.sel $0xFFFF  }
0xc7: {  	[dreg:$0x0] =	wrdreg $0xFFFFFFFF;
	(pc) =	sbr.abs _section_cstart, $3  }
0xc8: {  	[dreg:$0x1] =	wrdreg $0xFFFFFFFF  }
0xc9: {  	_ =	task.clear_ibuf [dreg:s8], $0x2FFFF;
	_ =	strace $0x9FFFFFFF  }
0xca: {  	(tm) =	ssettm $0x7FFFFFFF  }
0xcb: {  	_ =	shalt  }
tec
execute0_lowered:
.L_overlay_start_1:
0x0: {  	(tag) =	ssettag $0x1  }
0x1: {  	s1 =	rddreg [dreg:$0x0]  }
0x2: {  	s0 =	rddreg [dreg:$0x1]  }
0x3: {  	s2 =	rddreg [dreg:$0x2]  }
0x4: {  	s3 =	rddreg [dreg:$0x3];
	s4 =	simm.s32 $0x0;
	s11 =	stileid.u32  }
0x5: {  	s5 =	srdreg.scid;
	s20 =	simm.s32 $0x50;
	s21 =	simm.s32 $0x5  }
0x6: {  	s28 =	simm.s32 $0xC;
	s29 =	simm.s32 $0x0;
	[smem:$0x7FF] =	sst s4  }
0x7: {  	s10 =	smul.u32 $0x13C00, s11;
	s14 =	sadd.s32 $0xE200, s0;
	s13 =	sadd.s32 $0x4400, s0  }
0x8: {  	s8 =	sand.u32 $0x1, s5;
	s9 =	smul.u32 $0x4F000, s11;
	s26 =	sshll.u32 s11, $0x6  }
0x9: {  	_ =	strace $0x8000004A;
	s5 =	ssub.s32 $0x2, s8;
	s25 =	smul.u32 $0x27100, s8  }
0xa: {  	s7 =	sshll.u32 s8, $0x4;
	s16 =	smul.u32 $0x13C000, s8;
	s6 =	sshrl.u32 s10, $0x3  }
0xb: {  	s22 =	sshrl.u32 s5, $0x1;
	s7 =	sor.u32 s11, s7;
	s24 =	sshrl.u32 s9, $0x2  }
0xc: {  	s11 =	smul.u32 $0x2710, s11;
	s0 =	sadd.s32 s6, s0;
	s12 =	ssub.s32 s5, s22  }
0xd: {  	s23 =	smul.u32 $0x2710, s7;
	s15 =	sadd.s32 s24, s3;
	s6 =	sor.u32 $0x1C0D, s26  }
0xe: {  	s31 =	sadd.s32 s10, s16;
	s16 =	simm.s32 $0xD;
	s22 =	simm.s32 $0x400  }
0xf: {  	s24 =	simm.s32 $0x9;
	s26 =	simm.s32 $0xB;
	s5 =	sadd.s32 $0x18000, s0  }
0x10: {  	s0 =	sadd.s32 s11, s25;
	s11 =	sshrl.u32 s31, $0x3;
	s12 =	smax.u32 s12, $0x1  }
.Ltmp0:
0x11: {  	s15 =	sshrl.u32 s15, $0x3;
	s25 =	simm.s32 $0xA;
	(pc) =	sbr.rel .LBB2_1-.Ltmp0, $4  }
0x12: {  	s30 =	sshrl.u32 s23, $0x3;
	s0 =	sadd.s32 $0xA0, s0;
	s11 =	sadd.s32 s2, s11  }
0x13: {  	s23 =	simm.s32 $0x600;
	s7 =	sadd.s32 s14, s30;
	s17 =	sadd.s32 $0xA, s30  }
0x14: {  	s8 =	sadd.s32 s13, s30;
	s0 =	sshrl.u32 s0, $0x3;
	s9 =	sadd.s32 s14, s17  }
0x15: {  	s10 =	sadd.s32 s13, s17;
	s13 =	sadd.s32 s0, s13;
	s14 =	sadd.s32 s0, s14  }
.LBB2_8:
0x16: {  	_ =	swait.ge [sflag:s21], $0x2800  }
0x17: {  	[sflag:s21] =	ssyncset.done $0x0  }
0x18: {  	[sflag:s21] =	ssyncadd.s32 $0xFFFFD800  }
0x19: {  	v0 =	vld [tilespmem:$0x0]  }
0x1a: {  	v1 =	vld [tilespmem:$0x10]  }
0x1b: {  	v2 =	vld [tilespmem:$0x20]  }
0x1c: {  	v3 =	vld [tilespmem:$0x30]  }
0x1d: {  	v4 =	vld [tilespmem:$0x40]  }
0x1e: {  	[tilespmem:$0x400] =	vst v0  }
0x1f: {  	[tilespmem:$0x410] =	vst v1  }
0x20: {  	[tilespmem:$0x420] =	vst v2  }
0x21: {  	[tilespmem:$0x430] =	vst v3  }
0x22: {  	[tilespmem:$0x440] =	vst v4  }
0x23: {  	[spmem:s3] =	stream.indirect.scatter.add.f32 [tilespmem:s23], [sflag:$0x9], $0x80, s22, s20, $0xb8;
	[tilespmem:$0x1E200] =	vst v63  }
0x24: {  	_ =	swait.ge [sflag:s24], $0x2800  }
0x25: {  	[sflag:s24] =	ssyncset.done $0x0  }
0x26: {  	[sflag:s24] =	ssyncadd.s32 $0xFFFFD800  }
0x27: {  	_ =	swait.ge [sflag:s25], $0x2800  }
0x28: {  	[sflag:s25] =	ssyncset.done $0x0  }
0x29: {  	[sflag:s25] =	ssyncadd.s32 $0xFFFFD800  }
0x2a: {  	_ =	swait.ge [sflag:s26], $0x2800  }
0x2b: {  	[sflag:s26] =	ssyncset.done $0x0  }
0x2c: {  	[sflag:s26] =	ssyncadd.s32 $0xFFFFD800  }
0x2d: {  	_ =	swait.ge [sflag:s28], $0x2800  }
0x2e: {  	s29 =	sadd.s32 $0x1, s29;
	[sflag:s28] =	ssyncset.done $0x0  }
0x2f: {  	p0 =	sne.s32 s29, s12;
	[sflag:s28] =	ssyncadd.s32 $0xFFFFD800  }
.Ltmp1:
0x30: {  	[bflag:$0x0] =	sbarrier.arrive $0xFFFF;
	(pc) =	sbr.rel @!p0 .LBB2_9-.Ltmp1, $4  }
0x31: {  	[hbm:s11], [sflag:s6] =	dma.local [spmem:s15], $0x2780  }
0x32: {  	_ =	swait.ge [sflag:s16], $0x2780  }
0x33: {  	[sflag:s16] =	ssyncset.done $0x0  }
0x34: {  	[sflag:s16] =	ssyncadd.s32 $0xFFFFD880  }
.LBB2_1:
0x35: {  	[spmem:s15], [sflag:s6] =	dma.local [hbm:s5], $0x2780  }
0x36: {  	_ =	swait.ge [sflag:s16], $0x2780  }
0x37: {  	[sflag:s16] =	ssyncset.done $0x0  }
0x38: {  	[sflag:s16] =	ssyncadd.s32 $0xFFFFD880  }
0x39: {  	[bflag:$0x0] =	sbarrier.arrive $0xFFFF  }
0x3a: {  	[tilespmem:s4], [sflag:$0x1] =	stream.linear.gather [hbm4b:s7+s4], $0x50, $0x38;
	[tilespmem:$0x1E200] =	vst v63  }
0x3b: {  	s0 =	simm.s32 $0x200  }
0x3c: {  	[tilespmem:s0], [sflag:$0x1] =	stream.linear.gather [hbm4b:s8+s4], $0x50, $0x38;
	[tilespmem:$0x1E200] =	vst v63  }
.Ltmp2:
0x3d: {  	_ = 	snop;
	(pc) =	sbr.rel .LBB2_2-.Ltmp2, $4  }
0x3e: {  	s18 =	simm.s32 $0x80;
	s19 =	simm.s32 $0x280  }
0x3f: {  	[tilespmem:s18], [sflag:$0x2] =	stream.linear.gather [hbm4b:s9+s4], $0x50, $0x38;
	[tilespmem:$0x1E200] =	vst v63  }
0x40: {  	s30 =	smov.u32 s14;
	s31 =	smov.u32 s13;
	s0 =	simm.s32 $0x0  }
0x41: {  	[tilespmem:s19], [sflag:$0x2] =	stream.linear.gather [hbm4b:s10+s4], $0x50, $0x38;
	[tilespmem:$0x1E200] =	vst v63  }
.LBB2_6:
0x42: {  	s2 =	sadd.s32 $0xFFFFFFFF, s0  }
0x43: {  	s2 =	sand.u32 $0x3, s2  }
0x44: {  	s17 =	sadd.s32 $0x5, s2  }
0x45: {  	_ =	swait.ge [sflag:s17], $0x2800  }
0x46: {  	[sflag:s17] =	ssyncset.done $0x0  }
0x47: {  	[sflag:s17] =	ssyncadd.s32 $0xFFFFD800;
	s17 =	sshll.u32 s2, $0x7  }
0x48: {  	v0 =	vld [tilespmem:s17+$0x0]  }
0x49: {  	v1 =	vld [tilespmem:s17+$0x10]  }
0x4a: {  	v2 =	vld [tilespmem:s17+$0x20]  }
0x4b: {  	v3 =	vld [tilespmem:s17+$0x30]  }
0x4c: {  	v4 =	vld [tilespmem:s17+$0x40]  }
0x4d: {  	[tilespmem:s17+$0x400] =	vst v0  }
0x4e: {  	s18 =	smul.u32 $0xA000, s2;
	[tilespmem:s17+$0x410] =	vst v1  }
0x4f: {  	[tilespmem:s17+$0x420] =	vst v2  }
0x50: {  	s18 =	sshrl.u32 s18, $0x2;
	[tilespmem:s17+$0x430] =	vst v3  }
0x51: {  	s18 =	sor.u32 $0x600, s18;
	s2 =	sadd.s32 $0x9, s2;
	s19 =	sor.u32 $0x400, s17;
	[tilespmem:s17+$0x440] =	vst v4  }
0x52: {  	[spmem:s3] =	stream.indirect.scatter.add.f32 [tilespmem:s18], [sflag:s2], $0x80, s19, s20, $0xb8;
	[tilespmem:$0x1E200] =	vst v63  }
.LBB2_7:
0x53: {  	s0 =	sadd.s32 $0x1, s0  }
0x54: {  	p0 =	sne.s32 s0, $0x7D  }
.Ltmp3:
0x55: {  	_ = 	snop;
	(pc) =	sbr.rel @!p0 .LBB2_8-.Ltmp3, $2  }
0x56: {  	_ =	sdelay $0x2  }
0x57: {  	s31 =	sadd.s32 $0xA, s31;
	s30 =	sadd.s32 $0xA, s30  }
.LBB2_2:
0x58: {  	s2 =	sand.u32 $0x3, s0  }
0x59: {  	s18 =	sadd.s32 $0x1, s2  }
0x5a: {  	p0 =	sgt.u32 s0, $0x3;
	_ =	swait.ge [sflag:s18], $0x50  }
.Ltmp4:
0x5b: {  	[sflag:s18] =	ssyncset.done $0x0;
	(pc) =	sbr.rel @!p0 .LBB2_3-.Ltmp4, $4  }
0x5c: {  	[sflag:s18] =	ssyncadd.s32 $0xFFFFFFB0  }
0x5d: {  	_ =	swait.ge [sflag:s18], $0x50  }
0x5e: {  	s17 =	sshll.u32 s2, $0x7;
	[sflag:s18] =	ssyncset.done $0x0  }
0x5f: {  	s17 =	sor.u32 $0x200, s17;
	[sflag:s18] =	ssyncadd.s32 $0xFFFFFFB0  }
0x60: {  	s19 =	smul.u32 $0xA000, s2;
	p0 =	sgt.u32 s0, $0x7A  }
.Ltmp5:
0x61: {  	s18 =	sadd.s32 $0x9, s2;
	(pc) =	sbr.rel @p0 .LBB2_6-.Ltmp5, $4  }
.Ltmp6:
0x62: {  	_ =	swait.ge [sflag:s18], $0x2800;
	(pc) =	sbr.rel @!p0 .LBB2_5-.Ltmp6, $4  }
0x63: {  	[sflag:s18] =	ssyncset.done $0x0;
	s19 =	sshrl.u32 s19, $0x2  }
0x64: {  	[sflag:s18] =	ssyncadd.s32 $0xFFFFD800;
	s18 =	sor.u32 $0x600, s19;
	s19 =	sadd.s32 $0x5, s2  }
0x65: {  	[tilespmem:s18], [sflag:s19] =	stream.indirect.gather [hbm4b:s1+s20], $0x80, s17, s20, $0xb8;
	[tilespmem:$0x1E200] =	vst v63  }
0x66: {  	_ = 	snop  }
.LBB2_3:
0x67: {  	s18 =	smul.u32 $0xA000, s2;
	_ =	sdelay $0x1  }
0x68: {  	s18 =	sshrl.u32 s18, $0x2  }
0x69: {  	s19 =	sadd.s32 $0x5, s2;
	s18 =	sor.u32 $0x600, s18  }
0x6a: {  	[tilespmem:s18], [sflag:s19] =	stream.indirect.gather [hbm4b:s1+s20], $0x80, s17, s20, $0xb8;
	[tilespmem:$0x1E200] =	vst v63  }
.LBB2_5:
0x6b: {  	s2 =	sadd.s32 $0x2, s0;
	p0 =	seq.s32 s0, $0x0  }
.Ltmp7:
0x6c: {  	s2 =	sand.u32 $0x3, s2;
	(pc) =	sbr.rel @!p0 .LBB2_6-.Ltmp7, $4  }
.Ltmp8:
0x6d: {  	s17 =	sadd.s32 $0x1, s2;
	s2 =	sshll.u32 s2, $0x7;
	(pc) =	sbr.rel @p0 .LBB2_7-.Ltmp8, $4  }
0x6e: {  	[tilespmem:s2], [sflag:s17] =	stream.linear.gather [hbm4b:s30+s4], $0x50, $0x38;
	[tilespmem:$0x1E200] =	vst v63  }
0x6f: {  	s2 =	sor.u32 $0x200, s2  }
0x70: {  	[tilespmem:s2], [sflag:s17] =	stream.linear.gather [hbm4b:s31+s4], $0x50, $0x38;
	[tilespmem:$0x1E200] =	vst v63  }
0x71: {  	_ = 	snop  }
.LBB2_9:
0x72: {  	_ =	sfence.sel $0x180000  }
0x73: {  	[bflag:$0x0] =	sbarrier.arrive $0xFFFF  }
0x74: {  	_ =	strace $0x9000004A  }
0x75: {  	s0 =	stileid.u32;
	[bflag:$0x2] =	sbarrier.arrive $0xFFFF  }
0x76: {  	p0 =	sne.s32 s0, $0x0;
	s0 =	rddreg [dreg:$0x4]  }
0x77: {  	s0 =	sadd.s32 @!p0 $0x100000, s0  }
0x78: {  	[sflag:s0] =	ssyncadd.tile.s32 @!p0 $0x1;
	_ =	shalt  }
.Lfunc_end2:
_tile_overlayer_lowered:
.L_overlay_start_2:
0x79: {  	(tag) =	ssettag $0x2  }
0x7a: {  	s0 =	rddreg [dreg:$0x0];
	s2 =	stileid.u32  }
0x7b: {  	s1 =	rddreg [dreg:$0x1];
	p0 =	sne.s32 s2, $0x0  }
0x7c: {  	s3 =	rddreg [dreg:$0x2];
	[bflag:$0x3] =	sbarrier.arrive $0xFFFF;
	s2 =	simm.s32 @!p0 $0x1C0D  }
0x7d: {  	[timem:s3], [sflag:s2] =	dma.local @!p0 [hbm:s0], s1  }
0x7e: {  	s0 =	simm.s32 @!p0 $0xD  }
0x7f: {  	_ =	swait.ge @!p0 [sflag:s0], s1  }
0x80: {  	s1 =	ssub.s32 @!p0 $0x0, s1;
	[sflag:s0] =	ssyncset.done @!p0 $0x0  }
0x81: {  	[sflag:s0] =	ssyncadd.s32 @!p0 s1  }
0x82: {  	[bflag:$0x3] =	sbarrier.arrive $0xFFFF  }
0x83: {  	_ =	shalt  }

// kernel: kernel.17.cloned.1.call-start
scs
__scs_entry_jumppad:
0x0: {  	(pc) =	sbr.rel $0x88, $3  }
0x1: {  	(tag) =	ssettag $0x0;
	lr =	simm.s32 $0x1  }
0x2: {  	[smem:$0x3F95] =	sst lr;
	_ =	strace $0xD0000000  }
0x3: {  	_ = 	snop  }
0x4: {  	_ = 	snop  }
0x5: {  	_ = 	snop  }
0x6: {  	_ = 	snop  }
0x7: {  	_ = 	snop  }
__scs_overlays_trampoline_lowered:
0x8: {  	[smem:$0x3FA4] =	sst s0  }
0x9: {  	[smem:$0x3FA5] =	sst s1  }
0xa: {  	[smem:$0x3FA6] =	sst s2  }
0xb: {  	[smem:$0x3FA7] =	sst s3  }
0xc: {  	[smem:$0x3FA8] =	sst s4  }
0xd: {  	[smem:$0x3FA9] =	sst s5  }
0xe: {  	[smem:$0x3FAA] =	sst s6  }
0xf: {  	[smem:$0x3FAB] =	sst s7  }
0x10: {  	[smem:$0x3FAC] =	sst s8  }
0x11: {  	[smem:$0x3FAD] =	sst s9;
	s0 =	simm.s32 @!p0 $0x0  }
0x12: {  	s1 =	sld [smem:$0x3F93];
	s0 =	simm.s32 @p0 $0x1  }
0x13: {  	[smem:$0x3FAE] =	sst s0;
	s0 =	simm.s32 @!p1 $0x0  }
0x14: {  	s2 =	sld [smem:$0x3F92];
	s0 =	simm.s32 @p1 $0x1  }
0x15: {  	[smem:$0x3FAF] =	sst s0;
	s0 =	simm.s32 @!p2 $0x0  }
0x16: {  	s3 =	sld [smem:$0x3FDB];
	s0 =	simm.s32 @p2 $0x1  }
0x17: {  	s4 =	simm.s32 $0x1BF5;
	[smem:$0x3FB1] =	sst s0  }
0x18: {  	s0 =	sld [smem:$0x3F94];
	_ =	swait.ge [sflag:s4], $0x0  }
0x19: {  	s7 =	sld [smem:$0x3F95]  }
0x1a: {  	s8 =	sadd.s32 $0xFFFFE003, lr  }
0x1b: {  	s9 =	sadd.s32 $0xFFFFFEF7, lr;
	s5 =	simm.s32 $0xFFFFFFFF;
	p2 =	slt.u32 s8, $0xFFFFF086  }
0x1c: {  	p1 =	slt.u32 s9, $0xF7A;
	s5 =	simm.s32 @!p2 $0x0  }
0x1d: {  	s5 =	simm.s32 @p1 $0x1;
	p0 =	seq.s32 s7, s2  }
0x1e: {  	s7 =	smul.u32 @!p0 $0xF7A, s2;
	p2 =	seq.s32 @!p0 s5, $0x0  }
0x1f: {  	s9 =	smul.u32 $0xF7A, s1;
	s8 =	simm.s32 @!p0 $0x1BF5;
	p2 =	por !p2, p0  }
0x20: {  	[sflag:s8] =	ssyncset.s32 @!p0 $0xFFFFF086;
	s6 =	sadd.s32 @!p0 s3, s7;
	s7 =	simm.s32 @!p0 $0x108  }
0x21: {  	s3 =	sadd.s32 s3, s9;
	s6 =	sadd.s32 @!p0 $0x88, s6;
	s7 =	simm.s32 @p2 $0x1082  }
0x22: {  	[simem:s7], [sflag:s8] =	dma.local @!p0 [hbm:s6], $0xF7A  }
0x23: {  	s9 =	sor.u32 $0xD0000000, s2;
	s6 =	simm.s32 $0x108;
	_ =	swait.ge @!p0 [sflag:s8], $0x0  }
0x24: {  	s3 =	sadd.s32 $0x88, s3;
	s6 =	simm.s32 @!p1 $0x1082;
	[sflag:s4] =	ssyncset.s32 $0xFFFFF086  }
0x25: {  	[simem:s6], [sflag:s4] =	dma.local [hbm:s3], $0xF7A  }
0x26: {  	[smem:$0x3F95] =	sst s1;
	(tag) =	ssettag s2;
	_ =	strace s9  }
0x27: {  	s1 =	sld [smem:$0x3FA5]  }
0x28: {  	s2 =	sld [smem:$0x3FA6]  }
0x29: {  	s4 =	sld [smem:$0x3FA8]  }
0x2a: {  	p0 =	seq.s32 s5, $0x0;
	s5 =	sld [smem:$0x3FA9]  }
0x2b: {  	s6 =	sld [smem:$0x3FAA]  }
0x2c: {  	s7 =	sld [smem:$0x3FAB]  }
0x2d: {  	s3 =	simm.s32 $0x108;
	s8 =	sld [smem:$0x3FAC]  }
0x2e: {  	s3 =	simm.s32 @!p0 $0x1082;
	s9 =	sld [smem:$0x3FAD]  }
0x2f: {  	lr =	sadd.s32 s0, s3;
	s0 =	sld [smem:$0x3FA4]  }
0x30: {  	s3 =	sld [smem:$0x3FA7]  }
0x31: {  	[smem:$0x3FB0] =	sst s10  }
0x32: {  	s10 =	sld [smem:$0x3FAE];
	_ =	sdelay $0x3  }
0x33: {  	p0 =	seq.s32 s10, $0x1;
	s10 =	sld [smem:$0x3FB0];
	_ =	sdelay $0x3  }
0x34: {  	[smem:$0x3FB0] =	sst s10  }
0x35: {  	s10 =	sld [smem:$0x3FAF];
	_ =	sdelay $0x3  }
0x36: {  	p1 =	seq.s32 s10, $0x1;
	s10 =	sld [smem:$0x3FB0];
	_ =	sdelay $0x3  }
0x37: {  	[smem:$0x3FB0] =	sst s10  }
0x38: {  	s10 =	sld [smem:$0x3FB1]  }
0x39: {  	_ = 	snop;
	(pc) =	sbr.ind lr, $3  }
0x3a: {  	_ = 	snop  }
0x3b: {  	_ = 	snop  }
0x3c: {  	p2 =	seq.s32 s10, $0x1;
	s10 =	sld [smem:$0x3FB0]  }
0x3d: {  	_ =	shalt  }
0x3e: {  	_ =	shalt  }
0x3f: {  	_ =	shalt  }
0x40: {  	_ =	shalt  }
0x41: {  	_ =	shalt  }
0x42: {  	_ =	shalt  }
0x43: {  	_ =	shalt  }
0x44: {  	_ =	shalt  }
0x45: {  	_ =	shalt  }
0x46: {  	_ =	shalt  }
0x47: {  	_ =	shalt  }
0x48: {  	_ =	shalt  }
0x49: {  	_ =	shalt  }
0x4a: {  	_ =	shalt  }
0x4b: {  	_ =	shalt  }
0x4c: {  	_ =	shalt  }
0x4d: {  	_ =	shalt  }
0x4e: {  	_ =	shalt  }
0x4f: {  	_ =	shalt  }
0x50: {  	_ =	shalt  }
0x51: {  	_ =	shalt  }
0x52: {  	_ =	shalt  }
0x53: {  	_ =	shalt  }
0x54: {  	_ =	shalt  }
0x55: {  	_ =	shalt  }
0x56: {  	_ =	shalt  }
0x57: {  	_ =	shalt  }
0x58: {  	_ =	shalt  }
0x59: {  	_ =	shalt  }
0x5a: {  	_ =	shalt  }
0x5b: {  	_ =	shalt  }
0x5c: {  	_ =	shalt  }
0x5d: {  	_ =	shalt  }
0x5e: {  	_ =	shalt  }
0x5f: {  	_ =	shalt  }
0x60: {  	_ =	shalt  }
0x61: {  	_ =	shalt  }
0x62: {  	_ =	shalt  }
0x63: {  	_ =	shalt  }
0x64: {  	_ =	shalt  }
0x65: {  	_ =	shalt  }
0x66: {  	_ =	shalt  }
0x67: {  	_ =	shalt  }
0x68: {  	_ =	shalt  }
0x69: {  	_ =	shalt  }
0x6a: {  	_ =	shalt  }
0x6b: {  	_ =	shalt  }
0x6c: {  	_ =	shalt  }
0x6d: {  	_ =	shalt  }
0x6e: {  	_ =	shalt  }
0x6f: {  	_ =	shalt  }
0x70: {  	_ =	shalt  }
0x71: {  	_ =	shalt  }
0x72: {  	_ =	shalt  }
0x73: {  	_ =	shalt  }
0x74: {  	_ =	shalt  }
0x75: {  	_ =	shalt  }
0x76: {  	_ =	shalt  }
0x77: {  	_ =	shalt  }
0x78: {  	_ =	shalt  }
0x79: {  	_ =	shalt  }
0x7a: {  	_ =	shalt  }
0x7b: {  	_ =	shalt  }
0x7c: {  	_ =	shalt  }
0x7d: {  	_ =	shalt  }
0x7e: {  	_ =	shalt  }
0x7f: {  	_ =	shalt  }
0x80: {  	_ =	shalt  }
0x81: {  	_ =	shalt  }
0x82: {  	_ =	shalt  }
0x83: {  	_ =	shalt  }
0x84: {  	_ =	shalt  }
0x85: {  	_ =	shalt  }
0x86: {  	_ =	shalt  }
0x87: {  	_ =	shalt  }
.Lfunc_end0:
.L_simem_size_0:
called_computation.2_lowered:
.L_overlay_start_0:
0x88: {  	s2 =	sld [smem:$0x3FD9]  }
0x89: {  	s3 =	sld [smem:$0x3FFE];
	_ =	sdelay $0x1  }
0x8a: {  	s1 =	srdreg.scid  }
0x8b: {  	s0 =	sand.u32 $0x1, s1  }
0x8c: {  	s14 =	sshll.u32 s0, $0xA;
	s2 =	sadd.s32 s3, s2  }
0x8d: {  	s2 =	sadd.s32 s2, s14  }
0x8e: {  	[smem:$0x3FBC] =	sst s2  }
0x8f: {  	_ = 	snop  }
0x90: {  	s2 =	sld [smem:$0x3FD0];
	_ =	sdelay $0x2  }
0x91: {  	s15 =	simm.s32 $0xA;
	s4 =	simm.s32 $0x10  }
0x92: {  	[smem:s4], [sflag:s15] =	dma.local [hbm:s2], $0x1  }
0x93: {  	_ =	swait.eq [sflag:s15], $0x1  }
0x94: {  	[sflag:s15] =	ssyncset.done $0x0  }
0x95: {  	s16 =	sld [smem:$0x10];
	[sflag:s15] =	ssyncadd.s32 $0xFFFFFFFF  }
0x96: {  	s17 =	sld [smem:$0x11];
	(tm) =	ssettm $0x1  }
0x97: {  	s18 =	sld [smem:$0x3FFB];
	_ =	sdelay $0x3  }
0x98: {  	_ =	strace s18  }
0x99: {  	s4 =	sld [smem:$0x3FFC];
	_ =	sdelay $0x3  }
0x9a: {  	_ =	strace s4  }
0x9b: {  	s4 =	sld [smem:$0x3FFD];
	_ =	sdelay $0x3  }
0x9c: {  	_ =	strace s4  }
0x9d: {  	_ =	strace $0x8FFFFFFF  }
0x9e: {  	s19 =	sld [smem:$0x3FDB];
	_ =	sdelay $0x1  }
0x9f: {  	s5 =	simm.s32 $_scs_section_size  }
0xa0: {  	s6 =	simm.s32 $_size__tile_overlayer_lowered;
	s7 =	simm.s32 $_tile_overlayer_lowered  }
0xa1: {  	s22 =	simm.s32 $0x1BFF;
	s21 =	sshll.u32 s7, $0x1;
	s4 =	sadd.s32 s5, s19  }
0xa2: {  	s8 =	simm.s32 $0x0;
	s20 =	sshll.u32 s6, $0x1;
	s6 =	sadd.s32 s21, s4  }
0xa3: {  	[timem:s8], [sflag:s22] =	dma.local [hbm:s6], s20  }
0xa4: {  	_ =	swait.ge [sflag:s22], s20  }
0xa5: {  	s5 =	ssub.s32 $0x0, s20;
	[sflag:s22] =	ssyncset.done $0x0  }
0xa6: {  	[sflag:s22] =	ssyncadd.s32 s5;
	_ =	sdelay $0x1  }
0xa7: {  	s23 =	simm.s32 $0x1B8B  }
0xa8: {  	_ =	swait.ge [sflag:s23], $0x1  }
0xa9: {  	[sflag:s23] =	ssyncset.done $0x0  }
0xaa: {  	s25 =	simm.s32 $0x1B8E;
	s24 =	sld [smem:$0x3FFE];
	[sflag:s23] =	ssyncadd.s32 $0xFFFFFFFF  }
0xab: {  	s26 =	simm.s32 $execute0_lowered;
	[smem:$0x3FD2] =	sst s25  }
0xac: {  	s6 =	sshll.u32 s26, $0x1;
	_ =	strace $0x8000004C;
	[dreg:$0x1] =	wrdreg $0xFFFFFFFF  }
0xad: {  	s28 =	simm.s32 $_size_execute0_lowered;
	s4 =	sadd.s32 s4, s6;
	[dreg:$0x0] =	wrdreg $0x0  }
0xae: {  	s6 =	sshll.u32 s28, $0x1;
	[dreg:$0x2] =	wrdreg s4  }
0xaf: {  	[dreg:$0x3] =	wrdreg s6  }
0xb0: {  	[dreg:$0x4] =	wrdreg $0xC0  }
0xb1: {  	_ =	task [dreg:s8], $0x5FFFF  }
0xb2: {  	[dreg:$0x1] =	wrdreg $0xFFFFFFFF  }
0xb3: {  	[dreg:$0x0] =	wrdreg $0x60  }
0xb4: {  	[dreg:$0x2] =	wrdreg s16  }
0xb5: {  	[dreg:$0x3] =	wrdreg s24  }
0xb6: {  	[dreg:$0x4] =	wrdreg s17  }
0xb7: {  	[dreg:$0x5] =	wrdreg $0xA6000  }
0xb8: {  	[dreg:$0x6] =	wrdreg $0x9  }
0xb9: {  	_ =	task.clear_ibuf [dreg:s8], $0x7FFFF;
	_ =	strace $0x9000004C  }
0xba: {  	s29 =	simm.s32 $0x9;
	_ =	strace $0x8000004E  }
0xbb: {  	_ =	swait.ge [sflag:s29], $0x1  }
0xbc: {  	[sflag:s29] =	ssyncadd.s32 $0xFFFFFFFF  }
0xbd: {  	_ =	strace $0x9000004E  }
0xbe: {  	_ =	sfence  }
0xbf: {  	s30 =	sld [smem:$0x0];
	_ =	sdelay $0x2  }
0xc0: {  	s31 =	sshll.u32 s1, $0xD;
	s1 =	sshrl.u32 s1, $0x2  }
0xc1: {  	s3 =	sand.u32 $0x4000, s31;
	s1 =	sadd.s32 s1, s30  }
0xc2: {  	s0 =	sor.u32 s3, s0;
	s1 =	sshll.u32 s1, $0x11  }
0xc3: {  	s0 =	sor.u32 s1, s0  }
0xc4: {  	s0 =	sadd.s32 $0x8F2B, s0  }
0xc5: {  	[sflag:s0] =	ssyncadd.remote.s32 $0x1  }
0xc6: {  	_ =	sfence.sel $0xFFFF  }
0xc7: {  	[dreg:$0x0] =	wrdreg $0xFFFFFFFF;
	(pc) =	sbr.abs _section_cstart, $3  }
0xc8: {  	[dreg:$0x1] =	wrdreg $0xFFFFFFFF  }
0xc9: {  	_ =	task.clear_ibuf [dreg:s8], $0x2FFFF;
	_ =	strace $0x9FFFFFFF  }
0xca: {  	(tm) =	ssettm $0x7FFFFFFF  }
0xcb: {  	_ =	shalt  }
tec
execute0_lowered:
.L_overlay_start_1:
0x0: {  	(tag) =	ssettag $0x1  }
0x1: {  	s1 =	rddreg [dreg:$0x0]  }
0x2: {  	s0 =	rddreg [dreg:$0x1]  }
0x3: {  	s2 =	rddreg [dreg:$0x2]  }
0x4: {  	s3 =	rddreg [dreg:$0x3];
	s4 =	simm.s32 $0x0;
	s11 =	stileid.u32  }
0x5: {  	s5 =	srdreg.scid;
	s20 =	simm.s32 $0x50;
	s21 =	simm.s32 $0x5  }
0x6: {  	s28 =	simm.s32 $0xC;
	s29 =	simm.s32 $0x0;
	[smem:$0x7FF] =	sst s4  }
0x7: {  	s10 =	smul.u32 $0x13C00, s11;
	s14 =	sadd.s32 $0xE200, s0;
	s13 =	sadd.s32 $0x4400, s0  }
0x8: {  	s8 =	sand.u32 $0x1, s5;
	s9 =	smul.u32 $0x4F000, s11;
	s26 =	sshll.u32 s11, $0x6  }
0x9: {  	_ =	strace $0x8000004D;
	s5 =	ssub.s32 $0x2, s8;
	s25 =	smul.u32 $0x27100, s8  }
0xa: {  	s7 =	sshll.u32 s8, $0x4;
	s16 =	smul.u32 $0x13C000, s8;
	s6 =	sshrl.u32 s10, $0x3  }
0xb: {  	s22 =	sshrl.u32 s5, $0x1;
	s7 =	sor.u32 s11, s7;
	s24 =	sshrl.u32 s9, $0x2  }
0xc: {  	s11 =	smul.u32 $0x2710, s11;
	s0 =	sadd.s32 s6, s0;
	s12 =	ssub.s32 s5, s22  }
0xd: {  	s23 =	smul.u32 $0x2710, s7;
	s15 =	sadd.s32 s24, s3;
	s6 =	sor.u32 $0x1C0D, s26  }
0xe: {  	s31 =	sadd.s32 s10, s16;
	s16 =	simm.s32 $0xD;
	s22 =	simm.s32 $0x400  }
0xf: {  	s24 =	simm.s32 $0x9;
	s26 =	simm.s32 $0xB;
	s5 =	sadd.s32 $0x18000, s0  }
0x10: {  	s0 =	sadd.s32 s11, s25;
	s11 =	sshrl.u32 s31, $0x3;
	s12 =	smax.u32 s12, $0x1  }
.Ltmp0:
0x11: {  	s15 =	sshrl.u32 s15, $0x3;
	s25 =	simm.s32 $0xA;
	(pc) =	sbr.rel .LBB2_1-.Ltmp0, $4  }
0x12: {  	s30 =	sshrl.u32 s23, $0x3;
	s0 =	sadd.s32 $0xA0, s0;
	s11 =	sadd.s32 s2, s11  }
0x13: {  	s23 =	simm.s32 $0x600;
	s7 =	sadd.s32 s14, s30;
	s17 =	sadd.s32 $0xA, s30  }
0x14: {  	s8 =	sadd.s32 s13, s30;
	s0 =	sshrl.u32 s0, $0x3;
	s9 =	sadd.s32 s14, s17  }
0x15: {  	s10 =	sadd.s32 s13, s17;
	s13 =	sadd.s32 s0, s13;
	s14 =	sadd.s32 s0, s14  }
.LBB2_8:
0x16: {  	_ =	swait.ge [sflag:s21], $0x2800  }
0x17: {  	[sflag:s21] =	ssyncset.done $0x0  }
0x18: {  	[sflag:s21] =	ssyncadd.s32 $0xFFFFD800  }
0x19: {  	v0 =	vld [tilespmem:$0x0]  }
0x1a: {  	v1 =	vld [tilespmem:$0x10]  }
0x1b: {  	v2 =	vld [tilespmem:$0x20]  }
0x1c: {  	v3 =	vld [tilespmem:$0x30]  }
0x1d: {  	v4 =	vld [tilespmem:$0x40]  }
0x1e: {  	[tilespmem:$0x400] =	vst v0  }
0x1f: {  	[tilespmem:$0x410] =	vst v1  }
0x20: {  	[tilespmem:$0x420] =	vst v2  }
0x21: {  	[tilespmem:$0x430] =	vst v3  }
0x22: {  	[tilespmem:$0x440] =	vst v4  }
0x23: {  	[spmem:s3] =	stream.indirect.scatter.add.f32 [tilespmem:s23], [sflag:$0x9], $0x80, s22, s20, $0xb8;
	[tilespmem:$0x1E200] =	vst v63  }
0x24: {  	_ =	swait.ge [sflag:s24], $0x2800  }
0x25: {  	[sflag:s24] =	ssyncset.done $0x0  }
0x26: {  	[sflag:s24] =	ssyncadd.s32 $0xFFFFD800  }
0x27: {  	_ =	swait.ge [sflag:s25], $0x2800  }
0x28: {  	[sflag:s25] =	ssyncset.done $0x0  }
0x29: {  	[sflag:s25] =	ssyncadd.s32 $0xFFFFD800  }
0x2a: {  	_ =	swait.ge [sflag:s26], $0x2800  }
0x2b: {  	[sflag:s26] =	ssyncset.done $0x0  }
0x2c: {  	[sflag:s26] =	ssyncadd.s32 $0xFFFFD800  }
0x2d: {  	_ =	swait.ge [sflag:s28], $0x2800  }
0x2e: {  	s29 =	sadd.s32 $0x1, s29;
	[sflag:s28] =	ssyncset.done $0x0  }
0x2f: {  	p0 =	sne.s32 s29, s12;
	[sflag:s28] =	ssyncadd.s32 $0xFFFFD800  }
.Ltmp1:
0x30: {  	[bflag:$0x0] =	sbarrier.arrive $0xFFFF;
	(pc) =	sbr.rel @!p0 .LBB2_9-.Ltmp1, $4  }
0x31: {  	[hbm:s11], [sflag:s6] =	dma.local [spmem:s15], $0x2780  }
0x32: {  	_ =	swait.ge [sflag:s16], $0x2780  }
0x33: {  	[sflag:s16] =	ssyncset.done $0x0  }
0x34: {  	[sflag:s16] =	ssyncadd.s32 $0xFFFFD880  }
.LBB2_1:
0x35: {  	[spmem:s15], [sflag:s6] =	dma.local [hbm:s5], $0x2780  }
0x36: {  	_ =	swait.ge [sflag:s16], $0x2780  }
0x37: {  	[sflag:s16] =	ssyncset.done $0x0  }
0x38: {  	[sflag:s16] =	ssyncadd.s32 $0xFFFFD880  }
0x39: {  	[bflag:$0x0] =	sbarrier.arrive $0xFFFF  }
0x3a: {  	[tilespmem:s4], [sflag:$0x1] =	stream.linear.gather [hbm4b:s7+s4], $0x50, $0x38;
	[tilespmem:$0x1E200] =	vst v63  }
0x3b: {  	s0 =	simm.s32 $0x200  }
0x3c: {  	[tilespmem:s0], [sflag:$0x1] =	stream.linear.gather [hbm4b:s8+s4], $0x50, $0x38;
	[tilespmem:$0x1E200] =	vst v63  }
.Ltmp2:
0x3d: {  	_ = 	snop;
	(pc) =	sbr.rel .LBB2_2-.Ltmp2, $4  }
0x3e: {  	s18 =	simm.s32 $0x80;
	s19 =	simm.s32 $0x280  }
0x3f: {  	[tilespmem:s18], [sflag:$0x2] =	stream.linear.gather [hbm4b:s9+s4], $0x50, $0x38;
	[tilespmem:$0x1E200] =	vst v63  }
0x40: {  	s30 =	smov.u32 s14;
	s31 =	smov.u32 s13;
	s0 =	simm.s32 $0x0  }
0x41: {  	[tilespmem:s19], [sflag:$0x2] =	stream.linear.gather [hbm4b:s10+s4], $0x50, $0x38;
	[tilespmem:$0x1E200] =	vst v63  }
.LBB2_6:
0x42: {  	s2 =	sadd.s32 $0xFFFFFFFF, s0  }
0x43: {  	s2 =	sand.u32 $0x3, s2  }
0x44: {  	s17 =	sadd.s32 $0x5, s2  }
0x45: {  	_ =	swait.ge [sflag:s17], $0x2800  }
0x46: {  	[sflag:s17] =	ssyncset.done $0x0  }
0x47: {  	[sflag:s17] =	ssyncadd.s32 $0xFFFFD800;
	s17 =	sshll.u32 s2, $0x7  }
0x48: {  	v0 =	vld [tilespmem:s17+$0x0]  }
0x49: {  	v1 =	vld [tilespmem:s17+$0x10]  }
0x4a: {  	v2 =	vld [tilespmem:s17+$0x20]  }
0x4b: {  	v3 =	vld [tilespmem:s17+$0x30]  }
0x4c: {  	v4 =	vld [tilespmem:s17+$0x40]  }
0x4d: {  	[tilespmem:s17+$0x400] =	vst v0  }
0x4e: {  	s18 =	smul.u32 $0xA000, s2;
	[tilespmem:s17+$0x410] =	vst v1  }
0x4f: {  	[tilespmem:s17+$0x420] =	vst v2  }
0x50: {  	s18 =	sshrl.u32 s18, $0x2;
	[tilespmem:s17+$0x430] =	vst v3  }
0x51: {  	s18 =	sor.u32 $0x600, s18;
	s2 =	sadd.s32 $0x9, s2;
	s19 =	sor.u32 $0x400, s17;
	[tilespmem:s17+$0x440] =	vst v4  }
0x52: {  	[spmem:s3] =	stream.indirect.scatter.add.f32 [tilespmem:s18], [sflag:s2], $0x80, s19, s20, $0xb8;
	[tilespmem:$0x1E200] =	vst v63  }
.LBB2_7:
0x53: {  	s0 =	sadd.s32 $0x1, s0  }
0x54: {  	p0 =	sne.s32 s0, $0x7D  }
.Ltmp3:
0x55: {  	_ = 	snop;
	(pc) =	sbr.rel @!p0 .LBB2_8-.Ltmp3, $2  }
0x56: {  	_ =	sdelay $0x2  }
0x57: {  	s31 =	sadd.s32 $0xA, s31;
	s30 =	sadd.s32 $0xA, s30  }
.LBB2_2:
0x58: {  	s2 =	sand.u32 $0x3, s0  }
0x59: {  	s18 =	sadd.s32 $0x1, s2  }
0x5a: {  	p0 =	sgt.u32 s0, $0x3;
	_ =	swait.ge [sflag:s18], $0x50  }
.Ltmp4:
0x5b: {  	[sflag:s18] =	ssyncset.done $0x0;
	(pc) =	sbr.rel @!p0 .LBB2_3-.Ltmp4, $4  }
0x5c: {  	[sflag:s18] =	ssyncadd.s32 $0xFFFFFFB0  }
0x5d: {  	_ =	swait.ge [sflag:s18], $0x50  }
0x5e: {  	s17 =	sshll.u32 s2, $0x7;
	[sflag:s18] =	ssyncset.done $0x0  }
0x5f: {  	s17 =	sor.u32 $0x200, s17;
	[sflag:s18] =	ssyncadd.s32 $0xFFFFFFB0  }
0x60: {  	s19 =	smul.u32 $0xA000, s2;
	p0 =	sgt.u32 s0, $0x7A  }
.Ltmp5:
0x61: {  	s18 =	sadd.s32 $0x9, s2;
	(pc) =	sbr.rel @p0 .LBB2_6-.Ltmp5, $4  }
.Ltmp6:
0x62: {  	_ =	swait.ge [sflag:s18], $0x2800;
	(pc) =	sbr.rel @!p0 .LBB2_5-.Ltmp6, $4  }
0x63: {  	[sflag:s18] =	ssyncset.done $0x0;
	s19 =	sshrl.u32 s19, $0x2  }
0x64: {  	[sflag:s18] =	ssyncadd.s32 $0xFFFFD800;
	s18 =	sor.u32 $0x600, s19;
	s19 =	sadd.s32 $0x5, s2  }
0x65: {  	[tilespmem:s18], [sflag:s19] =	stream.indirect.gather [hbm4b:s1+s20], $0x80, s17, s20, $0xb8;
	[tilespmem:$0x1E200] =	vst v63  }
0x66: {  	_ = 	snop  }
.LBB2_3:
0x67: {  	s18 =	smul.u32 $0xA000, s2;
	_ =	sdelay $0x1  }
0x68: {  	s18 =	sshrl.u32 s18, $0x2  }
0x69: {  	s19 =	sadd.s32 $0x5, s2;
	s18 =	sor.u32 $0x600, s18  }
0x6a: {  	[tilespmem:s18], [sflag:s19] =	stream.indirect.gather [hbm4b:s1+s20], $0x80, s17, s20, $0xb8;
	[tilespmem:$0x1E200] =	vst v63  }
.LBB2_5:
0x6b: {  	s2 =	sadd.s32 $0x2, s0;
	p0 =	seq.s32 s0, $0x0  }
.Ltmp7:
0x6c: {  	s2 =	sand.u32 $0x3, s2;
	(pc) =	sbr.rel @!p0 .LBB2_6-.Ltmp7, $4  }
.Ltmp8:
0x6d: {  	s17 =	sadd.s32 $0x1, s2;
	s2 =	sshll.u32 s2, $0x7;
	(pc) =	sbr.rel @p0 .LBB2_7-.Ltmp8, $4  }
0x6e: {  	[tilespmem:s2], [sflag:s17] =	stream.linear.gather [hbm4b:s30+s4], $0x50, $0x38;
	[tilespmem:$0x1E200] =	vst v63  }
0x6f: {  	s2 =	sor.u32 $0x200, s2  }
0x70: {  	[tilespmem:s2], [sflag:s17] =	stream.linear.gather [hbm4b:s31+s4], $0x50, $0x38;
	[tilespmem:$0x1E200] =	vst v63  }
0x71: {  	_ = 	snop  }
.LBB2_9:
0x72: {  	_ =	sfence.sel $0x180000  }
0x73: {  	[bflag:$0x0] =	sbarrier.arrive $0xFFFF  }
0x74: {  	_ =	strace $0x9000004D  }
0x75: {  	s0 =	stileid.u32;
	[bflag:$0x2] =	sbarrier.arrive $0xFFFF  }
0x76: {  	p0 =	sne.s32 s0, $0x0;
	s0 =	rddreg [dreg:$0x4]  }
0x77: {  	s0 =	sadd.s32 @!p0 $0x100000, s0  }
0x78: {  	[sflag:s0] =	ssyncadd.tile.s32 @!p0 $0x1;
	_ =	shalt  }
.Lfunc_end2:
_tile_overlayer_lowered:
.L_overlay_start_2:
0x79: {  	(tag) =	ssettag $0x2  }
0x7a: {  	s0 =	rddreg [dreg:$0x0];
	s2 =	stileid.u32  }
0x7b: {  	s1 =	rddreg [dreg:$0x1];
	p0 =	sne.s32 s2, $0x0  }
0x7c: {  	s3 =	rddreg [dreg:$0x2];
	[bflag:$0x3] =	sbarrier.arrive $0xFFFF;
	s2 =	simm.s32 @!p0 $0x1C0D  }
0x7d: {  	[timem:s3], [sflag:s2] =	dma.local @!p0 [hbm:s0], s1  }
0x7e: {  	s0 =	simm.s32 @!p0 $0xD  }
0x7f: {  	_ =	swait.ge @!p0 [sflag:s0], s1  }
0x80: {  	s1 =	ssub.s32 @!p0 $0x0, s1;
	[sflag:s0] =	ssyncset.done @!p0 $0x0  }
0x81: {  	[sflag:s0] =	ssyncadd.s32 @!p0 s1  }
0x82: {  	[bflag:$0x3] =	sbarrier.arrive $0xFFFF  }
0x83: {  	_ =	shalt  }

// kernel: kernel.20.cloned.1.call-start
scs
__scs_entry_jumppad:
0x0: {  	(pc) =	sbr.rel $0x88, $3  }
0x1: {  	(tag) =	ssettag $0x0;
	lr =	simm.s32 $0x1  }
0x2: {  	[smem:$0x3F95] =	sst lr;
	_ =	strace $0xD0000000  }
0x3: {  	_ = 	snop  }
0x4: {  	_ = 	snop  }
0x5: {  	_ = 	snop  }
0x6: {  	_ = 	snop  }
0x7: {  	_ = 	snop  }
__scs_overlays_trampoline_lowered:
0x8: {  	[smem:$0x3FA4] =	sst s0  }
0x9: {  	[smem:$0x3FA5] =	sst s1  }
0xa: {  	[smem:$0x3FA6] =	sst s2  }
0xb: {  	[smem:$0x3FA7] =	sst s3  }
0xc: {  	[smem:$0x3FA8] =	sst s4  }
0xd: {  	[smem:$0x3FA9] =	sst s5  }
0xe: {  	[smem:$0x3FAA] =	sst s6  }
0xf: {  	[smem:$0x3FAB] =	sst s7  }
0x10: {  	[smem:$0x3FAC] =	sst s8  }
0x11: {  	[smem:$0x3FAD] =	sst s9;
	s0 =	simm.s32 @!p0 $0x0  }
0x12: {  	s1 =	sld [smem:$0x3F93];
	s0 =	simm.s32 @p0 $0x1  }
0x13: {  	[smem:$0x3FAE] =	sst s0;
	s0 =	simm.s32 @!p1 $0x0  }
0x14: {  	s2 =	sld [smem:$0x3F92];
	s0 =	simm.s32 @p1 $0x1  }
0x15: {  	[smem:$0x3FAF] =	sst s0;
	s0 =	simm.s32 @!p2 $0x0  }
0x16: {  	s3 =	sld [smem:$0x3FDB];
	s0 =	simm.s32 @p2 $0x1  }
0x17: {  	s4 =	simm.s32 $0x1BF5;
	[smem:$0x3FB1] =	sst s0  }
0x18: {  	s0 =	sld [smem:$0x3F94];
	_ =	swait.ge [sflag:s4], $0x0  }
0x19: {  	s7 =	sld [smem:$0x3F95]  }
0x1a: {  	s8 =	sadd.s32 $0xFFFFE003, lr  }
0x1b: {  	s9 =	sadd.s32 $0xFFFFFEF7, lr;
	s5 =	simm.s32 $0xFFFFFFFF;
	p2 =	slt.u32 s8, $0xFFFFF086  }
0x1c: {  	p1 =	slt.u32 s9, $0xF7A;
	s5 =	simm.s32 @!p2 $0x0  }
0x1d: {  	s5 =	simm.s32 @p1 $0x1;
	p0 =	seq.s32 s7, s2  }
0x1e: {  	s7 =	smul.u32 @!p0 $0xF7A, s2;
	p2 =	seq.s32 @!p0 s5, $0x0  }
0x1f: {  	s9 =	smul.u32 $0xF7A, s1;
	s8 =	simm.s32 @!p0 $0x1BF5;
	p2 =	por !p2, p0  }
0x20: {  	[sflag:s8] =	ssyncset.s32 @!p0 $0xFFFFF086;
	s6 =	sadd.s32 @!p0 s3, s7;
	s7 =	simm.s32 @!p0 $0x108  }
0x21: {  	s3 =	sadd.s32 s3, s9;
	s6 =	sadd.s32 @!p0 $0x88, s6;
	s7 =	simm.s32 @p2 $0x1082  }
0x22: {  	[simem:s7], [sflag:s8] =	dma.local @!p0 [hbm:s6], $0xF7A  }
0x23: {  	s9 =	sor.u32 $0xD0000000, s2;
	s6 =	simm.s32 $0x108;
	_ =	swait.ge @!p0 [sflag:s8], $0x0  }
0x24: {  	s3 =	sadd.s32 $0x88, s3;
	s6 =	simm.s32 @!p1 $0x1082;
	[sflag:s4] =	ssyncset.s32 $0xFFFFF086  }
0x25: {  	[simem:s6], [sflag:s4] =	dma.local [hbm:s3], $0xF7A  }
0x26: {  	[smem:$0x3F95] =	sst s1;
	(tag) =	ssettag s2;
	_ =	strace s9  }
0x27: {  	s1 =	sld [smem:$0x3FA5]  }
0x28: {  	s2 =	sld [smem:$0x3FA6]  }
0x29: {  	s4 =	sld [smem:$0x3FA8]  }
0x2a: {  	p0 =	seq.s32 s5, $0x0;
	s5 =	sld [smem:$0x3FA9]  }
0x2b: {  	s6 =	sld [smem:$0x3FAA]  }
0x2c: {  	s7 =	sld [smem:$0x3FAB]  }
0x2d: {  	s3 =	simm.s32 $0x108;
	s8 =	sld [smem:$0x3FAC]  }
0x2e: {  	s3 =	simm.s32 @!p0 $0x1082;
	s9 =	sld [smem:$0x3FAD]  }
0x2f: {  	lr =	sadd.s32 s0, s3;
	s0 =	sld [smem:$0x3FA4]  }
0x30: {  	s3 =	sld [smem:$0x3FA7]  }
0x31: {  	[smem:$0x3FB0] =	sst s10  }
0x32: {  	s10 =	sld [smem:$0x3FAE];
	_ =	sdelay $0x3  }
0x33: {  	p0 =	seq.s32 s10, $0x1;
	s10 =	sld [smem:$0x3FB0];
	_ =	sdelay $0x3  }
0x34: {  	[smem:$0x3FB0] =	sst s10  }
0x35: {  	s10 =	sld [smem:$0x3FAF];
	_ =	sdelay $0x3  }
0x36: {  	p1 =	seq.s32 s10, $0x1;
	s10 =	sld [smem:$0x3FB0];
	_ =	sdelay $0x3  }
0x37: {  	[smem:$0x3FB0] =	sst s10  }
0x38: {  	s10 =	sld [smem:$0x3FB1]  }
0x39: {  	_ = 	snop;
	(pc) =	sbr.ind lr, $3  }
0x3a: {  	_ = 	snop  }
0x3b: {  	_ = 	snop  }
0x3c: {  	p2 =	seq.s32 s10, $0x1;
	s10 =	sld [smem:$0x3FB0]  }
0x3d: {  	_ =	shalt  }
0x3e: {  	_ =	shalt  }
0x3f: {  	_ =	shalt  }
0x40: {  	_ =	shalt  }
0x41: {  	_ =	shalt  }
0x42: {  	_ =	shalt  }
0x43: {  	_ =	shalt  }
0x44: {  	_ =	shalt  }
0x45: {  	_ =	shalt  }
0x46: {  	_ =	shalt  }
0x47: {  	_ =	shalt  }
0x48: {  	_ =	shalt  }
0x49: {  	_ =	shalt  }
0x4a: {  	_ =	shalt  }
0x4b: {  	_ =	shalt  }
0x4c: {  	_ =	shalt  }
0x4d: {  	_ =	shalt  }
0x4e: {  	_ =	shalt  }
0x4f: {  	_ =	shalt  }
0x50: {  	_ =	shalt  }
0x51: {  	_ =	shalt  }
0x52: {  	_ =	shalt  }
0x53: {  	_ =	shalt  }
0x54: {  	_ =	shalt  }
0x55: {  	_ =	shalt  }
0x56: {  	_ =	shalt  }
0x57: {  	_ =	shalt  }
0x58: {  	_ =	shalt  }
0x59: {  	_ =	shalt  }
0x5a: {  	_ =	shalt  }
0x5b: {  	_ =	shalt  }
0x5c: {  	_ =	shalt  }
0x5d: {  	_ =	shalt  }
0x5e: {  	_ =	shalt  }
0x5f: {  	_ =	shalt  }
0x60: {  	_ =	shalt  }
0x61: {  	_ =	shalt  }
0x62: {  	_ =	shalt  }
0x63: {  	_ =	shalt  }
0x64: {  	_ =	shalt  }
0x65: {  	_ =	shalt  }
0x66: {  	_ =	shalt  }
0x67: {  	_ =	shalt  }
0x68: {  	_ =	shalt  }
0x69: {  	_ =	shalt  }
0x6a: {  	_ =	shalt  }
0x6b: {  	_ =	shalt  }
0x6c: {  	_ =	shalt  }
0x6d: {  	_ =	shalt  }
0x6e: {  	_ =	shalt  }
0x6f: {  	_ =	shalt  }
0x70: {  	_ =	shalt  }
0x71: {  	_ =	shalt  }
0x72: {  	_ =	shalt  }
0x73: {  	_ =	shalt  }
0x74: {  	_ =	shalt  }
0x75: {  	_ =	shalt  }
0x76: {  	_ =	shalt  }
0x77: {  	_ =	shalt  }
0x78: {  	_ =	shalt  }
0x79: {  	_ =	shalt  }
0x7a: {  	_ =	shalt  }
0x7b: {  	_ =	shalt  }
0x7c: {  	_ =	shalt  }
0x7d: {  	_ =	shalt  }
0x7e: {  	_ =	shalt  }
0x7f: {  	_ =	shalt  }
0x80: {  	_ =	shalt  }
0x81: {  	_ =	shalt  }
0x82: {  	_ =	shalt  }
0x83: {  	_ =	shalt  }
0x84: {  	_ =	shalt  }
0x85: {  	_ =	shalt  }
0x86: {  	_ =	shalt  }
0x87: {  	_ =	shalt  }
.Lfunc_end0:
.L_simem_size_0:
called_computation.3_lowered:
.L_overlay_start_0:
0x88: {  	s2 =	sld [smem:$0x3FD9]  }
0x89: {  	s3 =	sld [smem:$0x3FFE];
	_ =	sdelay $0x1  }
0x8a: {  	s1 =	srdreg.scid  }
0x8b: {  	s0 =	sand.u32 $0x1, s1  }
0x8c: {  	s14 =	sshll.u32 s0, $0xA;
	s2 =	sadd.s32 s3, s2  }
0x8d: {  	s2 =	sadd.s32 s2, s14  }
0x8e: {  	[smem:$0x3FBC] =	sst s2  }
0x8f: {  	_ = 	snop  }
0x90: {  	s2 =	sld [smem:$0x3FD0];
	_ =	sdelay $0x2  }
0x91: {  	s15 =	simm.s32 $0xA;
	s4 =	simm.s32 $0x10  }
0x92: {  	[smem:s4], [sflag:s15] =	dma.local [hbm:s2], $0x1  }
0x93: {  	_ =	swait.eq [sflag:s15], $0x1  }
0x94: {  	[sflag:s15] =	ssyncset.done $0x0  }
0x95: {  	[sflag:s15] =	ssyncadd.s32 $0xFFFFFFFF  }
0x96: {  	s16 =	sld [smem:$0x11];
	(tm) =	ssettm $0x1  }
0x97: {  	s17 =	sld [smem:$0x3FFB];
	_ =	sdelay $0x3  }
0x98: {  	_ =	strace s17  }
0x99: {  	s3 =	sld [smem:$0x3FFC];
	_ =	sdelay $0x3  }
0x9a: {  	_ =	strace s3  }
0x9b: {  	s3 =	sld [smem:$0x3FFD];
	_ =	sdelay $0x3  }
0x9c: {  	_ =	strace s3  }
0x9d: {  	_ =	strace $0x8FFFFFFF  }
0x9e: {  	s18 =	sld [smem:$0x3FDB];
	_ =	sdelay $0x1  }
0x9f: {  	s19 =	simm.s32 $_scs_section_size  }
0xa0: {  	s5 =	simm.s32 $_size__tile_overlayer_lowered;
	s6 =	simm.s32 $_tile_overlayer_lowered  }
0xa1: {  	s22 =	simm.s32 $0x1BFF;
	s21 =	sshll.u32 s6, $0x1;
	s3 =	sadd.s32 s19, s18  }
0xa2: {  	s7 =	simm.s32 $0x0;
	s20 =	sshll.u32 s5, $0x1;
	s5 =	sadd.s32 s21, s3  }
0xa3: {  	[timem:s7], [sflag:s22] =	dma.local [hbm:s5], s20  }
0xa4: {  	_ =	swait.ge [sflag:s22], s20  }
0xa5: {  	s4 =	ssub.s32 $0x0, s20;
	[sflag:s22] =	ssyncset.done $0x0  }
0xa6: {  	[sflag:s22] =	ssyncadd.s32 s4;
	_ =	sdelay $0x1  }
0xa7: {  	s23 =	simm.s32 $0x1B8B  }
0xa8: {  	_ =	swait.ge [sflag:s23], $0x1  }
0xa9: {  	[sflag:s23] =	ssyncset.done $0x0  }
0xaa: {  	s25 =	simm.s32 $0x1B8E;
	s24 =	sld [smem:$0x3FFE];
	[sflag:s23] =	ssyncadd.s32 $0xFFFFFFFF  }
0xab: {  	s26 =	simm.s32 $execute0_lowered;
	[smem:$0x3FD2] =	sst s25  }
0xac: {  	s5 =	sshll.u32 s26, $0x1;
	_ =	strace $0x8000004F;
	[dreg:$0x1] =	wrdreg $0xFFFFFFFF  }
0xad: {  	s28 =	simm.s32 $_size_execute0_lowered;
	s3 =	sadd.s32 s3, s5;
	[dreg:$0x0] =	wrdreg $0x0  }
0xae: {  	s5 =	sshll.u32 s28, $0x1;
	[dreg:$0x2] =	wrdreg s3  }
0xaf: {  	[dreg:$0x3] =	wrdreg s5  }
0xb0: {  	[dreg:$0x4] =	wrdreg $0xC0  }
0xb1: {  	_ =	task [dreg:s7], $0x5FFFF  }
0xb2: {  	[dreg:$0x1] =	wrdreg $0xFFFFFFFF  }
0xb3: {  	[dreg:$0x0] =	wrdreg $0x60  }
0xb4: {  	[dreg:$0x2] =	wrdreg s16  }
0xb5: {  	[dreg:$0x3] =	wrdreg s24  }
0xb6: {  	[dreg:$0x4] =	wrdreg $0x9  }
0xb7: {  	_ =	task.clear_ibuf [dreg:s7], $0x5FFFF;
	_ =	strace $0x9000004F  }
0xb8: {  	s29 =	simm.s32 $0x9;
	_ =	strace $0x80000051  }
0xb9: {  	_ =	swait.ge [sflag:s29], $0x1  }
0xba: {  	[sflag:s29] =	ssyncadd.s32 $0xFFFFFFFF  }
0xbb: {  	_ =	strace $0x90000051  }
0xbc: {  	_ =	sfence  }
0xbd: {  	s30 =	sld [smem:$0x0];
	_ =	sdelay $0x2  }
0xbe: {  	s31 =	sshll.u32 s1, $0xD;
	s1 =	sshrl.u32 s1, $0x2  }
0xbf: {  	s3 =	sand.u32 $0x4000, s31;
	s1 =	sadd.s32 s1, s30  }
0xc0: {  	s0 =	sor.u32 s3, s0;
	s1 =	sshll.u32 s1, $0x11  }
0xc1: {  	s0 =	sor.u32 s1, s0  }
0xc2: {  	s0 =	sadd.s32 $0x8F2B, s0  }
0xc3: {  	[sflag:s0] =	ssyncadd.remote.s32 $0x1  }
0xc4: {  	_ =	sfence.sel $0xFFFF  }
0xc5: {  	[dreg:$0x0] =	wrdreg $0xFFFFFFFF;
	(pc) =	sbr.abs _section_cstart, $3  }
0xc6: {  	[dreg:$0x1] =	wrdreg $0xFFFFFFFF  }
0xc7: {  	_ =	task.clear_ibuf [dreg:s7], $0x2FFFF;
	_ =	strace $0x9FFFFFFF  }
0xc8: {  	(tm) =	ssettm $0x7FFFFFFF  }
0xc9: {  	_ =	shalt  }
tec
execute0_lowered:
.L_overlay_start_1:
0x0: {  	(tag) =	ssettag $0x1  }
0x1: {  	s1 =	rddreg [dreg:$0x0]  }
0x2: {  	s0 =	rddreg [dreg:$0x1];
	s2 =	srdreg.scid;
	s3 =	simm.s32 $0x0  }
0x3: {  	s17 =	stileid.u32;
	s19 =	simm.s32 $0x50;
	s20 =	simm.s32 $0x5  }
0x4: {  	s21 =	simm.s32 $0x9;
	s28 =	simm.s32 $0x10;
	s29 =	simm.s32 $0x0  }
0x5: {  	s2 =	sand.u32 $0x1, s2;
	[smem:$0x7FF] =	sst s3;
	s15 =	smul.u32 $0x2710, s17  }
0x6: {  	s4 =	sadd.s32 $0x18000, s0;
	s12 =	sadd.s32 $0xE200, s0;
	s10 =	smul.u32 $0x27100, s2  }
0x7: {  	s13 =	sadd.s32 $0x4400, s0;
	s5 =	sshll.u32 s2, $0x4;
	s24 =	smul.u32 $0x271000, s2  }
0x8: {  	s14 =	sadd.s32 $0x3F200, s0;
	s5 =	sor.u32 s17, s5;
	s17 =	smul.u32 $0x27100, s17  }
0x9: {  	s0 =	sadd.s32 $0x521200, s0;
	s7 =	ssub.s32 $0x2, s2;
	s6 =	smul.u32 $0x2710, s5  }
0xa: {  	_ =	strace $0x80000050;
	s8 =	sshrl.u32 s7, $0x1;
	s9 =	smul.u32 $0x138800, s5  }
0xb: {  	s11 =	ssub.s32 s7, s8;
	s15 =	sadd.s32 s15, s10;
	s25 =	sadd.s32 s24, s14  }
0xc: {  	s26 =	sadd.s32 s24, s0;
	s24 =	simm.s32 $0xD;
	s15 =	sadd.s32 $0xA0, s15  }
0xd: {  	s11 =	smax.u32 s11, $0x1;
	s30 =	sadd.s32 s17, s25;
	s31 =	sadd.s32 s17, s26  }
0xe: {  	s25 =	simm.s32 $0xE;
	s26 =	simm.s32 $0xF;
	s6 =	sshrl.u32 s6, $0x3  }
0xf: {  	s9 =	sshrl.u32 s9, $0x3;
	s15 =	sshrl.u32 s15, $0x3;
	s22 =	sadd.s32 s12, s6  }
0x10: {  	s23 =	sadd.s32 $0xA, s6;
	s6 =	sadd.s32 s13, s6;
	s16 =	sadd.s32 $0x26C00, s9  }
0x11: {  	s2 =	sadd.s32 s15, s13;
	[dreg:$0x3] =	wrdreg s22;
	s7 =	sadd.s32 s12, s23  }
0x12: {  	s8 =	sadd.s32 s13, s23;
	s9 =	sadd.s32 s14, s16;
	s10 =	sadd.s32 s0, s16  }
0x13: {  	s0 =	sadd.s32 s15, s12;
	s14 =	sadd.s32 $0xFFFFFB00, s30;
	s15 =	sadd.s32 $0xFFFFFB00, s31  }
.LBB2_1:
0x14: {  	s5 =	rddreg [dreg:$0x3]  }
0x15: {  	[tilespmem:s3], [sflag:$0x1] =	stream.linear.gather [hbm4b:s5+s3], $0x50, $0x38;
	[tilespmem:$0x14400] =	vst v63  }
0x16: {  	s18 =	simm.s32 $0x200;
	s22 =	simm.s32 $0x80  }
0x17: {  	[tilespmem:s18], [sflag:$0x1] =	stream.linear.gather [hbm4b:s6+s3], $0x50, $0x38;
	[tilespmem:$0x14400] =	vst v63  }
0x18: {  	s23 =	simm.s32 $0x280;
	s30 =	smov.u32 s15;
	s31 =	smov.u32 s14  }
0x19: {  	[tilespmem:s22], [sflag:$0x2] =	stream.linear.gather [hbm4b:s7+s3], $0x50, $0x38;
	[tilespmem:$0x14400] =	vst v63  }
0x1a: {  	s13 =	smov.u32 s0;
	s12 =	smov.u32 s2;
	s16 =	simm.s32 $0x0  }
0x1b: {  	[tilespmem:s23], [sflag:$0x2] =	stream.linear.gather [hbm4b:s8+s3], $0x50, $0x38;
	[tilespmem:$0x14400] =	vst v63  }
.LBB2_2:
0x1c: {  	s17 =	sand.u32 $0x3, s16  }
0x1d: {  	s18 =	sadd.s32 $0x1, s17  }
0x1e: {  	_ =	swait.ge [sflag:s18], $0x50  }
0x1f: {  	[sflag:s18] =	ssyncset.done $0x0  }
0x20: {  	[sflag:s18] =	ssyncadd.s32 $0xFFFFFFB0  }
0x21: {  	_ =	swait.ge [sflag:s18], $0x50  }
0x22: {  	p0 =	slt.u32 s16, $0x4;
	[sflag:s18] =	ssyncset.done $0x0  }
0x23: {  	[sflag:s18] =	ssyncadd.s32 $0xFFFFFFB0;
	s18 =	sadd.s32 @!p0 $0xD, s17  }
0x24: {  	_ =	swait.ge @!p0 [sflag:s18], $0x2800  }
0x25: {  	[sflag:s18] =	ssyncset.done @!p0 $0x0  }
0x26: {  	[sflag:s18] =	ssyncadd.s32 @!p0 $0xFFFFD800  }
0x27: {  	s22 =	smul.u32 $0x2800, s17;
	_ =	swait.ge @!p0 [sflag:s18], $0x2800  }
0x28: {  	s23 =	sshll.u32 s17, $0x7;
	s5 =	sadd.s32 $0x5, s17;
	[sflag:s18] =	ssyncset.done @!p0 $0x0  }
0x29: {  	[sflag:s18] =	ssyncadd.s32 @!p0 $0xFFFFD800;
	s18 =	sor.u32 $0x400, s22;
	p0 =	sgt.u32 s16, $0x7A  }
0x2a: {  	[tilespmem:s18], [sflag:s5] =	stream.indirect.gather [hbm4b:s1+s19], $0x80, s23, s19, $0xb8;
	[tilespmem:$0x14400] =	vst v63  }
0x2b: {  	s17 =	sadd.s32 $0x9, s17;
	s5 =	sadd.s32 @!p0 $0x2, s16  }
0x2c: {  	s18 =	sor.u32 $0x200, s23;
	s23 =	sadd.s32 $0xA400, s22;
	s5 =	sand.u32 @!p0 $0x3, s5  }
0x2d: {  	[tilespmem:s23], [sflag:s17] =	stream.indirect.gather [hbm4b:s4+s19], $0x80, s18, s19, $0xb8;
	[tilespmem:$0x14400] =	vst v63  }
0x2e: {  	s17 =	sadd.s32 @!p0 $0x1, s5;
	s5 =	sshll.u32 @!p0 s5, $0x7;
	s18 =	simm.s32 @!p0 $0x0  }
0x2f: {  	[tilespmem:s5], [sflag:s17] =	stream.linear.gather @!p0 [hbm4b:s13+s18], $0x50, $0x38;
	[tilespmem:$0x14400] =	vst v63  }
0x30: {  	p1 =	seq.s32 @!p0 s16, $0x0;
	s5 =	sor.u32 @!p0 $0x200, s5  }
0x31: {  	[tilespmem:s5], [sflag:s17] =	stream.linear.gather @!p0 [hbm4b:s12+s18], $0x50, $0x38;
	[tilespmem:$0x14400] =	vst v63  }
0x32: {  	p0 =	por p0, !p1  }
0x33: {  	s5 =	sadd.s32 @p0 $0xFFFFFFFF, s16  }
0x34: {  	s5 =	sand.u32 @p0 $0x3, s5  }
0x35: {  	s17 =	sadd.s32 @p0 $0x5, s5  }
0x36: {  	_ =	swait.ge @p0 [sflag:s17], $0x2800  }
0x37: {  	[sflag:s17] =	ssyncset.done @p0 $0x0  }
0x38: {  	[sflag:s17] =	ssyncadd.s32 @p0 $0xFFFFD800;
	s17 =	sadd.s32 @p0 $0x9, s5  }
0x39: {  	s18 =	smul.u32 @p0 $0x2800, s5;
	_ =	swait.ge @p0 [sflag:s17], $0x2800  }
0x3a: {  	[sflag:s17] =	ssyncset.done @p0 $0x0  }
0x3b: {  	s5 =	sadd.s32 @p0 $0xD, s5;
	[sflag:s17] =	ssyncadd.s32 @p0 $0xFFFFD800;
	s17 =	sor.u32 @p0 $0x400, s18  }
0x3c: {  	[hbm4b:s31+s3] =	stream.linear.scatter @p0 [tilespmem:s17], [sflag:s5], $0x2800, $0x38;
	[tilespmem:$0x14400] =	vst v63  }
0x3d: {  	s16 =	sadd.s32 $0x1, s16;
	s17 =	sadd.s32 @p0 $0xA400, s18  }
0x3e: {  	[hbm4b:s30+s3] =	stream.linear.scatter @p0 [tilespmem:s17], [sflag:s5], $0x2800, $0x38;
	[tilespmem:$0x14400] =	vst v63  }
0x3f: {  	p0 =	sne.s32 s16, $0x7D  }
.Ltmp0:
0x40: {  	_ = 	snop;
	(pc) =	sbr.rel @p0 .LBB2_2-.Ltmp0, $3  }
0x41: {  	_ =	sdelay $0x1  }
0x42: {  	s13 =	sadd.s32 $0xA, s13  }
0x43: {  	s12 =	sadd.s32 $0xA, s12;
	s31 =	sadd.s32 $0x500, s31;
	s30 =	sadd.s32 $0x500, s30  }
0x44: {  	_ =	swait.ge [sflag:s20], $0x2800  }
0x45: {  	[sflag:s20] =	ssyncset.done $0x0  }
0x46: {  	[sflag:s20] =	ssyncadd.s32 $0xFFFFD800  }
0x47: {  	_ =	swait.ge [sflag:s21], $0x2800  }
0x48: {  	[sflag:s21] =	ssyncset.done $0x0  }
0x49: {  	s5 =	simm.s32 $0x400;
	[sflag:s21] =	ssyncadd.s32 $0xFFFFD800  }
0x4a: {  	[hbm4b:s9+s3] =	stream.linear.scatter [tilespmem:s5], [sflag:$0xD], $0x2800, $0x38;
	[tilespmem:$0x14400] =	vst v63  }
0x4b: {  	s31 =	simm.s32 $0xA400  }
0x4c: {  	[hbm4b:s10+s3] =	stream.linear.scatter [tilespmem:s31], [sflag:$0xD], $0x2800, $0x38;
	[tilespmem:$0x14400] =	vst v63  }
0x4d: {  	_ =	swait.ge [sflag:s24], $0x2800  }
0x4e: {  	[sflag:s24] =	ssyncset.done $0x0  }
0x4f: {  	[sflag:s24] =	ssyncadd.s32 $0xFFFFD800  }
0x50: {  	_ =	swait.ge [sflag:s24], $0x2800  }
0x51: {  	[sflag:s24] =	ssyncset.done $0x0  }
0x52: {  	[sflag:s24] =	ssyncadd.s32 $0xFFFFD800  }
0x53: {  	_ =	swait.ge [sflag:s25], $0x2800  }
0x54: {  	[sflag:s25] =	ssyncset.done $0x0  }
0x55: {  	[sflag:s25] =	ssyncadd.s32 $0xFFFFD800  }
0x56: {  	_ =	swait.ge [sflag:s25], $0x2800  }
0x57: {  	[sflag:s25] =	ssyncset.done $0x0  }
0x58: {  	[sflag:s25] =	ssyncadd.s32 $0xFFFFD800  }
0x59: {  	_ =	swait.ge [sflag:s26], $0x2800  }
0x5a: {  	[sflag:s26] =	ssyncset.done $0x0  }
0x5b: {  	[sflag:s26] =	ssyncadd.s32 $0xFFFFD800  }
0x5c: {  	_ =	swait.ge [sflag:s26], $0x2800  }
0x5d: {  	[sflag:s26] =	ssyncset.done $0x0  }
0x5e: {  	s29 =	sadd.s32 $0x1, s29;
	[sflag:s26] =	ssyncadd.s32 $0xFFFFD800  }
0x5f: {  	p0 =	sne.s32 s29, s11;
	_ =	swait.ge [sflag:s28], $0x2800  }
.Ltmp1:
0x60: {  	[sflag:s28] =	ssyncset.done $0x0;
	(pc) =	sbr.rel @p0 .LBB2_1-.Ltmp1, $4  }
0x61: {  	[sflag:s28] =	ssyncadd.s32 $0xFFFFD800  }
0x62: {  	_ =	swait.ge [sflag:s28], $0x2800  }
0x63: {  	[sflag:s28] =	ssyncset.done $0x0  }
0x64: {  	[sflag:s28] =	ssyncadd.s32 $0xFFFFD800  }
0x65: {  	_ =	sfence.sel $0x180000  }
0x66: {  	[bflag:$0x0] =	sbarrier.arrive $0xFFFF  }
0x67: {  	_ =	strace $0x90000050  }
0x68: {  	s0 =	stileid.u32;
	[bflag:$0x2] =	sbarrier.arrive $0xFFFF  }
0x69: {  	p0 =	sne.s32 s0, $0x0;
	s0 =	rddreg [dreg:$0x2]  }
0x6a: {  	s0 =	sadd.s32 @!p0 $0x100000, s0  }
0x6b: {  	[sflag:s0] =	ssyncadd.tile.s32 @!p0 $0x1;
	_ =	shalt  }
.Lfunc_end2:
_tile_overlayer_lowered:
.L_overlay_start_2:
0x6c: {  	(tag) =	ssettag $0x2  }
0x6d: {  	s0 =	rddreg [dreg:$0x0];
	s2 =	stileid.u32  }
0x6e: {  	s1 =	rddreg [dreg:$0x1];
	p0 =	sne.s32 s2, $0x0  }
0x6f: {  	s3 =	rddreg [dreg:$0x2];
	[bflag:$0x3] =	sbarrier.arrive $0xFFFF;
	s2 =	simm.s32 @!p0 $0x1C11  }
0x70: {  	[timem:s3], [sflag:s2] =	dma.local @!p0 [hbm:s0], s1  }
0x71: {  	s0 =	simm.s32 @!p0 $0x11  }
0x72: {  	_ =	swait.ge @!p0 [sflag:s0], s1  }
0x73: {  	s1 =	ssub.s32 @!p0 $0x0, s1;
	[sflag:s0] =	ssyncset.done @!p0 $0x0  }
0x74: {  	[sflag:s0] =	ssyncadd.s32 @!p0 s1  }
0x75: {  	[bflag:$0x3] =	sbarrier.arrive $0xFFFF  }
0x76: {  	_ =	shalt  }

</sc_bundles>
